<compile_context>
chip_gen: v7x
topology: tpu7x:2x2x1
jax: 0.10.2.dev20260603
libtpu: 0.0.44.dev20260713+nightly
codegen_flags: <defaults>
</compile_context>

<pallas_src>
import functools

import jax
import jax.numpy as jnp
from jax import lax
from jax.experimental import pallas as pl
from jax.experimental.pallas import tpu as pltpu
from jax.experimental.pallas import tpu_sc as plsc

N = 10000
D = 128
E = 320000

NC = 2
NS = 16
NW = NC * NS
BLK = 128
BPT0 = 128
BPT1 = 32
NBLK = NS * (BPT0 + BPT1)
E_PAD = NBLK * BLK
N_PAD = 10240
ZROWS = N_PAD // NS
NG = 4
GB0 = BPT0 // NG
GB1 = BPT1 // NG
IDX_ROWS = NBLK + GB0 - GB1

@functools.cache
def _make_sc_edge_agg():
    mesh = plsc.VectorSubcoreMesh(core_axis_name="c", subcore_axis_name="s")
    return pl.kernel(
        _sc_edge_agg_body,
        mesh=mesh,
        out_type=jax.ShapeDtypeStruct((NC, N_PAD, D), jnp.float32),
        scratch_types=[
            pltpu.VMEM((2, GB0, BLK), jnp.int32),
            pltpu.VMEM((2, GB0, BLK), jnp.int32),
            pltpu.VMEM((BLK, D), jnp.float32),
            pltpu.VMEM((BLK, D), jnp.float32),
            pltpu.VMEM_SHARED((N_PAD, D), jnp.float32),
            pltpu.SemaphoreType.DMA,
            pltpu.SemaphoreType.DMA,
            pltpu.SemaphoreType.DMA,
            pltpu.SemaphoreType.DMA,
            pltpu.SemaphoreType.DMA,
        ],
    )


def _sc_edge_agg_body(y_hbm, src_hbm, dst_hbm, zeros_hbm, out_hbm,
                      src_v, dst_v, rows0, rows1, acc_sh,
                      gsem0, gsem1, ssem0, ssem1, isem):
    c = lax.axis_index("c")
    s = lax.axis_index("s")
    gb = GB0 - c * (GB0 - GB1)
    base_blk = c * (NS * BPT0) + s * (gb * NG)

    def idx_load(g, buf):
        base = base_blk + g * gb
        pltpu.async_copy(src_hbm.at[pl.ds(base, GB0)], src_v.at[buf], isem)
        pltpu.async_copy(dst_hbm.at[pl.ds(base, GB0)], dst_v.at[buf], isem)

    def idx_wait(g, buf):
        base = base_blk + g * gb
        pltpu.make_async_copy(src_hbm.at[pl.ds(base, GB0)], src_v.at[buf], isem).wait()
        pltpu.make_async_copy(dst_hbm.at[pl.ds(base, GB0)], dst_v.at[buf], isem).wait()

    def fire_gather(buf, jj, rows, gsem):
        pltpu.async_copy(y_hbm.at[src_v.at[buf, jj]], rows, gsem)

    def wait_gather(buf, jj, rows, gsem):
        pltpu.make_async_copy(y_hbm.at[src_v.at[buf, jj]], rows, gsem).wait()

    def fire_scatter(buf, jj, rows, ssem):
        pltpu.async_copy(rows, acc_sh.at[dst_v.at[buf, jj]], ssem, add=True)

    def wait_scatter(buf, jj, rows, ssem):
        pltpu.make_async_copy(rows, acc_sh.at[dst_v.at[buf, jj]], ssem).wait()

    pltpu.sync_copy(zeros_hbm.at[pl.ds(s * ZROWS, ZROWS)],
                    acc_sh.at[pl.ds(s * ZROWS, ZROWS)])
    plsc.subcore_barrier()

    @pl.when(gb > 0)
    def _stream():
        idx_load(0, 0)
        idx_wait(0, 0)
        for g in range(NG):
            buf = g % 2
            if g + 1 < NG:
                idx_load(g + 1, 1 - buf)

            fire_gather(buf, 0, rows0, gsem0)
            fire_gather(buf, 1, rows1, gsem1)
            wait_gather(buf, 0, rows0, gsem0)
            fire_scatter(buf, 0, rows0, ssem0)

            def body(i, carry, buf=buf):
                j1 = 1 + 2 * i
                wait_scatter(buf, j1 - 1, rows0, ssem0)
                fire_gather(buf, j1 + 1, rows0, gsem0)
                wait_gather(buf, j1, rows1, gsem1)
                fire_scatter(buf, j1, rows1, ssem1)
                j2 = j1 + 1
                wait_scatter(buf, j2 - 1, rows1, ssem1)
                fire_gather(buf, j2 + 1, rows1, gsem1)
                wait_gather(buf, j2, rows0, gsem0)
                fire_scatter(buf, j2, rows0, ssem0)
                return carry

            lax.fori_loop(0, (gb - 2) // 2, body, 0)

            wait_scatter(buf, gb - 2, rows0, ssem0)
            wait_gather(buf, gb - 1, rows1, gsem1)
            fire_scatter(buf, gb - 1, rows1, ssem1)
            wait_scatter(buf, gb - 1, rows1, ssem1)

            if g + 1 < NG:
                idx_wait(g + 1, 1 - buf)

    plsc.subcore_barrier()
    pltpu.sync_copy(acc_sh.at[pl.ds(s * ZROWS, ZROWS)],
                    out_hbm.at[c, pl.ds(s * ZROWS, ZROWS)])


def _dense_in_body(x_ref, wr_ref, wo_ref, b_ref, y_ref, r_ref):
    xb = x_ref[...]
    y_ref[...] = jnp.dot(xb, wr_ref[...], preferred_element_type=jnp.float32)
    r_ref[...] = (jnp.dot(xb, wo_ref[...], preferred_element_type=jnp.float32)
                  + b_ref[...])


def _dense_mid_body(p_ref, r_ref, wr_ref, wo_ref, b_ref, y_ref, r2_ref):
    h = jnp.maximum(p_ref[0] + p_ref[1] + r_ref[...], 0.0)
    y_ref[...] = jnp.dot(h, wr_ref[...], preferred_element_type=jnp.float32)
    r2_ref[...] = (jnp.dot(h, wo_ref[...], preferred_element_type=jnp.float32)
                   + b_ref[...])


def _final_body(q_ref, r_ref, o_ref):
    o_ref[...] = q_ref[0] + q_ref[1] + r_ref[...]


_ROWB = 2000
_GRID = N // _ROWB

_w_spec = pl.BlockSpec((D, D), lambda i: (0, 0))
_b_spec = pl.BlockSpec((1, D), lambda i: (0, 0))
_x_spec = pl.BlockSpec((_ROWB, D), lambda i: (i, 0))
_p_spec = pl.BlockSpec((NC, _ROWB, D), lambda i: (0, i, 0))
_nd = jax.ShapeDtypeStruct((N, D), jnp.float32)

_dense_in = pl.pallas_call(
    _dense_in_body,
    grid=(_GRID,),
    in_specs=[_x_spec, _w_spec, _w_spec, _b_spec],
    out_specs=[_x_spec, _x_spec],
    out_shape=[_nd, _nd],
)

_dense_mid = pl.pallas_call(
    _dense_mid_body,
    grid=(_GRID,),
    in_specs=[_p_spec, _x_spec, _w_spec, _w_spec, _b_spec],
    out_specs=[_x_spec, _x_spec],
    out_shape=[_nd, _nd],
)

_final = pl.pallas_call(
    _final_body,
    grid=(_GRID,),
    in_specs=[_p_spec, _x_spec],
    out_specs=_x_spec,
    out_shape=_nd,
)


def kernel(x, edge_index, W1_rel, b1, W1_root, W2_rel, b2, W2_root):
    src = edge_index[0].astype(jnp.int32)
    dst = edge_index[1].astype(jnp.int32)
    pad = E_PAD - E
    src_p = jnp.concatenate([src, jnp.zeros((pad,), jnp.int32)])
    dst_p = jnp.concatenate([dst, jnp.full((pad,), N, jnp.int32)])
    rpad = jnp.zeros((IDX_ROWS - NBLK, BLK), jnp.int32)
    src_p = jnp.concatenate([src_p.reshape(NBLK, BLK), rpad])
    dst_p = jnp.concatenate([dst_p.reshape(NBLK, BLK), rpad])
    zeros = jnp.zeros((N_PAD, D), jnp.float32)
    b1r = b1.reshape(1, D)
    b2r = b2.reshape(1, D)

    sc_edge_agg = _make_sc_edge_agg()
    y1, r1 = _dense_in(x, W1_rel, W1_root, b1r)
    p = sc_edge_agg(y1, src_p, dst_p, zeros)
    y2, r2 = _dense_mid(p, r1, W2_rel, W2_root, b2r)
    q = sc_edge_agg(y2, src_p, dst_p, zeros)
    return _final(q, r2)

# --- scband reference (transcript-rebuilt; emitter-appended) ---
"""Pipeline reference for scband-gnn-63934883168987 (READ-ONLY COPY).

The authoritative reference and input builder live on the scoring server;
editing this copy changes nothing except your own understanding.
"""

import jax, jax.numpy as jnp
import numpy as np

N = 10000
E = 320000
D = 128

def setup_inputs(seed: int = 0) -> dict:
    key = jax.random.key(seed)
    ks = jax.random.split(key, 9)
    x = jax.random.normal(ks[0], (N, D), dtype=jnp.float32)
    edge_index = jax.random.randint(ks[1], (2, E), 0, N, dtype=jnp.int64)
    s = 1.0 / np.sqrt(D)
    W1_rel = jax.random.uniform(ks[2], (D, D), dtype=jnp.float32, minval=-s, maxval=s)
    b1 = jax.random.uniform(ks[3], (D,), dtype=jnp.float32, minval=-s, maxval=s)
    W1_root = jax.random.uniform(ks[4], (D, D), dtype=jnp.float32, minval=-s, maxval=s)
    W2_rel = jax.random.uniform(ks[5], (D, D), dtype=jnp.float32, minval=-s, maxval=s)
    b2 = jax.random.uniform(ks[6], (D,), dtype=jnp.float32, minval=-s, maxval=s)
    W2_root = jax.random.uniform(ks[7], (D, D), dtype=jnp.float32, minval=-s, maxval=s)
    return {"x": x, "edge_index": edge_index, "W1_rel": W1_rel, "b1": b1, "W1_root": W1_root, "W2_rel": W2_rel, "b2": b2, "W2_root": W2_root}

def graph_conv(x, src, dst, W_rel, b, W_root):
    # PyG GraphConv (aggr='add'): out_i = W_rel @ sum_{j in N(i)} x_j + b + W_root @ x_i
    msgs = jnp.take(x, src, axis=0)
    agg = jax.ops.segment_sum(msgs, dst, num_segments=x.shape[0])
    return agg @ W_rel + b + x @ W_root

def reference(x, edge_index, W1_rel, b1, W1_root, W2_rel, b2, W2_root):
    src = edge_index[0]
    dst = edge_index[1]
    h = graph_conv(x, src, dst, W1_rel, b1, W1_root)
    h = jax.nn.relu(h)
    out = graph_conv(h, src, dst, W2_rel, b2, W2_root)
    return out

if __name__ == "__main__":
    import jax
    _d = setup_inputs()
    print(jax.jit(kernel)(*tuple(_d.values())))

</pallas_src>

<mosaic_0001>
#map = affine_map<(d0, d1) -> (0, 0)>
#map1 = affine_map<(d0, d1) -> (0, 0, 0)>
module attributes {stable_mosaic.version = 14 : i64} {
  func.func @_sc_edge_agg_body(%arg0: i32, %arg1: i32, %arg2: memref<10000x128xf32, #tpu.memory_space<hbm>>, %arg3: memref<2584x128xi32, #tpu.memory_space<hbm>>, %arg4: memref<2584x128xi32, #tpu.memory_space<hbm>>, %arg5: memref<10240x128xf32, #tpu.memory_space<hbm>>, %arg6: memref<2x10240x128xf32, #tpu.memory_space<hbm>>, %arg7: memref<2x32x128xi32, #tpu.memory_space<vmem>>, %arg8: memref<2x32x128xi32, #tpu.memory_space<vmem>>, %arg9: memref<128x128xf32, #tpu.memory_space<vmem>>, %arg10: memref<128x128xf32, #tpu.memory_space<vmem>>, %arg11: memref<10240x128xf32, #tpu.memory_space<vmem_shared>>, %arg12: memref<!tpu.dma_semaphore, #tpu.memory_space<semaphore_mem>>, %arg13: memref<!tpu.dma_semaphore, #tpu.memory_space<semaphore_mem>>, %arg14: memref<!tpu.dma_semaphore, #tpu.memory_space<semaphore_mem>>, %arg15: memref<!tpu.dma_semaphore, #tpu.memory_space<semaphore_mem>>, %arg16: memref<!tpu.dma_semaphore, #tpu.memory_space<semaphore_mem>>) attributes {dimension_semantics = [#tpu.dimension_semantics<core_parallel>, #tpu.dimension_semantics<subcore_parallel>], iteration_bounds = array<i64: 2, 16>, scalar_prefetch = 0 : i64, scratch_operands = 10 : i64, tpu.core_type = #tpu.core_type<sc_vector_subcore>, window_params = [{transform_indices = #map}, {transform_indices = #map}, {transform_indices = #map}, {transform_indices = #map}, {transform_indices = #map1}]} {
    %mul3A = arith.constant 24 : i32
    %mul3A_0 = arith.muli %arg0, %mul3A : i32
    %sub3A = arith.constant 32 : i32
    %sub3A_1 = arith.subi %sub3A, %mul3A_0 : i32
    %mul3A_2 = arith.constant 2048 : i32
    %mul3A_3 = arith.muli %arg0, %mul3A_2 : i32
    %mul3A_4 = arith.constant 4 : i32
    %mul3A_5 = arith.muli %sub3A_1, %mul3A_4 : i32
    %mul3A_6 = arith.muli %arg1, %mul3A_5 : i32
    %add3A = arith.addi %mul3A_3, %mul3A_6 : i32
    %mul3A_7 = arith.constant 640 : i32
    %mul3A_8 = arith.muli %arg1, %mul3A_7 : i32
    %mul3A_9 = arith.constant 640 : i32
    %mul3A_10 = arith.muli %arg1, %mul3A_9 : i32
    "tpu.region"() ({
      %run_scoped3A = tpu.sem_alloc : memref<!tpu.dma_semaphore, #tpu.memory_space<semaphore_mem>>
      %dma_start3A = arith.constant 0 : i32
      %dma_start3A_18 = tpu.memref_slice %arg11[%mul3A_10, %dma_start3A] : memref<10240x128xf32, #tpu.memory_space<vmem_shared>> -> memref<640x128xf32, #tpu.memory_space<vmem_shared>>
      %dma_start3A_19 = arith.constant 0 : i32
      %dma_start3A_20 = tpu.memref_slice %arg5[%mul3A_8, %dma_start3A_19] : memref<10240x128xf32, #tpu.memory_space<hbm>> -> memref<640x128xf32, #tpu.memory_space<hbm>>
      tpu.enqueue_dma source(%dma_start3A_20 : memref<640x128xf32, #tpu.memory_space<hbm>>) target(%dma_start3A_18 : memref<640x128xf32, #tpu.memory_space<vmem_shared>>) target_semaphore(%run_scoped3A : memref<!tpu.dma_semaphore, #tpu.memory_space<semaphore_mem>>)
      %dma_wait3A = arith.constant 0 : i32
      %dma_wait3A_21 = tpu.memref_slice %arg11[%mul3A_10, %dma_wait3A] : memref<10240x128xf32, #tpu.memory_space<vmem_shared>> -> memref<640x128xf32, #tpu.memory_space<vmem_shared>>
      %dma_wait3A_22 = arith.constant 0 : i32
      %dma_wait3A_23 = tpu.memref_slice %arg5[%mul3A_8, %dma_wait3A_22] : memref<10240x128xf32, #tpu.memory_space<hbm>> -> memref<640x128xf32, #tpu.memory_space<hbm>>
      tpu.wait_dma2 semaphore(%run_scoped3A : memref<!tpu.dma_semaphore, #tpu.memory_space<semaphore_mem>>) src(%dma_wait3A_23 : memref<640x128xf32, #tpu.memory_space<hbm>>) dst(%dma_wait3A_21 : memref<640x128xf32, #tpu.memory_space<vmem_shared>>)
      tpu.yield
    }) : () -> ()
    %barrier3A = arith.constant 0 : index
    tpu.barrier barrier_id(%barrier3A)
    %gt3A = arith.constant 0 : i32
    %gt3A_11 = arith.cmpi sgt, %sub3A_1, %gt3A : i32
    %convert_element_type3A = arith.extui %gt3A_11 : i1 to i32
    %cond3A = arith.constant 0 : i32
    %cond3A_12 = arith.cmpi ne, %convert_element_type3A, %cond3A : i32
    scf.if %cond3A_12 {
      %mul3A_18 = arith.constant 0 : i32
      %mul3A_19 = arith.muli %mul3A_18, %sub3A_1 : i32
      %add3A_20 = arith.addi %add3A, %mul3A_19 : i32
      %dma_start3A = arith.constant 0 : i32
      %dma_start3A_21 = arith.constant 0 : i32
      %dma_start3A_22 = arith.constant 0 : i32
      %dma_start3A_23 = tpu.memref_slice %arg7[%dma_start3A, %dma_start3A_21, %dma_start3A_22] : memref<2x32x128xi32, #tpu.memory_space<vmem>> -> memref<1x32x128xi32, #tpu.memory_space<vmem>>
      %dma_start3A_24 = tpu.memref_squeeze %dma_start3A_23 : memref<1x32x128xi32, #tpu.memory_space<vmem>> -> memref<32x128xi32, #tpu.memory_space<vmem>>
      %dma_start3A_25 = arith.constant 0 : i32
      %dma_start3A_26 = tpu.memref_slice %arg3[%add3A_20, %dma_start3A_25] : memref<2584x128xi32, #tpu.memory_space<hbm>> -> memref<32x128xi32, #tpu.memory_space<hbm>>
      %dma_start3A_27 = arith.constant 0 : i32
      %dma_start3A_28 = arith.constant 0 : i32
      %dma_start3A_29 = tpu.memref_slice %arg7[%dma_start3A, %dma_start3A_27, %dma_start3A_28] : memref<2x32x128xi32, #tpu.memory_space<vmem>> -> memref<1x32x128xi32, #tpu.memory_space<vmem>>
      %dma_start3A_30 = tpu.memref_squeeze %dma_start3A_29 : memref<1x32x128xi32, #tpu.memory_space<vmem>> -> memref<32x128xi32, #tpu.memory_space<vmem>>
      %dma_start3A_31 = arith.constant 0 : i32
      %dma_start3A_32 = tpu.memref_slice %arg3[%add3A_20, %dma_start3A_31] : memref<2584x128xi32, #tpu.memory_space<hbm>> -> memref<32x128xi32, #tpu.memory_space<hbm>>
      tpu.enqueue_dma source(%dma_start3A_32 : memref<32x128xi32, #tpu.memory_space<hbm>>) target(%dma_start3A_30 : memref<32x128xi32, #tpu.memory_space<vmem>>) target_semaphore(%arg16 : memref<!tpu.dma_semaphore, #tpu.memory_space<semaphore_mem>>)
      %dma_start3A_33 = arith.constant 0 : i32
      %dma_start3A_34 = arith.constant 0 : i32
      %dma_start3A_35 = arith.constant 0 : i32
      %dma_start3A_36 = tpu.memref_slice %arg8[%dma_start3A_33, %dma_start3A_34, %dma_start3A_35] : memref<2x32x128xi32, #tpu.memory_space<vmem>> -> memref<1x32x128xi32, #tpu.memory_space<vmem>>
      %dma_start3A_37 = tpu.memref_squeeze %dma_start3A_36 : memref<1x32x128xi32, #tpu.memory_space<vmem>> -> memref<32x128xi32, #tpu.memory_space<vmem>>
      %dma_start3A_38 = arith.constant 0 : i32
      %dma_start3A_39 = tpu.memref_slice %arg4[%add3A_20, %dma_start3A_38] : memref<2584x128xi32, #tpu.memory_space<hbm>> -> memref<32x128xi32, #tpu.memory_space<hbm>>
      %dma_start3A_40 = arith.constant 0 : i32
      %dma_start3A_41 = arith.constant 0 : i32
      %dma_start3A_42 = tpu.memref_slice %arg8[%dma_start3A_33, %dma_start3A_40, %dma_start3A_41] : memref<2x32x128xi32, #tpu.memory_space<vmem>> -> memref<1x32x128xi32, #tpu.memory_space<vmem>>
      %dma_start3A_43 = tpu.memref_squeeze %dma_start3A_42 : memref<1x32x128xi32, #tpu.memory_space<vmem>> -> memref<32x128xi32, #tpu.memory_space<vmem>>
      %dma_start3A_44 = arith.constant 0 : i32
      %dma_start3A_45 = tpu.memref_slice %arg4[%add3A_20, %dma_start3A_44] : memref<2584x128xi32, #tpu.memory_space<hbm>> -> memref<32x128xi32, #tpu.memory_space<hbm>>
      tpu.enqueue_dma source(%dma_start3A_45 : memref<32x128xi32, #tpu.memory_space<hbm>>) target(%dma_start3A_43 : memref<32x128xi32, #tpu.memory_space<vmem>>) target_semaphore(%arg16 : memref<!tpu.dma_semaphore, #tpu.memory_space<semaphore_mem>>)
      %mul3A_46 = arith.constant 0 : i32
      %mul3A_47 = arith.muli %mul3A_46, %sub3A_1 : i32
      %add3A_48 = arith.addi %add3A, %mul3A_47 : i32
      %dma_wait3A = arith.constant 0 : i32
      %dma_wait3A_49 = arith.constant 0 : i32
      %dma_wait3A_50 = arith.constant 0 : i32
      %dma_wait3A_51 = tpu.memref_slice %arg7[%dma_wait3A, %dma_wait3A_49, %dma_wait3A_50] : memref<2x32x128xi32, #tpu.memory_space<vmem>> -> memref<1x32x128xi32, #tpu.memory_space<vmem>>
      %dma_wait3A_52 = tpu.memref_squeeze %dma_wait3A_51 : memref<1x32x128xi32, #tpu.memory_space<vmem>> -> memref<32x128xi32, #tpu.memory_space<vmem>>
      %dma_wait3A_53 = arith.constant 0 : i32
      %dma_wait3A_54 = tpu.memref_slice %arg3[%add3A_48, %dma_wait3A_53] : memref<2584x128xi32, #tpu.memory_space<hbm>> -> memref<32x128xi32, #tpu.memory_space<hbm>>
      %dma_wait3A_55 = arith.constant 0 : i32
      %dma_wait3A_56 = arith.constant 0 : i32
      %dma_wait3A_57 = tpu.memref_slice %arg7[%dma_wait3A, %dma_wait3A_55, %dma_wait3A_56] : memref<2x32x128xi32, #tpu.memory_space<vmem>> -> memref<1x32x128xi32, #tpu.memory_space<vmem>>
      %dma_wait3A_58 = tpu.memref_squeeze %dma_wait3A_57 : memref<1x32x128xi32, #tpu.memory_space<vmem>> -> memref<32x128xi32, #tpu.memory_space<vmem>>
      %dma_wait3A_59 = arith.constant 0 : i32
      %dma_wait3A_60 = tpu.memref_slice %arg3[%add3A_48, %dma_wait3A_59] : memref<2584x128xi32, #tpu.memory_space<hbm>> -> memref<32x128xi32, #tpu.memory_space<hbm>>
      tpu.wait_dma2 semaphore(%arg16 : memref<!tpu.dma_semaphore, #tpu.memory_space<semaphore_mem>>) src(%dma_wait3A_60 : memref<32x128xi32, #tpu.memory_space<hbm>>) dst(%dma_wait3A_58 : memref<32x128xi32, #tpu.memory_space<vmem>>)
      %dma_wait3A_61 = arith.constant 0 : i32
      %dma_wait3A_62 = arith.constant 0 : i32
      %dma_wait3A_63 = arith.constant 0 : i32
      %dma_wait3A_64 = tpu.memref_slice %arg8[%dma_wait3A_61, %dma_wait3A_62, %dma_wait3A_63] : memref<2x32x128xi32, #tpu.memory_space<vmem>> -> memref<1x32x128xi32, #tpu.memory_space<vmem>>
      %dma_wait3A_65 = tpu.memref_squeeze %dma_wait3A_64 : memref<1x32x128xi32, #tpu.memory_space<vmem>> -> memref<32x128xi32, #tpu.memory_space<vmem>>
      %dma_wait3A_66 = arith.constant 0 : i32
      %dma_wait3A_67 = tpu.memref_slice %arg4[%add3A_48, %dma_wait3A_66] : memref<2584x128xi32, #tpu.memory_space<hbm>> -> memref<32x128xi32, #tpu.memory_space<hbm>>
      %dma_wait3A_68 = arith.constant 0 : i32
      %dma_wait3A_69 = arith.constant 0 : i32
      %dma_wait3A_70 = tpu.memref_slice %arg8[%dma_wait3A_61, %dma_wait3A_68, %dma_wait3A_69] : memref<2x32x128xi32, #tpu.memory_space<vmem>> -> memref<1x32x128xi32, #tpu.memory_space<vmem>>
      %dma_wait3A_71 = tpu.memref_squeeze %dma_wait3A_70 : memref<1x32x128xi32, #tpu.memory_space<vmem>> -> memref<32x128xi32, #tpu.memory_space<vmem>>
      %dma_wait3A_72 = arith.constant 0 : i32
      %dma_wait3A_73 = tpu.memref_slice %arg4[%add3A_48, %dma_wait3A_72] : memref<2584x128xi32, #tpu.memory_space<hbm>> -> memref<32x128xi32, #tpu.memory_space<hbm>>
      tpu.wait_dma2 semaphore(%arg16 : memref<!tpu.dma_semaphore, #tpu.memory_space<semaphore_mem>>) src(%dma_wait3A_73 : memref<32x128xi32, #tpu.memory_space<hbm>>) dst(%dma_wait3A_71 : memref<32x128xi32, #tpu.memory_space<vmem>>)
      %mul3A_74 = arith.constant 1 : i32
      %mul3A_75 = arith.muli %mul3A_74, %sub3A_1 : i32
      %add3A_76 = arith.addi %add3A, %mul3A_75 : i32
      %dma_start3A_77 = arith.constant 1 : i32
      %dma_start3A_78 = arith.constant 0 : i32
      %dma_start3A_79 = arith.constant 0 : i32
      %dma_start3A_80 = tpu.memref_slice %arg7[%dma_start3A_77, %dma_start3A_78, %dma_start3A_79] : memref<2x32x128xi32, #tpu.memory_space<vmem>> -> memref<1x32x128xi32, #tpu.memory_space<vmem>>
      %dma_start3A_81 = tpu.memref_squeeze %dma_start3A_80 : memref<1x32x128xi32, #tpu.memory_space<vmem>> -> memref<32x128xi32, #tpu.memory_space<vmem>>
      %dma_start3A_82 = arith.constant 0 : i32
      %dma_start3A_83 = tpu.memref_slice %arg3[%add3A_76, %dma_start3A_82] : memref<2584x128xi32, #tpu.memory_space<hbm>> -> memref<32x128xi32, #tpu.memory_space<hbm>>
      %dma_start3A_84 = arith.constant 0 : i32
      %dma_start3A_85 = arith.constant 0 : i32
      %dma_start3A_86 = tpu.memref_slice %arg7[%dma_start3A_77, %dma_start3A_84, %dma_start3A_85] : memref<2x32x128xi32, #tpu.memory_space<vmem>> -> memref<1x32x128xi32, #tpu.memory_space<vmem>>
      %dma_start3A_87 = tpu.memref_squeeze %dma_start3A_86 : memref<1x32x128xi32, #tpu.memory_space<vmem>> -> memref<32x128xi32, #tpu.memory_space<vmem>>
      %dma_start3A_88 = arith.constant 0 : i32
      %dma_start3A_89 = tpu.memref_slice %arg3[%add3A_76, %dma_start3A_88] : memref<2584x128xi32, #tpu.memory_space<hbm>> -> memref<32x128xi32, #tpu.memory_space<hbm>>
      tpu.enqueue_dma source(%dma_start3A_89 : memref<32x128xi32, #tpu.memory_space<hbm>>) target(%dma_start3A_87 : memref<32x128xi32, #tpu.memory_space<vmem>>) target_semaphore(%arg16 : memref<!tpu.dma_semaphore, #tpu.memory_space<semaphore_mem>>)
      %dma_start3A_90 = arith.constant 1 : i32
      %dma_start3A_91 = arith.constant 0 : i32
      %dma_start3A_92 = arith.constant 0 : i32
      %dma_start3A_93 = tpu.memref_slice %arg8[%dma_start3A_90, %dma_start3A_91, %dma_start3A_92] : memref<2x32x128xi32, #tpu.memory_space<vmem>> -> memref<1x32x128xi32, #tpu.memory_space<vmem>>
      %dma_start3A_94 = tpu.memref_squeeze %dma_start3A_93 : memref<1x32x128xi32, #tpu.memory_space<vmem>> -> memref<32x128xi32, #tpu.memory_space<vmem>>
      %dma_start3A_95 = arith.constant 0 : i32
      %dma_start3A_96 = tpu.memref_slice %arg4[%add3A_76, %dma_start3A_95] : memref<2584x128xi32, #tpu.memory_space<hbm>> -> memref<32x128xi32, #tpu.memory_space<hbm>>
      %dma_start3A_97 = arith.constant 0 : i32
      %dma_start3A_98 = arith.constant 0 : i32
      %dma_start3A_99 = tpu.memref_slice %arg8[%dma_start3A_90, %dma_start3A_97, %dma_start3A_98] : memref<2x32x128xi32, #tpu.memory_space<vmem>> -> memref<1x32x128xi32, #tpu.memory_space<vmem>>
      %dma_start3A_100 = tpu.memref_squeeze %dma_start3A_99 : memref<1x32x128xi32, #tpu.memory_space<vmem>> -> memref<32x128xi32, #tpu.memory_space<vmem>>
      %dma_start3A_101 = arith.constant 0 : i32
      %dma_start3A_102 = tpu.memref_slice %arg4[%add3A_76, %dma_start3A_101] : memref<2584x128xi32, #tpu.memory_space<hbm>> -> memref<32x128xi32, #tpu.memory_space<hbm>>
      tpu.enqueue_dma source(%dma_start3A_102 : memref<32x128xi32, #tpu.memory_space<hbm>>) target(%dma_start3A_100 : memref<32x128xi32, #tpu.memory_space<vmem>>) target_semaphore(%arg16 : memref<!tpu.dma_semaphore, #tpu.memory_space<semaphore_mem>>)
      %dma_start3A_103 = arith.constant 0 : i32
      %dma_start3A_104 = arith.constant 0 : i32
      %dma_start3A_105 = arith.constant 0 : i32
      %dma_start3A_106 = tpu.memref_slice %arg7[%dma_start3A_103, %dma_start3A_104, %dma_start3A_105] : memref<2x32x128xi32, #tpu.memory_space<vmem>> -> memref<1x1x128xi32, #tpu.memory_space<vmem>>
      %dma_start3A_107 = tpu.memref_squeeze %dma_start3A_106 : memref<1x1x128xi32, #tpu.memory_space<vmem>> -> memref<128xi32, #tpu.memory_space<vmem>>
      %dma_start3A_108 = arith.constant 0 : i32
      %dma_start3A_109 = arith.constant 0 : i32
      %dma_start3A_110 = tpu.memref_slice %arg2[%dma_start3A_108, %dma_start3A_109] : memref<10000x128xf32, #tpu.memory_space<hbm>> -> memref<10000x128xf32, #tpu.memory_space<hbm>>
      tpu.enqueue_indirect_dma source(%dma_start3A_110 : memref<10000x128xf32, #tpu.memory_space<hbm>>) target(%arg9 : memref<128x128xf32, #tpu.memory_space<vmem>>) offsets(%dma_start3A_107 : memref<128xi32, #tpu.memory_space<vmem>>) semaphore(%arg12 : memref<!tpu.dma_semaphore, #tpu.memory_space<semaphore_mem>>)
      %dma_start3A_111 = arith.constant 0 : i32
      %dma_start3A_112 = arith.constant 1 : i32
      %dma_start3A_113 = arith.constant 0 : i32
      %dma_start3A_114 = tpu.memref_slice %arg7[%dma_start3A_111, %dma_start3A_112, %dma_start3A_113] : memref<2x32x128xi32, #tpu.memory_space<vmem>> -> memref<1x1x128xi32, #tpu.memory_space<vmem>>
      %dma_start3A_115 = tpu.memref_squeeze %dma_start3A_114 : memref<1x1x128xi32, #tpu.memory_space<vmem>> -> memref<128xi32, #tpu.memory_space<vmem>>
      %dma_start3A_116 = arith.constant 0 : i32
      %dma_start3A_117 = arith.constant 0 : i32
      %dma_start3A_118 = tpu.memref_slice %arg2[%dma_start3A_116, %dma_start3A_117] : memref<10000x128xf32, #tpu.memory_space<hbm>> -> memref<10000x128xf32, #tpu.memory_space<hbm>>
      tpu.enqueue_indirect_dma source(%dma_start3A_118 : memref<10000x128xf32, #tpu.memory_space<hbm>>) target(%arg10 : memref<128x128xf32, #tpu.memory_space<vmem>>) offsets(%dma_start3A_115 : memref<128xi32, #tpu.memory_space<vmem>>) semaphore(%arg13 : memref<!tpu.dma_semaphore, #tpu.memory_space<semaphore_mem>>)
      %dma_wait3A_119 = arith.constant 0 : i32
      %dma_wait3A_120 = arith.constant 0 : i32
      %dma_wait3A_121 = arith.constant 0 : i32
      %dma_wait3A_122 = tpu.memref_slice %arg7[%dma_wait3A_119, %dma_wait3A_120, %dma_wait3A_121] : memref<2x32x128xi32, #tpu.memory_space<vmem>> -> memref<1x1x128xi32, #tpu.memory_space<vmem>>
      %dma_wait3A_123 = tpu.memref_squeeze %dma_wait3A_122 : memref<1x1x128xi32, #tpu.memory_space<vmem>> -> memref<128xi32, #tpu.memory_space<vmem>>
      %dma_wait3A_124 = arith.constant 0 : i32
      %dma_wait3A_125 = arith.constant 0 : i32
      %dma_wait3A_126 = tpu.memref_slice %arg2[%dma_wait3A_124, %dma_wait3A_125] : memref<10000x128xf32, #tpu.memory_space<hbm>> -> memref<10000x128xf32, #tpu.memory_space<hbm>>
      tpu.wait_indirect_dma semaphore(%arg12 : memref<!tpu.dma_semaphore, #tpu.memory_space<semaphore_mem>>) src(%dma_wait3A_126 : memref<10000x128xf32, #tpu.memory_space<hbm>>) dst(%arg9 : memref<128x128xf32, #tpu.memory_space<vmem>>)
      %dma_start3A_127 = arith.constant 0 : i32
      %dma_start3A_128 = arith.constant 0 : i32
      %dma_start3A_129 = arith.constant 0 : i32
      %dma_start3A_130 = tpu.memref_slice %arg8[%dma_start3A_127, %dma_start3A_128, %dma_start3A_129] : memref<2x32x128xi32, #tpu.memory_space<vmem>> -> memref<1x1x128xi32, #tpu.memory_space<vmem>>
      %dma_start3A_131 = tpu.memref_squeeze %dma_start3A_130 : memref<1x1x128xi32, #tpu.memory_space<vmem>> -> memref<128xi32, #tpu.memory_space<vmem>>
      %dma_start3A_132 = arith.constant 0 : i32
      %dma_start3A_133 = arith.constant 0 : i32
      %dma_start3A_134 = tpu.memref_slice %arg11[%dma_start3A_132, %dma_start3A_133] : memref<10240x128xf32, #tpu.memory_space<vmem_shared>> -> memref<10240x128xf32, #tpu.memory_space<vmem_shared>>
      tpu.enqueue_indirect_dma source(%arg9 : memref<128x128xf32, #tpu.memory_space<vmem>>) target(%dma_start3A_134 : memref<10240x128xf32, #tpu.memory_space<vmem_shared>>) offsets(%dma_start3A_131 : memref<128xi32, #tpu.memory_space<vmem>>) semaphore(%arg14 : memref<!tpu.dma_semaphore, #tpu.memory_space<semaphore_mem>>) {add = true}
      %sub3A_135 = arith.constant 2 : i32
      %sub3A_136 = arith.subi %sub3A_1, %sub3A_135 : i32
      %jit3A = arith.constant 2 : i32
      %div3A = arith.divsi %sub3A_136, %jit3A : i32
      %sign3A = arith.constant 0 : i32
      %sign3A_137 = arith.cmpi sgt, %sub3A_136, %sign3A : i32
      %sign3A_138 = arith.extui %sign3A_137 : i1 to i32
      %sign3A_139 = arith.constant 0 : i32
      %sign3A_140 = arith.cmpi slt, %sub3A_136, %sign3A_139 : i32
      %sign3A_141 = arith.extui %sign3A_140 : i1 to i32
      %sign3A_142 = arith.subi %sign3A_138, %sign3A_141 : i32
      %sign3A_143 = arith.constant 0 : i32
      %sign3A_144 = arith.cmpi sgt, %jit3A, %sign3A_143 : i32
      %sign3A_145 = arith.extui %sign3A_144 : i1 to i32
      %sign3A_146 = arith.constant 0 : i32
      %sign3A_147 = arith.cmpi slt, %jit3A, %sign3A_146 : i32
      %sign3A_148 = arith.extui %sign3A_147 : i1 to i32
      %sign3A_149 = arith.subi %sign3A_145, %sign3A_148 : i32
      %ne3A = arith.cmpi ne, %sign3A_142, %sign3A_149 : i32
      %rem3A = arith.remsi %sub3A_136, %jit3A : i32
      %ne3A_150 = arith.constant 0 : i32
      %ne3A_151 = arith.cmpi ne, %rem3A, %ne3A_150 : i32
      %and3A = arith.andi %ne3A, %ne3A_151 : i1
      %sub3A_152 = arith.constant 1 : i32
      %sub3A_153 = arith.subi %div3A, %sub3A_152 : i32
      %select_n3A = arith.select %and3A, %sub3A_153, %div3A : i32
      %while3A = arith.constant 0 : i32
      %while3A_154 = arith.constant 0 : i32
      %while3A_155 = arith.subi %select_n3A, %while3A_154 : i32
      %while3A_156 = arith.addi %while3A_154, %while3A_155 : i32
      %while3A_157 = arith.constant 1 : i32
      %while3A_158 = arith.divsi %while3A_155, %while3A_157 : i32
      %while3A_159 = arith.muli %while3A_158, %while3A_157 : i32
      %while3A_160 = arith.addi %while3A_154, %while3A_159 : i32
      %while3A_161 = arith.constant 1 : i32
      scf.for %while3A_656 = %while3A_154 to %while3A_160 step %while3A_161  : i32 {
        %mul3A_657 = arith.constant 2 : i32
        %mul3A_658 = arith.muli %mul3A_657, %while3A_656 : i32
        %add3A_659 = arith.constant 1 : i32
        %add3A_660 = arith.addi %add3A_659, %mul3A_658 : i32
        %sub3A_661 = arith.constant 1 : i32
        %sub3A_662 = arith.subi %add3A_660, %sub3A_661 : i32
        %dma_wait3A_663 = arith.constant 0 : i32
        %dma_wait3A_664 = arith.constant 0 : i32
        %dma_wait3A_665 = tpu.memref_slice %arg8[%dma_wait3A_663, %sub3A_662, %dma_wait3A_664] : memref<2x32x128xi32, #tpu.memory_space<vmem>> -> memref<1x1x128xi32, #tpu.memory_space<vmem>>
        %dma_wait3A_666 = tpu.memref_squeeze %dma_wait3A_665 : memref<1x1x128xi32, #tpu.memory_space<vmem>> -> memref<128xi32, #tpu.memory_space<vmem>>
        %dma_wait3A_667 = arith.constant 0 : i32
        %dma_wait3A_668 = arith.constant 0 : i32
        %dma_wait3A_669 = tpu.memref_slice %arg11[%dma_wait3A_667, %dma_wait3A_668] : memref<10240x128xf32, #tpu.memory_space<vmem_shared>> -> memref<10240x128xf32, #tpu.memory_space<vmem_shared>>
        tpu.wait_indirect_dma semaphore(%arg14 : memref<!tpu.dma_semaphore, #tpu.memory_space<semaphore_mem>>) src(%arg9 : memref<128x128xf32, #tpu.memory_space<vmem>>) dst(%dma_wait3A_669 : memref<10240x128xf32, #tpu.memory_space<vmem_shared>>)
        %add3A_670 = arith.constant 1 : i32
        %add3A_671 = arith.addi %add3A_660, %add3A_670 : i32
        %dma_start3A_672 = arith.constant 0 : i32
        %dma_start3A_673 = arith.constant 0 : i32
        %dma_start3A_674 = tpu.memref_slice %arg7[%dma_start3A_672, %add3A_671, %dma_start3A_673] : memref<2x32x128xi32, #tpu.memory_space<vmem>> -> memref<1x1x128xi32, #tpu.memory_space<vmem>>
        %dma_start3A_675 = tpu.memref_squeeze %dma_start3A_674 : memref<1x1x128xi32, #tpu.memory_space<vmem>> -> memref<128xi32, #tpu.memory_space<vmem>>
        %dma_start3A_676 = arith.constant 0 : i32
        %dma_start3A_677 = arith.constant 0 : i32
        %dma_start3A_678 = tpu.memref_slice %arg2[%dma_start3A_676, %dma_start3A_677] : memref<10000x128xf32, #tpu.memory_space<hbm>> -> memref<10000x128xf32, #tpu.memory_space<hbm>>
        tpu.enqueue_indirect_dma source(%dma_start3A_678 : memref<10000x128xf32, #tpu.memory_space<hbm>>) target(%arg9 : memref<128x128xf32, #tpu.memory_space<vmem>>) offsets(%dma_start3A_675 : memref<128xi32, #tpu.memory_space<vmem>>) semaphore(%arg12 : memref<!tpu.dma_semaphore, #tpu.memory_space<semaphore_mem>>)
        %dma_wait3A_679 = arith.constant 0 : i32
        %dma_wait3A_680 = arith.constant 0 : i32
        %dma_wait3A_681 = tpu.memref_slice %arg7[%dma_wait3A_679, %add3A_660, %dma_wait3A_680] : memref<2x32x128xi32, #tpu.memory_space<vmem>> -> memref<1x1x128xi32, #tpu.memory_space<vmem>>
        %dma_wait3A_682 = tpu.memref_squeeze %dma_wait3A_681 : memref<1x1x128xi32, #tpu.memory_space<vmem>> -> memref<128xi32, #tpu.memory_space<vmem>>
        %dma_wait3A_683 = arith.constant 0 : i32
        %dma_wait3A_684 = arith.constant 0 : i32
        %dma_wait3A_685 = tpu.memref_slice %arg2[%dma_wait3A_683, %dma_wait3A_684] : memref<10000x128xf32, #tpu.memory_space<hbm>> -> memref<10000x128xf32, #tpu.memory_space<hbm>>
        tpu.wait_indirect_dma semaphore(%arg13 : memref<!tpu.dma_semaphore, #tpu.memory_space<semaphore_mem>>) src(%dma_wait3A_685 : memref<10000x128xf32, #tpu.memory_space<hbm>>) dst(%arg10 : memref<128x128xf32, #tpu.memory_space<vmem>>)
        %dma_start3A_686 = arith.constant 0 : i32
        %dma_start3A_687 = arith.constant 0 : i32
        %dma_start3A_688 = tpu.memref_slice %arg8[%dma_start3A_686, %add3A_660, %dma_start3A_687] : memref<2x32x128xi32, #tpu.memory_space<vmem>> -> memref<1x1x128xi32, #tpu.memory_space<vmem>>
        %dma_start3A_689 = tpu.memref_squeeze %dma_start3A_688 : memref<1x1x128xi32, #tpu.memory_space<vmem>> -> memref<128xi32, #tpu.memory_space<vmem>>
        %dma_start3A_690 = arith.constant 0 : i32
        %dma_start3A_691 = arith.constant 0 : i32
        %dma_start3A_692 = tpu.memref_slice %arg11[%dma_start3A_690, %dma_start3A_691] : memref<10240x128xf32, #tpu.memory_space<vmem_shared>> -> memref<10240x128xf32, #tpu.memory_space<vmem_shared>>
        tpu.enqueue_indirect_dma source(%arg10 : memref<128x128xf32, #tpu.memory_space<vmem>>) target(%dma_start3A_692 : memref<10240x128xf32, #tpu.memory_space<vmem_shared>>) offsets(%dma_start3A_689 : memref<128xi32, #tpu.memory_space<vmem>>) semaphore(%arg15 : memref<!tpu.dma_semaphore, #tpu.memory_space<semaphore_mem>>) {add = true}
        %add3A_693 = arith.constant 1 : i32
        %add3A_694 = arith.addi %add3A_660, %add3A_693 : i32
        %sub3A_695 = arith.constant 1 : i32
        %sub3A_696 = arith.subi %add3A_694, %sub3A_695 : i32
        %dma_wait3A_697 = arith.constant 0 : i32
        %dma_wait3A_698 = arith.constant 0 : i32
        %dma_wait3A_699 = tpu.memref_slice %arg8[%dma_wait3A_697, %sub3A_696, %dma_wait3A_698] : memref<2x32x128xi32, #tpu.memory_space<vmem>> -> memref<1x1x128xi32, #tpu.memory_space<vmem>>
        %dma_wait3A_700 = tpu.memref_squeeze %dma_wait3A_699 : memref<1x1x128xi32, #tpu.memory_space<vmem>> -> memref<128xi32, #tpu.memory_space<vmem>>
        %dma_wait3A_701 = arith.constant 0 : i32
        %dma_wait3A_702 = arith.constant 0 : i32
        %dma_wait3A_703 = tpu.memref_slice %arg11[%dma_wait3A_701, %dma_wait3A_702] : memref<10240x128xf32, #tpu.memory_space<vmem_shared>> -> memref<10240x128xf32, #tpu.memory_space<vmem_shared>>
        tpu.wait_indirect_dma semaphore(%arg15 : memref<!tpu.dma_semaphore, #tpu.memory_space<semaphore_mem>>) src(%arg10 : memref<128x128xf32, #tpu.memory_space<vmem>>) dst(%dma_wait3A_703 : memref<10240x128xf32, #tpu.memory_space<vmem_shared>>)
        %add3A_704 = arith.constant 1 : i32
        %add3A_705 = arith.addi %add3A_694, %add3A_704 : i32
        %dma_start3A_706 = arith.constant 0 : i32
        %dma_start3A_707 = arith.constant 0 : i32
        %dma_start3A_708 = tpu.memref_slice %arg7[%dma_start3A_706, %add3A_705, %dma_start3A_707] : memref<2x32x128xi32, #tpu.memory_space<vmem>> -> memref<1x1x128xi32, #tpu.memory_space<vmem>>
        %dma_start3A_709 = tpu.memref_squeeze %dma_start3A_708 : memref<1x1x128xi32, #tpu.memory_space<vmem>> -> memref<128xi32, #tpu.memory_space<vmem>>
        %dma_start3A_710 = arith.constant 0 : i32
        %dma_start3A_711 = arith.constant 0 : i32
        %dma_start3A_712 = tpu.memref_slice %arg2[%dma_start3A_710, %dma_start3A_711] : memref<10000x128xf32, #tpu.memory_space<hbm>> -> memref<10000x128xf32, #tpu.memory_space<hbm>>
        tpu.enqueue_indirect_dma source(%dma_start3A_712 : memref<10000x128xf32, #tpu.memory_space<hbm>>) target(%arg10 : memref<128x128xf32, #tpu.memory_space<vmem>>) offsets(%dma_start3A_709 : memref<128xi32, #tpu.memory_space<vmem>>) semaphore(%arg13 : memref<!tpu.dma_semaphore, #tpu.memory_space<semaphore_mem>>)
        %dma_wait3A_713 = arith.constant 0 : i32
        %dma_wait3A_714 = arith.constant 0 : i32
        %dma_wait3A_715 = tpu.memref_slice %arg7[%dma_wait3A_713, %add3A_694, %dma_wait3A_714] : memref<2x32x128xi32, #tpu.memory_space<vmem>> -> memref<1x1x128xi32, #tpu.memory_space<vmem>>
        %dma_wait3A_716 = tpu.memref_squeeze %dma_wait3A_715 : memref<1x1x128xi32, #tpu.memory_space<vmem>> -> memref<128xi32, #tpu.memory_space<vmem>>
        %dma_wait3A_717 = arith.constant 0 : i32
        %dma_wait3A_718 = arith.constant 0 : i32
        %dma_wait3A_719 = tpu.memref_slice %arg2[%dma_wait3A_717, %dma_wait3A_718] : memref<10000x128xf32, #tpu.memory_space<hbm>> -> memref<10000x128xf32, #tpu.memory_space<hbm>>
        tpu.wait_indirect_dma semaphore(%arg12 : memref<!tpu.dma_semaphore, #tpu.memory_space<semaphore_mem>>) src(%dma_wait3A_719 : memref<10000x128xf32, #tpu.memory_space<hbm>>) dst(%arg9 : memref<128x128xf32, #tpu.memory_space<vmem>>)
        %dma_start3A_720 = arith.constant 0 : i32
        %dma_start3A_721 = arith.constant 0 : i32
        %dma_start3A_722 = tpu.memref_slice %arg8[%dma_start3A_720, %add3A_694, %dma_start3A_721] : memref<2x32x128xi32, #tpu.memory_space<vmem>> -> memref<1x1x128xi32, #tpu.memory_space<vmem>>
        %dma_start3A_723 = tpu.memref_squeeze %dma_start3A_722 : memref<1x1x128xi32, #tpu.memory_space<vmem>> -> memref<128xi32, #tpu.memory_space<vmem>>
        %dma_start3A_724 = arith.constant 0 : i32
        %dma_start3A_725 = arith.constant 0 : i32
        %dma_start3A_726 = tpu.memref_slice %arg11[%dma_start3A_724, %dma_start3A_725] : memref<10240x128xf32, #tpu.memory_space<vmem_shared>> -> memref<10240x128xf32, #tpu.memory_space<vmem_shared>>
        tpu.enqueue_indirect_dma source(%arg9 : memref<128x128xf32, #tpu.memory_space<vmem>>) target(%dma_start3A_726 : memref<10240x128xf32, #tpu.memory_space<vmem_shared>>) offsets(%dma_start3A_723 : memref<128xi32, #tpu.memory_space<vmem>>) semaphore(%arg14 : memref<!tpu.dma_semaphore, #tpu.memory_space<semaphore_mem>>) {add = true}
      }
      %while3A_162 = arith.constant 1 : i32
      scf.for %while3A_656 = %while3A_160 to %while3A_156 step %while3A_162  : i32 {
        %mul3A_657 = arith.constant 2 : i32
        %mul3A_658 = arith.muli %mul3A_657, %while3A_656 : i32
        %add3A_659 = arith.constant 1 : i32
        %add3A_660 = arith.addi %add3A_659, %mul3A_658 : i32
        %sub3A_661 = arith.constant 1 : i32
        %sub3A_662 = arith.subi %add3A_660, %sub3A_661 : i32
        %dma_wait3A_663 = arith.constant 0 : i32
        %dma_wait3A_664 = arith.constant 0 : i32
        %dma_wait3A_665 = tpu.memref_slice %arg8[%dma_wait3A_663, %sub3A_662, %dma_wait3A_664] : memref<2x32x128xi32, #tpu.memory_space<vmem>> -> memref<1x1x128xi32, #tpu.memory_space<vmem>>
        %dma_wait3A_666 = tpu.memref_squeeze %dma_wait3A_665 : memref<1x1x128xi32, #tpu.memory_space<vmem>> -> memref<128xi32, #tpu.memory_space<vmem>>
        %dma_wait3A_667 = arith.constant 0 : i32
        %dma_wait3A_668 = arith.constant 0 : i32
        %dma_wait3A_669 = tpu.memref_slice %arg11[%dma_wait3A_667, %dma_wait3A_668] : memref<10240x128xf32, #tpu.memory_space<vmem_shared>> -> memref<10240x128xf32, #tpu.memory_space<vmem_shared>>
        tpu.wait_indirect_dma semaphore(%arg14 : memref<!tpu.dma_semaphore, #tpu.memory_space<semaphore_mem>>) src(%arg9 : memref<128x128xf32, #tpu.memory_space<vmem>>) dst(%dma_wait3A_669 : memref<10240x128xf32, #tpu.memory_space<vmem_shared>>)
        %add3A_670 = arith.constant 1 : i32
        %add3A_671 = arith.addi %add3A_660, %add3A_670 : i32
        %dma_start3A_672 = arith.constant 0 : i32
        %dma_start3A_673 = arith.constant 0 : i32
        %dma_start3A_674 = tpu.memref_slice %arg7[%dma_start3A_672, %add3A_671, %dma_start3A_673] : memref<2x32x128xi32, #tpu.memory_space<vmem>> -> memref<1x1x128xi32, #tpu.memory_space<vmem>>
        %dma_start3A_675 = tpu.memref_squeeze %dma_start3A_674 : memref<1x1x128xi32, #tpu.memory_space<vmem>> -> memref<128xi32, #tpu.memory_space<vmem>>
        %dma_start3A_676 = arith.constant 0 : i32
        %dma_start3A_677 = arith.constant 0 : i32
        %dma_start3A_678 = tpu.memref_slice %arg2[%dma_start3A_676, %dma_start3A_677] : memref<10000x128xf32, #tpu.memory_space<hbm>> -> memref<10000x128xf32, #tpu.memory_space<hbm>>
        tpu.enqueue_indirect_dma source(%dma_start3A_678 : memref<10000x128xf32, #tpu.memory_space<hbm>>) target(%arg9 : memref<128x128xf32, #tpu.memory_space<vmem>>) offsets(%dma_start3A_675 : memref<128xi32, #tpu.memory_space<vmem>>) semaphore(%arg12 : memref<!tpu.dma_semaphore, #tpu.memory_space<semaphore_mem>>)
        %dma_wait3A_679 = arith.constant 0 : i32
        %dma_wait3A_680 = arith.constant 0 : i32
        %dma_wait3A_681 = tpu.memref_slice %arg7[%dma_wait3A_679, %add3A_660, %dma_wait3A_680] : memref<2x32x128xi32, #tpu.memory_space<vmem>> -> memref<1x1x128xi32, #tpu.memory_space<vmem>>
        %dma_wait3A_682 = tpu.memref_squeeze %dma_wait3A_681 : memref<1x1x128xi32, #tpu.memory_space<vmem>> -> memref<128xi32, #tpu.memory_space<vmem>>
        %dma_wait3A_683 = arith.constant 0 : i32
        %dma_wait3A_684 = arith.constant 0 : i32
        %dma_wait3A_685 = tpu.memref_slice %arg2[%dma_wait3A_683, %dma_wait3A_684] : memref<10000x128xf32, #tpu.memory_space<hbm>> -> memref<10000x128xf32, #tpu.memory_space<hbm>>
        tpu.wait_indirect_dma semaphore(%arg13 : memref<!tpu.dma_semaphore, #tpu.memory_space<semaphore_mem>>) src(%dma_wait3A_685 : memref<10000x128xf32, #tpu.memory_space<hbm>>) dst(%arg10 : memref<128x128xf32, #tpu.memory_space<vmem>>)
        %dma_start3A_686 = arith.constant 0 : i32
        %dma_start3A_687 = arith.constant 0 : i32
        %dma_start3A_688 = tpu.memref_slice %arg8[%dma_start3A_686, %add3A_660, %dma_start3A_687] : memref<2x32x128xi32, #tpu.memory_space<vmem>> -> memref<1x1x128xi32, #tpu.memory_space<vmem>>
        %dma_start3A_689 = tpu.memref_squeeze %dma_start3A_688 : memref<1x1x128xi32, #tpu.memory_space<vmem>> -> memref<128xi32, #tpu.memory_space<vmem>>
        %dma_start3A_690 = arith.constant 0 : i32
        %dma_start3A_691 = arith.constant 0 : i32
        %dma_start3A_692 = tpu.memref_slice %arg11[%dma_start3A_690, %dma_start3A_691] : memref<10240x128xf32, #tpu.memory_space<vmem_shared>> -> memref<10240x128xf32, #tpu.memory_space<vmem_shared>>
        tpu.enqueue_indirect_dma source(%arg10 : memref<128x128xf32, #tpu.memory_space<vmem>>) target(%dma_start3A_692 : memref<10240x128xf32, #tpu.memory_space<vmem_shared>>) offsets(%dma_start3A_689 : memref<128xi32, #tpu.memory_space<vmem>>) semaphore(%arg15 : memref<!tpu.dma_semaphore, #tpu.memory_space<semaphore_mem>>) {add = true}
        %add3A_693 = arith.constant 1 : i32
        %add3A_694 = arith.addi %add3A_660, %add3A_693 : i32
        %sub3A_695 = arith.constant 1 : i32
        %sub3A_696 = arith.subi %add3A_694, %sub3A_695 : i32
        %dma_wait3A_697 = arith.constant 0 : i32
        %dma_wait3A_698 = arith.constant 0 : i32
        %dma_wait3A_699 = tpu.memref_slice %arg8[%dma_wait3A_697, %sub3A_696, %dma_wait3A_698] : memref<2x32x128xi32, #tpu.memory_space<vmem>> -> memref<1x1x128xi32, #tpu.memory_space<vmem>>
        %dma_wait3A_700 = tpu.memref_squeeze %dma_wait3A_699 : memref<1x1x128xi32, #tpu.memory_space<vmem>> -> memref<128xi32, #tpu.memory_space<vmem>>
        %dma_wait3A_701 = arith.constant 0 : i32
        %dma_wait3A_702 = arith.constant 0 : i32
        %dma_wait3A_703 = tpu.memref_slice %arg11[%dma_wait3A_701, %dma_wait3A_702] : memref<10240x128xf32, #tpu.memory_space<vmem_shared>> -> memref<10240x128xf32, #tpu.memory_space<vmem_shared>>
        tpu.wait_indirect_dma semaphore(%arg15 : memref<!tpu.dma_semaphore, #tpu.memory_space<semaphore_mem>>) src(%arg10 : memref<128x128xf32, #tpu.memory_space<vmem>>) dst(%dma_wait3A_703 : memref<10240x128xf32, #tpu.memory_space<vmem_shared>>)
        %add3A_704 = arith.constant 1 : i32
        %add3A_705 = arith.addi %add3A_694, %add3A_704 : i32
        %dma_start3A_706 = arith.constant 0 : i32
        %dma_start3A_707 = arith.constant 0 : i32
        %dma_start3A_708 = tpu.memref_slice %arg7[%dma_start3A_706, %add3A_705, %dma_start3A_707] : memref<2x32x128xi32, #tpu.memory_space<vmem>> -> memref<1x1x128xi32, #tpu.memory_space<vmem>>
        %dma_start3A_709 = tpu.memref_squeeze %dma_start3A_708 : memref<1x1x128xi32, #tpu.memory_space<vmem>> -> memref<128xi32, #tpu.memory_space<vmem>>
        %dma_start3A_710 = arith.constant 0 : i32
        %dma_start3A_711 = arith.constant 0 : i32
        %dma_start3A_712 = tpu.memref_slice %arg2[%dma_start3A_710, %dma_start3A_711] : memref<10000x128xf32, #tpu.memory_space<hbm>> -> memref<10000x128xf32, #tpu.memory_space<hbm>>
        tpu.enqueue_indirect_dma source(%dma_start3A_712 : memref<10000x128xf32, #tpu.memory_space<hbm>>) target(%arg10 : memref<128x128xf32, #tpu.memory_space<vmem>>) offsets(%dma_start3A_709 : memref<128xi32, #tpu.memory_space<vmem>>) semaphore(%arg13 : memref<!tpu.dma_semaphore, #tpu.memory_space<semaphore_mem>>)
        %dma_wait3A_713 = arith.constant 0 : i32
        %dma_wait3A_714 = arith.constant 0 : i32
        %dma_wait3A_715 = tpu.memref_slice %arg7[%dma_wait3A_713, %add3A_694, %dma_wait3A_714] : memref<2x32x128xi32, #tpu.memory_space<vmem>> -> memref<1x1x128xi32, #tpu.memory_space<vmem>>
        %dma_wait3A_716 = tpu.memref_squeeze %dma_wait3A_715 : memref<1x1x128xi32, #tpu.memory_space<vmem>> -> memref<128xi32, #tpu.memory_space<vmem>>
        %dma_wait3A_717 = arith.constant 0 : i32
        %dma_wait3A_718 = arith.constant 0 : i32
        %dma_wait3A_719 = tpu.memref_slice %arg2[%dma_wait3A_717, %dma_wait3A_718] : memref<10000x128xf32, #tpu.memory_space<hbm>> -> memref<10000x128xf32, #tpu.memory_space<hbm>>
        tpu.wait_indirect_dma semaphore(%arg12 : memref<!tpu.dma_semaphore, #tpu.memory_space<semaphore_mem>>) src(%dma_wait3A_719 : memref<10000x128xf32, #tpu.memory_space<hbm>>) dst(%arg9 : memref<128x128xf32, #tpu.memory_space<vmem>>)
        %dma_start3A_720 = arith.constant 0 : i32
        %dma_start3A_721 = arith.constant 0 : i32
        %dma_start3A_722 = tpu.memref_slice %arg8[%dma_start3A_720, %add3A_694, %dma_start3A_721] : memref<2x32x128xi32, #tpu.memory_space<vmem>> -> memref<1x1x128xi32, #tpu.memory_space<vmem>>
        %dma_start3A_723 = tpu.memref_squeeze %dma_start3A_722 : memref<1x1x128xi32, #tpu.memory_space<vmem>> -> memref<128xi32, #tpu.memory_space<vmem>>
        %dma_start3A_724 = arith.constant 0 : i32
        %dma_start3A_725 = arith.constant 0 : i32
        %dma_start3A_726 = tpu.memref_slice %arg11[%dma_start3A_724, %dma_start3A_725] : memref<10240x128xf32, #tpu.memory_space<vmem_shared>> -> memref<10240x128xf32, #tpu.memory_space<vmem_shared>>
        tpu.enqueue_indirect_dma source(%arg9 : memref<128x128xf32, #tpu.memory_space<vmem>>) target(%dma_start3A_726 : memref<10240x128xf32, #tpu.memory_space<vmem_shared>>) offsets(%dma_start3A_723 : memref<128xi32, #tpu.memory_space<vmem>>) semaphore(%arg14 : memref<!tpu.dma_semaphore, #tpu.memory_space<semaphore_mem>>) {add = true}
      }
      %sub3A_163 = arith.constant 2 : i32
      %sub3A_164 = arith.subi %sub3A_1, %sub3A_163 : i32
      %dma_wait3A_165 = arith.constant 0 : i32
      %dma_wait3A_166 = arith.constant 0 : i32
      %dma_wait3A_167 = tpu.memref_slice %arg8[%dma_wait3A_165, %sub3A_164, %dma_wait3A_166] : memref<2x32x128xi32, #tpu.memory_space<vmem>> -> memref<1x1x128xi32, #tpu.memory_space<vmem>>
      %dma_wait3A_168 = tpu.memref_squeeze %dma_wait3A_167 : memref<1x1x128xi32, #tpu.memory_space<vmem>> -> memref<128xi32, #tpu.memory_space<vmem>>
      %dma_wait3A_169 = arith.constant 0 : i32
      %dma_wait3A_170 = arith.constant 0 : i32
      %dma_wait3A_171 = tpu.memref_slice %arg11[%dma_wait3A_169, %dma_wait3A_170] : memref<10240x128xf32, #tpu.memory_space<vmem_shared>> -> memref<10240x128xf32, #tpu.memory_space<vmem_shared>>
      tpu.wait_indirect_dma semaphore(%arg14 : memref<!tpu.dma_semaphore, #tpu.memory_space<semaphore_mem>>) src(%arg9 : memref<128x128xf32, #tpu.memory_space<vmem>>) dst(%dma_wait3A_171 : memref<10240x128xf32, #tpu.memory_space<vmem_shared>>)
      %sub3A_172 = arith.constant 1 : i32
      %sub3A_173 = arith.subi %sub3A_1, %sub3A_172 : i32
      %dma_wait3A_174 = arith.constant 0 : i32
      %dma_wait3A_175 = arith.constant 0 : i32
      %dma_wait3A_176 = tpu.memref_slice %arg7[%dma_wait3A_174, %sub3A_173, %dma_wait3A_175] : memref<2x32x128xi32, #tpu.memory_space<vmem>> -> memref<1x1x128xi32, #tpu.memory_space<vmem>>
      %dma_wait3A_177 = tpu.memref_squeeze %dma_wait3A_176 : memref<1x1x128xi32, #tpu.memory_space<vmem>> -> memref<128xi32, #tpu.memory_space<vmem>>
      %dma_wait3A_178 = arith.constant 0 : i32
      %dma_wait3A_179 = arith.constant 0 : i32
      %dma_wait3A_180 = tpu.memref_slice %arg2[%dma_wait3A_178, %dma_wait3A_179] : memref<10000x128xf32, #tpu.memory_space<hbm>> -> memref<10000x128xf32, #tpu.memory_space<hbm>>
      tpu.wait_indirect_dma semaphore(%arg13 : memref<!tpu.dma_semaphore, #tpu.memory_space<semaphore_mem>>) src(%dma_wait3A_180 : memref<10000x128xf32, #tpu.memory_space<hbm>>) dst(%arg10 : memref<128x128xf32, #tpu.memory_space<vmem>>)
      %sub3A_181 = arith.constant 1 : i32
      %sub3A_182 = arith.subi %sub3A_1, %sub3A_181 : i32
      %dma_start3A_183 = arith.constant 0 : i32
      %dma_start3A_184 = arith.constant 0 : i32
      %dma_start3A_185 = tpu.memref_slice %arg8[%dma_start3A_183, %sub3A_182, %dma_start3A_184] : memref<2x32x128xi32, #tpu.memory_space<vmem>> -> memref<1x1x128xi32, #tpu.memory_space<vmem>>
      %dma_start3A_186 = tpu.memref_squeeze %dma_start3A_185 : memref<1x1x128xi32, #tpu.memory_space<vmem>> -> memref<128xi32, #tpu.memory_space<vmem>>
      %dma_start3A_187 = arith.constant 0 : i32
      %dma_start3A_188 = arith.constant 0 : i32
      %dma_start3A_189 = tpu.memref_slice %arg11[%dma_start3A_187, %dma_start3A_188] : memref<10240x128xf32, #tpu.memory_space<vmem_shared>> -> memref<10240x128xf32, #tpu.memory_space<vmem_shared>>
      tpu.enqueue_indirect_dma source(%arg10 : memref<128x128xf32, #tpu.memory_space<vmem>>) target(%dma_start3A_189 : memref<10240x128xf32, #tpu.memory_space<vmem_shared>>) offsets(%dma_start3A_186 : memref<128xi32, #tpu.memory_space<vmem>>) semaphore(%arg15 : memref<!tpu.dma_semaphore, #tpu.memory_space<semaphore_mem>>) {add = true}
      %sub3A_190 = arith.constant 1 : i32
      %sub3A_191 = arith.subi %sub3A_1, %sub3A_190 : i32
      %dma_wait3A_192 = arith.constant 0 : i32
      %dma_wait3A_193 = arith.constant 0 : i32
      %dma_wait3A_194 = tpu.memref_slice %arg8[%dma_wait3A_192, %sub3A_191, %dma_wait3A_193] : memref<2x32x128xi32, #tpu.memory_space<vmem>> -> memref<1x1x128xi32, #tpu.memory_space<vmem>>
      %dma_wait3A_195 = tpu.memref_squeeze %dma_wait3A_194 : memref<1x1x128xi32, #tpu.memory_space<vmem>> -> memref<128xi32, #tpu.memory_space<vmem>>
      %dma_wait3A_196 = arith.constant 0 : i32
      %dma_wait3A_197 = arith.constant 0 : i32
      %dma_wait3A_198 = tpu.memref_slice %arg11[%dma_wait3A_196, %dma_wait3A_197] : memref<10240x128xf32, #tpu.memory_space<vmem_shared>> -> memref<10240x128xf32, #tpu.memory_space<vmem_shared>>
      tpu.wait_indirect_dma semaphore(%arg15 : memref<!tpu.dma_semaphore, #tpu.memory_space<semaphore_mem>>) src(%arg10 : memref<128x128xf32, #tpu.memory_space<vmem>>) dst(%dma_wait3A_198 : memref<10240x128xf32, #tpu.memory_space<vmem_shared>>)
      %mul3A_199 = arith.constant 1 : i32
      %mul3A_200 = arith.muli %mul3A_199, %sub3A_1 : i32
      %add3A_201 = arith.addi %add3A, %mul3A_200 : i32
      %dma_wait3A_202 = arith.constant 1 : i32
      %dma_wait3A_203 = arith.constant 0 : i32
      %dma_wait3A_204 = arith.constant 0 : i32
      %dma_wait3A_205 = tpu.memref_slice %arg7[%dma_wait3A_202, %dma_wait3A_203, %dma_wait3A_204] : memref<2x32x128xi32, #tpu.memory_space<vmem>> -> memref<1x32x128xi32, #tpu.memory_space<vmem>>
      %dma_wait3A_206 = tpu.memref_squeeze %dma_wait3A_205 : memref<1x32x128xi32, #tpu.memory_space<vmem>> -> memref<32x128xi32, #tpu.memory_space<vmem>>
      %dma_wait3A_207 = arith.constant 0 : i32
      %dma_wait3A_208 = tpu.memref_slice %arg3[%add3A_201, %dma_wait3A_207] : memref<2584x128xi32, #tpu.memory_space<hbm>> -> memref<32x128xi32, #tpu.memory_space<hbm>>
      %dma_wait3A_209 = arith.constant 0 : i32
      %dma_wait3A_210 = arith.constant 0 : i32
      %dma_wait3A_211 = tpu.memref_slice %arg7[%dma_wait3A_202, %dma_wait3A_209, %dma_wait3A_210] : memref<2x32x128xi32, #tpu.memory_space<vmem>> -> memref<1x32x128xi32, #tpu.memory_space<vmem>>
      %dma_wait3A_212 = tpu.memref_squeeze %dma_wait3A_211 : memref<1x32x128xi32, #tpu.memory_space<vmem>> -> memref<32x128xi32, #tpu.memory_space<vmem>>
      %dma_wait3A_213 = arith.constant 0 : i32
      %dma_wait3A_214 = tpu.memref_slice %arg3[%add3A_201, %dma_wait3A_213] : memref<2584x128xi32, #tpu.memory_space<hbm>> -> memref<32x128xi32, #tpu.memory_space<hbm>>
      tpu.wait_dma2 semaphore(%arg16 : memref<!tpu.dma_semaphore, #tpu.memory_space<semaphore_mem>>) src(%dma_wait3A_214 : memref<32x128xi32, #tpu.memory_space<hbm>>) dst(%dma_wait3A_212 : memref<32x128xi32, #tpu.memory_space<vmem>>)
      %dma_wait3A_215 = arith.constant 1 : i32
      %dma_wait3A_216 = arith.constant 0 : i32
      %dma_wait3A_217 = arith.constant 0 : i32
      %dma_wait3A_218 = tpu.memref_slice %arg8[%dma_wait3A_215, %dma_wait3A_216, %dma_wait3A_217] : memref<2x32x128xi32, #tpu.memory_space<vmem>> -> memref<1x32x128xi32, #tpu.memory_space<vmem>>
      %dma_wait3A_219 = tpu.memref_squeeze %dma_wait3A_218 : memref<1x32x128xi32, #tpu.memory_space<vmem>> -> memref<32x128xi32, #tpu.memory_space<vmem>>
      %dma_wait3A_220 = arith.constant 0 : i32
      %dma_wait3A_221 = tpu.memref_slice %arg4[%add3A_201, %dma_wait3A_220] : memref<2584x128xi32, #tpu.memory_space<hbm>> -> memref<32x128xi32, #tpu.memory_space<hbm>>
      %dma_wait3A_222 = arith.constant 0 : i32
      %dma_wait3A_223 = arith.constant 0 : i32
      %dma_wait3A_224 = tpu.memref_slice %arg8[%dma_wait3A_215, %dma_wait3A_222, %dma_wait3A_223] : memref<2x32x128xi32, #tpu.memory_space<vmem>> -> memref<1x32x128xi32, #tpu.memory_space<vmem>>
      %dma_wait3A_225 = tpu.memref_squeeze %dma_wait3A_224 : memref<1x32x128xi32, #tpu.memory_space<vmem>> -> memref<32x128xi32, #tpu.memory_space<vmem>>
      %dma_wait3A_226 = arith.constant 0 : i32
      %dma_wait3A_227 = tpu.memref_slice %arg4[%add3A_201, %dma_wait3A_226] : memref<2584x128xi32, #tpu.memory_space<hbm>> -> memref<32x128xi32, #tpu.memory_space<hbm>>
      tpu.wait_dma2 semaphore(%arg16 : memref<!tpu.dma_semaphore, #tpu.memory_space<semaphore_mem>>) src(%dma_wait3A_227 : memref<32x128xi32, #tpu.memory_space<hbm>>) dst(%dma_wait3A_225 : memref<32x128xi32, #tpu.memory_space<vmem>>)
      %mul3A_228 = arith.constant 2 : i32
      %mul3A_229 = arith.muli %mul3A_228, %sub3A_1 : i32
      %add3A_230 = arith.addi %add3A, %mul3A_229 : i32
      %dma_start3A_231 = arith.constant 0 : i32
      %dma_start3A_232 = arith.constant 0 : i32
      %dma_start3A_233 = arith.constant 0 : i32
      %dma_start3A_234 = tpu.memref_slice %arg7[%dma_start3A_231, %dma_start3A_232, %dma_start3A_233] : memref<2x32x128xi32, #tpu.memory_space<vmem>> -> memref<1x32x128xi32, #tpu.memory_space<vmem>>
      %dma_start3A_235 = tpu.memref_squeeze %dma_start3A_234 : memref<1x32x128xi32, #tpu.memory_space<vmem>> -> memref<32x128xi32, #tpu.memory_space<vmem>>
      %dma_start3A_236 = arith.constant 0 : i32
      %dma_start3A_237 = tpu.memref_slice %arg3[%add3A_230, %dma_start3A_236] : memref<2584x128xi32, #tpu.memory_space<hbm>> -> memref<32x128xi32, #tpu.memory_space<hbm>>
      %dma_start3A_238 = arith.constant 0 : i32
      %dma_start3A_239 = arith.constant 0 : i32
      %dma_start3A_240 = tpu.memref_slice %arg7[%dma_start3A_231, %dma_start3A_238, %dma_start3A_239] : memref<2x32x128xi32, #tpu.memory_space<vmem>> -> memref<1x32x128xi32, #tpu.memory_space<vmem>>
      %dma_start3A_241 = tpu.memref_squeeze %dma_start3A_240 : memref<1x32x128xi32, #tpu.memory_space<vmem>> -> memref<32x128xi32, #tpu.memory_space<vmem>>
      %dma_start3A_242 = arith.constant 0 : i32
      %dma_start3A_243 = tpu.memref_slice %arg3[%add3A_230, %dma_start3A_242] : memref<2584x128xi32, #tpu.memory_space<hbm>> -> memref<32x128xi32, #tpu.memory_space<hbm>>
      tpu.enqueue_dma source(%dma_start3A_243 : memref<32x128xi32, #tpu.memory_space<hbm>>) target(%dma_start3A_241 : memref<32x128xi32, #tpu.memory_space<vmem>>) target_semaphore(%arg16 : memref<!tpu.dma_semaphore, #tpu.memory_space<semaphore_mem>>)
      %dma_start3A_244 = arith.constant 0 : i32
      %dma_start3A_245 = arith.constant 0 : i32
      %dma_start3A_246 = arith.constant 0 : i32
      %dma_start3A_247 = tpu.memref_slice %arg8[%dma_start3A_244, %dma_start3A_245, %dma_start3A_246] : memref<2x32x128xi32, #tpu.memory_space<vmem>> -> memref<1x32x128xi32, #tpu.memory_space<vmem>>
      %dma_start3A_248 = tpu.memref_squeeze %dma_start3A_247 : memref<1x32x128xi32, #tpu.memory_space<vmem>> -> memref<32x128xi32, #tpu.memory_space<vmem>>
      %dma_start3A_249 = arith.constant 0 : i32
      %dma_start3A_250 = tpu.memref_slice %arg4[%add3A_230, %dma_start3A_249] : memref<2584x128xi32, #tpu.memory_space<hbm>> -> memref<32x128xi32, #tpu.memory_space<hbm>>
      %dma_start3A_251 = arith.constant 0 : i32
      %dma_start3A_252 = arith.constant 0 : i32
      %dma_start3A_253 = tpu.memref_slice %arg8[%dma_start3A_244, %dma_start3A_251, %dma_start3A_252] : memref<2x32x128xi32, #tpu.memory_space<vmem>> -> memref<1x32x128xi32, #tpu.memory_space<vmem>>
      %dma_start3A_254 = tpu.memref_squeeze %dma_start3A_253 : memref<1x32x128xi32, #tpu.memory_space<vmem>> -> memref<32x128xi32, #tpu.memory_space<vmem>>
      %dma_start3A_255 = arith.constant 0 : i32
      %dma_start3A_256 = tpu.memref_slice %arg4[%add3A_230, %dma_start3A_255] : memref<2584x128xi32, #tpu.memory_space<hbm>> -> memref<32x128xi32, #tpu.memory_space<hbm>>
      tpu.enqueue_dma source(%dma_start3A_256 : memref<32x128xi32, #tpu.memory_space<hbm>>) target(%dma_start3A_254 : memref<32x128xi32, #tpu.memory_space<vmem>>) target_semaphore(%arg16 : memref<!tpu.dma_semaphore, #tpu.memory_space<semaphore_mem>>)
      %dma_start3A_257 = arith.constant 1 : i32
      %dma_start3A_258 = arith.constant 0 : i32
      %dma_start3A_259 = arith.constant 0 : i32
      %dma_start3A_260 = tpu.memref_slice %arg7[%dma_start3A_257, %dma_start3A_258, %dma_start3A_259] : memref<2x32x128xi32, #tpu.memory_space<vmem>> -> memref<1x1x128xi32, #tpu.memory_space<vmem>>
      %dma_start3A_261 = tpu.memref_squeeze %dma_start3A_260 : memref<1x1x128xi32, #tpu.memory_space<vmem>> -> memref<128xi32, #tpu.memory_space<vmem>>
      %dma_start3A_262 = arith.constant 0 : i32
      %dma_start3A_263 = arith.constant 0 : i32
      %dma_start3A_264 = tpu.memref_slice %arg2[%dma_start3A_262, %dma_start3A_263] : memref<10000x128xf32, #tpu.memory_space<hbm>> -> memref<10000x128xf32, #tpu.memory_space<hbm>>
      tpu.enqueue_indirect_dma source(%dma_start3A_264 : memref<10000x128xf32, #tpu.memory_space<hbm>>) target(%arg9 : memref<128x128xf32, #tpu.memory_space<vmem>>) offsets(%dma_start3A_261 : memref<128xi32, #tpu.memory_space<vmem>>) semaphore(%arg12 : memref<!tpu.dma_semaphore, #tpu.memory_space<semaphore_mem>>)
      %dma_start3A_265 = arith.constant 1 : i32
      %dma_start3A_266 = arith.constant 1 : i32
      %dma_start3A_267 = arith.constant 0 : i32
      %dma_start3A_268 = tpu.memref_slice %arg7[%dma_start3A_265, %dma_start3A_266, %dma_start3A_267] : memref<2x32x128xi32, #tpu.memory_space<vmem>> -> memref<1x1x128xi32, #tpu.memory_space<vmem>>
      %dma_start3A_269 = tpu.memref_squeeze %dma_start3A_268 : memref<1x1x128xi32, #tpu.memory_space<vmem>> -> memref<128xi32, #tpu.memory_space<vmem>>
      %dma_start3A_270 = arith.constant 0 : i32
      %dma_start3A_271 = arith.constant 0 : i32
      %dma_start3A_272 = tpu.memref_slice %arg2[%dma_start3A_270, %dma_start3A_271] : memref<10000x128xf32, #tpu.memory_space<hbm>> -> memref<10000x128xf32, #tpu.memory_space<hbm>>
      tpu.enqueue_indirect_dma source(%dma_start3A_272 : memref<10000x128xf32, #tpu.memory_space<hbm>>) target(%arg10 : memref<128x128xf32, #tpu.memory_space<vmem>>) offsets(%dma_start3A_269 : memref<128xi32, #tpu.memory_space<vmem>>) semaphore(%arg13 : memref<!tpu.dma_semaphore, #tpu.memory_space<semaphore_mem>>)
      %dma_wait3A_273 = arith.constant 1 : i32
      %dma_wait3A_274 = arith.constant 0 : i32
      %dma_wait3A_275 = arith.constant 0 : i32
      %dma_wait3A_276 = tpu.memref_slice %arg7[%dma_wait3A_273, %dma_wait3A_274, %dma_wait3A_275] : memref<2x32x128xi32, #tpu.memory_space<vmem>> -> memref<1x1x128xi32, #tpu.memory_space<vmem>>
      %dma_wait3A_277 = tpu.memref_squeeze %dma_wait3A_276 : memref<1x1x128xi32, #tpu.memory_space<vmem>> -> memref<128xi32, #tpu.memory_space<vmem>>
      %dma_wait3A_278 = arith.constant 0 : i32
      %dma_wait3A_279 = arith.constant 0 : i32
      %dma_wait3A_280 = tpu.memref_slice %arg2[%dma_wait3A_278, %dma_wait3A_279] : memref<10000x128xf32, #tpu.memory_space<hbm>> -> memref<10000x128xf32, #tpu.memory_space<hbm>>
      tpu.wait_indirect_dma semaphore(%arg12 : memref<!tpu.dma_semaphore, #tpu.memory_space<semaphore_mem>>) src(%dma_wait3A_280 : memref<10000x128xf32, #tpu.memory_space<hbm>>) dst(%arg9 : memref<128x128xf32, #tpu.memory_space<vmem>>)
      %dma_start3A_281 = arith.constant 1 : i32
      %dma_start3A_282 = arith.constant 0 : i32
      %dma_start3A_283 = arith.constant 0 : i32
      %dma_start3A_284 = tpu.memref_slice %arg8[%dma_start3A_281, %dma_start3A_282, %dma_start3A_283] : memref<2x32x128xi32, #tpu.memory_space<vmem>> -> memref<1x1x128xi32, #tpu.memory_space<vmem>>
      %dma_start3A_285 = tpu.memref_squeeze %dma_start3A_284 : memref<1x1x128xi32, #tpu.memory_space<vmem>> -> memref<128xi32, #tpu.memory_space<vmem>>
      %dma_start3A_286 = arith.constant 0 : i32
      %dma_start3A_287 = arith.constant 0 : i32
      %dma_start3A_288 = tpu.memref_slice %arg11[%dma_start3A_286, %dma_start3A_287] : memref<10240x128xf32, #tpu.memory_space<vmem_shared>> -> memref<10240x128xf32, #tpu.memory_space<vmem_shared>>
      tpu.enqueue_indirect_dma source(%arg9 : memref<128x128xf32, #tpu.memory_space<vmem>>) target(%dma_start3A_288 : memref<10240x128xf32, #tpu.memory_space<vmem_shared>>) offsets(%dma_start3A_285 : memref<128xi32, #tpu.memory_space<vmem>>) semaphore(%arg14 : memref<!tpu.dma_semaphore, #tpu.memory_space<semaphore_mem>>) {add = true}
      %sub3A_289 = arith.constant 2 : i32
      %sub3A_290 = arith.subi %sub3A_1, %sub3A_289 : i32
      %jit3A_291 = arith.constant 2 : i32
      %div3A_292 = arith.divsi %sub3A_290, %jit3A_291 : i32
      %sign3A_293 = arith.constant 0 : i32
      %sign3A_294 = arith.cmpi sgt, %sub3A_290, %sign3A_293 : i32
      %sign3A_295 = arith.extui %sign3A_294 : i1 to i32
      %sign3A_296 = arith.constant 0 : i32
      %sign3A_297 = arith.cmpi slt, %sub3A_290, %sign3A_296 : i32
      %sign3A_298 = arith.extui %sign3A_297 : i1 to i32
      %sign3A_299 = arith.subi %sign3A_295, %sign3A_298 : i32
      %sign3A_300 = arith.constant 0 : i32
      %sign3A_301 = arith.cmpi sgt, %jit3A_291, %sign3A_300 : i32
      %sign3A_302 = arith.extui %sign3A_301 : i1 to i32
      %sign3A_303 = arith.constant 0 : i32
      %sign3A_304 = arith.cmpi slt, %jit3A_291, %sign3A_303 : i32
      %sign3A_305 = arith.extui %sign3A_304 : i1 to i32
      %sign3A_306 = arith.subi %sign3A_302, %sign3A_305 : i32
      %ne3A_307 = arith.cmpi ne, %sign3A_299, %sign3A_306 : i32
      %rem3A_308 = arith.remsi %sub3A_290, %jit3A_291 : i32
      %ne3A_309 = arith.constant 0 : i32
      %ne3A_310 = arith.cmpi ne, %rem3A_308, %ne3A_309 : i32
      %and3A_311 = arith.andi %ne3A_307, %ne3A_310 : i1
      %sub3A_312 = arith.constant 1 : i32
      %sub3A_313 = arith.subi %div3A_292, %sub3A_312 : i32
      %select_n3A_314 = arith.select %and3A_311, %sub3A_313, %div3A_292 : i32
      %while3A_315 = arith.constant 0 : i32
      %while3A_316 = arith.constant 0 : i32
      %while3A_317 = arith.subi %select_n3A_314, %while3A_316 : i32
      %while3A_318 = arith.addi %while3A_316, %while3A_317 : i32
      %while3A_319 = arith.constant 1 : i32
      %while3A_320 = arith.divsi %while3A_317, %while3A_319 : i32
      %while3A_321 = arith.muli %while3A_320, %while3A_319 : i32
      %while3A_322 = arith.addi %while3A_316, %while3A_321 : i32
      %while3A_323 = arith.constant 1 : i32
      scf.for %while3A_656 = %while3A_316 to %while3A_322 step %while3A_323  : i32 {
        %mul3A_657 = arith.constant 2 : i32
        %mul3A_658 = arith.muli %mul3A_657, %while3A_656 : i32
        %add3A_659 = arith.constant 1 : i32
        %add3A_660 = arith.addi %add3A_659, %mul3A_658 : i32
        %sub3A_661 = arith.constant 1 : i32
        %sub3A_662 = arith.subi %add3A_660, %sub3A_661 : i32
        %dma_wait3A_663 = arith.constant 1 : i32
        %dma_wait3A_664 = arith.constant 0 : i32
        %dma_wait3A_665 = tpu.memref_slice %arg8[%dma_wait3A_663, %sub3A_662, %dma_wait3A_664] : memref<2x32x128xi32, #tpu.memory_space<vmem>> -> memref<1x1x128xi32, #tpu.memory_space<vmem>>
        %dma_wait3A_666 = tpu.memref_squeeze %dma_wait3A_665 : memref<1x1x128xi32, #tpu.memory_space<vmem>> -> memref<128xi32, #tpu.memory_space<vmem>>
        %dma_wait3A_667 = arith.constant 0 : i32
        %dma_wait3A_668 = arith.constant 0 : i32
        %dma_wait3A_669 = tpu.memref_slice %arg11[%dma_wait3A_667, %dma_wait3A_668] : memref<10240x128xf32, #tpu.memory_space<vmem_shared>> -> memref<10240x128xf32, #tpu.memory_space<vmem_shared>>
        tpu.wait_indirect_dma semaphore(%arg14 : memref<!tpu.dma_semaphore, #tpu.memory_space<semaphore_mem>>) src(%arg9 : memref<128x128xf32, #tpu.memory_space<vmem>>) dst(%dma_wait3A_669 : memref<10240x128xf32, #tpu.memory_space<vmem_shared>>)
        %add3A_670 = arith.constant 1 : i32
        %add3A_671 = arith.addi %add3A_660, %add3A_670 : i32
        %dma_start3A_672 = arith.constant 1 : i32
        %dma_start3A_673 = arith.constant 0 : i32
        %dma_start3A_674 = tpu.memref_slice %arg7[%dma_start3A_672, %add3A_671, %dma_start3A_673] : memref<2x32x128xi32, #tpu.memory_space<vmem>> -> memref<1x1x128xi32, #tpu.memory_space<vmem>>
        %dma_start3A_675 = tpu.memref_squeeze %dma_start3A_674 : memref<1x1x128xi32, #tpu.memory_space<vmem>> -> memref<128xi32, #tpu.memory_space<vmem>>
        %dma_start3A_676 = arith.constant 0 : i32
        %dma_start3A_677 = arith.constant 0 : i32
        %dma_start3A_678 = tpu.memref_slice %arg2[%dma_start3A_676, %dma_start3A_677] : memref<10000x128xf32, #tpu.memory_space<hbm>> -> memref<10000x128xf32, #tpu.memory_space<hbm>>
        tpu.enqueue_indirect_dma source(%dma_start3A_678 : memref<10000x128xf32, #tpu.memory_space<hbm>>) target(%arg9 : memref<128x128xf32, #tpu.memory_space<vmem>>) offsets(%dma_start3A_675 : memref<128xi32, #tpu.memory_space<vmem>>) semaphore(%arg12 : memref<!tpu.dma_semaphore, #tpu.memory_space<semaphore_mem>>)
        %dma_wait3A_679 = arith.constant 1 : i32
        %dma_wait3A_680 = arith.constant 0 : i32
        %dma_wait3A_681 = tpu.memref_slice %arg7[%dma_wait3A_679, %add3A_660, %dma_wait3A_680] : memref<2x32x128xi32, #tpu.memory_space<vmem>> -> memref<1x1x128xi32, #tpu.memory_space<vmem>>
        %dma_wait3A_682 = tpu.memref_squeeze %dma_wait3A_681 : memref<1x1x128xi32, #tpu.memory_space<vmem>> -> memref<128xi32, #tpu.memory_space<vmem>>
        %dma_wait3A_683 = arith.constant 0 : i32
        %dma_wait3A_684 = arith.constant 0 : i32
        %dma_wait3A_685 = tpu.memref_slice %arg2[%dma_wait3A_683, %dma_wait3A_684] : memref<10000x128xf32, #tpu.memory_space<hbm>> -> memref<10000x128xf32, #tpu.memory_space<hbm>>
        tpu.wait_indirect_dma semaphore(%arg13 : memref<!tpu.dma_semaphore, #tpu.memory_space<semaphore_mem>>) src(%dma_wait3A_685 : memref<10000x128xf32, #tpu.memory_space<hbm>>) dst(%arg10 : memref<128x128xf32, #tpu.memory_space<vmem>>)
        %dma_start3A_686 = arith.constant 1 : i32
        %dma_start3A_687 = arith.constant 0 : i32
        %dma_start3A_688 = tpu.memref_slice %arg8[%dma_start3A_686, %add3A_660, %dma_start3A_687] : memref<2x32x128xi32, #tpu.memory_space<vmem>> -> memref<1x1x128xi32, #tpu.memory_space<vmem>>
        %dma_start3A_689 = tpu.memref_squeeze %dma_start3A_688 : memref<1x1x128xi32, #tpu.memory_space<vmem>> -> memref<128xi32, #tpu.memory_space<vmem>>
        %dma_start3A_690 = arith.constant 0 : i32
        %dma_start3A_691 = arith.constant 0 : i32
        %dma_start3A_692 = tpu.memref_slice %arg11[%dma_start3A_690, %dma_start3A_691] : memref<10240x128xf32, #tpu.memory_space<vmem_shared>> -> memref<10240x128xf32, #tpu.memory_space<vmem_shared>>
        tpu.enqueue_indirect_dma source(%arg10 : memref<128x128xf32, #tpu.memory_space<vmem>>) target(%dma_start3A_692 : memref<10240x128xf32, #tpu.memory_space<vmem_shared>>) offsets(%dma_start3A_689 : memref<128xi32, #tpu.memory_space<vmem>>) semaphore(%arg15 : memref<!tpu.dma_semaphore, #tpu.memory_space<semaphore_mem>>) {add = true}
        %add3A_693 = arith.constant 1 : i32
        %add3A_694 = arith.addi %add3A_660, %add3A_693 : i32
        %sub3A_695 = arith.constant 1 : i32
        %sub3A_696 = arith.subi %add3A_694, %sub3A_695 : i32
        %dma_wait3A_697 = arith.constant 1 : i32
        %dma_wait3A_698 = arith.constant 0 : i32
        %dma_wait3A_699 = tpu.memref_slice %arg8[%dma_wait3A_697, %sub3A_696, %dma_wait3A_698] : memref<2x32x128xi32, #tpu.memory_space<vmem>> -> memref<1x1x128xi32, #tpu.memory_space<vmem>>
        %dma_wait3A_700 = tpu.memref_squeeze %dma_wait3A_699 : memref<1x1x128xi32, #tpu.memory_space<vmem>> -> memref<128xi32, #tpu.memory_space<vmem>>
        %dma_wait3A_701 = arith.constant 0 : i32
        %dma_wait3A_702 = arith.constant 0 : i32
        %dma_wait3A_703 = tpu.memref_slice %arg11[%dma_wait3A_701, %dma_wait3A_702] : memref<10240x128xf32, #tpu.memory_space<vmem_shared>> -> memref<10240x128xf32, #tpu.memory_space<vmem_shared>>
        tpu.wait_indirect_dma semaphore(%arg15 : memref<!tpu.dma_semaphore, #tpu.memory_space<semaphore_mem>>) src(%arg10 : memref<128x128xf32, #tpu.memory_space<vmem>>) dst(%dma_wait3A_703 : memref<10240x128xf32, #tpu.memory_space<vmem_shared>>)
        %add3A_704 = arith.constant 1 : i32
        %add3A_705 = arith.addi %add3A_694, %add3A_704 : i32
        %dma_start3A_706 = arith.constant 1 : i32
        %dma_start3A_707 = arith.constant 0 : i32
        %dma_start3A_708 = tpu.memref_slice %arg7[%dma_start3A_706, %add3A_705, %dma_start3A_707] : memref<2x32x128xi32, #tpu.memory_space<vmem>> -> memref<1x1x128xi32, #tpu.memory_space<vmem>>
        %dma_start3A_709 = tpu.memref_squeeze %dma_start3A_708 : memref<1x1x128xi32, #tpu.memory_space<vmem>> -> memref<128xi32, #tpu.memory_space<vmem>>
        %dma_start3A_710 = arith.constant 0 : i32
        %dma_start3A_711 = arith.constant 0 : i32
        %dma_start3A_712 = tpu.memref_slice %arg2[%dma_start3A_710, %dma_start3A_711] : memref<10000x128xf32, #tpu.memory_space<hbm>> -> memref<10000x128xf32, #tpu.memory_space<hbm>>
        tpu.enqueue_indirect_dma source(%dma_start3A_712 : memref<10000x128xf32, #tpu.memory_space<hbm>>) target(%arg10 : memref<128x128xf32, #tpu.memory_space<vmem>>) offsets(%dma_start3A_709 : memref<128xi32, #tpu.memory_space<vmem>>) semaphore(%arg13 : memref<!tpu.dma_semaphore, #tpu.memory_space<semaphore_mem>>)
        %dma_wait3A_713 = arith.constant 1 : i32
        %dma_wait3A_714 = arith.constant 0 : i32
        %dma_wait3A_715 = tpu.memref_slice %arg7[%dma_wait3A_713, %add3A_694, %dma_wait3A_714] : memref<2x32x128xi32, #tpu.memory_space<vmem>> -> memref<1x1x128xi32, #tpu.memory_space<vmem>>
        %dma_wait3A_716 = tpu.memref_squeeze %dma_wait3A_715 : memref<1x1x128xi32, #tpu.memory_space<vmem>> -> memref<128xi32, #tpu.memory_space<vmem>>
        %dma_wait3A_717 = arith.constant 0 : i32
        %dma_wait3A_718 = arith.constant 0 : i32
        %dma_wait3A_719 = tpu.memref_slice %arg2[%dma_wait3A_717, %dma_wait3A_718] : memref<10000x128xf32, #tpu.memory_space<hbm>> -> memref<10000x128xf32, #tpu.memory_space<hbm>>
        tpu.wait_indirect_dma semaphore(%arg12 : memref<!tpu.dma_semaphore, #tpu.memory_space<semaphore_mem>>) src(%dma_wait3A_719 : memref<10000x128xf32, #tpu.memory_space<hbm>>) dst(%arg9 : memref<128x128xf32, #tpu.memory_space<vmem>>)
        %dma_start3A_720 = arith.constant 1 : i32
        %dma_start3A_721 = arith.constant 0 : i32
        %dma_start3A_722 = tpu.memref_slice %arg8[%dma_start3A_720, %add3A_694, %dma_start3A_721] : memref<2x32x128xi32, #tpu.memory_space<vmem>> -> memref<1x1x128xi32, #tpu.memory_space<vmem>>
        %dma_start3A_723 = tpu.memref_squeeze %dma_start3A_722 : memref<1x1x128xi32, #tpu.memory_space<vmem>> -> memref<128xi32, #tpu.memory_space<vmem>>
        %dma_start3A_724 = arith.constant 0 : i32
        %dma_start3A_725 = arith.constant 0 : i32
        %dma_start3A_726 = tpu.memref_slice %arg11[%dma_start3A_724, %dma_start3A_725] : memref<10240x128xf32, #tpu.memory_space<vmem_shared>> -> memref<10240x128xf32, #tpu.memory_space<vmem_shared>>
        tpu.enqueue_indirect_dma source(%arg9 : memref<128x128xf32, #tpu.memory_space<vmem>>) target(%dma_start3A_726 : memref<10240x128xf32, #tpu.memory_space<vmem_shared>>) offsets(%dma_start3A_723 : memref<128xi32, #tpu.memory_space<vmem>>) semaphore(%arg14 : memref<!tpu.dma_semaphore, #tpu.memory_space<semaphore_mem>>) {add = true}
      }
      %while3A_324 = arith.constant 1 : i32
      scf.for %while3A_656 = %while3A_322 to %while3A_318 step %while3A_324  : i32 {
        %mul3A_657 = arith.constant 2 : i32
        %mul3A_658 = arith.muli %mul3A_657, %while3A_656 : i32
        %add3A_659 = arith.constant 1 : i32
        %add3A_660 = arith.addi %add3A_659, %mul3A_658 : i32
        %sub3A_661 = arith.constant 1 : i32
        %sub3A_662 = arith.subi %add3A_660, %sub3A_661 : i32
        %dma_wait3A_663 = arith.constant 1 : i32
        %dma_wait3A_664 = arith.constant 0 : i32
        %dma_wait3A_665 = tpu.memref_slice %arg8[%dma_wait3A_663, %sub3A_662, %dma_wait3A_664] : memref<2x32x128xi32, #tpu.memory_space<vmem>> -> memref<1x1x128xi32, #tpu.memory_space<vmem>>
        %dma_wait3A_666 = tpu.memref_squeeze %dma_wait3A_665 : memref<1x1x128xi32, #tpu.memory_space<vmem>> -> memref<128xi32, #tpu.memory_space<vmem>>
        %dma_wait3A_667 = arith.constant 0 : i32
        %dma_wait3A_668 = arith.constant 0 : i32
        %dma_wait3A_669 = tpu.memref_slice %arg11[%dma_wait3A_667, %dma_wait3A_668] : memref<10240x128xf32, #tpu.memory_space<vmem_shared>> -> memref<10240x128xf32, #tpu.memory_space<vmem_shared>>
        tpu.wait_indirect_dma semaphore(%arg14 : memref<!tpu.dma_semaphore, #tpu.memory_space<semaphore_mem>>) src(%arg9 : memref<128x128xf32, #tpu.memory_space<vmem>>) dst(%dma_wait3A_669 : memref<10240x128xf32, #tpu.memory_space<vmem_shared>>)
        %add3A_670 = arith.constant 1 : i32
        %add3A_671 = arith.addi %add3A_660, %add3A_670 : i32
        %dma_start3A_672 = arith.constant 1 : i32
        %dma_start3A_673 = arith.constant 0 : i32
        %dma_start3A_674 = tpu.memref_slice %arg7[%dma_start3A_672, %add3A_671, %dma_start3A_673] : memref<2x32x128xi32, #tpu.memory_space<vmem>> -> memref<1x1x128xi32, #tpu.memory_space<vmem>>
        %dma_start3A_675 = tpu.memref_squeeze %dma_start3A_674 : memref<1x1x128xi32, #tpu.memory_space<vmem>> -> memref<128xi32, #tpu.memory_space<vmem>>
        %dma_start3A_676 = arith.constant 0 : i32
        %dma_start3A_677 = arith.constant 0 : i32
        %dma_start3A_678 = tpu.memref_slice %arg2[%dma_start3A_676, %dma_start3A_677] : memref<10000x128xf32, #tpu.memory_space<hbm>> -> memref<10000x128xf32, #tpu.memory_space<hbm>>
        tpu.enqueue_indirect_dma source(%dma_start3A_678 : memref<10000x128xf32, #tpu.memory_space<hbm>>) target(%arg9 : memref<128x128xf32, #tpu.memory_space<vmem>>) offsets(%dma_start3A_675 : memref<128xi32, #tpu.memory_space<vmem>>) semaphore(%arg12 : memref<!tpu.dma_semaphore, #tpu.memory_space<semaphore_mem>>)
        %dma_wait3A_679 = arith.constant 1 : i32
        %dma_wait3A_680 = arith.constant 0 : i32
        %dma_wait3A_681 = tpu.memref_slice %arg7[%dma_wait3A_679, %add3A_660, %dma_wait3A_680] : memref<2x32x128xi32, #tpu.memory_space<vmem>> -> memref<1x1x128xi32, #tpu.memory_space<vmem>>
        %dma_wait3A_682 = tpu.memref_squeeze %dma_wait3A_681 : memref<1x1x128xi32, #tpu.memory_space<vmem>> -> memref<128xi32, #tpu.memory_space<vmem>>
        %dma_wait3A_683 = arith.constant 0 : i32
        %dma_wait3A_684 = arith.constant 0 : i32
        %dma_wait3A_685 = tpu.memref_slice %arg2[%dma_wait3A_683, %dma_wait3A_684] : memref<10000x128xf32, #tpu.memory_space<hbm>> -> memref<10000x128xf32, #tpu.memory_space<hbm>>
        tpu.wait_indirect_dma semaphore(%arg13 : memref<!tpu.dma_semaphore, #tpu.memory_space<semaphore_mem>>) src(%dma_wait3A_685 : memref<10000x128xf32, #tpu.memory_space<hbm>>) dst(%arg10 : memref<128x128xf32, #tpu.memory_space<vmem>>)
        %dma_start3A_686 = arith.constant 1 : i32
        %dma_start3A_687 = arith.constant 0 : i32
        %dma_start3A_688 = tpu.memref_slice %arg8[%dma_start3A_686, %add3A_660, %dma_start3A_687] : memref<2x32x128xi32, #tpu.memory_space<vmem>> -> memref<1x1x128xi32, #tpu.memory_space<vmem>>
        %dma_start3A_689 = tpu.memref_squeeze %dma_start3A_688 : memref<1x1x128xi32, #tpu.memory_space<vmem>> -> memref<128xi32, #tpu.memory_space<vmem>>
        %dma_start3A_690 = arith.constant 0 : i32
        %dma_start3A_691 = arith.constant 0 : i32
        %dma_start3A_692 = tpu.memref_slice %arg11[%dma_start3A_690, %dma_start3A_691] : memref<10240x128xf32, #tpu.memory_space<vmem_shared>> -> memref<10240x128xf32, #tpu.memory_space<vmem_shared>>
        tpu.enqueue_indirect_dma source(%arg10 : memref<128x128xf32, #tpu.memory_space<vmem>>) target(%dma_start3A_692 : memref<10240x128xf32, #tpu.memory_space<vmem_shared>>) offsets(%dma_start3A_689 : memref<128xi32, #tpu.memory_space<vmem>>) semaphore(%arg15 : memref<!tpu.dma_semaphore, #tpu.memory_space<semaphore_mem>>) {add = true}
        %add3A_693 = arith.constant 1 : i32
        %add3A_694 = arith.addi %add3A_660, %add3A_693 : i32
        %sub3A_695 = arith.constant 1 : i32
        %sub3A_696 = arith.subi %add3A_694, %sub3A_695 : i32
        %dma_wait3A_697 = arith.constant 1 : i32
        %dma_wait3A_698 = arith.constant 0 : i32
        %dma_wait3A_699 = tpu.memref_slice %arg8[%dma_wait3A_697, %sub3A_696, %dma_wait3A_698] : memref<2x32x128xi32, #tpu.memory_space<vmem>> -> memref<1x1x128xi32, #tpu.memory_space<vmem>>
        %dma_wait3A_700 = tpu.memref_squeeze %dma_wait3A_699 : memref<1x1x128xi32, #tpu.memory_space<vmem>> -> memref<128xi32, #tpu.memory_space<vmem>>
        %dma_wait3A_701 = arith.constant 0 : i32
        %dma_wait3A_702 = arith.constant 0 : i32
        %dma_wait3A_703 = tpu.memref_slice %arg11[%dma_wait3A_701, %dma_wait3A_702] : memref<10240x128xf32, #tpu.memory_space<vmem_shared>> -> memref<10240x128xf32, #tpu.memory_space<vmem_shared>>
        tpu.wait_indirect_dma semaphore(%arg15 : memref<!tpu.dma_semaphore, #tpu.memory_space<semaphore_mem>>) src(%arg10 : memref<128x128xf32, #tpu.memory_space<vmem>>) dst(%dma_wait3A_703 : memref<10240x128xf32, #tpu.memory_space<vmem_shared>>)
        %add3A_704 = arith.constant 1 : i32
        %add3A_705 = arith.addi %add3A_694, %add3A_704 : i32
        %dma_start3A_706 = arith.constant 1 : i32
        %dma_start3A_707 = arith.constant 0 : i32
        %dma_start3A_708 = tpu.memref_slice %arg7[%dma_start3A_706, %add3A_705, %dma_start3A_707] : memref<2x32x128xi32, #tpu.memory_space<vmem>> -> memref<1x1x128xi32, #tpu.memory_space<vmem>>
        %dma_start3A_709 = tpu.memref_squeeze %dma_start3A_708 : memref<1x1x128xi32, #tpu.memory_space<vmem>> -> memref<128xi32, #tpu.memory_space<vmem>>
        %dma_start3A_710 = arith.constant 0 : i32
        %dma_start3A_711 = arith.constant 0 : i32
        %dma_start3A_712 = tpu.memref_slice %arg2[%dma_start3A_710, %dma_start3A_711] : memref<10000x128xf32, #tpu.memory_space<hbm>> -> memref<10000x128xf32, #tpu.memory_space<hbm>>
        tpu.enqueue_indirect_dma source(%dma_start3A_712 : memref<10000x128xf32, #tpu.memory_space<hbm>>) target(%arg10 : memref<128x128xf32, #tpu.memory_space<vmem>>) offsets(%dma_start3A_709 : memref<128xi32, #tpu.memory_space<vmem>>) semaphore(%arg13 : memref<!tpu.dma_semaphore, #tpu.memory_space<semaphore_mem>>)
        %dma_wait3A_713 = arith.constant 1 : i32
        %dma_wait3A_714 = arith.constant 0 : i32
        %dma_wait3A_715 = tpu.memref_slice %arg7[%dma_wait3A_713, %add3A_694, %dma_wait3A_714] : memref<2x32x128xi32, #tpu.memory_space<vmem>> -> memref<1x1x128xi32, #tpu.memory_space<vmem>>
        %dma_wait3A_716 = tpu.memref_squeeze %dma_wait3A_715 : memref<1x1x128xi32, #tpu.memory_space<vmem>> -> memref<128xi32, #tpu.memory_space<vmem>>
        %dma_wait3A_717 = arith.constant 0 : i32
        %dma_wait3A_718 = arith.constant 0 : i32
        %dma_wait3A_719 = tpu.memref_slice %arg2[%dma_wait3A_717, %dma_wait3A_718] : memref<10000x128xf32, #tpu.memory_space<hbm>> -> memref<10000x128xf32, #tpu.memory_space<hbm>>
        tpu.wait_indirect_dma semaphore(%arg12 : memref<!tpu.dma_semaphore, #tpu.memory_space<semaphore_mem>>) src(%dma_wait3A_719 : memref<10000x128xf32, #tpu.memory_space<hbm>>) dst(%arg9 : memref<128x128xf32, #tpu.memory_space<vmem>>)
        %dma_start3A_720 = arith.constant 1 : i32
        %dma_start3A_721 = arith.constant 0 : i32
        %dma_start3A_722 = tpu.memref_slice %arg8[%dma_start3A_720, %add3A_694, %dma_start3A_721] : memref<2x32x128xi32, #tpu.memory_space<vmem>> -> memref<1x1x128xi32, #tpu.memory_space<vmem>>
        %dma_start3A_723 = tpu.memref_squeeze %dma_start3A_722 : memref<1x1x128xi32, #tpu.memory_space<vmem>> -> memref<128xi32, #tpu.memory_space<vmem>>
        %dma_start3A_724 = arith.constant 0 : i32
        %dma_start3A_725 = arith.constant 0 : i32
        %dma_start3A_726 = tpu.memref_slice %arg11[%dma_start3A_724, %dma_start3A_725] : memref<10240x128xf32, #tpu.memory_space<vmem_shared>> -> memref<10240x128xf32, #tpu.memory_space<vmem_shared>>
        tpu.enqueue_indirect_dma source(%arg9 : memref<128x128xf32, #tpu.memory_space<vmem>>) target(%dma_start3A_726 : memref<10240x128xf32, #tpu.memory_space<vmem_shared>>) offsets(%dma_start3A_723 : memref<128xi32, #tpu.memory_space<vmem>>) semaphore(%arg14 : memref<!tpu.dma_semaphore, #tpu.memory_space<semaphore_mem>>) {add = true}
      }
      %sub3A_325 = arith.constant 2 : i32
      %sub3A_326 = arith.subi %sub3A_1, %sub3A_325 : i32
      %dma_wait3A_327 = arith.constant 1 : i32
      %dma_wait3A_328 = arith.constant 0 : i32
      %dma_wait3A_329 = tpu.memref_slice %arg8[%dma_wait3A_327, %sub3A_326, %dma_wait3A_328] : memref<2x32x128xi32, #tpu.memory_space<vmem>> -> memref<1x1x128xi32, #tpu.memory_space<vmem>>
      %dma_wait3A_330 = tpu.memref_squeeze %dma_wait3A_329 : memref<1x1x128xi32, #tpu.memory_space<vmem>> -> memref<128xi32, #tpu.memory_space<vmem>>
      %dma_wait3A_331 = arith.constant 0 : i32
      %dma_wait3A_332 = arith.constant 0 : i32
      %dma_wait3A_333 = tpu.memref_slice %arg11[%dma_wait3A_331, %dma_wait3A_332] : memref<10240x128xf32, #tpu.memory_space<vmem_shared>> -> memref<10240x128xf32, #tpu.memory_space<vmem_shared>>
      tpu.wait_indirect_dma semaphore(%arg14 : memref<!tpu.dma_semaphore, #tpu.memory_space<semaphore_mem>>) src(%arg9 : memref<128x128xf32, #tpu.memory_space<vmem>>) dst(%dma_wait3A_333 : memref<10240x128xf32, #tpu.memory_space<vmem_shared>>)
      %sub3A_334 = arith.constant 1 : i32
      %sub3A_335 = arith.subi %sub3A_1, %sub3A_334 : i32
      %dma_wait3A_336 = arith.constant 1 : i32
      %dma_wait3A_337 = arith.constant 0 : i32
      %dma_wait3A_338 = tpu.memref_slice %arg7[%dma_wait3A_336, %sub3A_335, %dma_wait3A_337] : memref<2x32x128xi32, #tpu.memory_space<vmem>> -> memref<1x1x128xi32, #tpu.memory_space<vmem>>
      %dma_wait3A_339 = tpu.memref_squeeze %dma_wait3A_338 : memref<1x1x128xi32, #tpu.memory_space<vmem>> -> memref<128xi32, #tpu.memory_space<vmem>>
      %dma_wait3A_340 = arith.constant 0 : i32
      %dma_wait3A_341 = arith.constant 0 : i32
      %dma_wait3A_342 = tpu.memref_slice %arg2[%dma_wait3A_340, %dma_wait3A_341] : memref<10000x128xf32, #tpu.memory_space<hbm>> -> memref<10000x128xf32, #tpu.memory_space<hbm>>
      tpu.wait_indirect_dma semaphore(%arg13 : memref<!tpu.dma_semaphore, #tpu.memory_space<semaphore_mem>>) src(%dma_wait3A_342 : memref<10000x128xf32, #tpu.memory_space<hbm>>) dst(%arg10 : memref<128x128xf32, #tpu.memory_space<vmem>>)
      %sub3A_343 = arith.constant 1 : i32
      %sub3A_344 = arith.subi %sub3A_1, %sub3A_343 : i32
      %dma_start3A_345 = arith.constant 1 : i32
      %dma_start3A_346 = arith.constant 0 : i32
      %dma_start3A_347 = tpu.memref_slice %arg8[%dma_start3A_345, %sub3A_344, %dma_start3A_346] : memref<2x32x128xi32, #tpu.memory_space<vmem>> -> memref<1x1x128xi32, #tpu.memory_space<vmem>>
      %dma_start3A_348 = tpu.memref_squeeze %dma_start3A_347 : memref<1x1x128xi32, #tpu.memory_space<vmem>> -> memref<128xi32, #tpu.memory_space<vmem>>
      %dma_start3A_349 = arith.constant 0 : i32
      %dma_start3A_350 = arith.constant 0 : i32
      %dma_start3A_351 = tpu.memref_slice %arg11[%dma_start3A_349, %dma_start3A_350] : memref<10240x128xf32, #tpu.memory_space<vmem_shared>> -> memref<10240x128xf32, #tpu.memory_space<vmem_shared>>
      tpu.enqueue_indirect_dma source(%arg10 : memref<128x128xf32, #tpu.memory_space<vmem>>) target(%dma_start3A_351 : memref<10240x128xf32, #tpu.memory_space<vmem_shared>>) offsets(%dma_start3A_348 : memref<128xi32, #tpu.memory_space<vmem>>) semaphore(%arg15 : memref<!tpu.dma_semaphore, #tpu.memory_space<semaphore_mem>>) {add = true}
      %sub3A_352 = arith.constant 1 : i32
      %sub3A_353 = arith.subi %sub3A_1, %sub3A_352 : i32
      %dma_wait3A_354 = arith.constant 1 : i32
      %dma_wait3A_355 = arith.constant 0 : i32
      %dma_wait3A_356 = tpu.memref_slice %arg8[%dma_wait3A_354, %sub3A_353, %dma_wait3A_355] : memref<2x32x128xi32, #tpu.memory_space<vmem>> -> memref<1x1x128xi32, #tpu.memory_space<vmem>>
      %dma_wait3A_357 = tpu.memref_squeeze %dma_wait3A_356 : memref<1x1x128xi32, #tpu.memory_space<vmem>> -> memref<128xi32, #tpu.memory_space<vmem>>
      %dma_wait3A_358 = arith.constant 0 : i32
      %dma_wait3A_359 = arith.constant 0 : i32
      %dma_wait3A_360 = tpu.memref_slice %arg11[%dma_wait3A_358, %dma_wait3A_359] : memref<10240x128xf32, #tpu.memory_space<vmem_shared>> -> memref<10240x128xf32, #tpu.memory_space<vmem_shared>>
      tpu.wait_indirect_dma semaphore(%arg15 : memref<!tpu.dma_semaphore, #tpu.memory_space<semaphore_mem>>) src(%arg10 : memref<128x128xf32, #tpu.memory_space<vmem>>) dst(%dma_wait3A_360 : memref<10240x128xf32, #tpu.memory_space<vmem_shared>>)
      %mul3A_361 = arith.constant 2 : i32
      %mul3A_362 = arith.muli %mul3A_361, %sub3A_1 : i32
      %add3A_363 = arith.addi %add3A, %mul3A_362 : i32
      %dma_wait3A_364 = arith.constant 0 : i32
      %dma_wait3A_365 = arith.constant 0 : i32
      %dma_wait3A_366 = arith.constant 0 : i32
      %dma_wait3A_367 = tpu.memref_slice %arg7[%dma_wait3A_364, %dma_wait3A_365, %dma_wait3A_366] : memref<2x32x128xi32, #tpu.memory_space<vmem>> -> memref<1x32x128xi32, #tpu.memory_space<vmem>>
      %dma_wait3A_368 = tpu.memref_squeeze %dma_wait3A_367 : memref<1x32x128xi32, #tpu.memory_space<vmem>> -> memref<32x128xi32, #tpu.memory_space<vmem>>
      %dma_wait3A_369 = arith.constant 0 : i32
      %dma_wait3A_370 = tpu.memref_slice %arg3[%add3A_363, %dma_wait3A_369] : memref<2584x128xi32, #tpu.memory_space<hbm>> -> memref<32x128xi32, #tpu.memory_space<hbm>>
      %dma_wait3A_371 = arith.constant 0 : i32
      %dma_wait3A_372 = arith.constant 0 : i32
      %dma_wait3A_373 = tpu.memref_slice %arg7[%dma_wait3A_364, %dma_wait3A_371, %dma_wait3A_372] : memref<2x32x128xi32, #tpu.memory_space<vmem>> -> memref<1x32x128xi32, #tpu.memory_space<vmem>>
      %dma_wait3A_374 = tpu.memref_squeeze %dma_wait3A_373 : memref<1x32x128xi32, #tpu.memory_space<vmem>> -> memref<32x128xi32, #tpu.memory_space<vmem>>
      %dma_wait3A_375 = arith.constant 0 : i32
      %dma_wait3A_376 = tpu.memref_slice %arg3[%add3A_363, %dma_wait3A_375] : memref<2584x128xi32, #tpu.memory_space<hbm>> -> memref<32x128xi32, #tpu.memory_space<hbm>>
      tpu.wait_dma2 semaphore(%arg16 : memref<!tpu.dma_semaphore, #tpu.memory_space<semaphore_mem>>) src(%dma_wait3A_376 : memref<32x128xi32, #tpu.memory_space<hbm>>) dst(%dma_wait3A_374 : memref<32x128xi32, #tpu.memory_space<vmem>>)
      %dma_wait3A_377 = arith.constant 0 : i32
      %dma_wait3A_378 = arith.constant 0 : i32
      %dma_wait3A_379 = arith.constant 0 : i32
      %dma_wait3A_380 = tpu.memref_slice %arg8[%dma_wait3A_377, %dma_wait3A_378, %dma_wait3A_379] : memref<2x32x128xi32, #tpu.memory_space<vmem>> -> memref<1x32x128xi32, #tpu.memory_space<vmem>>
      %dma_wait3A_381 = tpu.memref_squeeze %dma_wait3A_380 : memref<1x32x128xi32, #tpu.memory_space<vmem>> -> memref<32x128xi32, #tpu.memory_space<vmem>>
      %dma_wait3A_382 = arith.constant 0 : i32
      %dma_wait3A_383 = tpu.memref_slice %arg4[%add3A_363, %dma_wait3A_382] : memref<2584x128xi32, #tpu.memory_space<hbm>> -> memref<32x128xi32, #tpu.memory_space<hbm>>
      %dma_wait3A_384 = arith.constant 0 : i32
      %dma_wait3A_385 = arith.constant 0 : i32
      %dma_wait3A_386 = tpu.memref_slice %arg8[%dma_wait3A_377, %dma_wait3A_384, %dma_wait3A_385] : memref<2x32x128xi32, #tpu.memory_space<vmem>> -> memref<1x32x128xi32, #tpu.memory_space<vmem>>
      %dma_wait3A_387 = tpu.memref_squeeze %dma_wait3A_386 : memref<1x32x128xi32, #tpu.memory_space<vmem>> -> memref<32x128xi32, #tpu.memory_space<vmem>>
      %dma_wait3A_388 = arith.constant 0 : i32
      %dma_wait3A_389 = tpu.memref_slice %arg4[%add3A_363, %dma_wait3A_388] : memref<2584x128xi32, #tpu.memory_space<hbm>> -> memref<32x128xi32, #tpu.memory_space<hbm>>
      tpu.wait_dma2 semaphore(%arg16 : memref<!tpu.dma_semaphore, #tpu.memory_space<semaphore_mem>>) src(%dma_wait3A_389 : memref<32x128xi32, #tpu.memory_space<hbm>>) dst(%dma_wait3A_387 : memref<32x128xi32, #tpu.memory_space<vmem>>)
      %mul3A_390 = arith.constant 3 : i32
      %mul3A_391 = arith.muli %mul3A_390, %sub3A_1 : i32
      %add3A_392 = arith.addi %add3A, %mul3A_391 : i32
      %dma_start3A_393 = arith.constant 1 : i32
      %dma_start3A_394 = arith.constant 0 : i32
      %dma_start3A_395 = arith.constant 0 : i32
      %dma_start3A_396 = tpu.memref_slice %arg7[%dma_start3A_393, %dma_start3A_394, %dma_start3A_395] : memref<2x32x128xi32, #tpu.memory_space<vmem>> -> memref<1x32x128xi32, #tpu.memory_space<vmem>>
      %dma_start3A_397 = tpu.memref_squeeze %dma_start3A_396 : memref<1x32x128xi32, #tpu.memory_space<vmem>> -> memref<32x128xi32, #tpu.memory_space<vmem>>
      %dma_start3A_398 = arith.constant 0 : i32
      %dma_start3A_399 = tpu.memref_slice %arg3[%add3A_392, %dma_start3A_398] : memref<2584x128xi32, #tpu.memory_space<hbm>> -> memref<32x128xi32, #tpu.memory_space<hbm>>
      %dma_start3A_400 = arith.constant 0 : i32
      %dma_start3A_401 = arith.constant 0 : i32
      %dma_start3A_402 = tpu.memref_slice %arg7[%dma_start3A_393, %dma_start3A_400, %dma_start3A_401] : memref<2x32x128xi32, #tpu.memory_space<vmem>> -> memref<1x32x128xi32, #tpu.memory_space<vmem>>
      %dma_start3A_403 = tpu.memref_squeeze %dma_start3A_402 : memref<1x32x128xi32, #tpu.memory_space<vmem>> -> memref<32x128xi32, #tpu.memory_space<vmem>>
      %dma_start3A_404 = arith.constant 0 : i32
      %dma_start3A_405 = tpu.memref_slice %arg3[%add3A_392, %dma_start3A_404] : memref<2584x128xi32, #tpu.memory_space<hbm>> -> memref<32x128xi32, #tpu.memory_space<hbm>>
      tpu.enqueue_dma source(%dma_start3A_405 : memref<32x128xi32, #tpu.memory_space<hbm>>) target(%dma_start3A_403 : memref<32x128xi32, #tpu.memory_space<vmem>>) target_semaphore(%arg16 : memref<!tpu.dma_semaphore, #tpu.memory_space<semaphore_mem>>)
      %dma_start3A_406 = arith.constant 1 : i32
      %dma_start3A_407 = arith.constant 0 : i32
      %dma_start3A_408 = arith.constant 0 : i32
      %dma_start3A_409 = tpu.memref_slice %arg8[%dma_start3A_406, %dma_start3A_407, %dma_start3A_408] : memref<2x32x128xi32, #tpu.memory_space<vmem>> -> memref<1x32x128xi32, #tpu.memory_space<vmem>>
      %dma_start3A_410 = tpu.memref_squeeze %dma_start3A_409 : memref<1x32x128xi32, #tpu.memory_space<vmem>> -> memref<32x128xi32, #tpu.memory_space<vmem>>
      %dma_start3A_411 = arith.constant 0 : i32
      %dma_start3A_412 = tpu.memref_slice %arg4[%add3A_392, %dma_start3A_411] : memref<2584x128xi32, #tpu.memory_space<hbm>> -> memref<32x128xi32, #tpu.memory_space<hbm>>
      %dma_start3A_413 = arith.constant 0 : i32
      %dma_start3A_414 = arith.constant 0 : i32
      %dma_start3A_415 = tpu.memref_slice %arg8[%dma_start3A_406, %dma_start3A_413, %dma_start3A_414] : memref<2x32x128xi32, #tpu.memory_space<vmem>> -> memref<1x32x128xi32, #tpu.memory_space<vmem>>
      %dma_start3A_416 = tpu.memref_squeeze %dma_start3A_415 : memref<1x32x128xi32, #tpu.memory_space<vmem>> -> memref<32x128xi32, #tpu.memory_space<vmem>>
      %dma_start3A_417 = arith.constant 0 : i32
      %dma_start3A_418 = tpu.memref_slice %arg4[%add3A_392, %dma_start3A_417] : memref<2584x128xi32, #tpu.memory_space<hbm>> -> memref<32x128xi32, #tpu.memory_space<hbm>>
      tpu.enqueue_dma source(%dma_start3A_418 : memref<32x128xi32, #tpu.memory_space<hbm>>) target(%dma_start3A_416 : memref<32x128xi32, #tpu.memory_space<vmem>>) target_semaphore(%arg16 : memref<!tpu.dma_semaphore, #tpu.memory_space<semaphore_mem>>)
      %dma_start3A_419 = arith.constant 0 : i32
      %dma_start3A_420 = arith.constant 0 : i32
      %dma_start3A_421 = arith.constant 0 : i32
      %dma_start3A_422 = tpu.memref_slice %arg7[%dma_start3A_419, %dma_start3A_420, %dma_start3A_421] : memref<2x32x128xi32, #tpu.memory_space<vmem>> -> memref<1x1x128xi32, #tpu.memory_space<vmem>>
      %dma_start3A_423 = tpu.memref_squeeze %dma_start3A_422 : memref<1x1x128xi32, #tpu.memory_space<vmem>> -> memref<128xi32, #tpu.memory_space<vmem>>
      %dma_start3A_424 = arith.constant 0 : i32
      %dma_start3A_425 = arith.constant 0 : i32
      %dma_start3A_426 = tpu.memref_slice %arg2[%dma_start3A_424, %dma_start3A_425] : memref<10000x128xf32, #tpu.memory_space<hbm>> -> memref<10000x128xf32, #tpu.memory_space<hbm>>
      tpu.enqueue_indirect_dma source(%dma_start3A_426 : memref<10000x128xf32, #tpu.memory_space<hbm>>) target(%arg9 : memref<128x128xf32, #tpu.memory_space<vmem>>) offsets(%dma_start3A_423 : memref<128xi32, #tpu.memory_space<vmem>>) semaphore(%arg12 : memref<!tpu.dma_semaphore, #tpu.memory_space<semaphore_mem>>)
      %dma_start3A_427 = arith.constant 0 : i32
      %dma_start3A_428 = arith.constant 1 : i32
      %dma_start3A_429 = arith.constant 0 : i32
      %dma_start3A_430 = tpu.memref_slice %arg7[%dma_start3A_427, %dma_start3A_428, %dma_start3A_429] : memref<2x32x128xi32, #tpu.memory_space<vmem>> -> memref<1x1x128xi32, #tpu.memory_space<vmem>>
      %dma_start3A_431 = tpu.memref_squeeze %dma_start3A_430 : memref<1x1x128xi32, #tpu.memory_space<vmem>> -> memref<128xi32, #tpu.memory_space<vmem>>
      %dma_start3A_432 = arith.constant 0 : i32
      %dma_start3A_433 = arith.constant 0 : i32
      %dma_start3A_434 = tpu.memref_slice %arg2[%dma_start3A_432, %dma_start3A_433] : memref<10000x128xf32, #tpu.memory_space<hbm>> -> memref<10000x128xf32, #tpu.memory_space<hbm>>
      tpu.enqueue_indirect_dma source(%dma_start3A_434 : memref<10000x128xf32, #tpu.memory_space<hbm>>) target(%arg10 : memref<128x128xf32, #tpu.memory_space<vmem>>) offsets(%dma_start3A_431 : memref<128xi32, #tpu.memory_space<vmem>>) semaphore(%arg13 : memref<!tpu.dma_semaphore, #tpu.memory_space<semaphore_mem>>)
      %dma_wait3A_435 = arith.constant 0 : i32
      %dma_wait3A_436 = arith.constant 0 : i32
      %dma_wait3A_437 = arith.constant 0 : i32
      %dma_wait3A_438 = tpu.memref_slice %arg7[%dma_wait3A_435, %dma_wait3A_436, %dma_wait3A_437] : memref<2x32x128xi32, #tpu.memory_space<vmem>> -> memref<1x1x128xi32, #tpu.memory_space<vmem>>
      %dma_wait3A_439 = tpu.memref_squeeze %dma_wait3A_438 : memref<1x1x128xi32, #tpu.memory_space<vmem>> -> memref<128xi32, #tpu.memory_space<vmem>>
      %dma_wait3A_440 = arith.constant 0 : i32
      %dma_wait3A_441 = arith.constant 0 : i32
      %dma_wait3A_442 = tpu.memref_slice %arg2[%dma_wait3A_440, %dma_wait3A_441] : memref<10000x128xf32, #tpu.memory_space<hbm>> -> memref<10000x128xf32, #tpu.memory_space<hbm>>
      tpu.wait_indirect_dma semaphore(%arg12 : memref<!tpu.dma_semaphore, #tpu.memory_space<semaphore_mem>>) src(%dma_wait3A_442 : memref<10000x128xf32, #tpu.memory_space<hbm>>) dst(%arg9 : memref<128x128xf32, #tpu.memory_space<vmem>>)
      %dma_start3A_443 = arith.constant 0 : i32
      %dma_start3A_444 = arith.constant 0 : i32
      %dma_start3A_445 = arith.constant 0 : i32
      %dma_start3A_446 = tpu.memref_slice %arg8[%dma_start3A_443, %dma_start3A_444, %dma_start3A_445] : memref<2x32x128xi32, #tpu.memory_space<vmem>> -> memref<1x1x128xi32, #tpu.memory_space<vmem>>
      %dma_start3A_447 = tpu.memref_squeeze %dma_start3A_446 : memref<1x1x128xi32, #tpu.memory_space<vmem>> -> memref<128xi32, #tpu.memory_space<vmem>>
      %dma_start3A_448 = arith.constant 0 : i32
      %dma_start3A_449 = arith.constant 0 : i32
      %dma_start3A_450 = tpu.memref_slice %arg11[%dma_start3A_448, %dma_start3A_449] : memref<10240x128xf32, #tpu.memory_space<vmem_shared>> -> memref<10240x128xf32, #tpu.memory_space<vmem_shared>>
      tpu.enqueue_indirect_dma source(%arg9 : memref<128x128xf32, #tpu.memory_space<vmem>>) target(%dma_start3A_450 : memref<10240x128xf32, #tpu.memory_space<vmem_shared>>) offsets(%dma_start3A_447 : memref<128xi32, #tpu.memory_space<vmem>>) semaphore(%arg14 : memref<!tpu.dma_semaphore, #tpu.memory_space<semaphore_mem>>) {add = true}
      %sub3A_451 = arith.constant 2 : i32
      %sub3A_452 = arith.subi %sub3A_1, %sub3A_451 : i32
      %jit3A_453 = arith.constant 2 : i32
      %div3A_454 = arith.divsi %sub3A_452, %jit3A_453 : i32
      %sign3A_455 = arith.constant 0 : i32
      %sign3A_456 = arith.cmpi sgt, %sub3A_452, %sign3A_455 : i32
      %sign3A_457 = arith.extui %sign3A_456 : i1 to i32
      %sign3A_458 = arith.constant 0 : i32
      %sign3A_459 = arith.cmpi slt, %sub3A_452, %sign3A_458 : i32
      %sign3A_460 = arith.extui %sign3A_459 : i1 to i32
      %sign3A_461 = arith.subi %sign3A_457, %sign3A_460 : i32
      %sign3A_462 = arith.constant 0 : i32
      %sign3A_463 = arith.cmpi sgt, %jit3A_453, %sign3A_462 : i32
      %sign3A_464 = arith.extui %sign3A_463 : i1 to i32
      %sign3A_465 = arith.constant 0 : i32
      %sign3A_466 = arith.cmpi slt, %jit3A_453, %sign3A_465 : i32
      %sign3A_467 = arith.extui %sign3A_466 : i1 to i32
      %sign3A_468 = arith.subi %sign3A_464, %sign3A_467 : i32
      %ne3A_469 = arith.cmpi ne, %sign3A_461, %sign3A_468 : i32
      %rem3A_470 = arith.remsi %sub3A_452, %jit3A_453 : i32
      %ne3A_471 = arith.constant 0 : i32
      %ne3A_472 = arith.cmpi ne, %rem3A_470, %ne3A_471 : i32
      %and3A_473 = arith.andi %ne3A_469, %ne3A_472 : i1
      %sub3A_474 = arith.constant 1 : i32
      %sub3A_475 = arith.subi %div3A_454, %sub3A_474 : i32
      %select_n3A_476 = arith.select %and3A_473, %sub3A_475, %div3A_454 : i32
      %while3A_477 = arith.constant 0 : i32
      %while3A_478 = arith.constant 0 : i32
      %while3A_479 = arith.subi %select_n3A_476, %while3A_478 : i32
      %while3A_480 = arith.addi %while3A_478, %while3A_479 : i32
      %while3A_481 = arith.constant 1 : i32
      %while3A_482 = arith.divsi %while3A_479, %while3A_481 : i32
      %while3A_483 = arith.muli %while3A_482, %while3A_481 : i32
      %while3A_484 = arith.addi %while3A_478, %while3A_483 : i32
      %while3A_485 = arith.constant 1 : i32
      scf.for %while3A_656 = %while3A_478 to %while3A_484 step %while3A_485  : i32 {
        %mul3A_657 = arith.constant 2 : i32
        %mul3A_658 = arith.muli %mul3A_657, %while3A_656 : i32
        %add3A_659 = arith.constant 1 : i32
        %add3A_660 = arith.addi %add3A_659, %mul3A_658 : i32
        %sub3A_661 = arith.constant 1 : i32
        %sub3A_662 = arith.subi %add3A_660, %sub3A_661 : i32
        %dma_wait3A_663 = arith.constant 0 : i32
        %dma_wait3A_664 = arith.constant 0 : i32
        %dma_wait3A_665 = tpu.memref_slice %arg8[%dma_wait3A_663, %sub3A_662, %dma_wait3A_664] : memref<2x32x128xi32, #tpu.memory_space<vmem>> -> memref<1x1x128xi32, #tpu.memory_space<vmem>>
        %dma_wait3A_666 = tpu.memref_squeeze %dma_wait3A_665 : memref<1x1x128xi32, #tpu.memory_space<vmem>> -> memref<128xi32, #tpu.memory_space<vmem>>
        %dma_wait3A_667 = arith.constant 0 : i32
        %dma_wait3A_668 = arith.constant 0 : i32
        %dma_wait3A_669 = tpu.memref_slice %arg11[%dma_wait3A_667, %dma_wait3A_668] : memref<10240x128xf32, #tpu.memory_space<vmem_shared>> -> memref<10240x128xf32, #tpu.memory_space<vmem_shared>>
        tpu.wait_indirect_dma semaphore(%arg14 : memref<!tpu.dma_semaphore, #tpu.memory_space<semaphore_mem>>) src(%arg9 : memref<128x128xf32, #tpu.memory_space<vmem>>) dst(%dma_wait3A_669 : memref<10240x128xf32, #tpu.memory_space<vmem_shared>>)
        %add3A_670 = arith.constant 1 : i32
        %add3A_671 = arith.addi %add3A_660, %add3A_670 : i32
        %dma_start3A_672 = arith.constant 0 : i32
        %dma_start3A_673 = arith.constant 0 : i32
        %dma_start3A_674 = tpu.memref_slice %arg7[%dma_start3A_672, %add3A_671, %dma_start3A_673] : memref<2x32x128xi32, #tpu.memory_space<vmem>> -> memref<1x1x128xi32, #tpu.memory_space<vmem>>
        %dma_start3A_675 = tpu.memref_squeeze %dma_start3A_674 : memref<1x1x128xi32, #tpu.memory_space<vmem>> -> memref<128xi32, #tpu.memory_space<vmem>>
        %dma_start3A_676 = arith.constant 0 : i32
        %dma_start3A_677 = arith.constant 0 : i32
        %dma_start3A_678 = tpu.memref_slice %arg2[%dma_start3A_676, %dma_start3A_677] : memref<10000x128xf32, #tpu.memory_space<hbm>> -> memref<10000x128xf32, #tpu.memory_space<hbm>>
        tpu.enqueue_indirect_dma source(%dma_start3A_678 : memref<10000x128xf32, #tpu.memory_space<hbm>>) target(%arg9 : memref<128x128xf32, #tpu.memory_space<vmem>>) offsets(%dma_start3A_675 : memref<128xi32, #tpu.memory_space<vmem>>) semaphore(%arg12 : memref<!tpu.dma_semaphore, #tpu.memory_space<semaphore_mem>>)
        %dma_wait3A_679 = arith.constant 0 : i32
        %dma_wait3A_680 = arith.constant 0 : i32
        %dma_wait3A_681 = tpu.memref_slice %arg7[%dma_wait3A_679, %add3A_660, %dma_wait3A_680] : memref<2x32x128xi32, #tpu.memory_space<vmem>> -> memref<1x1x128xi32, #tpu.memory_space<vmem>>
        %dma_wait3A_682 = tpu.memref_squeeze %dma_wait3A_681 : memref<1x1x128xi32, #tpu.memory_space<vmem>> -> memref<128xi32, #tpu.memory_space<vmem>>
        %dma_wait3A_683 = arith.constant 0 : i32
        %dma_wait3A_684 = arith.constant 0 : i32
        %dma_wait3A_685 = tpu.memref_slice %arg2[%dma_wait3A_683, %dma_wait3A_684] : memref<10000x128xf32, #tpu.memory_space<hbm>> -> memref<10000x128xf32, #tpu.memory_space<hbm>>
        tpu.wait_indirect_dma semaphore(%arg13 : memref<!tpu.dma_semaphore, #tpu.memory_space<semaphore_mem>>) src(%dma_wait3A_685 : memref<10000x128xf32, #tpu.memory_space<hbm>>) dst(%arg10 : memref<128x128xf32, #tpu.memory_space<vmem>>)
        %dma_start3A_686 = arith.constant 0 : i32
        %dma_start3A_687 = arith.constant 0 : i32
        %dma_start3A_688 = tpu.memref_slice %arg8[%dma_start3A_686, %add3A_660, %dma_start3A_687] : memref<2x32x128xi32, #tpu.memory_space<vmem>> -> memref<1x1x128xi32, #tpu.memory_space<vmem>>
        %dma_start3A_689 = tpu.memref_squeeze %dma_start3A_688 : memref<1x1x128xi32, #tpu.memory_space<vmem>> -> memref<128xi32, #tpu.memory_space<vmem>>
        %dma_start3A_690 = arith.constant 0 : i32
        %dma_start3A_691 = arith.constant 0 : i32
        %dma_start3A_692 = tpu.memref_slice %arg11[%dma_start3A_690, %dma_start3A_691] : memref<10240x128xf32, #tpu.memory_space<vmem_shared>> -> memref<10240x128xf32, #tpu.memory_space<vmem_shared>>
        tpu.enqueue_indirect_dma source(%arg10 : memref<128x128xf32, #tpu.memory_space<vmem>>) target(%dma_start3A_692 : memref<10240x128xf32, #tpu.memory_space<vmem_shared>>) offsets(%dma_start3A_689 : memref<128xi32, #tpu.memory_space<vmem>>) semaphore(%arg15 : memref<!tpu.dma_semaphore, #tpu.memory_space<semaphore_mem>>) {add = true}
        %add3A_693 = arith.constant 1 : i32
        %add3A_694 = arith.addi %add3A_660, %add3A_693 : i32
        %sub3A_695 = arith.constant 1 : i32
        %sub3A_696 = arith.subi %add3A_694, %sub3A_695 : i32
        %dma_wait3A_697 = arith.constant 0 : i32
        %dma_wait3A_698 = arith.constant 0 : i32
        %dma_wait3A_699 = tpu.memref_slice %arg8[%dma_wait3A_697, %sub3A_696, %dma_wait3A_698] : memref<2x32x128xi32, #tpu.memory_space<vmem>> -> memref<1x1x128xi32, #tpu.memory_space<vmem>>
        %dma_wait3A_700 = tpu.memref_squeeze %dma_wait3A_699 : memref<1x1x128xi32, #tpu.memory_space<vmem>> -> memref<128xi32, #tpu.memory_space<vmem>>
        %dma_wait3A_701 = arith.constant 0 : i32
        %dma_wait3A_702 = arith.constant 0 : i32
        %dma_wait3A_703 = tpu.memref_slice %arg11[%dma_wait3A_701, %dma_wait3A_702] : memref<10240x128xf32, #tpu.memory_space<vmem_shared>> -> memref<10240x128xf32, #tpu.memory_space<vmem_shared>>
        tpu.wait_indirect_dma semaphore(%arg15 : memref<!tpu.dma_semaphore, #tpu.memory_space<semaphore_mem>>) src(%arg10 : memref<128x128xf32, #tpu.memory_space<vmem>>) dst(%dma_wait3A_703 : memref<10240x128xf32, #tpu.memory_space<vmem_shared>>)
        %add3A_704 = arith.constant 1 : i32
        %add3A_705 = arith.addi %add3A_694, %add3A_704 : i32
        %dma_start3A_706 = arith.constant 0 : i32
        %dma_start3A_707 = arith.constant 0 : i32
        %dma_start3A_708 = tpu.memref_slice %arg7[%dma_start3A_706, %add3A_705, %dma_start3A_707] : memref<2x32x128xi32, #tpu.memory_space<vmem>> -> memref<1x1x128xi32, #tpu.memory_space<vmem>>
        %dma_start3A_709 = tpu.memref_squeeze %dma_start3A_708 : memref<1x1x128xi32, #tpu.memory_space<vmem>> -> memref<128xi32, #tpu.memory_space<vmem>>
        %dma_start3A_710 = arith.constant 0 : i32
        %dma_start3A_711 = arith.constant 0 : i32
        %dma_start3A_712 = tpu.memref_slice %arg2[%dma_start3A_710, %dma_start3A_711] : memref<10000x128xf32, #tpu.memory_space<hbm>> -> memref<10000x128xf32, #tpu.memory_space<hbm>>
        tpu.enqueue_indirect_dma source(%dma_start3A_712 : memref<10000x128xf32, #tpu.memory_space<hbm>>) target(%arg10 : memref<128x128xf32, #tpu.memory_space<vmem>>) offsets(%dma_start3A_709 : memref<128xi32, #tpu.memory_space<vmem>>) semaphore(%arg13 : memref<!tpu.dma_semaphore, #tpu.memory_space<semaphore_mem>>)
        %dma_wait3A_713 = arith.constant 0 : i32
        %dma_wait3A_714 = arith.constant 0 : i32
        %dma_wait3A_715 = tpu.memref_slice %arg7[%dma_wait3A_713, %add3A_694, %dma_wait3A_714] : memref<2x32x128xi32, #tpu.memory_space<vmem>> -> memref<1x1x128xi32, #tpu.memory_space<vmem>>
        %dma_wait3A_716 = tpu.memref_squeeze %dma_wait3A_715 : memref<1x1x128xi32, #tpu.memory_space<vmem>> -> memref<128xi32, #tpu.memory_space<vmem>>
        %dma_wait3A_717 = arith.constant 0 : i32
        %dma_wait3A_718 = arith.constant 0 : i32
        %dma_wait3A_719 = tpu.memref_slice %arg2[%dma_wait3A_717, %dma_wait3A_718] : memref<10000x128xf32, #tpu.memory_space<hbm>> -> memref<10000x128xf32, #tpu.memory_space<hbm>>
        tpu.wait_indirect_dma semaphore(%arg12 : memref<!tpu.dma_semaphore, #tpu.memory_space<semaphore_mem>>) src(%dma_wait3A_719 : memref<10000x128xf32, #tpu.memory_space<hbm>>) dst(%arg9 : memref<128x128xf32, #tpu.memory_space<vmem>>)
        %dma_start3A_720 = arith.constant 0 : i32
        %dma_start3A_721 = arith.constant 0 : i32
        %dma_start3A_722 = tpu.memref_slice %arg8[%dma_start3A_720, %add3A_694, %dma_start3A_721] : memref<2x32x128xi32, #tpu.memory_space<vmem>> -> memref<1x1x128xi32, #tpu.memory_space<vmem>>
        %dma_start3A_723 = tpu.memref_squeeze %dma_start3A_722 : memref<1x1x128xi32, #tpu.memory_space<vmem>> -> memref<128xi32, #tpu.memory_space<vmem>>
        %dma_start3A_724 = arith.constant 0 : i32
        %dma_start3A_725 = arith.constant 0 : i32
        %dma_start3A_726 = tpu.memref_slice %arg11[%dma_start3A_724, %dma_start3A_725] : memref<10240x128xf32, #tpu.memory_space<vmem_shared>> -> memref<10240x128xf32, #tpu.memory_space<vmem_shared>>
        tpu.enqueue_indirect_dma source(%arg9 : memref<128x128xf32, #tpu.memory_space<vmem>>) target(%dma_start3A_726 : memref<10240x128xf32, #tpu.memory_space<vmem_shared>>) offsets(%dma_start3A_723 : memref<128xi32, #tpu.memory_space<vmem>>) semaphore(%arg14 : memref<!tpu.dma_semaphore, #tpu.memory_space<semaphore_mem>>) {add = true}
      }
      %while3A_486 = arith.constant 1 : i32
      scf.for %while3A_656 = %while3A_484 to %while3A_480 step %while3A_486  : i32 {
        %mul3A_657 = arith.constant 2 : i32
        %mul3A_658 = arith.muli %mul3A_657, %while3A_656 : i32
        %add3A_659 = arith.constant 1 : i32
        %add3A_660 = arith.addi %add3A_659, %mul3A_658 : i32
        %sub3A_661 = arith.constant 1 : i32
        %sub3A_662 = arith.subi %add3A_660, %sub3A_661 : i32
        %dma_wait3A_663 = arith.constant 0 : i32
        %dma_wait3A_664 = arith.constant 0 : i32
        %dma_wait3A_665 = tpu.memref_slice %arg8[%dma_wait3A_663, %sub3A_662, %dma_wait3A_664] : memref<2x32x128xi32, #tpu.memory_space<vmem>> -> memref<1x1x128xi32, #tpu.memory_space<vmem>>
        %dma_wait3A_666 = tpu.memref_squeeze %dma_wait3A_665 : memref<1x1x128xi32, #tpu.memory_space<vmem>> -> memref<128xi32, #tpu.memory_space<vmem>>
        %dma_wait3A_667 = arith.constant 0 : i32
        %dma_wait3A_668 = arith.constant 0 : i32
        %dma_wait3A_669 = tpu.memref_slice %arg11[%dma_wait3A_667, %dma_wait3A_668] : memref<10240x128xf32, #tpu.memory_space<vmem_shared>> -> memref<10240x128xf32, #tpu.memory_space<vmem_shared>>
        tpu.wait_indirect_dma semaphore(%arg14 : memref<!tpu.dma_semaphore, #tpu.memory_space<semaphore_mem>>) src(%arg9 : memref<128x128xf32, #tpu.memory_space<vmem>>) dst(%dma_wait3A_669 : memref<10240x128xf32, #tpu.memory_space<vmem_shared>>)
        %add3A_670 = arith.constant 1 : i32
        %add3A_671 = arith.addi %add3A_660, %add3A_670 : i32
        %dma_start3A_672 = arith.constant 0 : i32
        %dma_start3A_673 = arith.constant 0 : i32
        %dma_start3A_674 = tpu.memref_slice %arg7[%dma_start3A_672, %add3A_671, %dma_start3A_673] : memref<2x32x128xi32, #tpu.memory_space<vmem>> -> memref<1x1x128xi32, #tpu.memory_space<vmem>>
        %dma_start3A_675 = tpu.memref_squeeze %dma_start3A_674 : memref<1x1x128xi32, #tpu.memory_space<vmem>> -> memref<128xi32, #tpu.memory_space<vmem>>
        %dma_start3A_676 = arith.constant 0 : i32
        %dma_start3A_677 = arith.constant 0 : i32
        %dma_start3A_678 = tpu.memref_slice %arg2[%dma_start3A_676, %dma_start3A_677] : memref<10000x128xf32, #tpu.memory_space<hbm>> -> memref<10000x128xf32, #tpu.memory_space<hbm>>
        tpu.enqueue_indirect_dma source(%dma_start3A_678 : memref<10000x128xf32, #tpu.memory_space<hbm>>) target(%arg9 : memref<128x128xf32, #tpu.memory_space<vmem>>) offsets(%dma_start3A_675 : memref<128xi32, #tpu.memory_space<vmem>>) semaphore(%arg12 : memref<!tpu.dma_semaphore, #tpu.memory_space<semaphore_mem>>)
        %dma_wait3A_679 = arith.constant 0 : i32
        %dma_wait3A_680 = arith.constant 0 : i32
        %dma_wait3A_681 = tpu.memref_slice %arg7[%dma_wait3A_679, %add3A_660, %dma_wait3A_680] : memref<2x32x128xi32, #tpu.memory_space<vmem>> -> memref<1x1x128xi32, #tpu.memory_space<vmem>>
        %dma_wait3A_682 = tpu.memref_squeeze %dma_wait3A_681 : memref<1x1x128xi32, #tpu.memory_space<vmem>> -> memref<128xi32, #tpu.memory_space<vmem>>
        %dma_wait3A_683 = arith.constant 0 : i32
        %dma_wait3A_684 = arith.constant 0 : i32
        %dma_wait3A_685 = tpu.memref_slice %arg2[%dma_wait3A_683, %dma_wait3A_684] : memref<10000x128xf32, #tpu.memory_space<hbm>> -> memref<10000x128xf32, #tpu.memory_space<hbm>>
        tpu.wait_indirect_dma semaphore(%arg13 : memref<!tpu.dma_semaphore, #tpu.memory_space<semaphore_mem>>) src(%dma_wait3A_685 : memref<10000x128xf32, #tpu.memory_space<hbm>>) dst(%arg10 : memref<128x128xf32, #tpu.memory_space<vmem>>)
        %dma_start3A_686 = arith.constant 0 : i32
        %dma_start3A_687 = arith.constant 0 : i32
        %dma_start3A_688 = tpu.memref_slice %arg8[%dma_start3A_686, %add3A_660, %dma_start3A_687] : memref<2x32x128xi32, #tpu.memory_space<vmem>> -> memref<1x1x128xi32, #tpu.memory_space<vmem>>
        %dma_start3A_689 = tpu.memref_squeeze %dma_start3A_688 : memref<1x1x128xi32, #tpu.memory_space<vmem>> -> memref<128xi32, #tpu.memory_space<vmem>>
        %dma_start3A_690 = arith.constant 0 : i32
        %dma_start3A_691 = arith.constant 0 : i32
        %dma_start3A_692 = tpu.memref_slice %arg11[%dma_start3A_690, %dma_start3A_691] : memref<10240x128xf32, #tpu.memory_space<vmem_shared>> -> memref<10240x128xf32, #tpu.memory_space<vmem_shared>>
        tpu.enqueue_indirect_dma source(%arg10 : memref<128x128xf32, #tpu.memory_space<vmem>>) target(%dma_start3A_692 : memref<10240x128xf32, #tpu.memory_space<vmem_shared>>) offsets(%dma_start3A_689 : memref<128xi32, #tpu.memory_space<vmem>>) semaphore(%arg15 : memref<!tpu.dma_semaphore, #tpu.memory_space<semaphore_mem>>) {add = true}
        %add3A_693 = arith.constant 1 : i32
        %add3A_694 = arith.addi %add3A_660, %add3A_693 : i32
        %sub3A_695 = arith.constant 1 : i32
        %sub3A_696 = arith.subi %add3A_694, %sub3A_695 : i32
        %dma_wait3A_697 = arith.constant 0 : i32
        %dma_wait3A_698 = arith.constant 0 : i32
        %dma_wait3A_699 = tpu.memref_slice %arg8[%dma_wait3A_697, %sub3A_696, %dma_wait3A_698] : memref<2x32x128xi32, #tpu.memory_space<vmem>> -> memref<1x1x128xi32, #tpu.memory_space<vmem>>
        %dma_wait3A_700 = tpu.memref_squeeze %dma_wait3A_699 : memref<1x1x128xi32, #tpu.memory_space<vmem>> -> memref<128xi32, #tpu.memory_space<vmem>>
        %dma_wait3A_701 = arith.constant 0 : i32
        %dma_wait3A_702 = arith.constant 0 : i32
        %dma_wait3A_703 = tpu.memref_slice %arg11[%dma_wait3A_701, %dma_wait3A_702] : memref<10240x128xf32, #tpu.memory_space<vmem_shared>> -> memref<10240x128xf32, #tpu.memory_space<vmem_shared>>
        tpu.wait_indirect_dma semaphore(%arg15 : memref<!tpu.dma_semaphore, #tpu.memory_space<semaphore_mem>>) src(%arg10 : memref<128x128xf32, #tpu.memory_space<vmem>>) dst(%dma_wait3A_703 : memref<10240x128xf32, #tpu.memory_space<vmem_shared>>)
        %add3A_704 = arith.constant 1 : i32
        %add3A_705 = arith.addi %add3A_694, %add3A_704 : i32
        %dma_start3A_706 = arith.constant 0 : i32
        %dma_start3A_707 = arith.constant 0 : i32
        %dma_start3A_708 = tpu.memref_slice %arg7[%dma_start3A_706, %add3A_705, %dma_start3A_707] : memref<2x32x128xi32, #tpu.memory_space<vmem>> -> memref<1x1x128xi32, #tpu.memory_space<vmem>>
        %dma_start3A_709 = tpu.memref_squeeze %dma_start3A_708 : memref<1x1x128xi32, #tpu.memory_space<vmem>> -> memref<128xi32, #tpu.memory_space<vmem>>
        %dma_start3A_710 = arith.constant 0 : i32
        %dma_start3A_711 = arith.constant 0 : i32
        %dma_start3A_712 = tpu.memref_slice %arg2[%dma_start3A_710, %dma_start3A_711] : memref<10000x128xf32, #tpu.memory_space<hbm>> -> memref<10000x128xf32, #tpu.memory_space<hbm>>
        tpu.enqueue_indirect_dma source(%dma_start3A_712 : memref<10000x128xf32, #tpu.memory_space<hbm>>) target(%arg10 : memref<128x128xf32, #tpu.memory_space<vmem>>) offsets(%dma_start3A_709 : memref<128xi32, #tpu.memory_space<vmem>>) semaphore(%arg13 : memref<!tpu.dma_semaphore, #tpu.memory_space<semaphore_mem>>)
        %dma_wait3A_713 = arith.constant 0 : i32
        %dma_wait3A_714 = arith.constant 0 : i32
        %dma_wait3A_715 = tpu.memref_slice %arg7[%dma_wait3A_713, %add3A_694, %dma_wait3A_714] : memref<2x32x128xi32, #tpu.memory_space<vmem>> -> memref<1x1x128xi32, #tpu.memory_space<vmem>>
        %dma_wait3A_716 = tpu.memref_squeeze %dma_wait3A_715 : memref<1x1x128xi32, #tpu.memory_space<vmem>> -> memref<128xi32, #tpu.memory_space<vmem>>
        %dma_wait3A_717 = arith.constant 0 : i32
        %dma_wait3A_718 = arith.constant 0 : i32
        %dma_wait3A_719 = tpu.memref_slice %arg2[%dma_wait3A_717, %dma_wait3A_718] : memref<10000x128xf32, #tpu.memory_space<hbm>> -> memref<10000x128xf32, #tpu.memory_space<hbm>>
        tpu.wait_indirect_dma semaphore(%arg12 : memref<!tpu.dma_semaphore, #tpu.memory_space<semaphore_mem>>) src(%dma_wait3A_719 : memref<10000x128xf32, #tpu.memory_space<hbm>>) dst(%arg9 : memref<128x128xf32, #tpu.memory_space<vmem>>)
        %dma_start3A_720 = arith.constant 0 : i32
        %dma_start3A_721 = arith.constant 0 : i32
        %dma_start3A_722 = tpu.memref_slice %arg8[%dma_start3A_720, %add3A_694, %dma_start3A_721] : memref<2x32x128xi32, #tpu.memory_space<vmem>> -> memref<1x1x128xi32, #tpu.memory_space<vmem>>
        %dma_start3A_723 = tpu.memref_squeeze %dma_start3A_722 : memref<1x1x128xi32, #tpu.memory_space<vmem>> -> memref<128xi32, #tpu.memory_space<vmem>>
        %dma_start3A_724 = arith.constant 0 : i32
        %dma_start3A_725 = arith.constant 0 : i32
        %dma_start3A_726 = tpu.memref_slice %arg11[%dma_start3A_724, %dma_start3A_725] : memref<10240x128xf32, #tpu.memory_space<vmem_shared>> -> memref<10240x128xf32, #tpu.memory_space<vmem_shared>>
        tpu.enqueue_indirect_dma source(%arg9 : memref<128x128xf32, #tpu.memory_space<vmem>>) target(%dma_start3A_726 : memref<10240x128xf32, #tpu.memory_space<vmem_shared>>) offsets(%dma_start3A_723 : memref<128xi32, #tpu.memory_space<vmem>>) semaphore(%arg14 : memref<!tpu.dma_semaphore, #tpu.memory_space<semaphore_mem>>) {add = true}
      }
      %sub3A_487 = arith.constant 2 : i32
      %sub3A_488 = arith.subi %sub3A_1, %sub3A_487 : i32
      %dma_wait3A_489 = arith.constant 0 : i32
      %dma_wait3A_490 = arith.constant 0 : i32
      %dma_wait3A_491 = tpu.memref_slice %arg8[%dma_wait3A_489, %sub3A_488, %dma_wait3A_490] : memref<2x32x128xi32, #tpu.memory_space<vmem>> -> memref<1x1x128xi32, #tpu.memory_space<vmem>>
      %dma_wait3A_492 = tpu.memref_squeeze %dma_wait3A_491 : memref<1x1x128xi32, #tpu.memory_space<vmem>> -> memref<128xi32, #tpu.memory_space<vmem>>
      %dma_wait3A_493 = arith.constant 0 : i32
      %dma_wait3A_494 = arith.constant 0 : i32
      %dma_wait3A_495 = tpu.memref_slice %arg11[%dma_wait3A_493, %dma_wait3A_494] : memref<10240x128xf32, #tpu.memory_space<vmem_shared>> -> memref<10240x128xf32, #tpu.memory_space<vmem_shared>>
      tpu.wait_indirect_dma semaphore(%arg14 : memref<!tpu.dma_semaphore, #tpu.memory_space<semaphore_mem>>) src(%arg9 : memref<128x128xf32, #tpu.memory_space<vmem>>) dst(%dma_wait3A_495 : memref<10240x128xf32, #tpu.memory_space<vmem_shared>>)
      %sub3A_496 = arith.constant 1 : i32
      %sub3A_497 = arith.subi %sub3A_1, %sub3A_496 : i32
      %dma_wait3A_498 = arith.constant 0 : i32
      %dma_wait3A_499 = arith.constant 0 : i32
      %dma_wait3A_500 = tpu.memref_slice %arg7[%dma_wait3A_498, %sub3A_497, %dma_wait3A_499] : memref<2x32x128xi32, #tpu.memory_space<vmem>> -> memref<1x1x128xi32, #tpu.memory_space<vmem>>
      %dma_wait3A_501 = tpu.memref_squeeze %dma_wait3A_500 : memref<1x1x128xi32, #tpu.memory_space<vmem>> -> memref<128xi32, #tpu.memory_space<vmem>>
      %dma_wait3A_502 = arith.constant 0 : i32
      %dma_wait3A_503 = arith.constant 0 : i32
      %dma_wait3A_504 = tpu.memref_slice %arg2[%dma_wait3A_502, %dma_wait3A_503] : memref<10000x128xf32, #tpu.memory_space<hbm>> -> memref<10000x128xf32, #tpu.memory_space<hbm>>
      tpu.wait_indirect_dma semaphore(%arg13 : memref<!tpu.dma_semaphore, #tpu.memory_space<semaphore_mem>>) src(%dma_wait3A_504 : memref<10000x128xf32, #tpu.memory_space<hbm>>) dst(%arg10 : memref<128x128xf32, #tpu.memory_space<vmem>>)
      %sub3A_505 = arith.constant 1 : i32
      %sub3A_506 = arith.subi %sub3A_1, %sub3A_505 : i32
      %dma_start3A_507 = arith.constant 0 : i32
      %dma_start3A_508 = arith.constant 0 : i32
      %dma_start3A_509 = tpu.memref_slice %arg8[%dma_start3A_507, %sub3A_506, %dma_start3A_508] : memref<2x32x128xi32, #tpu.memory_space<vmem>> -> memref<1x1x128xi32, #tpu.memory_space<vmem>>
      %dma_start3A_510 = tpu.memref_squeeze %dma_start3A_509 : memref<1x1x128xi32, #tpu.memory_space<vmem>> -> memref<128xi32, #tpu.memory_space<vmem>>
      %dma_start3A_511 = arith.constant 0 : i32
      %dma_start3A_512 = arith.constant 0 : i32
      %dma_start3A_513 = tpu.memref_slice %arg11[%dma_start3A_511, %dma_start3A_512] : memref<10240x128xf32, #tpu.memory_space<vmem_shared>> -> memref<10240x128xf32, #tpu.memory_space<vmem_shared>>
      tpu.enqueue_indirect_dma source(%arg10 : memref<128x128xf32, #tpu.memory_space<vmem>>) target(%dma_start3A_513 : memref<10240x128xf32, #tpu.memory_space<vmem_shared>>) offsets(%dma_start3A_510 : memref<128xi32, #tpu.memory_space<vmem>>) semaphore(%arg15 : memref<!tpu.dma_semaphore, #tpu.memory_space<semaphore_mem>>) {add = true}
      %sub3A_514 = arith.constant 1 : i32
      %sub3A_515 = arith.subi %sub3A_1, %sub3A_514 : i32
      %dma_wait3A_516 = arith.constant 0 : i32
      %dma_wait3A_517 = arith.constant 0 : i32
      %dma_wait3A_518 = tpu.memref_slice %arg8[%dma_wait3A_516, %sub3A_515, %dma_wait3A_517] : memref<2x32x128xi32, #tpu.memory_space<vmem>> -> memref<1x1x128xi32, #tpu.memory_space<vmem>>
      %dma_wait3A_519 = tpu.memref_squeeze %dma_wait3A_518 : memref<1x1x128xi32, #tpu.memory_space<vmem>> -> memref<128xi32, #tpu.memory_space<vmem>>
      %dma_wait3A_520 = arith.constant 0 : i32
      %dma_wait3A_521 = arith.constant 0 : i32
      %dma_wait3A_522 = tpu.memref_slice %arg11[%dma_wait3A_520, %dma_wait3A_521] : memref<10240x128xf32, #tpu.memory_space<vmem_shared>> -> memref<10240x128xf32, #tpu.memory_space<vmem_shared>>
      tpu.wait_indirect_dma semaphore(%arg15 : memref<!tpu.dma_semaphore, #tpu.memory_space<semaphore_mem>>) src(%arg10 : memref<128x128xf32, #tpu.memory_space<vmem>>) dst(%dma_wait3A_522 : memref<10240x128xf32, #tpu.memory_space<vmem_shared>>)
      %mul3A_523 = arith.constant 3 : i32
      %mul3A_524 = arith.muli %mul3A_523, %sub3A_1 : i32
      %add3A_525 = arith.addi %add3A, %mul3A_524 : i32
      %dma_wait3A_526 = arith.constant 1 : i32
      %dma_wait3A_527 = arith.constant 0 : i32
      %dma_wait3A_528 = arith.constant 0 : i32
      %dma_wait3A_529 = tpu.memref_slice %arg7[%dma_wait3A_526, %dma_wait3A_527, %dma_wait3A_528] : memref<2x32x128xi32, #tpu.memory_space<vmem>> -> memref<1x32x128xi32, #tpu.memory_space<vmem>>
      %dma_wait3A_530 = tpu.memref_squeeze %dma_wait3A_529 : memref<1x32x128xi32, #tpu.memory_space<vmem>> -> memref<32x128xi32, #tpu.memory_space<vmem>>
      %dma_wait3A_531 = arith.constant 0 : i32
      %dma_wait3A_532 = tpu.memref_slice %arg3[%add3A_525, %dma_wait3A_531] : memref<2584x128xi32, #tpu.memory_space<hbm>> -> memref<32x128xi32, #tpu.memory_space<hbm>>
      %dma_wait3A_533 = arith.constant 0 : i32
      %dma_wait3A_534 = arith.constant 0 : i32
      %dma_wait3A_535 = tpu.memref_slice %arg7[%dma_wait3A_526, %dma_wait3A_533, %dma_wait3A_534] : memref<2x32x128xi32, #tpu.memory_space<vmem>> -> memref<1x32x128xi32, #tpu.memory_space<vmem>>
      %dma_wait3A_536 = tpu.memref_squeeze %dma_wait3A_535 : memref<1x32x128xi32, #tpu.memory_space<vmem>> -> memref<32x128xi32, #tpu.memory_space<vmem>>
      %dma_wait3A_537 = arith.constant 0 : i32
      %dma_wait3A_538 = tpu.memref_slice %arg3[%add3A_525, %dma_wait3A_537] : memref<2584x128xi32, #tpu.memory_space<hbm>> -> memref<32x128xi32, #tpu.memory_space<hbm>>
      tpu.wait_dma2 semaphore(%arg16 : memref<!tpu.dma_semaphore, #tpu.memory_space<semaphore_mem>>) src(%dma_wait3A_538 : memref<32x128xi32, #tpu.memory_space<hbm>>) dst(%dma_wait3A_536 : memref<32x128xi32, #tpu.memory_space<vmem>>)
      %dma_wait3A_539 = arith.constant 1 : i32
      %dma_wait3A_540 = arith.constant 0 : i32
      %dma_wait3A_541 = arith.constant 0 : i32
      %dma_wait3A_542 = tpu.memref_slice %arg8[%dma_wait3A_539, %dma_wait3A_540, %dma_wait3A_541] : memref<2x32x128xi32, #tpu.memory_space<vmem>> -> memref<1x32x128xi32, #tpu.memory_space<vmem>>
      %dma_wait3A_543 = tpu.memref_squeeze %dma_wait3A_542 : memref<1x32x128xi32, #tpu.memory_space<vmem>> -> memref<32x128xi32, #tpu.memory_space<vmem>>
      %dma_wait3A_544 = arith.constant 0 : i32
      %dma_wait3A_545 = tpu.memref_slice %arg4[%add3A_525, %dma_wait3A_544] : memref<2584x128xi32, #tpu.memory_space<hbm>> -> memref<32x128xi32, #tpu.memory_space<hbm>>
      %dma_wait3A_546 = arith.constant 0 : i32
      %dma_wait3A_547 = arith.constant 0 : i32
      %dma_wait3A_548 = tpu.memref_slice %arg8[%dma_wait3A_539, %dma_wait3A_546, %dma_wait3A_547] : memref<2x32x128xi32, #tpu.memory_space<vmem>> -> memref<1x32x128xi32, #tpu.memory_space<vmem>>
      %dma_wait3A_549 = tpu.memref_squeeze %dma_wait3A_548 : memref<1x32x128xi32, #tpu.memory_space<vmem>> -> memref<32x128xi32, #tpu.memory_space<vmem>>
      %dma_wait3A_550 = arith.constant 0 : i32
      %dma_wait3A_551 = tpu.memref_slice %arg4[%add3A_525, %dma_wait3A_550] : memref<2584x128xi32, #tpu.memory_space<hbm>> -> memref<32x128xi32, #tpu.memory_space<hbm>>
      tpu.wait_dma2 semaphore(%arg16 : memref<!tpu.dma_semaphore, #tpu.memory_space<semaphore_mem>>) src(%dma_wait3A_551 : memref<32x128xi32, #tpu.memory_space<hbm>>) dst(%dma_wait3A_549 : memref<32x128xi32, #tpu.memory_space<vmem>>)
      %dma_start3A_552 = arith.constant 1 : i32
      %dma_start3A_553 = arith.constant 0 : i32
      %dma_start3A_554 = arith.constant 0 : i32
      %dma_start3A_555 = tpu.memref_slice %arg7[%dma_start3A_552, %dma_start3A_553, %dma_start3A_554] : memref<2x32x128xi32, #tpu.memory_space<vmem>> -> memref<1x1x128xi32, #tpu.memory_space<vmem>>
      %dma_start3A_556 = tpu.memref_squeeze %dma_start3A_555 : memref<1x1x128xi32, #tpu.memory_space<vmem>> -> memref<128xi32, #tpu.memory_space<vmem>>
      %dma_start3A_557 = arith.constant 0 : i32
      %dma_start3A_558 = arith.constant 0 : i32
      %dma_start3A_559 = tpu.memref_slice %arg2[%dma_start3A_557, %dma_start3A_558] : memref<10000x128xf32, #tpu.memory_space<hbm>> -> memref<10000x128xf32, #tpu.memory_space<hbm>>
      tpu.enqueue_indirect_dma source(%dma_start3A_559 : memref<10000x128xf32, #tpu.memory_space<hbm>>) target(%arg9 : memref<128x128xf32, #tpu.memory_space<vmem>>) offsets(%dma_start3A_556 : memref<128xi32, #tpu.memory_space<vmem>>) semaphore(%arg12 : memref<!tpu.dma_semaphore, #tpu.memory_space<semaphore_mem>>)
      %dma_start3A_560 = arith.constant 1 : i32
      %dma_start3A_561 = arith.constant 1 : i32
      %dma_start3A_562 = arith.constant 0 : i32
      %dma_start3A_563 = tpu.memref_slice %arg7[%dma_start3A_560, %dma_start3A_561, %dma_start3A_562] : memref<2x32x128xi32, #tpu.memory_space<vmem>> -> memref<1x1x128xi32, #tpu.memory_space<vmem>>
      %dma_start3A_564 = tpu.memref_squeeze %dma_start3A_563 : memref<1x1x128xi32, #tpu.memory_space<vmem>> -> memref<128xi32, #tpu.memory_space<vmem>>
      %dma_start3A_565 = arith.constant 0 : i32
      %dma_start3A_566 = arith.constant 0 : i32
      %dma_start3A_567 = tpu.memref_slice %arg2[%dma_start3A_565, %dma_start3A_566] : memref<10000x128xf32, #tpu.memory_space<hbm>> -> memref<10000x128xf32, #tpu.memory_space<hbm>>
      tpu.enqueue_indirect_dma source(%dma_start3A_567 : memref<10000x128xf32, #tpu.memory_space<hbm>>) target(%arg10 : memref<128x128xf32, #tpu.memory_space<vmem>>) offsets(%dma_start3A_564 : memref<128xi32, #tpu.memory_space<vmem>>) semaphore(%arg13 : memref<!tpu.dma_semaphore, #tpu.memory_space<semaphore_mem>>)
      %dma_wait3A_568 = arith.constant 1 : i32
      %dma_wait3A_569 = arith.constant 0 : i32
      %dma_wait3A_570 = arith.constant 0 : i32
      %dma_wait3A_571 = tpu.memref_slice %arg7[%dma_wait3A_568, %dma_wait3A_569, %dma_wait3A_570] : memref<2x32x128xi32, #tpu.memory_space<vmem>> -> memref<1x1x128xi32, #tpu.memory_space<vmem>>
      %dma_wait3A_572 = tpu.memref_squeeze %dma_wait3A_571 : memref<1x1x128xi32, #tpu.memory_space<vmem>> -> memref<128xi32, #tpu.memory_space<vmem>>
      %dma_wait3A_573 = arith.constant 0 : i32
      %dma_wait3A_574 = arith.constant 0 : i32
      %dma_wait3A_575 = tpu.memref_slice %arg2[%dma_wait3A_573, %dma_wait3A_574] : memref<10000x128xf32, #tpu.memory_space<hbm>> -> memref<10000x128xf32, #tpu.memory_space<hbm>>
      tpu.wait_indirect_dma semaphore(%arg12 : memref<!tpu.dma_semaphore, #tpu.memory_space<semaphore_mem>>) src(%dma_wait3A_575 : memref<10000x128xf32, #tpu.memory_space<hbm>>) dst(%arg9 : memref<128x128xf32, #tpu.memory_space<vmem>>)
      %dma_start3A_576 = arith.constant 1 : i32
      %dma_start3A_577 = arith.constant 0 : i32
      %dma_start3A_578 = arith.constant 0 : i32
      %dma_start3A_579 = tpu.memref_slice %arg8[%dma_start3A_576, %dma_start3A_577, %dma_start3A_578] : memref<2x32x128xi32, #tpu.memory_space<vmem>> -> memref<1x1x128xi32, #tpu.memory_space<vmem>>
      %dma_start3A_580 = tpu.memref_squeeze %dma_start3A_579 : memref<1x1x128xi32, #tpu.memory_space<vmem>> -> memref<128xi32, #tpu.memory_space<vmem>>
      %dma_start3A_581 = arith.constant 0 : i32
      %dma_start3A_582 = arith.constant 0 : i32
      %dma_start3A_583 = tpu.memref_slice %arg11[%dma_start3A_581, %dma_start3A_582] : memref<10240x128xf32, #tpu.memory_space<vmem_shared>> -> memref<10240x128xf32, #tpu.memory_space<vmem_shared>>
      tpu.enqueue_indirect_dma source(%arg9 : memref<128x128xf32, #tpu.memory_space<vmem>>) target(%dma_start3A_583 : memref<10240x128xf32, #tpu.memory_space<vmem_shared>>) offsets(%dma_start3A_580 : memref<128xi32, #tpu.memory_space<vmem>>) semaphore(%arg14 : memref<!tpu.dma_semaphore, #tpu.memory_space<semaphore_mem>>) {add = true}
      %sub3A_584 = arith.constant 2 : i32
      %sub3A_585 = arith.subi %sub3A_1, %sub3A_584 : i32
      %jit3A_586 = arith.constant 2 : i32
      %div3A_587 = arith.divsi %sub3A_585, %jit3A_586 : i32
      %sign3A_588 = arith.constant 0 : i32
      %sign3A_589 = arith.cmpi sgt, %sub3A_585, %sign3A_588 : i32
      %sign3A_590 = arith.extui %sign3A_589 : i1 to i32
      %sign3A_591 = arith.constant 0 : i32
      %sign3A_592 = arith.cmpi slt, %sub3A_585, %sign3A_591 : i32
      %sign3A_593 = arith.extui %sign3A_592 : i1 to i32
      %sign3A_594 = arith.subi %sign3A_590, %sign3A_593 : i32
      %sign3A_595 = arith.constant 0 : i32
      %sign3A_596 = arith.cmpi sgt, %jit3A_586, %sign3A_595 : i32
      %sign3A_597 = arith.extui %sign3A_596 : i1 to i32
      %sign3A_598 = arith.constant 0 : i32
      %sign3A_599 = arith.cmpi slt, %jit3A_586, %sign3A_598 : i32
      %sign3A_600 = arith.extui %sign3A_599 : i1 to i32
      %sign3A_601 = arith.subi %sign3A_597, %sign3A_600 : i32
      %ne3A_602 = arith.cmpi ne, %sign3A_594, %sign3A_601 : i32
      %rem3A_603 = arith.remsi %sub3A_585, %jit3A_586 : i32
      %ne3A_604 = arith.constant 0 : i32
      %ne3A_605 = arith.cmpi ne, %rem3A_603, %ne3A_604 : i32
      %and3A_606 = arith.andi %ne3A_602, %ne3A_605 : i1
      %sub3A_607 = arith.constant 1 : i32
      %sub3A_608 = arith.subi %div3A_587, %sub3A_607 : i32
      %select_n3A_609 = arith.select %and3A_606, %sub3A_608, %div3A_587 : i32
      %while3A_610 = arith.constant 0 : i32
      %while3A_611 = arith.constant 0 : i32
      %while3A_612 = arith.subi %select_n3A_609, %while3A_611 : i32
      %while3A_613 = arith.addi %while3A_611, %while3A_612 : i32
      %while3A_614 = arith.constant 1 : i32
      %while3A_615 = arith.divsi %while3A_612, %while3A_614 : i32
      %while3A_616 = arith.muli %while3A_615, %while3A_614 : i32
      %while3A_617 = arith.addi %while3A_611, %while3A_616 : i32
      %while3A_618 = arith.constant 1 : i32
      scf.for %while3A_656 = %while3A_611 to %while3A_617 step %while3A_618  : i32 {
        %mul3A_657 = arith.constant 2 : i32
        %mul3A_658 = arith.muli %mul3A_657, %while3A_656 : i32
        %add3A_659 = arith.constant 1 : i32
        %add3A_660 = arith.addi %add3A_659, %mul3A_658 : i32
        %sub3A_661 = arith.constant 1 : i32
        %sub3A_662 = arith.subi %add3A_660, %sub3A_661 : i32
        %dma_wait3A_663 = arith.constant 1 : i32
        %dma_wait3A_664 = arith.constant 0 : i32
        %dma_wait3A_665 = tpu.memref_slice %arg8[%dma_wait3A_663, %sub3A_662, %dma_wait3A_664] : memref<2x32x128xi32, #tpu.memory_space<vmem>> -> memref<1x1x128xi32, #tpu.memory_space<vmem>>
        %dma_wait3A_666 = tpu.memref_squeeze %dma_wait3A_665 : memref<1x1x128xi32, #tpu.memory_space<vmem>> -> memref<128xi32, #tpu.memory_space<vmem>>
        %dma_wait3A_667 = arith.constant 0 : i32
        %dma_wait3A_668 = arith.constant 0 : i32
        %dma_wait3A_669 = tpu.memref_slice %arg11[%dma_wait3A_667, %dma_wait3A_668] : memref<10240x128xf32, #tpu.memory_space<vmem_shared>> -> memref<10240x128xf32, #tpu.memory_space<vmem_shared>>
        tpu.wait_indirect_dma semaphore(%arg14 : memref<!tpu.dma_semaphore, #tpu.memory_space<semaphore_mem>>) src(%arg9 : memref<128x128xf32, #tpu.memory_space<vmem>>) dst(%dma_wait3A_669 : memref<10240x128xf32, #tpu.memory_space<vmem_shared>>)
        %add3A_670 = arith.constant 1 : i32
        %add3A_671 = arith.addi %add3A_660, %add3A_670 : i32
        %dma_start3A_672 = arith.constant 1 : i32
        %dma_start3A_673 = arith.constant 0 : i32
        %dma_start3A_674 = tpu.memref_slice %arg7[%dma_start3A_672, %add3A_671, %dma_start3A_673] : memref<2x32x128xi32, #tpu.memory_space<vmem>> -> memref<1x1x128xi32, #tpu.memory_space<vmem>>
        %dma_start3A_675 = tpu.memref_squeeze %dma_start3A_674 : memref<1x1x128xi32, #tpu.memory_space<vmem>> -> memref<128xi32, #tpu.memory_space<vmem>>
        %dma_start3A_676 = arith.constant 0 : i32
        %dma_start3A_677 = arith.constant 0 : i32
        %dma_start3A_678 = tpu.memref_slice %arg2[%dma_start3A_676, %dma_start3A_677] : memref<10000x128xf32, #tpu.memory_space<hbm>> -> memref<10000x128xf32, #tpu.memory_space<hbm>>
        tpu.enqueue_indirect_dma source(%dma_start3A_678 : memref<10000x128xf32, #tpu.memory_space<hbm>>) target(%arg9 : memref<128x128xf32, #tpu.memory_space<vmem>>) offsets(%dma_start3A_675 : memref<128xi32, #tpu.memory_space<vmem>>) semaphore(%arg12 : memref<!tpu.dma_semaphore, #tpu.memory_space<semaphore_mem>>)
        %dma_wait3A_679 = arith.constant 1 : i32
        %dma_wait3A_680 = arith.constant 0 : i32
        %dma_wait3A_681 = tpu.memref_slice %arg7[%dma_wait3A_679, %add3A_660, %dma_wait3A_680] : memref<2x32x128xi32, #tpu.memory_space<vmem>> -> memref<1x1x128xi32, #tpu.memory_space<vmem>>
        %dma_wait3A_682 = tpu.memref_squeeze %dma_wait3A_681 : memref<1x1x128xi32, #tpu.memory_space<vmem>> -> memref<128xi32, #tpu.memory_space<vmem>>
        %dma_wait3A_683 = arith.constant 0 : i32
        %dma_wait3A_684 = arith.constant 0 : i32
        %dma_wait3A_685 = tpu.memref_slice %arg2[%dma_wait3A_683, %dma_wait3A_684] : memref<10000x128xf32, #tpu.memory_space<hbm>> -> memref<10000x128xf32, #tpu.memory_space<hbm>>
        tpu.wait_indirect_dma semaphore(%arg13 : memref<!tpu.dma_semaphore, #tpu.memory_space<semaphore_mem>>) src(%dma_wait3A_685 : memref<10000x128xf32, #tpu.memory_space<hbm>>) dst(%arg10 : memref<128x128xf32, #tpu.memory_space<vmem>>)
        %dma_start3A_686 = arith.constant 1 : i32
        %dma_start3A_687 = arith.constant 0 : i32
        %dma_start3A_688 = tpu.memref_slice %arg8[%dma_start3A_686, %add3A_660, %dma_start3A_687] : memref<2x32x128xi32, #tpu.memory_space<vmem>> -> memref<1x1x128xi32, #tpu.memory_space<vmem>>
        %dma_start3A_689 = tpu.memref_squeeze %dma_start3A_688 : memref<1x1x128xi32, #tpu.memory_space<vmem>> -> memref<128xi32, #tpu.memory_space<vmem>>
        %dma_start3A_690 = arith.constant 0 : i32
        %dma_start3A_691 = arith.constant 0 : i32
        %dma_start3A_692 = tpu.memref_slice %arg11[%dma_start3A_690, %dma_start3A_691] : memref<10240x128xf32, #tpu.memory_space<vmem_shared>> -> memref<10240x128xf32, #tpu.memory_space<vmem_shared>>
        tpu.enqueue_indirect_dma source(%arg10 : memref<128x128xf32, #tpu.memory_space<vmem>>) target(%dma_start3A_692 : memref<10240x128xf32, #tpu.memory_space<vmem_shared>>) offsets(%dma_start3A_689 : memref<128xi32, #tpu.memory_space<vmem>>) semaphore(%arg15 : memref<!tpu.dma_semaphore, #tpu.memory_space<semaphore_mem>>) {add = true}
        %add3A_693 = arith.constant 1 : i32
        %add3A_694 = arith.addi %add3A_660, %add3A_693 : i32
        %sub3A_695 = arith.constant 1 : i32
        %sub3A_696 = arith.subi %add3A_694, %sub3A_695 : i32
        %dma_wait3A_697 = arith.constant 1 : i32
        %dma_wait3A_698 = arith.constant 0 : i32
        %dma_wait3A_699 = tpu.memref_slice %arg8[%dma_wait3A_697, %sub3A_696, %dma_wait3A_698] : memref<2x32x128xi32, #tpu.memory_space<vmem>> -> memref<1x1x128xi32, #tpu.memory_space<vmem>>
        %dma_wait3A_700 = tpu.memref_squeeze %dma_wait3A_699 : memref<1x1x128xi32, #tpu.memory_space<vmem>> -> memref<128xi32, #tpu.memory_space<vmem>>
        %dma_wait3A_701 = arith.constant 0 : i32
        %dma_wait3A_702 = arith.constant 0 : i32
        %dma_wait3A_703 = tpu.memref_slice %arg11[%dma_wait3A_701, %dma_wait3A_702] : memref<10240x128xf32, #tpu.memory_space<vmem_shared>> -> memref<10240x128xf32, #tpu.memory_space<vmem_shared>>
        tpu.wait_indirect_dma semaphore(%arg15 : memref<!tpu.dma_semaphore, #tpu.memory_space<semaphore_mem>>) src(%arg10 : memref<128x128xf32, #tpu.memory_space<vmem>>) dst(%dma_wait3A_703 : memref<10240x128xf32, #tpu.memory_space<vmem_shared>>)
        %add3A_704 = arith.constant 1 : i32
        %add3A_705 = arith.addi %add3A_694, %add3A_704 : i32
        %dma_start3A_706 = arith.constant 1 : i32
        %dma_start3A_707 = arith.constant 0 : i32
        %dma_start3A_708 = tpu.memref_slice %arg7[%dma_start3A_706, %add3A_705, %dma_start3A_707] : memref<2x32x128xi32, #tpu.memory_space<vmem>> -> memref<1x1x128xi32, #tpu.memory_space<vmem>>
        %dma_start3A_709 = tpu.memref_squeeze %dma_start3A_708 : memref<1x1x128xi32, #tpu.memory_space<vmem>> -> memref<128xi32, #tpu.memory_space<vmem>>
        %dma_start3A_710 = arith.constant 0 : i32
        %dma_start3A_711 = arith.constant 0 : i32
        %dma_start3A_712 = tpu.memref_slice %arg2[%dma_start3A_710, %dma_start3A_711] : memref<10000x128xf32, #tpu.memory_space<hbm>> -> memref<10000x128xf32, #tpu.memory_space<hbm>>
        tpu.enqueue_indirect_dma source(%dma_start3A_712 : memref<10000x128xf32, #tpu.memory_space<hbm>>) target(%arg10 : memref<128x128xf32, #tpu.memory_space<vmem>>) offsets(%dma_start3A_709 : memref<128xi32, #tpu.memory_space<vmem>>) semaphore(%arg13 : memref<!tpu.dma_semaphore, #tpu.memory_space<semaphore_mem>>)
        %dma_wait3A_713 = arith.constant 1 : i32
        %dma_wait3A_714 = arith.constant 0 : i32
        %dma_wait3A_715 = tpu.memref_slice %arg7[%dma_wait3A_713, %add3A_694, %dma_wait3A_714] : memref<2x32x128xi32, #tpu.memory_space<vmem>> -> memref<1x1x128xi32, #tpu.memory_space<vmem>>
        %dma_wait3A_716 = tpu.memref_squeeze %dma_wait3A_715 : memref<1x1x128xi32, #tpu.memory_space<vmem>> -> memref<128xi32, #tpu.memory_space<vmem>>
        %dma_wait3A_717 = arith.constant 0 : i32
        %dma_wait3A_718 = arith.constant 0 : i32
        %dma_wait3A_719 = tpu.memref_slice %arg2[%dma_wait3A_717, %dma_wait3A_718] : memref<10000x128xf32, #tpu.memory_space<hbm>> -> memref<10000x128xf32, #tpu.memory_space<hbm>>
        tpu.wait_indirect_dma semaphore(%arg12 : memref<!tpu.dma_semaphore, #tpu.memory_space<semaphore_mem>>) src(%dma_wait3A_719 : memref<10000x128xf32, #tpu.memory_space<hbm>>) dst(%arg9 : memref<128x128xf32, #tpu.memory_space<vmem>>)
        %dma_start3A_720 = arith.constant 1 : i32
        %dma_start3A_721 = arith.constant 0 : i32
        %dma_start3A_722 = tpu.memref_slice %arg8[%dma_start3A_720, %add3A_694, %dma_start3A_721] : memref<2x32x128xi32, #tpu.memory_space<vmem>> -> memref<1x1x128xi32, #tpu.memory_space<vmem>>
        %dma_start3A_723 = tpu.memref_squeeze %dma_start3A_722 : memref<1x1x128xi32, #tpu.memory_space<vmem>> -> memref<128xi32, #tpu.memory_space<vmem>>
        %dma_start3A_724 = arith.constant 0 : i32
        %dma_start3A_725 = arith.constant 0 : i32
        %dma_start3A_726 = tpu.memref_slice %arg11[%dma_start3A_724, %dma_start3A_725] : memref<10240x128xf32, #tpu.memory_space<vmem_shared>> -> memref<10240x128xf32, #tpu.memory_space<vmem_shared>>
        tpu.enqueue_indirect_dma source(%arg9 : memref<128x128xf32, #tpu.memory_space<vmem>>) target(%dma_start3A_726 : memref<10240x128xf32, #tpu.memory_space<vmem_shared>>) offsets(%dma_start3A_723 : memref<128xi32, #tpu.memory_space<vmem>>) semaphore(%arg14 : memref<!tpu.dma_semaphore, #tpu.memory_space<semaphore_mem>>) {add = true}
      }
      %while3A_619 = arith.constant 1 : i32
      scf.for %while3A_656 = %while3A_617 to %while3A_613 step %while3A_619  : i32 {
        %mul3A_657 = arith.constant 2 : i32
        %mul3A_658 = arith.muli %mul3A_657, %while3A_656 : i32
        %add3A_659 = arith.constant 1 : i32
        %add3A_660 = arith.addi %add3A_659, %mul3A_658 : i32
        %sub3A_661 = arith.constant 1 : i32
        %sub3A_662 = arith.subi %add3A_660, %sub3A_661 : i32
        %dma_wait3A_663 = arith.constant 1 : i32
        %dma_wait3A_664 = arith.constant 0 : i32
        %dma_wait3A_665 = tpu.memref_slice %arg8[%dma_wait3A_663, %sub3A_662, %dma_wait3A_664] : memref<2x32x128xi32, #tpu.memory_space<vmem>> -> memref<1x1x128xi32, #tpu.memory_space<vmem>>
        %dma_wait3A_666 = tpu.memref_squeeze %dma_wait3A_665 : memref<1x1x128xi32, #tpu.memory_space<vmem>> -> memref<128xi32, #tpu.memory_space<vmem>>
        %dma_wait3A_667 = arith.constant 0 : i32
        %dma_wait3A_668 = arith.constant 0 : i32
        %dma_wait3A_669 = tpu.memref_slice %arg11[%dma_wait3A_667, %dma_wait3A_668] : memref<10240x128xf32, #tpu.memory_space<vmem_shared>> -> memref<10240x128xf32, #tpu.memory_space<vmem_shared>>
        tpu.wait_indirect_dma semaphore(%arg14 : memref<!tpu.dma_semaphore, #tpu.memory_space<semaphore_mem>>) src(%arg9 : memref<128x128xf32, #tpu.memory_space<vmem>>) dst(%dma_wait3A_669 : memref<10240x128xf32, #tpu.memory_space<vmem_shared>>)
        %add3A_670 = arith.constant 1 : i32
        %add3A_671 = arith.addi %add3A_660, %add3A_670 : i32
        %dma_start3A_672 = arith.constant 1 : i32
        %dma_start3A_673 = arith.constant 0 : i32
        %dma_start3A_674 = tpu.memref_slice %arg7[%dma_start3A_672, %add3A_671, %dma_start3A_673] : memref<2x32x128xi32, #tpu.memory_space<vmem>> -> memref<1x1x128xi32, #tpu.memory_space<vmem>>
        %dma_start3A_675 = tpu.memref_squeeze %dma_start3A_674 : memref<1x1x128xi32, #tpu.memory_space<vmem>> -> memref<128xi32, #tpu.memory_space<vmem>>
        %dma_start3A_676 = arith.constant 0 : i32
        %dma_start3A_677 = arith.constant 0 : i32
        %dma_start3A_678 = tpu.memref_slice %arg2[%dma_start3A_676, %dma_start3A_677] : memref<10000x128xf32, #tpu.memory_space<hbm>> -> memref<10000x128xf32, #tpu.memory_space<hbm>>
        tpu.enqueue_indirect_dma source(%dma_start3A_678 : memref<10000x128xf32, #tpu.memory_space<hbm>>) target(%arg9 : memref<128x128xf32, #tpu.memory_space<vmem>>) offsets(%dma_start3A_675 : memref<128xi32, #tpu.memory_space<vmem>>) semaphore(%arg12 : memref<!tpu.dma_semaphore, #tpu.memory_space<semaphore_mem>>)
        %dma_wait3A_679 = arith.constant 1 : i32
        %dma_wait3A_680 = arith.constant 0 : i32
        %dma_wait3A_681 = tpu.memref_slice %arg7[%dma_wait3A_679, %add3A_660, %dma_wait3A_680] : memref<2x32x128xi32, #tpu.memory_space<vmem>> -> memref<1x1x128xi32, #tpu.memory_space<vmem>>
        %dma_wait3A_682 = tpu.memref_squeeze %dma_wait3A_681 : memref<1x1x128xi32, #tpu.memory_space<vmem>> -> memref<128xi32, #tpu.memory_space<vmem>>
        %dma_wait3A_683 = arith.constant 0 : i32
        %dma_wait3A_684 = arith.constant 0 : i32
        %dma_wait3A_685 = tpu.memref_slice %arg2[%dma_wait3A_683, %dma_wait3A_684] : memref<10000x128xf32, #tpu.memory_space<hbm>> -> memref<10000x128xf32, #tpu.memory_space<hbm>>
        tpu.wait_indirect_dma semaphore(%arg13 : memref<!tpu.dma_semaphore, #tpu.memory_space<semaphore_mem>>) src(%dma_wait3A_685 : memref<10000x128xf32, #tpu.memory_space<hbm>>) dst(%arg10 : memref<128x128xf32, #tpu.memory_space<vmem>>)
        %dma_start3A_686 = arith.constant 1 : i32
        %dma_start3A_687 = arith.constant 0 : i32
        %dma_start3A_688 = tpu.memref_slice %arg8[%dma_start3A_686, %add3A_660, %dma_start3A_687] : memref<2x32x128xi32, #tpu.memory_space<vmem>> -> memref<1x1x128xi32, #tpu.memory_space<vmem>>
        %dma_start3A_689 = tpu.memref_squeeze %dma_start3A_688 : memref<1x1x128xi32, #tpu.memory_space<vmem>> -> memref<128xi32, #tpu.memory_space<vmem>>
        %dma_start3A_690 = arith.constant 0 : i32
        %dma_start3A_691 = arith.constant 0 : i32
        %dma_start3A_692 = tpu.memref_slice %arg11[%dma_start3A_690, %dma_start3A_691] : memref<10240x128xf32, #tpu.memory_space<vmem_shared>> -> memref<10240x128xf32, #tpu.memory_space<vmem_shared>>
        tpu.enqueue_indirect_dma source(%arg10 : memref<128x128xf32, #tpu.memory_space<vmem>>) target(%dma_start3A_692 : memref<10240x128xf32, #tpu.memory_space<vmem_shared>>) offsets(%dma_start3A_689 : memref<128xi32, #tpu.memory_space<vmem>>) semaphore(%arg15 : memref<!tpu.dma_semaphore, #tpu.memory_space<semaphore_mem>>) {add = true}
        %add3A_693 = arith.constant 1 : i32
        %add3A_694 = arith.addi %add3A_660, %add3A_693 : i32
        %sub3A_695 = arith.constant 1 : i32
        %sub3A_696 = arith.subi %add3A_694, %sub3A_695 : i32
        %dma_wait3A_697 = arith.constant 1 : i32
        %dma_wait3A_698 = arith.constant 0 : i32
        %dma_wait3A_699 = tpu.memref_slice %arg8[%dma_wait3A_697, %sub3A_696, %dma_wait3A_698] : memref<2x32x128xi32, #tpu.memory_space<vmem>> -> memref<1x1x128xi32, #tpu.memory_space<vmem>>
        %dma_wait3A_700 = tpu.memref_squeeze %dma_wait3A_699 : memref<1x1x128xi32, #tpu.memory_space<vmem>> -> memref<128xi32, #tpu.memory_space<vmem>>
        %dma_wait3A_701 = arith.constant 0 : i32
        %dma_wait3A_702 = arith.constant 0 : i32
        %dma_wait3A_703 = tpu.memref_slice %arg11[%dma_wait3A_701, %dma_wait3A_702] : memref<10240x128xf32, #tpu.memory_space<vmem_shared>> -> memref<10240x128xf32, #tpu.memory_space<vmem_shared>>
        tpu.wait_indirect_dma semaphore(%arg15 : memref<!tpu.dma_semaphore, #tpu.memory_space<semaphore_mem>>) src(%arg10 : memref<128x128xf32, #tpu.memory_space<vmem>>) dst(%dma_wait3A_703 : memref<10240x128xf32, #tpu.memory_space<vmem_shared>>)
        %add3A_704 = arith.constant 1 : i32
        %add3A_705 = arith.addi %add3A_694, %add3A_704 : i32
        %dma_start3A_706 = arith.constant 1 : i32
        %dma_start3A_707 = arith.constant 0 : i32
        %dma_start3A_708 = tpu.memref_slice %arg7[%dma_start3A_706, %add3A_705, %dma_start3A_707] : memref<2x32x128xi32, #tpu.memory_space<vmem>> -> memref<1x1x128xi32, #tpu.memory_space<vmem>>
        %dma_start3A_709 = tpu.memref_squeeze %dma_start3A_708 : memref<1x1x128xi32, #tpu.memory_space<vmem>> -> memref<128xi32, #tpu.memory_space<vmem>>
        %dma_start3A_710 = arith.constant 0 : i32
        %dma_start3A_711 = arith.constant 0 : i32
        %dma_start3A_712 = tpu.memref_slice %arg2[%dma_start3A_710, %dma_start3A_711] : memref<10000x128xf32, #tpu.memory_space<hbm>> -> memref<10000x128xf32, #tpu.memory_space<hbm>>
        tpu.enqueue_indirect_dma source(%dma_start3A_712 : memref<10000x128xf32, #tpu.memory_space<hbm>>) target(%arg10 : memref<128x128xf32, #tpu.memory_space<vmem>>) offsets(%dma_start3A_709 : memref<128xi32, #tpu.memory_space<vmem>>) semaphore(%arg13 : memref<!tpu.dma_semaphore, #tpu.memory_space<semaphore_mem>>)
        %dma_wait3A_713 = arith.constant 1 : i32
        %dma_wait3A_714 = arith.constant 0 : i32
        %dma_wait3A_715 = tpu.memref_slice %arg7[%dma_wait3A_713, %add3A_694, %dma_wait3A_714] : memref<2x32x128xi32, #tpu.memory_space<vmem>> -> memref<1x1x128xi32, #tpu.memory_space<vmem>>
        %dma_wait3A_716 = tpu.memref_squeeze %dma_wait3A_715 : memref<1x1x128xi32, #tpu.memory_space<vmem>> -> memref<128xi32, #tpu.memory_space<vmem>>
        %dma_wait3A_717 = arith.constant 0 : i32
        %dma_wait3A_718 = arith.constant 0 : i32
        %dma_wait3A_719 = tpu.memref_slice %arg2[%dma_wait3A_717, %dma_wait3A_718] : memref<10000x128xf32, #tpu.memory_space<hbm>> -> memref<10000x128xf32, #tpu.memory_space<hbm>>
        tpu.wait_indirect_dma semaphore(%arg12 : memref<!tpu.dma_semaphore, #tpu.memory_space<semaphore_mem>>) src(%dma_wait3A_719 : memref<10000x128xf32, #tpu.memory_space<hbm>>) dst(%arg9 : memref<128x128xf32, #tpu.memory_space<vmem>>)
        %dma_start3A_720 = arith.constant 1 : i32
        %dma_start3A_721 = arith.constant 0 : i32
        %dma_start3A_722 = tpu.memref_slice %arg8[%dma_start3A_720, %add3A_694, %dma_start3A_721] : memref<2x32x128xi32, #tpu.memory_space<vmem>> -> memref<1x1x128xi32, #tpu.memory_space<vmem>>
        %dma_start3A_723 = tpu.memref_squeeze %dma_start3A_722 : memref<1x1x128xi32, #tpu.memory_space<vmem>> -> memref<128xi32, #tpu.memory_space<vmem>>
        %dma_start3A_724 = arith.constant 0 : i32
        %dma_start3A_725 = arith.constant 0 : i32
        %dma_start3A_726 = tpu.memref_slice %arg11[%dma_start3A_724, %dma_start3A_725] : memref<10240x128xf32, #tpu.memory_space<vmem_shared>> -> memref<10240x128xf32, #tpu.memory_space<vmem_shared>>
        tpu.enqueue_indirect_dma source(%arg9 : memref<128x128xf32, #tpu.memory_space<vmem>>) target(%dma_start3A_726 : memref<10240x128xf32, #tpu.memory_space<vmem_shared>>) offsets(%dma_start3A_723 : memref<128xi32, #tpu.memory_space<vmem>>) semaphore(%arg14 : memref<!tpu.dma_semaphore, #tpu.memory_space<semaphore_mem>>) {add = true}
      }
      %sub3A_620 = arith.constant 2 : i32
      %sub3A_621 = arith.subi %sub3A_1, %sub3A_620 : i32
      %dma_wait3A_622 = arith.constant 1 : i32
      %dma_wait3A_623 = arith.constant 0 : i32
      %dma_wait3A_624 = tpu.memref_slice %arg8[%dma_wait3A_622, %sub3A_621, %dma_wait3A_623] : memref<2x32x128xi32, #tpu.memory_space<vmem>> -> memref<1x1x128xi32, #tpu.memory_space<vmem>>
      %dma_wait3A_625 = tpu.memref_squeeze %dma_wait3A_624 : memref<1x1x128xi32, #tpu.memory_space<vmem>> -> memref<128xi32, #tpu.memory_space<vmem>>
      %dma_wait3A_626 = arith.constant 0 : i32
      %dma_wait3A_627 = arith.constant 0 : i32
      %dma_wait3A_628 = tpu.memref_slice %arg11[%dma_wait3A_626, %dma_wait3A_627] : memref<10240x128xf32, #tpu.memory_space<vmem_shared>> -> memref<10240x128xf32, #tpu.memory_space<vmem_shared>>
      tpu.wait_indirect_dma semaphore(%arg14 : memref<!tpu.dma_semaphore, #tpu.memory_space<semaphore_mem>>) src(%arg9 : memref<128x128xf32, #tpu.memory_space<vmem>>) dst(%dma_wait3A_628 : memref<10240x128xf32, #tpu.memory_space<vmem_shared>>)
      %sub3A_629 = arith.constant 1 : i32
      %sub3A_630 = arith.subi %sub3A_1, %sub3A_629 : i32
      %dma_wait3A_631 = arith.constant 1 : i32
      %dma_wait3A_632 = arith.constant 0 : i32
      %dma_wait3A_633 = tpu.memref_slice %arg7[%dma_wait3A_631, %sub3A_630, %dma_wait3A_632] : memref<2x32x128xi32, #tpu.memory_space<vmem>> -> memref<1x1x128xi32, #tpu.memory_space<vmem>>
      %dma_wait3A_634 = tpu.memref_squeeze %dma_wait3A_633 : memref<1x1x128xi32, #tpu.memory_space<vmem>> -> memref<128xi32, #tpu.memory_space<vmem>>
      %dma_wait3A_635 = arith.constant 0 : i32
      %dma_wait3A_636 = arith.constant 0 : i32
      %dma_wait3A_637 = tpu.memref_slice %arg2[%dma_wait3A_635, %dma_wait3A_636] : memref<10000x128xf32, #tpu.memory_space<hbm>> -> memref<10000x128xf32, #tpu.memory_space<hbm>>
      tpu.wait_indirect_dma semaphore(%arg13 : memref<!tpu.dma_semaphore, #tpu.memory_space<semaphore_mem>>) src(%dma_wait3A_637 : memref<10000x128xf32, #tpu.memory_space<hbm>>) dst(%arg10 : memref<128x128xf32, #tpu.memory_space<vmem>>)
      %sub3A_638 = arith.constant 1 : i32
      %sub3A_639 = arith.subi %sub3A_1, %sub3A_638 : i32
      %dma_start3A_640 = arith.constant 1 : i32
      %dma_start3A_641 = arith.constant 0 : i32
      %dma_start3A_642 = tpu.memref_slice %arg8[%dma_start3A_640, %sub3A_639, %dma_start3A_641] : memref<2x32x128xi32, #tpu.memory_space<vmem>> -> memref<1x1x128xi32, #tpu.memory_space<vmem>>
      %dma_start3A_643 = tpu.memref_squeeze %dma_start3A_642 : memref<1x1x128xi32, #tpu.memory_space<vmem>> -> memref<128xi32, #tpu.memory_space<vmem>>
      %dma_start3A_644 = arith.constant 0 : i32
      %dma_start3A_645 = arith.constant 0 : i32
      %dma_start3A_646 = tpu.memref_slice %arg11[%dma_start3A_644, %dma_start3A_645] : memref<10240x128xf32, #tpu.memory_space<vmem_shared>> -> memref<10240x128xf32, #tpu.memory_space<vmem_shared>>
      tpu.enqueue_indirect_dma source(%arg10 : memref<128x128xf32, #tpu.memory_space<vmem>>) target(%dma_start3A_646 : memref<10240x128xf32, #tpu.memory_space<vmem_shared>>) offsets(%dma_start3A_643 : memref<128xi32, #tpu.memory_space<vmem>>) semaphore(%arg15 : memref<!tpu.dma_semaphore, #tpu.memory_space<semaphore_mem>>) {add = true}
      %sub3A_647 = arith.constant 1 : i32
      %sub3A_648 = arith.subi %sub3A_1, %sub3A_647 : i32
      %dma_wait3A_649 = arith.constant 1 : i32
      %dma_wait3A_650 = arith.constant 0 : i32
      %dma_wait3A_651 = tpu.memref_slice %arg8[%dma_wait3A_649, %sub3A_648, %dma_wait3A_650] : memref<2x32x128xi32, #tpu.memory_space<vmem>> -> memref<1x1x128xi32, #tpu.memory_space<vmem>>
      %dma_wait3A_652 = tpu.memref_squeeze %dma_wait3A_651 : memref<1x1x128xi32, #tpu.memory_space<vmem>> -> memref<128xi32, #tpu.memory_space<vmem>>
      %dma_wait3A_653 = arith.constant 0 : i32
      %dma_wait3A_654 = arith.constant 0 : i32
      %dma_wait3A_655 = tpu.memref_slice %arg11[%dma_wait3A_653, %dma_wait3A_654] : memref<10240x128xf32, #tpu.memory_space<vmem_shared>> -> memref<10240x128xf32, #tpu.memory_space<vmem_shared>>
      tpu.wait_indirect_dma semaphore(%arg15 : memref<!tpu.dma_semaphore, #tpu.memory_space<semaphore_mem>>) src(%arg10 : memref<128x128xf32, #tpu.memory_space<vmem>>) dst(%dma_wait3A_655 : memref<10240x128xf32, #tpu.memory_space<vmem_shared>>)
    } else {
    }
    %barrier3A_13 = arith.constant 0 : index
    tpu.barrier barrier_id(%barrier3A_13)
    %mul3A_14 = arith.constant 640 : i32
    %mul3A_15 = arith.muli %arg1, %mul3A_14 : i32
    %mul3A_16 = arith.constant 640 : i32
    %mul3A_17 = arith.muli %arg1, %mul3A_16 : i32
    "tpu.region"() ({
      %run_scoped3A = tpu.sem_alloc : memref<!tpu.dma_semaphore, #tpu.memory_space<semaphore_mem>>
      %dma_start3A = arith.constant 0 : i32
      %dma_start3A_18 = tpu.memref_slice %arg6[%arg0, %mul3A_17, %dma_start3A] : memref<2x10240x128xf32, #tpu.memory_space<hbm>> -> memref<1x640x128xf32, #tpu.memory_space<hbm>>
      %dma_start3A_19 = tpu.memref_squeeze %dma_start3A_18 : memref<1x640x128xf32, #tpu.memory_space<hbm>> -> memref<640x128xf32, #tpu.memory_space<hbm>>
      %dma_start3A_20 = arith.constant 0 : i32
      %dma_start3A_21 = tpu.memref_slice %arg11[%mul3A_15, %dma_start3A_20] : memref<10240x128xf32, #tpu.memory_space<vmem_shared>> -> memref<640x128xf32, #tpu.memory_space<vmem_shared>>
      tpu.enqueue_dma source(%dma_start3A_21 : memref<640x128xf32, #tpu.memory_space<vmem_shared>>) target(%dma_start3A_19 : memref<640x128xf32, #tpu.memory_space<hbm>>) target_semaphore(%run_scoped3A : memref<!tpu.dma_semaphore, #tpu.memory_space<semaphore_mem>>)
      %dma_wait3A = arith.constant 0 : i32
      %dma_wait3A_22 = tpu.memref_slice %arg6[%arg0, %mul3A_17, %dma_wait3A] : memref<2x10240x128xf32, #tpu.memory_space<hbm>> -> memref<1x640x128xf32, #tpu.memory_space<hbm>>
      %dma_wait3A_23 = tpu.memref_squeeze %dma_wait3A_22 : memref<1x640x128xf32, #tpu.memory_space<hbm>> -> memref<640x128xf32, #tpu.memory_space<hbm>>
      %dma_wait3A_24 = arith.constant 0 : i32
      %dma_wait3A_25 = tpu.memref_slice %arg11[%mul3A_15, %dma_wait3A_24] : memref<10240x128xf32, #tpu.memory_space<vmem_shared>> -> memref<640x128xf32, #tpu.memory_space<vmem_shared>>
      tpu.wait_dma2 semaphore(%run_scoped3A : memref<!tpu.dma_semaphore, #tpu.memory_space<semaphore_mem>>) src(%dma_wait3A_25 : memref<640x128xf32, #tpu.memory_space<vmem_shared>>) dst(%dma_wait3A_23 : memref<640x128xf32, #tpu.memory_space<hbm>>)
      tpu.yield
    }) : () -> ()
    return
  }
}

#map = affine_map<(d0, d1) -> (0, 0)>
#map1 = affine_map<(d0, d1) -> (0, 0, 0)>
module attributes {stable_mosaic.version = 14 : i64} {
  func.func @_sc_edge_agg_body(%arg0: i32, %arg1: i32, %arg2: memref<10000x128xf32, #tpu.memory_space<hbm>>, %arg3: memref<2584x128xi32, #tpu.memory_space<hbm>>, %arg4: memref<2584x128xi32, #tpu.memory_space<hbm>>, %arg5: memref<10240x128xf32, #tpu.memory_space<hbm>>, %arg6: memref<2x10240x128xf32, #tpu.memory_space<hbm>>, %arg7: memref<2x32x128xi32, #tpu.memory_space<vmem>>, %arg8: memref<2x32x128xi32, #tpu.memory_space<vmem>>, %arg9: memref<128x128xf32, #tpu.memory_space<vmem>>, %arg10: memref<128x128xf32, #tpu.memory_space<vmem>>, %arg11: memref<10240x128xf32, #tpu.memory_space<vmem_shared>>, %arg12: memref<!tpu.dma_semaphore, #tpu.memory_space<semaphore_mem>>, %arg13: memref<!tpu.dma_semaphore, #tpu.memory_space<semaphore_mem>>, %arg14: memref<!tpu.dma_semaphore, #tpu.memory_space<semaphore_mem>>, %arg15: memref<!tpu.dma_semaphore, #tpu.memory_space<semaphore_mem>>, %arg16: memref<!tpu.dma_semaphore, #tpu.memory_space<semaphore_mem>>) attributes {dimension_semantics = [#tpu.dimension_semantics<core_parallel>, #tpu.dimension_semantics<subcore_parallel>], iteration_bounds = array<i64: 2, 16>, scalar_prefetch = 0 : i64, scratch_operands = 10 : i64, tpu.core_type = #tpu.core_type<sc_vector_subcore>, window_params = [{transform_indices = #map}, {transform_indices = #map}, {transform_indices = #map}, {transform_indices = #map}, {transform_indices = #map1}]} {
    %mul3A = arith.constant 24 : i32
    %mul3A_0 = arith.muli %arg0, %mul3A : i32
    %sub3A = arith.constant 32 : i32
    %sub3A_1 = arith.subi %sub3A, %mul3A_0 : i32
    %mul3A_2 = arith.constant 2048 : i32
    %mul3A_3 = arith.muli %arg0, %mul3A_2 : i32
    %mul3A_4 = arith.constant 4 : i32
    %mul3A_5 = arith.muli %sub3A_1, %mul3A_4 : i32
    %mul3A_6 = arith.muli %arg1, %mul3A_5 : i32
    %add3A = arith.addi %mul3A_3, %mul3A_6 : i32
    %mul3A_7 = arith.constant 640 : i32
    %mul3A_8 = arith.muli %arg1, %mul3A_7 : i32
    %mul3A_9 = arith.constant 640 : i32
    %mul3A_10 = arith.muli %arg1, %mul3A_9 : i32
    "tpu.region"() ({
      %run_scoped3A = tpu.sem_alloc : memref<!tpu.dma_semaphore, #tpu.memory_space<semaphore_mem>>
      %dma_start3A = arith.constant 0 : i32
      %dma_start3A_18 = tpu.memref_slice %arg11[%mul3A_10, %dma_start3A] : memref<10240x128xf32, #tpu.memory_space<vmem_shared>> -> memref<640x128xf32, #tpu.memory_space<vmem_shared>>
      %dma_start3A_19 = arith.constant 0 : i32
      %dma_start3A_20 = tpu.memref_slice %arg5[%mul3A_8, %dma_start3A_19] : memref<10240x128xf32, #tpu.memory_space<hbm>> -> memref<640x128xf32, #tpu.memory_space<hbm>>
      tpu.enqueue_dma source(%dma_start3A_20 : memref<640x128xf32, #tpu.memory_space<hbm>>) target(%dma_start3A_18 : memref<640x128xf32, #tpu.memory_space<vmem_shared>>) target_semaphore(%run_scoped3A : memref<!tpu.dma_semaphore, #tpu.memory_space<semaphore_mem>>)
      %dma_wait3A = arith.constant 0 : i32
      %dma_wait3A_21 = tpu.memref_slice %arg11[%mul3A_10, %dma_wait3A] : memref<10240x128xf32, #tpu.memory_space<vmem_shared>> -> memref<640x128xf32, #tpu.memory_space<vmem_shared>>
      %dma_wait3A_22 = arith.constant 0 : i32
      %dma_wait3A_23 = tpu.memref_slice %arg5[%mul3A_8, %dma_wait3A_22] : memref<10240x128xf32, #tpu.memory_space<hbm>> -> memref<640x128xf32, #tpu.memory_space<hbm>>
      tpu.wait_dma2 semaphore(%run_scoped3A : memref<!tpu.dma_semaphore, #tpu.memory_space<semaphore_mem>>) src(%dma_wait3A_23 : memref<640x128xf32, #tpu.memory_space<hbm>>) dst(%dma_wait3A_21 : memref<640x128xf32, #tpu.memory_space<vmem_shared>>)
      tpu.yield
    }) : () -> ()
    %barrier3A = arith.constant 0 : index
    tpu.barrier barrier_id(%barrier3A)
    %gt3A = arith.constant 0 : i32
    %gt3A_11 = arith.cmpi sgt, %sub3A_1, %gt3A : i32
    %convert_element_type3A = arith.extui %gt3A_11 : i1 to i32
    %cond3A = arith.constant 0 : i32
    %cond3A_12 = arith.cmpi ne, %convert_element_type3A, %cond3A : i32
    scf.if %cond3A_12 {
      %mul3A_18 = arith.constant 0 : i32
      %mul3A_19 = arith.muli %mul3A_18, %sub3A_1 : i32
      %add3A_20 = arith.addi %add3A, %mul3A_19 : i32
      %dma_start3A = arith.constant 0 : i32
      %dma_start3A_21 = arith.constant 0 : i32
      %dma_start3A_22 = arith.constant 0 : i32
      %dma_start3A_23 = tpu.memref_slice %arg7[%dma_start3A, %dma_start3A_21, %dma_start3A_22] : memref<2x32x128xi32, #tpu.memory_space<vmem>> -> memref<1x32x128xi32, #tpu.memory_space<vmem>>
      %dma_start3A_24 = tpu.memref_squeeze %dma_start3A_23 : memref<1x32x128xi32, #tpu.memory_space<vmem>> -> memref<32x128xi32, #tpu.memory_space<vmem>>
      %dma_start3A_25 = arith.constant 0 : i32
      %dma_start3A_26 = tpu.memref_slice %arg3[%add3A_20, %dma_start3A_25] : memref<2584x128xi32, #tpu.memory_space<hbm>> -> memref<32x128xi32, #tpu.memory_space<hbm>>
      %dma_start3A_27 = arith.constant 0 : i32
      %dma_start3A_28 = arith.constant 0 : i32
      %dma_start3A_29 = tpu.memref_slice %arg7[%dma_start3A, %dma_start3A_27, %dma_start3A_28] : memref<2x32x128xi32, #tpu.memory_space<vmem>> -> memref<1x32x128xi32, #tpu.memory_space<vmem>>
      %dma_start3A_30 = tpu.memref_squeeze %dma_start3A_29 : memref<1x32x128xi32, #tpu.memory_space<vmem>> -> memref<32x128xi32, #tpu.memory_space<vmem>>
      %dma_start3A_31 = arith.constant 0 : i32
      %dma_start3A_32 = tpu.memref_slice %arg3[%add3A_20, %dma_start3A_31] : memref<2584x128xi32, #tpu.memory_space<hbm>> -> memref<32x128xi32, #tpu.memory_space<hbm>>
      tpu.enqueue_dma source(%dma_start3A_32 : memref<32x128xi32, #tpu.memory_space<hbm>>) target(%dma_start3A_30 : memref<32x128xi32, #tpu.memory_space<vmem>>) target_semaphore(%arg16 : memref<!tpu.dma_semaphore, #tpu.memory_space<semaphore_mem>>)
      %dma_start3A_33 = arith.constant 0 : i32
      %dma_start3A_34 = arith.constant 0 : i32
      %dma_start3A_35 = arith.constant 0 : i32
      %dma_start3A_36 = tpu.memref_slice %arg8[%dma_start3A_33, %dma_start3A_34, %dma_start3A_35] : memref<2x32x128xi32, #tpu.memory_space<vmem>> -> memref<1x32x128xi32, #tpu.memory_space<vmem>>
      %dma_start3A_37 = tpu.memref_squeeze %dma_start3A_36 : memref<1x32x128xi32, #tpu.memory_space<vmem>> -> memref<32x128xi32, #tpu.memory_space<vmem>>
      %dma_start3A_38 = arith.constant 0 : i32
      %dma_start3A_39 = tpu.memref_slice %arg4[%add3A_20, %dma_start3A_38] : memref<2584x128xi32, #tpu.memory_space<hbm>> -> memref<32x128xi32, #tpu.memory_space<hbm>>
      %dma_start3A_40 = arith.constant 0 : i32
      %dma_start3A_41 = arith.constant 0 : i32
      %dma_start3A_42 = tpu.memref_slice %arg8[%dma_start3A_33, %dma_start3A_40, %dma_start3A_41] : memref<2x32x128xi32, #tpu.memory_space<vmem>> -> memref<1x32x128xi32, #tpu.memory_space<vmem>>
      %dma_start3A_43 = tpu.memref_squeeze %dma_start3A_42 : memref<1x32x128xi32, #tpu.memory_space<vmem>> -> memref<32x128xi32, #tpu.memory_space<vmem>>
      %dma_start3A_44 = arith.constant 0 : i32
      %dma_start3A_45 = tpu.memref_slice %arg4[%add3A_20, %dma_start3A_44] : memref<2584x128xi32, #tpu.memory_space<hbm>> -> memref<32x128xi32, #tpu.memory_space<hbm>>
      tpu.enqueue_dma source(%dma_start3A_45 : memref<32x128xi32, #tpu.memory_space<hbm>>) target(%dma_start3A_43 : memref<32x128xi32, #tpu.memory_space<vmem>>) target_semaphore(%arg16 : memref<!tpu.dma_semaphore, #tpu.memory_space<semaphore_mem>>)
      %mul3A_46 = arith.constant 0 : i32
      %mul3A_47 = arith.muli %mul3A_46, %sub3A_1 : i32
      %add3A_48 = arith.addi %add3A, %mul3A_47 : i32
      %dma_wait3A = arith.constant 0 : i32
      %dma_wait3A_49 = arith.constant 0 : i32
      %dma_wait3A_50 = arith.constant 0 : i32
      %dma_wait3A_51 = tpu.memref_slice %arg7[%dma_wait3A, %dma_wait3A_49, %dma_wait3A_50] : memref<2x32x128xi32, #tpu.memory_space<vmem>> -> memref<1x32x128xi32, #tpu.memory_space<vmem>>
      %dma_wait3A_52 = tpu.memref_squeeze %dma_wait3A_51 : memref<1x32x128xi32, #tpu.memory_space<vmem>> -> memref<32x128xi32, #tpu.memory_space<vmem>>
      %dma_wait3A_53 = arith.constant 0 : i32
      %dma_wait3A_54 = tpu.memref_slice %arg3[%add3A_48, %dma_wait3A_53] : memref<2584x128xi32, #tpu.memory_space<hbm>> -> memref<32x128xi32, #tpu.memory_space<hbm>>
      %dma_wait3A_55 = arith.constant 0 : i32
      %dma_wait3A_56 = arith.constant 0 : i32
      %dma_wait3A_57 = tpu.memref_slice %arg7[%dma_wait3A, %dma_wait3A_55, %dma_wait3A_56] : memref<2x32x128xi32, #tpu.memory_space<vmem>> -> memref<1x32x128xi32, #tpu.memory_space<vmem>>
      %dma_wait3A_58 = tpu.memref_squeeze %dma_wait3A_57 : memref<1x32x128xi32, #tpu.memory_space<vmem>> -> memref<32x128xi32, #tpu.memory_space<vmem>>
      %dma_wait3A_59 = arith.constant 0 : i32
      %dma_wait3A_60 = tpu.memref_slice %arg3[%add3A_48, %dma_wait3A_59] : memref<2584x128xi32, #tpu.memory_space<hbm>> -> memref<32x128xi32, #tpu.memory_space<hbm>>
      tpu.wait_dma2 semaphore(%arg16 : memref<!tpu.dma_semaphore, #tpu.memory_space<semaphore_mem>>) src(%dma_wait3A_60 : memref<32x128xi32, #tpu.memory_space<hbm>>) dst(%dma_wait3A_58 : memref<32x128xi32, #tpu.memory_space<vmem>>)
      %dma_wait3A_61 = arith.constant 0 : i32
      %dma_wait3A_62 = arith.constant 0 : i32
      %dma_wait3A_63 = arith.constant 0 : i32
      %dma_wait3A_64 = tpu.memref_slice %arg8[%dma_wait3A_61, %dma_wait3A_62, %dma_wait3A_63] : memref<2x32x128xi32, #tpu.memory_space<vmem>> -> memref<1x32x128xi32, #tpu.memory_space<vmem>>
      %dma_wait3A_65 = tpu.memref_squeeze %dma_wait3A_64 : memref<1x32x128xi32, #tpu.memory_space<vmem>> -> memref<32x128xi32, #tpu.memory_space<vmem>>
      %dma_wait3A_66 = arith.constant 0 : i32
      %dma_wait3A_67 = tpu.memref_slice %arg4[%add3A_48, %dma_wait3A_66] : memref<2584x128xi32, #tpu.memory_space<hbm>> -> memref<32x128xi32, #tpu.memory_space<hbm>>
      %dma_wait3A_68 = arith.constant 0 : i32
      %dma_wait3A_69 = arith.constant 0 : i32
      %dma_wait3A_70 = tpu.memref_slice %arg8[%dma_wait3A_61, %dma_wait3A_68, %dma_wait3A_69] : memref<2x32x128xi32, #tpu.memory_space<vmem>> -> memref<1x32x128xi32, #tpu.memory_space<vmem>>
      %dma_wait3A_71 = tpu.memref_squeeze %dma_wait3A_70 : memref<1x32x128xi32, #tpu.memory_space<vmem>> -> memref<32x128xi32, #tpu.memory_space<vmem>>
      %dma_wait3A_72 = arith.constant 0 : i32
      %dma_wait3A_73 = tpu.memref_slice %arg4[%add3A_48, %dma_wait3A_72] : memref<2584x128xi32, #tpu.memory_space<hbm>> -> memref<32x128xi32, #tpu.memory_space<hbm>>
      tpu.wait_dma2 semaphore(%arg16 : memref<!tpu.dma_semaphore, #tpu.memory_space<semaphore_mem>>) src(%dma_wait3A_73 : memref<32x128xi32, #tpu.memory_space<hbm>>) dst(%dma_wait3A_71 : memref<32x128xi32, #tpu.memory_space<vmem>>)
      %mul3A_74 = arith.constant 1 : i32
      %mul3A_75 = arith.muli %mul3A_74, %sub3A_1 : i32
      %add3A_76 = arith.addi %add3A, %mul3A_75 : i32
      %dma_start3A_77 = arith.constant 1 : i32
      %dma_start3A_78 = arith.constant 0 : i32
      %dma_start3A_79 = arith.constant 0 : i32
      %dma_start3A_80 = tpu.memref_slice %arg7[%dma_start3A_77, %dma_start3A_78, %dma_start3A_79] : memref<2x32x128xi32, #tpu.memory_space<vmem>> -> memref<1x32x128xi32, #tpu.memory_space<vmem>>
      %dma_start3A_81 = tpu.memref_squeeze %dma_start3A_80 : memref<1x32x128xi32, #tpu.memory_space<vmem>> -> memref<32x128xi32, #tpu.memory_space<vmem>>
      %dma_start3A_82 = arith.constant 0 : i32
      %dma_start3A_83 = tpu.memref_slice %arg3[%add3A_76, %dma_start3A_82] : memref<2584x128xi32, #tpu.memory_space<hbm>> -> memref<32x128xi32, #tpu.memory_space<hbm>>
      %dma_start3A_84 = arith.constant 0 : i32
      %dma_start3A_85 = arith.constant 0 : i32
      %dma_start3A_86 = tpu.memref_slice %arg7[%dma_start3A_77, %dma_start3A_84, %dma_start3A_85] : memref<2x32x128xi32, #tpu.memory_space<vmem>> -> memref<1x32x128xi32, #tpu.memory_space<vmem>>
      %dma_start3A_87 = tpu.memref_squeeze %dma_start3A_86 : memref<1x32x128xi32, #tpu.memory_space<vmem>> -> memref<32x128xi32, #tpu.memory_space<vmem>>
      %dma_start3A_88 = arith.constant 0 : i32
      %dma_start3A_89 = tpu.memref_slice %arg3[%add3A_76, %dma_start3A_88] : memref<2584x128xi32, #tpu.memory_space<hbm>> -> memref<32x128xi32, #tpu.memory_space<hbm>>
      tpu.enqueue_dma source(%dma_start3A_89 : memref<32x128xi32, #tpu.memory_space<hbm>>) target(%dma_start3A_87 : memref<32x128xi32, #tpu.memory_space<vmem>>) target_semaphore(%arg16 : memref<!tpu.dma_semaphore, #tpu.memory_space<semaphore_mem>>)
      %dma_start3A_90 = arith.constant 1 : i32
      %dma_start3A_91 = arith.constant 0 : i32
      %dma_start3A_92 = arith.constant 0 : i32
      %dma_start3A_93 = tpu.memref_slice %arg8[%dma_start3A_90, %dma_start3A_91, %dma_start3A_92] : memref<2x32x128xi32, #tpu.memory_space<vmem>> -> memref<1x32x128xi32, #tpu.memory_space<vmem>>
      %dma_start3A_94 = tpu.memref_squeeze %dma_start3A_93 : memref<1x32x128xi32, #tpu.memory_space<vmem>> -> memref<32x128xi32, #tpu.memory_space<vmem>>
      %dma_start3A_95 = arith.constant 0 : i32
      %dma_start3A_96 = tpu.memref_slice %arg4[%add3A_76, %dma_start3A_95] : memref<2584x128xi32, #tpu.memory_space<hbm>> -> memref<32x128xi32, #tpu.memory_space<hbm>>
      %dma_start3A_97 = arith.constant 0 : i32
      %dma_start3A_98 = arith.constant 0 : i32
      %dma_start3A_99 = tpu.memref_slice %arg8[%dma_start3A_90, %dma_start3A_97, %dma_start3A_98] : memref<2x32x128xi32, #tpu.memory_space<vmem>> -> memref<1x32x128xi32, #tpu.memory_space<vmem>>
      %dma_start3A_100 = tpu.memref_squeeze %dma_start3A_99 : memref<1x32x128xi32, #tpu.memory_space<vmem>> -> memref<32x128xi32, #tpu.memory_space<vmem>>
      %dma_start3A_101 = arith.constant 0 : i32
      %dma_start3A_102 = tpu.memref_slice %arg4[%add3A_76, %dma_start3A_101] : memref<2584x128xi32, #tpu.memory_space<hbm>> -> memref<32x128xi32, #tpu.memory_space<hbm>>
      tpu.enqueue_dma source(%dma_start3A_102 : memref<32x128xi32, #tpu.memory_space<hbm>>) target(%dma_start3A_100 : memref<32x128xi32, #tpu.memory_space<vmem>>) target_semaphore(%arg16 : memref<!tpu.dma_semaphore, #tpu.memory_space<semaphore_mem>>)
      %dma_start3A_103 = arith.constant 0 : i32
      %dma_start3A_104 = arith.constant 0 : i32
      %dma_start3A_105 = arith.constant 0 : i32
      %dma_start3A_106 = tpu.memref_slice %arg7[%dma_start3A_103, %dma_start3A_104, %dma_start3A_105] : memref<2x32x128xi32, #tpu.memory_space<vmem>> -> memref<1x1x128xi32, #tpu.memory_space<vmem>>
      %dma_start3A_107 = tpu.memref_squeeze %dma_start3A_106 : memref<1x1x128xi32, #tpu.memory_space<vmem>> -> memref<128xi32, #tpu.memory_space<vmem>>
      %dma_start3A_108 = arith.constant 0 : i32
      %dma_start3A_109 = arith.constant 0 : i32
      %dma_start3A_110 = tpu.memref_slice %arg2[%dma_start3A_108, %dma_start3A_109] : memref<10000x128xf32, #tpu.memory_space<hbm>> -> memref<10000x128xf32, #tpu.memory_space<hbm>>
      tpu.enqueue_indirect_dma source(%dma_start3A_110 : memref<10000x128xf32, #tpu.memory_space<hbm>>) target(%arg9 : memref<128x128xf32, #tpu.memory_space<vmem>>) offsets(%dma_start3A_107 : memref<128xi32, #tpu.memory_space<vmem>>) semaphore(%arg12 : memref<!tpu.dma_semaphore, #tpu.memory_space<semaphore_mem>>)
      %dma_start3A_111 = arith.constant 0 : i32
      %dma_start3A_112 = arith.constant 1 : i32
      %dma_start3A_113 = arith.constant 0 : i32
      %dma_start3A_114 = tpu.memref_slice %arg7[%dma_start3A_111, %dma_start3A_112, %dma_start3A_113] : memref<2x32x128xi32, #tpu.memory_space<vmem>> -> memref<1x1x128xi32, #tpu.memory_space<vmem>>
      %dma_start3A_115 = tpu.memref_squeeze %dma_start3A_114 : memref<1x1x128xi32, #tpu.memory_space<vmem>> -> memref<128xi32, #tpu.memory_space<vmem>>
      %dma_start3A_116 = arith.constant 0 : i32
      %dma_start3A_117 = arith.constant 0 : i32
      %dma_start3A_118 = tpu.memref_slice %arg2[%dma_start3A_116, %dma_start3A_117] : memref<10000x128xf32, #tpu.memory_space<hbm>> -> memref<10000x128xf32, #tpu.memory_space<hbm>>
      tpu.enqueue_indirect_dma source(%dma_start3A_118 : memref<10000x128xf32, #tpu.memory_space<hbm>>) target(%arg10 : memref<128x128xf32, #tpu.memory_space<vmem>>) offsets(%dma_start3A_115 : memref<128xi32, #tpu.memory_space<vmem>>) semaphore(%arg13 : memref<!tpu.dma_semaphore, #tpu.memory_space<semaphore_mem>>)
      %dma_wait3A_119 = arith.constant 0 : i32
      %dma_wait3A_120 = arith.constant 0 : i32
      %dma_wait3A_121 = arith.constant 0 : i32
      %dma_wait3A_122 = tpu.memref_slice %arg7[%dma_wait3A_119, %dma_wait3A_120, %dma_wait3A_121] : memref<2x32x128xi32, #tpu.memory_space<vmem>> -> memref<1x1x128xi32, #tpu.memory_space<vmem>>
      %dma_wait3A_123 = tpu.memref_squeeze %dma_wait3A_122 : memref<1x1x128xi32, #tpu.memory_space<vmem>> -> memref<128xi32, #tpu.memory_space<vmem>>
      %dma_wait3A_124 = arith.constant 0 : i32
      %dma_wait3A_125 = arith.constant 0 : i32
      %dma_wait3A_126 = tpu.memref_slice %arg2[%dma_wait3A_124, %dma_wait3A_125] : memref<10000x128xf32, #tpu.memory_space<hbm>> -> memref<10000x128xf32, #tpu.memory_space<hbm>>
      tpu.wait_indirect_dma semaphore(%arg12 : memref<!tpu.dma_semaphore, #tpu.memory_space<semaphore_mem>>) src(%dma_wait3A_126 : memref<10000x128xf32, #tpu.memory_space<hbm>>) dst(%arg9 : memref<128x128xf32, #tpu.memory_space<vmem>>)
      %dma_start3A_127 = arith.constant 0 : i32
      %dma_start3A_128 = arith.constant 0 : i32
      %dma_start3A_129 = arith.constant 0 : i32
      %dma_start3A_130 = tpu.memref_slice %arg8[%dma_start3A_127, %dma_start3A_128, %dma_start3A_129] : memref<2x32x128xi32, #tpu.memory_space<vmem>> -> memref<1x1x128xi32, #tpu.memory_space<vmem>>
      %dma_start3A_131 = tpu.memref_squeeze %dma_start3A_130 : memref<1x1x128xi32, #tpu.memory_space<vmem>> -> memref<128xi32, #tpu.memory_space<vmem>>
      %dma_start3A_132 = arith.constant 0 : i32
      %dma_start3A_133 = arith.constant 0 : i32
      %dma_start3A_134 = tpu.memref_slice %arg11[%dma_start3A_132, %dma_start3A_133] : memref<10240x128xf32, #tpu.memory_space<vmem_shared>> -> memref<10240x128xf32, #tpu.memory_space<vmem_shared>>
      tpu.enqueue_indirect_dma source(%arg9 : memref<128x128xf32, #tpu.memory_space<vmem>>) target(%dma_start3A_134 : memref<10240x128xf32, #tpu.memory_space<vmem_shared>>) offsets(%dma_start3A_131 : memref<128xi32, #tpu.memory_space<vmem>>) semaphore(%arg14 : memref<!tpu.dma_semaphore, #tpu.memory_space<semaphore_mem>>) {add = true}
      %sub3A_135 = arith.constant 2 : i32
      %sub3A_136 = arith.subi %sub3A_1, %sub3A_135 : i32
      %jit3A = arith.constant 2 : i32
      %div3A = arith.divsi %sub3A_136, %jit3A : i32
      %sign3A = arith.constant 0 : i32
      %sign3A_137 = arith.cmpi sgt, %sub3A_136, %sign3A : i32
      %sign3A_138 = arith.extui %sign3A_137 : i1 to i32
      %sign3A_139 = arith.constant 0 : i32
      %sign3A_140 = arith.cmpi slt, %sub3A_136, %sign3A_139 : i32
      %sign3A_141 = arith.extui %sign3A_140 : i1 to i32
      %sign3A_142 = arith.subi %sign3A_138, %sign3A_141 : i32
      %sign3A_143 = arith.constant 0 : i32
      %sign3A_144 = arith.cmpi sgt, %jit3A, %sign3A_143 : i32
      %sign3A_145 = arith.extui %sign3A_144 : i1 to i32
      %sign3A_146 = arith.constant 0 : i32
      %sign3A_147 = arith.cmpi slt, %jit3A, %sign3A_146 : i32
      %sign3A_148 = arith.extui %sign3A_147 : i1 to i32
      %sign3A_149 = arith.subi %sign3A_145, %sign3A_148 : i32
      %ne3A = arith.cmpi ne, %sign3A_142, %sign3A_149 : i32
      %rem3A = arith.remsi %sub3A_136, %jit3A : i32
      %ne3A_150 = arith.constant 0 : i32
      %ne3A_151 = arith.cmpi ne, %rem3A, %ne3A_150 : i32
      %and3A = arith.andi %ne3A, %ne3A_151 : i1
      %sub3A_152 = arith.constant 1 : i32
      %sub3A_153 = arith.subi %div3A, %sub3A_152 : i32
      %select_n3A = arith.select %and3A, %sub3A_153, %div3A : i32
      %while3A = arith.constant 0 : i32
      %while3A_154 = arith.constant 0 : i32
      %while3A_155 = arith.subi %select_n3A, %while3A_154 : i32
      %while3A_156 = arith.addi %while3A_154, %while3A_155 : i32
      %while3A_157 = arith.constant 1 : i32
      %while3A_158 = arith.divsi %while3A_155, %while3A_157 : i32
      %while3A_159 = arith.muli %while3A_158, %while3A_157 : i32
      %while3A_160 = arith.addi %while3A_154, %while3A_159 : i32
      %while3A_161 = arith.constant 1 : i32
      scf.for %while3A_656 = %while3A_154 to %while3A_160 step %while3A_161  : i32 {
        %mul3A_657 = arith.constant 2 : i32
        %mul3A_658 = arith.muli %mul3A_657, %while3A_656 : i32
        %add3A_659 = arith.constant 1 : i32
        %add3A_660 = arith.addi %add3A_659, %mul3A_658 : i32
        %sub3A_661 = arith.constant 1 : i32
        %sub3A_662 = arith.subi %add3A_660, %sub3A_661 : i32
        %dma_wait3A_663 = arith.constant 0 : i32
        %dma_wait3A_664 = arith.constant 0 : i32
        %dma_wait3A_665 = tpu.memref_slice %arg8[%dma_wait3A_663, %sub3A_662, %dma_wait3A_664] : memref<2x32x128xi32, #tpu.memory_space<vmem>> -> memref<1x1x128xi32, #tpu.memory_space<vmem>>
        %dma_wait3A_666 = tpu.memref_squeeze %dma_wait3A_665 : memref<1x1x128xi32, #tpu.memory_space<vmem>> -> memref<128xi32, #tpu.memory_space<vmem>>
        %dma_wait3A_667 = arith.constant 0 : i32
        %dma_wait3A_668 = arith.constant 0 : i32
        %dma_wait3A_669 = tpu.memref_slice %arg11[%dma_wait3A_667, %dma_wait3A_668] : memref<10240x128xf32, #tpu.memory_space<vmem_shared>> -> memref<10240x128xf32, #tpu.memory_space<vmem_shared>>
        tpu.wait_indirect_dma semaphore(%arg14 : memref<!tpu.dma_semaphore, #tpu.memory_space<semaphore_mem>>) src(%arg9 : memref<128x128xf32, #tpu.memory_space<vmem>>) dst(%dma_wait3A_669 : memref<10240x128xf32, #tpu.memory_space<vmem_shared>>)
        %add3A_670 = arith.constant 1 : i32
        %add3A_671 = arith.addi %add3A_660, %add3A_670 : i32
        %dma_start3A_672 = arith.constant 0 : i32
        %dma_start3A_673 = arith.constant 0 : i32
        %dma_start3A_674 = tpu.memref_slice %arg7[%dma_start3A_672, %add3A_671, %dma_start3A_673] : memref<2x32x128xi32, #tpu.memory_space<vmem>> -> memref<1x1x128xi32, #tpu.memory_space<vmem>>
        %dma_start3A_675 = tpu.memref_squeeze %dma_start3A_674 : memref<1x1x128xi32, #tpu.memory_space<vmem>> -> memref<128xi32, #tpu.memory_space<vmem>>
        %dma_start3A_676 = arith.constant 0 : i32
        %dma_start3A_677 = arith.constant 0 : i32
        %dma_start3A_678 = tpu.memref_slice %arg2[%dma_start3A_676, %dma_start3A_677] : memref<10000x128xf32, #tpu.memory_space<hbm>> -> memref<10000x128xf32, #tpu.memory_space<hbm>>
        tpu.enqueue_indirect_dma source(%dma_start3A_678 : memref<10000x128xf32, #tpu.memory_space<hbm>>) target(%arg9 : memref<128x128xf32, #tpu.memory_space<vmem>>) offsets(%dma_start3A_675 : memref<128xi32, #tpu.memory_space<vmem>>) semaphore(%arg12 : memref<!tpu.dma_semaphore, #tpu.memory_space<semaphore_mem>>)
        %dma_wait3A_679 = arith.constant 0 : i32
        %dma_wait3A_680 = arith.constant 0 : i32
        %dma_wait3A_681 = tpu.memref_slice %arg7[%dma_wait3A_679, %add3A_660, %dma_wait3A_680] : memref<2x32x128xi32, #tpu.memory_space<vmem>> -> memref<1x1x128xi32, #tpu.memory_space<vmem>>
        %dma_wait3A_682 = tpu.memref_squeeze %dma_wait3A_681 : memref<1x1x128xi32, #tpu.memory_space<vmem>> -> memref<128xi32, #tpu.memory_space<vmem>>
        %dma_wait3A_683 = arith.constant 0 : i32
        %dma_wait3A_684 = arith.constant 0 : i32
        %dma_wait3A_685 = tpu.memref_slice %arg2[%dma_wait3A_683, %dma_wait3A_684] : memref<10000x128xf32, #tpu.memory_space<hbm>> -> memref<10000x128xf32, #tpu.memory_space<hbm>>
        tpu.wait_indirect_dma semaphore(%arg13 : memref<!tpu.dma_semaphore, #tpu.memory_space<semaphore_mem>>) src(%dma_wait3A_685 : memref<10000x128xf32, #tpu.memory_space<hbm>>) dst(%arg10 : memref<128x128xf32, #tpu.memory_space<vmem>>)
        %dma_start3A_686 = arith.constant 0 : i32
        %dma_start3A_687 = arith.constant 0 : i32
        %dma_start3A_688 = tpu.memref_slice %arg8[%dma_start3A_686, %add3A_660, %dma_start3A_687] : memref<2x32x128xi32, #tpu.memory_space<vmem>> -> memref<1x1x128xi32, #tpu.memory_space<vmem>>
        %dma_start3A_689 = tpu.memref_squeeze %dma_start3A_688 : memref<1x1x128xi32, #tpu.memory_space<vmem>> -> memref<128xi32, #tpu.memory_space<vmem>>
        %dma_start3A_690 = arith.constant 0 : i32
        %dma_start3A_691 = arith.constant 0 : i32
        %dma_start3A_692 = tpu.memref_slice %arg11[%dma_start3A_690, %dma_start3A_691] : memref<10240x128xf32, #tpu.memory_space<vmem_shared>> -> memref<10240x128xf32, #tpu.memory_space<vmem_shared>>
        tpu.enqueue_indirect_dma source(%arg10 : memref<128x128xf32, #tpu.memory_space<vmem>>) target(%dma_start3A_692 : memref<10240x128xf32, #tpu.memory_space<vmem_shared>>) offsets(%dma_start3A_689 : memref<128xi32, #tpu.memory_space<vmem>>) semaphore(%arg15 : memref<!tpu.dma_semaphore, #tpu.memory_space<semaphore_mem>>) {add = true}
        %add3A_693 = arith.constant 1 : i32
        %add3A_694 = arith.addi %add3A_660, %add3A_693 : i32
        %sub3A_695 = arith.constant 1 : i32
        %sub3A_696 = arith.subi %add3A_694, %sub3A_695 : i32
        %dma_wait3A_697 = arith.constant 0 : i32
        %dma_wait3A_698 = arith.constant 0 : i32
        %dma_wait3A_699 = tpu.memref_slice %arg8[%dma_wait3A_697, %sub3A_696, %dma_wait3A_698] : memref<2x32x128xi32, #tpu.memory_space<vmem>> -> memref<1x1x128xi32, #tpu.memory_space<vmem>>
        %dma_wait3A_700 = tpu.memref_squeeze %dma_wait3A_699 : memref<1x1x128xi32, #tpu.memory_space<vmem>> -> memref<128xi32, #tpu.memory_space<vmem>>
        %dma_wait3A_701 = arith.constant 0 : i32
        %dma_wait3A_702 = arith.constant 0 : i32
        %dma_wait3A_703 = tpu.memref_slice %arg11[%dma_wait3A_701, %dma_wait3A_702] : memref<10240x128xf32, #tpu.memory_space<vmem_shared>> -> memref<10240x128xf32, #tpu.memory_space<vmem_shared>>
        tpu.wait_indirect_dma semaphore(%arg15 : memref<!tpu.dma_semaphore, #tpu.memory_space<semaphore_mem>>) src(%arg10 : memref<128x128xf32, #tpu.memory_space<vmem>>) dst(%dma_wait3A_703 : memref<10240x128xf32, #tpu.memory_space<vmem_shared>>)
        %add3A_704 = arith.constant 1 : i32
        %add3A_705 = arith.addi %add3A_694, %add3A_704 : i32
        %dma_start3A_706 = arith.constant 0 : i32
        %dma_start3A_707 = arith.constant 0 : i32
        %dma_start3A_708 = tpu.memref_slice %arg7[%dma_start3A_706, %add3A_705, %dma_start3A_707] : memref<2x32x128xi32, #tpu.memory_space<vmem>> -> memref<1x1x128xi32, #tpu.memory_space<vmem>>
        %dma_start3A_709 = tpu.memref_squeeze %dma_start3A_708 : memref<1x1x128xi32, #tpu.memory_space<vmem>> -> memref<128xi32, #tpu.memory_space<vmem>>
        %dma_start3A_710 = arith.constant 0 : i32
        %dma_start3A_711 = arith.constant 0 : i32
        %dma_start3A_712 = tpu.memref_slice %arg2[%dma_start3A_710, %dma_start3A_711] : memref<10000x128xf32, #tpu.memory_space<hbm>> -> memref<10000x128xf32, #tpu.memory_space<hbm>>
        tpu.enqueue_indirect_dma source(%dma_start3A_712 : memref<10000x128xf32, #tpu.memory_space<hbm>>) target(%arg10 : memref<128x128xf32, #tpu.memory_space<vmem>>) offsets(%dma_start3A_709 : memref<128xi32, #tpu.memory_space<vmem>>) semaphore(%arg13 : memref<!tpu.dma_semaphore, #tpu.memory_space<semaphore_mem>>)
        %dma_wait3A_713 = arith.constant 0 : i32
        %dma_wait3A_714 = arith.constant 0 : i32
        %dma_wait3A_715 = tpu.memref_slice %arg7[%dma_wait3A_713, %add3A_694, %dma_wait3A_714] : memref<2x32x128xi32, #tpu.memory_space<vmem>> -> memref<1x1x128xi32, #tpu.memory_space<vmem>>
        %dma_wait3A_716 = tpu.memref_squeeze %dma_wait3A_715 : memref<1x1x128xi32, #tpu.memory_space<vmem>> -> memref<128xi32, #tpu.memory_space<vmem>>
        %dma_wait3A_717 = arith.constant 0 : i32
        %dma_wait3A_718 = arith.constant 0 : i32
        %dma_wait3A_719 = tpu.memref_slice %arg2[%dma_wait3A_717, %dma_wait3A_718] : memref<10000x128xf32, #tpu.memory_space<hbm>> -> memref<10000x128xf32, #tpu.memory_space<hbm>>
        tpu.wait_indirect_dma semaphore(%arg12 : memref<!tpu.dma_semaphore, #tpu.memory_space<semaphore_mem>>) src(%dma_wait3A_719 : memref<10000x128xf32, #tpu.memory_space<hbm>>) dst(%arg9 : memref<128x128xf32, #tpu.memory_space<vmem>>)
        %dma_start3A_720 = arith.constant 0 : i32
        %dma_start3A_721 = arith.constant 0 : i32
        %dma_start3A_722 = tpu.memref_slice %arg8[%dma_start3A_720, %add3A_694, %dma_start3A_721] : memref<2x32x128xi32, #tpu.memory_space<vmem>> -> memref<1x1x128xi32, #tpu.memory_space<vmem>>
        %dma_start3A_723 = tpu.memref_squeeze %dma_start3A_722 : memref<1x1x128xi32, #tpu.memory_space<vmem>> -> memref<128xi32, #tpu.memory_space<vmem>>
        %dma_start3A_724 = arith.constant 0 : i32
        %dma_start3A_725 = arith.constant 0 : i32
        %dma_start3A_726 = tpu.memref_slice %arg11[%dma_start3A_724, %dma_start3A_725] : memref<10240x128xf32, #tpu.memory_space<vmem_shared>> -> memref<10240x128xf32, #tpu.memory_space<vmem_shared>>
        tpu.enqueue_indirect_dma source(%arg9 : memref<128x128xf32, #tpu.memory_space<vmem>>) target(%dma_start3A_726 : memref<10240x128xf32, #tpu.memory_space<vmem_shared>>) offsets(%dma_start3A_723 : memref<128xi32, #tpu.memory_space<vmem>>) semaphore(%arg14 : memref<!tpu.dma_semaphore, #tpu.memory_space<semaphore_mem>>) {add = true}
      }
      %while3A_162 = arith.constant 1 : i32
      scf.for %while3A_656 = %while3A_160 to %while3A_156 step %while3A_162  : i32 {
        %mul3A_657 = arith.constant 2 : i32
        %mul3A_658 = arith.muli %mul3A_657, %while3A_656 : i32
        %add3A_659 = arith.constant 1 : i32
        %add3A_660 = arith.addi %add3A_659, %mul3A_658 : i32
        %sub3A_661 = arith.constant 1 : i32
        %sub3A_662 = arith.subi %add3A_660, %sub3A_661 : i32
        %dma_wait3A_663 = arith.constant 0 : i32
        %dma_wait3A_664 = arith.constant 0 : i32
        %dma_wait3A_665 = tpu.memref_slice %arg8[%dma_wait3A_663, %sub3A_662, %dma_wait3A_664] : memref<2x32x128xi32, #tpu.memory_space<vmem>> -> memref<1x1x128xi32, #tpu.memory_space<vmem>>
        %dma_wait3A_666 = tpu.memref_squeeze %dma_wait3A_665 : memref<1x1x128xi32, #tpu.memory_space<vmem>> -> memref<128xi32, #tpu.memory_space<vmem>>
        %dma_wait3A_667 = arith.constant 0 : i32
        %dma_wait3A_668 = arith.constant 0 : i32
        %dma_wait3A_669 = tpu.memref_slice %arg11[%dma_wait3A_667, %dma_wait3A_668] : memref<10240x128xf32, #tpu.memory_space<vmem_shared>> -> memref<10240x128xf32, #tpu.memory_space<vmem_shared>>
        tpu.wait_indirect_dma semaphore(%arg14 : memref<!tpu.dma_semaphore, #tpu.memory_space<semaphore_mem>>) src(%arg9 : memref<128x128xf32, #tpu.memory_space<vmem>>) dst(%dma_wait3A_669 : memref<10240x128xf32, #tpu.memory_space<vmem_shared>>)
        %add3A_670 = arith.constant 1 : i32
        %add3A_671 = arith.addi %add3A_660, %add3A_670 : i32
        %dma_start3A_672 = arith.constant 0 : i32
        %dma_start3A_673 = arith.constant 0 : i32
        %dma_start3A_674 = tpu.memref_slice %arg7[%dma_start3A_672, %add3A_671, %dma_start3A_673] : memref<2x32x128xi32, #tpu.memory_space<vmem>> -> memref<1x1x128xi32, #tpu.memory_space<vmem>>
        %dma_start3A_675 = tpu.memref_squeeze %dma_start3A_674 : memref<1x1x128xi32, #tpu.memory_space<vmem>> -> memref<128xi32, #tpu.memory_space<vmem>>
        %dma_start3A_676 = arith.constant 0 : i32
        %dma_start3A_677 = arith.constant 0 : i32
        %dma_start3A_678 = tpu.memref_slice %arg2[%dma_start3A_676, %dma_start3A_677] : memref<10000x128xf32, #tpu.memory_space<hbm>> -> memref<10000x128xf32, #tpu.memory_space<hbm>>
        tpu.enqueue_indirect_dma source(%dma_start3A_678 : memref<10000x128xf32, #tpu.memory_space<hbm>>) target(%arg9 : memref<128x128xf32, #tpu.memory_space<vmem>>) offsets(%dma_start3A_675 : memref<128xi32, #tpu.memory_space<vmem>>) semaphore(%arg12 : memref<!tpu.dma_semaphore, #tpu.memory_space<semaphore_mem>>)
        %dma_wait3A_679 = arith.constant 0 : i32
        %dma_wait3A_680 = arith.constant 0 : i32
        %dma_wait3A_681 = tpu.memref_slice %arg7[%dma_wait3A_679, %add3A_660, %dma_wait3A_680] : memref<2x32x128xi32, #tpu.memory_space<vmem>> -> memref<1x1x128xi32, #tpu.memory_space<vmem>>
        %dma_wait3A_682 = tpu.memref_squeeze %dma_wait3A_681 : memref<1x1x128xi32, #tpu.memory_space<vmem>> -> memref<128xi32, #tpu.memory_space<vmem>>
        %dma_wait3A_683 = arith.constant 0 : i32
        %dma_wait3A_684 = arith.constant 0 : i32
        %dma_wait3A_685 = tpu.memref_slice %arg2[%dma_wait3A_683, %dma_wait3A_684] : memref<10000x128xf32, #tpu.memory_space<hbm>> -> memref<10000x128xf32, #tpu.memory_space<hbm>>
        tpu.wait_indirect_dma semaphore(%arg13 : memref<!tpu.dma_semaphore, #tpu.memory_space<semaphore_mem>>) src(%dma_wait3A_685 : memref<10000x128xf32, #tpu.memory_space<hbm>>) dst(%arg10 : memref<128x128xf32, #tpu.memory_space<vmem>>)
        %dma_start3A_686 = arith.constant 0 : i32
        %dma_start3A_687 = arith.constant 0 : i32
        %dma_start3A_688 = tpu.memref_slice %arg8[%dma_start3A_686, %add3A_660, %dma_start3A_687] : memref<2x32x128xi32, #tpu.memory_space<vmem>> -> memref<1x1x128xi32, #tpu.memory_space<vmem>>
        %dma_start3A_689 = tpu.memref_squeeze %dma_start3A_688 : memref<1x1x128xi32, #tpu.memory_space<vmem>> -> memref<128xi32, #tpu.memory_space<vmem>>
        %dma_start3A_690 = arith.constant 0 : i32
        %dma_start3A_691 = arith.constant 0 : i32
        %dma_start3A_692 = tpu.memref_slice %arg11[%dma_start3A_690, %dma_start3A_691] : memref<10240x128xf32, #tpu.memory_space<vmem_shared>> -> memref<10240x128xf32, #tpu.memory_space<vmem_shared>>
        tpu.enqueue_indirect_dma source(%arg10 : memref<128x128xf32, #tpu.memory_space<vmem>>) target(%dma_start3A_692 : memref<10240x128xf32, #tpu.memory_space<vmem_shared>>) offsets(%dma_start3A_689 : memref<128xi32, #tpu.memory_space<vmem>>) semaphore(%arg15 : memref<!tpu.dma_semaphore, #tpu.memory_space<semaphore_mem>>) {add = true}
        %add3A_693 = arith.constant 1 : i32
        %add3A_694 = arith.addi %add3A_660, %add3A_693 : i32
        %sub3A_695 = arith.constant 1 : i32
        %sub3A_696 = arith.subi %add3A_694, %sub3A_695 : i32
        %dma_wait3A_697 = arith.constant 0 : i32
        %dma_wait3A_698 = arith.constant 0 : i32
        %dma_wait3A_699 = tpu.memref_slice %arg8[%dma_wait3A_697, %sub3A_696, %dma_wait3A_698] : memref<2x32x128xi32, #tpu.memory_space<vmem>> -> memref<1x1x128xi32, #tpu.memory_space<vmem>>
        %dma_wait3A_700 = tpu.memref_squeeze %dma_wait3A_699 : memref<1x1x128xi32, #tpu.memory_space<vmem>> -> memref<128xi32, #tpu.memory_space<vmem>>
        %dma_wait3A_701 = arith.constant 0 : i32
        %dma_wait3A_702 = arith.constant 0 : i32
        %dma_wait3A_703 = tpu.memref_slice %arg11[%dma_wait3A_701, %dma_wait3A_702] : memref<10240x128xf32, #tpu.memory_space<vmem_shared>> -> memref<10240x128xf32, #tpu.memory_space<vmem_shared>>
        tpu.wait_indirect_dma semaphore(%arg15 : memref<!tpu.dma_semaphore, #tpu.memory_space<semaphore_mem>>) src(%arg10 : memref<128x128xf32, #tpu.memory_space<vmem>>) dst(%dma_wait3A_703 : memref<10240x128xf32, #tpu.memory_space<vmem_shared>>)
        %add3A_704 = arith.constant 1 : i32
        %add3A_705 = arith.addi %add3A_694, %add3A_704 : i32
        %dma_start3A_706 = arith.constant 0 : i32
        %dma_start3A_707 = arith.constant 0 : i32
        %dma_start3A_708 = tpu.memref_slice %arg7[%dma_start3A_706, %add3A_705, %dma_start3A_707] : memref<2x32x128xi32, #tpu.memory_space<vmem>> -> memref<1x1x128xi32, #tpu.memory_space<vmem>>
        %dma_start3A_709 = tpu.memref_squeeze %dma_start3A_708 : memref<1x1x128xi32, #tpu.memory_space<vmem>> -> memref<128xi32, #tpu.memory_space<vmem>>
        %dma_start3A_710 = arith.constant 0 : i32
        %dma_start3A_711 = arith.constant 0 : i32
        %dma_start3A_712 = tpu.memref_slice %arg2[%dma_start3A_710, %dma_start3A_711] : memref<10000x128xf32, #tpu.memory_space<hbm>> -> memref<10000x128xf32, #tpu.memory_space<hbm>>
        tpu.enqueue_indirect_dma source(%dma_start3A_712 : memref<10000x128xf32, #tpu.memory_space<hbm>>) target(%arg10 : memref<128x128xf32, #tpu.memory_space<vmem>>) offsets(%dma_start3A_709 : memref<128xi32, #tpu.memory_space<vmem>>) semaphore(%arg13 : memref<!tpu.dma_semaphore, #tpu.memory_space<semaphore_mem>>)
        %dma_wait3A_713 = arith.constant 0 : i32
        %dma_wait3A_714 = arith.constant 0 : i32
        %dma_wait3A_715 = tpu.memref_slice %arg7[%dma_wait3A_713, %add3A_694, %dma_wait3A_714] : memref<2x32x128xi32, #tpu.memory_space<vmem>> -> memref<1x1x128xi32, #tpu.memory_space<vmem>>
        %dma_wait3A_716 = tpu.memref_squeeze %dma_wait3A_715 : memref<1x1x128xi32, #tpu.memory_space<vmem>> -> memref<128xi32, #tpu.memory_space<vmem>>
        %dma_wait3A_717 = arith.constant 0 : i32
        %dma_wait3A_718 = arith.constant 0 : i32
        %dma_wait3A_719 = tpu.memref_slice %arg2[%dma_wait3A_717, %dma_wait3A_718] : memref<10000x128xf32, #tpu.memory_space<hbm>> -> memref<10000x128xf32, #tpu.memory_space<hbm>>
        tpu.wait_indirect_dma semaphore(%arg12 : memref<!tpu.dma_semaphore, #tpu.memory_space<semaphore_mem>>) src(%dma_wait3A_719 : memref<10000x128xf32, #tpu.memory_space<hbm>>) dst(%arg9 : memref<128x128xf32, #tpu.memory_space<vmem>>)
        %dma_start3A_720 = arith.constant 0 : i32
        %dma_start3A_721 = arith.constant 0 : i32
        %dma_start3A_722 = tpu.memref_slice %arg8[%dma_start3A_720, %add3A_694, %dma_start3A_721] : memref<2x32x128xi32, #tpu.memory_space<vmem>> -> memref<1x1x128xi32, #tpu.memory_space<vmem>>
        %dma_start3A_723 = tpu.memref_squeeze %dma_start3A_722 : memref<1x1x128xi32, #tpu.memory_space<vmem>> -> memref<128xi32, #tpu.memory_space<vmem>>
        %dma_start3A_724 = arith.constant 0 : i32
        %dma_start3A_725 = arith.constant 0 : i32
        %dma_start3A_726 = tpu.memref_slice %arg11[%dma_start3A_724, %dma_start3A_725] : memref<10240x128xf32, #tpu.memory_space<vmem_shared>> -> memref<10240x128xf32, #tpu.memory_space<vmem_shared>>
        tpu.enqueue_indirect_dma source(%arg9 : memref<128x128xf32, #tpu.memory_space<vmem>>) target(%dma_start3A_726 : memref<10240x128xf32, #tpu.memory_space<vmem_shared>>) offsets(%dma_start3A_723 : memref<128xi32, #tpu.memory_space<vmem>>) semaphore(%arg14 : memref<!tpu.dma_semaphore, #tpu.memory_space<semaphore_mem>>) {add = true}
      }
      %sub3A_163 = arith.constant 2 : i32
      %sub3A_164 = arith.subi %sub3A_1, %sub3A_163 : i32
      %dma_wait3A_165 = arith.constant 0 : i32
      %dma_wait3A_166 = arith.constant 0 : i32
      %dma_wait3A_167 = tpu.memref_slice %arg8[%dma_wait3A_165, %sub3A_164, %dma_wait3A_166] : memref<2x32x128xi32, #tpu.memory_space<vmem>> -> memref<1x1x128xi32, #tpu.memory_space<vmem>>
      %dma_wait3A_168 = tpu.memref_squeeze %dma_wait3A_167 : memref<1x1x128xi32, #tpu.memory_space<vmem>> -> memref<128xi32, #tpu.memory_space<vmem>>
      %dma_wait3A_169 = arith.constant 0 : i32
      %dma_wait3A_170 = arith.constant 0 : i32
      %dma_wait3A_171 = tpu.memref_slice %arg11[%dma_wait3A_169, %dma_wait3A_170] : memref<10240x128xf32, #tpu.memory_space<vmem_shared>> -> memref<10240x128xf32, #tpu.memory_space<vmem_shared>>
      tpu.wait_indirect_dma semaphore(%arg14 : memref<!tpu.dma_semaphore, #tpu.memory_space<semaphore_mem>>) src(%arg9 : memref<128x128xf32, #tpu.memory_space<vmem>>) dst(%dma_wait3A_171 : memref<10240x128xf32, #tpu.memory_space<vmem_shared>>)
      %sub3A_172 = arith.constant 1 : i32
      %sub3A_173 = arith.subi %sub3A_1, %sub3A_172 : i32
      %dma_wait3A_174 = arith.constant 0 : i32
      %dma_wait3A_175 = arith.constant 0 : i32
      %dma_wait3A_176 = tpu.memref_slice %arg7[%dma_wait3A_174, %sub3A_173, %dma_wait3A_175] : memref<2x32x128xi32, #tpu.memory_space<vmem>> -> memref<1x1x128xi32, #tpu.memory_space<vmem>>
      %dma_wait3A_177 = tpu.memref_squeeze %dma_wait3A_176 : memref<1x1x128xi32, #tpu.memory_space<vmem>> -> memref<128xi32, #tpu.memory_space<vmem>>
      %dma_wait3A_178 = arith.constant 0 : i32
      %dma_wait3A_179 = arith.constant 0 : i32
      %dma_wait3A_180 = tpu.memref_slice %arg2[%dma_wait3A_178, %dma_wait3A_179] : memref<10000x128xf32, #tpu.memory_space<hbm>> -> memref<10000x128xf32, #tpu.memory_space<hbm>>
      tpu.wait_indirect_dma semaphore(%arg13 : memref<!tpu.dma_semaphore, #tpu.memory_space<semaphore_mem>>) src(%dma_wait3A_180 : memref<10000x128xf32, #tpu.memory_space<hbm>>) dst(%arg10 : memref<128x128xf32, #tpu.memory_space<vmem>>)
      %sub3A_181 = arith.constant 1 : i32
      %sub3A_182 = arith.subi %sub3A_1, %sub3A_181 : i32
      %dma_start3A_183 = arith.constant 0 : i32
      %dma_start3A_184 = arith.constant 0 : i32
      %dma_start3A_185 = tpu.memref_slice %arg8[%dma_start3A_183, %sub3A_182, %dma_start3A_184] : memref<2x32x128xi32, #tpu.memory_space<vmem>> -> memref<1x1x128xi32, #tpu.memory_space<vmem>>
      %dma_start3A_186 = tpu.memref_squeeze %dma_start3A_185 : memref<1x1x128xi32, #tpu.memory_space<vmem>> -> memref<128xi32, #tpu.memory_space<vmem>>
      %dma_start3A_187 = arith.constant 0 : i32
      %dma_start3A_188 = arith.constant 0 : i32
      %dma_start3A_189 = tpu.memref_slice %arg11[%dma_start3A_187, %dma_start3A_188] : memref<10240x128xf32, #tpu.memory_space<vmem_shared>> -> memref<10240x128xf32, #tpu.memory_space<vmem_shared>>
      tpu.enqueue_indirect_dma source(%arg10 : memref<128x128xf32, #tpu.memory_space<vmem>>) target(%dma_start3A_189 : memref<10240x128xf32, #tpu.memory_space<vmem_shared>>) offsets(%dma_start3A_186 : memref<128xi32, #tpu.memory_space<vmem>>) semaphore(%arg15 : memref<!tpu.dma_semaphore, #tpu.memory_space<semaphore_mem>>) {add = true}
      %sub3A_190 = arith.constant 1 : i32
      %sub3A_191 = arith.subi %sub3A_1, %sub3A_190 : i32
      %dma_wait3A_192 = arith.constant 0 : i32
      %dma_wait3A_193 = arith.constant 0 : i32
      %dma_wait3A_194 = tpu.memref_slice %arg8[%dma_wait3A_192, %sub3A_191, %dma_wait3A_193] : memref<2x32x128xi32, #tpu.memory_space<vmem>> -> memref<1x1x128xi32, #tpu.memory_space<vmem>>
      %dma_wait3A_195 = tpu.memref_squeeze %dma_wait3A_194 : memref<1x1x128xi32, #tpu.memory_space<vmem>> -> memref<128xi32, #tpu.memory_space<vmem>>
      %dma_wait3A_196 = arith.constant 0 : i32
      %dma_wait3A_197 = arith.constant 0 : i32
      %dma_wait3A_198 = tpu.memref_slice %arg11[%dma_wait3A_196, %dma_wait3A_197] : memref<10240x128xf32, #tpu.memory_space<vmem_shared>> -> memref<10240x128xf32, #tpu.memory_space<vmem_shared>>
      tpu.wait_indirect_dma semaphore(%arg15 : memref<!tpu.dma_semaphore, #tpu.memory_space<semaphore_mem>>) src(%arg10 : memref<128x128xf32, #tpu.memory_space<vmem>>) dst(%dma_wait3A_198 : memref<10240x128xf32, #tpu.memory_space<vmem_shared>>)
      %mul3A_199 = arith.constant 1 : i32
      %mul3A_200 = arith.muli %mul3A_199, %sub3A_1 : i32
      %add3A_201 = arith.addi %add3A, %mul3A_200 : i32
      %dma_wait3A_202 = arith.constant 1 : i32
      %dma_wait3A_203 = arith.constant 0 : i32
      %dma_wait3A_204 = arith.constant 0 : i32
      %dma_wait3A_205 = tpu.memref_slice %arg7[%dma_wait3A_202, %dma_wait3A_203, %dma_wait3A_204] : memref<2x32x128xi32, #tpu.memory_space<vmem>> -> memref<1x32x128xi32, #tpu.memory_space<vmem>>
      %dma_wait3A_206 = tpu.memref_squeeze %dma_wait3A_205 : memref<1x32x128xi32, #tpu.memory_space<vmem>> -> memref<32x128xi32, #tpu.memory_space<vmem>>
      %dma_wait3A_207 = arith.constant 0 : i32
      %dma_wait3A_208 = tpu.memref_slice %arg3[%add3A_201, %dma_wait3A_207] : memref<2584x128xi32, #tpu.memory_space<hbm>> -> memref<32x128xi32, #tpu.memory_space<hbm>>
      %dma_wait3A_209 = arith.constant 0 : i32
      %dma_wait3A_210 = arith.constant 0 : i32
      %dma_wait3A_211 = tpu.memref_slice %arg7[%dma_wait3A_202, %dma_wait3A_209, %dma_wait3A_210] : memref<2x32x128xi32, #tpu.memory_space<vmem>> -> memref<1x32x128xi32, #tpu.memory_space<vmem>>
      %dma_wait3A_212 = tpu.memref_squeeze %dma_wait3A_211 : memref<1x32x128xi32, #tpu.memory_space<vmem>> -> memref<32x128xi32, #tpu.memory_space<vmem>>
      %dma_wait3A_213 = arith.constant 0 : i32
      %dma_wait3A_214 = tpu.memref_slice %arg3[%add3A_201, %dma_wait3A_213] : memref<2584x128xi32, #tpu.memory_space<hbm>> -> memref<32x128xi32, #tpu.memory_space<hbm>>
      tpu.wait_dma2 semaphore(%arg16 : memref<!tpu.dma_semaphore, #tpu.memory_space<semaphore_mem>>) src(%dma_wait3A_214 : memref<32x128xi32, #tpu.memory_space<hbm>>) dst(%dma_wait3A_212 : memref<32x128xi32, #tpu.memory_space<vmem>>)
      %dma_wait3A_215 = arith.constant 1 : i32
      %dma_wait3A_216 = arith.constant 0 : i32
      %dma_wait3A_217 = arith.constant 0 : i32
      %dma_wait3A_218 = tpu.memref_slice %arg8[%dma_wait3A_215, %dma_wait3A_216, %dma_wait3A_217] : memref<2x32x128xi32, #tpu.memory_space<vmem>> -> memref<1x32x128xi32, #tpu.memory_space<vmem>>
      %dma_wait3A_219 = tpu.memref_squeeze %dma_wait3A_218 : memref<1x32x128xi32, #tpu.memory_space<vmem>> -> memref<32x128xi32, #tpu.memory_space<vmem>>
      %dma_wait3A_220 = arith.constant 0 : i32
      %dma_wait3A_221 = tpu.memref_slice %arg4[%add3A_201, %dma_wait3A_220] : memref<2584x128xi32, #tpu.memory_space<hbm>> -> memref<32x128xi32, #tpu.memory_space<hbm>>
      %dma_wait3A_222 = arith.constant 0 : i32
      %dma_wait3A_223 = arith.constant 0 : i32
      %dma_wait3A_224 = tpu.memref_slice %arg8[%dma_wait3A_215, %dma_wait3A_222, %dma_wait3A_223] : memref<2x32x128xi32, #tpu.memory_space<vmem>> -> memref<1x32x128xi32, #tpu.memory_space<vmem>>
      %dma_wait3A_225 = tpu.memref_squeeze %dma_wait3A_224 : memref<1x32x128xi32, #tpu.memory_space<vmem>> -> memref<32x128xi32, #tpu.memory_space<vmem>>
      %dma_wait3A_226 = arith.constant 0 : i32
      %dma_wait3A_227 = tpu.memref_slice %arg4[%add3A_201, %dma_wait3A_226] : memref<2584x128xi32, #tpu.memory_space<hbm>> -> memref<32x128xi32, #tpu.memory_space<hbm>>
      tpu.wait_dma2 semaphore(%arg16 : memref<!tpu.dma_semaphore, #tpu.memory_space<semaphore_mem>>) src(%dma_wait3A_227 : memref<32x128xi32, #tpu.memory_space<hbm>>) dst(%dma_wait3A_225 : memref<32x128xi32, #tpu.memory_space<vmem>>)
      %mul3A_228 = arith.constant 2 : i32
      %mul3A_229 = arith.muli %mul3A_228, %sub3A_1 : i32
      %add3A_230 = arith.addi %add3A, %mul3A_229 : i32
      %dma_start3A_231 = arith.constant 0 : i32
      %dma_start3A_232 = arith.constant 0 : i32
      %dma_start3A_233 = arith.constant 0 : i32
      %dma_start3A_234 = tpu.memref_slice %arg7[%dma_start3A_231, %dma_start3A_232, %dma_start3A_233] : memref<2x32x128xi32, #tpu.memory_space<vmem>> -> memref<1x32x128xi32, #tpu.memory_space<vmem>>
      %dma_start3A_235 = tpu.memref_squeeze %dma_start3A_234 : memref<1x32x128xi32, #tpu.memory_space<vmem>> -> memref<32x128xi32, #tpu.memory_space<vmem>>
      %dma_start3A_236 = arith.constant 0 : i32
      %dma_start3A_237 = tpu.memref_slice %arg3[%add3A_230, %dma_start3A_236] : memref<2584x128xi32, #tpu.memory_space<hbm>> -> memref<32x128xi32, #tpu.memory_space<hbm>>
      %dma_start3A_238 = arith.constant 0 : i32
      %dma_start3A_239 = arith.constant 0 : i32
      %dma_start3A_240 = tpu.memref_slice %arg7[%dma_start3A_231, %dma_start3A_238, %dma_start3A_239] : memref<2x32x128xi32, #tpu.memory_space<vmem>> -> memref<1x32x128xi32, #tpu.memory_space<vmem>>
      %dma_start3A_241 = tpu.memref_squeeze %dma_start3A_240 : memref<1x32x128xi32, #tpu.memory_space<vmem>> -> memref<32x128xi32, #tpu.memory_space<vmem>>
      %dma_start3A_242 = arith.constant 0 : i32
      %dma_start3A_243 = tpu.memref_slice %arg3[%add3A_230, %dma_start3A_242] : memref<2584x128xi32, #tpu.memory_space<hbm>> -> memref<32x128xi32, #tpu.memory_space<hbm>>
      tpu.enqueue_dma source(%dma_start3A_243 : memref<32x128xi32, #tpu.memory_space<hbm>>) target(%dma_start3A_241 : memref<32x128xi32, #tpu.memory_space<vmem>>) target_semaphore(%arg16 : memref<!tpu.dma_semaphore, #tpu.memory_space<semaphore_mem>>)
      %dma_start3A_244 = arith.constant 0 : i32
      %dma_start3A_245 = arith.constant 0 : i32
      %dma_start3A_246 = arith.constant 0 : i32
      %dma_start3A_247 = tpu.memref_slice %arg8[%dma_start3A_244, %dma_start3A_245, %dma_start3A_246] : memref<2x32x128xi32, #tpu.memory_space<vmem>> -> memref<1x32x128xi32, #tpu.memory_space<vmem>>
      %dma_start3A_248 = tpu.memref_squeeze %dma_start3A_247 : memref<1x32x128xi32, #tpu.memory_space<vmem>> -> memref<32x128xi32, #tpu.memory_space<vmem>>
      %dma_start3A_249 = arith.constant 0 : i32
      %dma_start3A_250 = tpu.memref_slice %arg4[%add3A_230, %dma_start3A_249] : memref<2584x128xi32, #tpu.memory_space<hbm>> -> memref<32x128xi32, #tpu.memory_space<hbm>>
      %dma_start3A_251 = arith.constant 0 : i32
      %dma_start3A_252 = arith.constant 0 : i32
      %dma_start3A_253 = tpu.memref_slice %arg8[%dma_start3A_244, %dma_start3A_251, %dma_start3A_252] : memref<2x32x128xi32, #tpu.memory_space<vmem>> -> memref<1x32x128xi32, #tpu.memory_space<vmem>>
      %dma_start3A_254 = tpu.memref_squeeze %dma_start3A_253 : memref<1x32x128xi32, #tpu.memory_space<vmem>> -> memref<32x128xi32, #tpu.memory_space<vmem>>
      %dma_start3A_255 = arith.constant 0 : i32
      %dma_start3A_256 = tpu.memref_slice %arg4[%add3A_230, %dma_start3A_255] : memref<2584x128xi32, #tpu.memory_space<hbm>> -> memref<32x128xi32, #tpu.memory_space<hbm>>
      tpu.enqueue_dma source(%dma_start3A_256 : memref<32x128xi32, #tpu.memory_space<hbm>>) target(%dma_start3A_254 : memref<32x128xi32, #tpu.memory_space<vmem>>) target_semaphore(%arg16 : memref<!tpu.dma_semaphore, #tpu.memory_space<semaphore_mem>>)
      %dma_start3A_257 = arith.constant 1 : i32
      %dma_start3A_258 = arith.constant 0 : i32
      %dma_start3A_259 = arith.constant 0 : i32
      %dma_start3A_260 = tpu.memref_slice %arg7[%dma_start3A_257, %dma_start3A_258, %dma_start3A_259] : memref<2x32x128xi32, #tpu.memory_space<vmem>> -> memref<1x1x128xi32, #tpu.memory_space<vmem>>
      %dma_start3A_261 = tpu.memref_squeeze %dma_start3A_260 : memref<1x1x128xi32, #tpu.memory_space<vmem>> -> memref<128xi32, #tpu.memory_space<vmem>>
      %dma_start3A_262 = arith.constant 0 : i32
      %dma_start3A_263 = arith.constant 0 : i32
      %dma_start3A_264 = tpu.memref_slice %arg2[%dma_start3A_262, %dma_start3A_263] : memref<10000x128xf32, #tpu.memory_space<hbm>> -> memref<10000x128xf32, #tpu.memory_space<hbm>>
      tpu.enqueue_indirect_dma source(%dma_start3A_264 : memref<10000x128xf32, #tpu.memory_space<hbm>>) target(%arg9 : memref<128x128xf32, #tpu.memory_space<vmem>>) offsets(%dma_start3A_261 : memref<128xi32, #tpu.memory_space<vmem>>) semaphore(%arg12 : memref<!tpu.dma_semaphore, #tpu.memory_space<semaphore_mem>>)
      %dma_start3A_265 = arith.constant 1 : i32
      %dma_start3A_266 = arith.constant 1 : i32
      %dma_start3A_267 = arith.constant 0 : i32
      %dma_start3A_268 = tpu.memref_slice %arg7[%dma_start3A_265, %dma_start3A_266, %dma_start3A_267] : memref<2x32x128xi32, #tpu.memory_space<vmem>> -> memref<1x1x128xi32, #tpu.memory_space<vmem>>
      %dma_start3A_269 = tpu.memref_squeeze %dma_start3A_268 : memref<1x1x128xi32, #tpu.memory_space<vmem>> -> memref<128xi32, #tpu.memory_space<vmem>>
      %dma_start3A_270 = arith.constant 0 : i32
      %dma_start3A_271 = arith.constant 0 : i32
      %dma_start3A_272 = tpu.memref_slice %arg2[%dma_start3A_270, %dma_start3A_271] : memref<10000x128xf32, #tpu.memory_space<hbm>> -> memref<10000x128xf32, #tpu.memory_space<hbm>>
      tpu.enqueue_indirect_dma source(%dma_start3A_272 : memref<10000x128xf32, #tpu.memory_space<hbm>>) target(%arg10 : memref<128x128xf32, #tpu.memory_space<vmem>>) offsets(%dma_start3A_269 : memref<128xi32, #tpu.memory_space<vmem>>) semaphore(%arg13 : memref<!tpu.dma_semaphore, #tpu.memory_space<semaphore_mem>>)
      %dma_wait3A_273 = arith.constant 1 : i32
      %dma_wait3A_274 = arith.constant 0 : i32
      %dma_wait3A_275 = arith.constant 0 : i32
      %dma_wait3A_276 = tpu.memref_slice %arg7[%dma_wait3A_273, %dma_wait3A_274, %dma_wait3A_275] : memref<2x32x128xi32, #tpu.memory_space<vmem>> -> memref<1x1x128xi32, #tpu.memory_space<vmem>>
      %dma_wait3A_277 = tpu.memref_squeeze %dma_wait3A_276 : memref<1x1x128xi32, #tpu.memory_space<vmem>> -> memref<128xi32, #tpu.memory_space<vmem>>
      %dma_wait3A_278 = arith.constant 0 : i32
      %dma_wait3A_279 = arith.constant 0 : i32
      %dma_wait3A_280 = tpu.memref_slice %arg2[%dma_wait3A_278, %dma_wait3A_279] : memref<10000x128xf32, #tpu.memory_space<hbm>> -> memref<10000x128xf32, #tpu.memory_space<hbm>>
      tpu.wait_indirect_dma semaphore(%arg12 : memref<!tpu.dma_semaphore, #tpu.memory_space<semaphore_mem>>) src(%dma_wait3A_280 : memref<10000x128xf32, #tpu.memory_space<hbm>>) dst(%arg9 : memref<128x128xf32, #tpu.memory_space<vmem>>)
      %dma_start3A_281 = arith.constant 1 : i32
      %dma_start3A_282 = arith.constant 0 : i32
      %dma_start3A_283 = arith.constant 0 : i32
      %dma_start3A_284 = tpu.memref_slice %arg8[%dma_start3A_281, %dma_start3A_282, %dma_start3A_283] : memref<2x32x128xi32, #tpu.memory_space<vmem>> -> memref<1x1x128xi32, #tpu.memory_space<vmem>>
      %dma_start3A_285 = tpu.memref_squeeze %dma_start3A_284 : memref<1x1x128xi32, #tpu.memory_space<vmem>> -> memref<128xi32, #tpu.memory_space<vmem>>
      %dma_start3A_286 = arith.constant 0 : i32
      %dma_start3A_287 = arith.constant 0 : i32
      %dma_start3A_288 = tpu.memref_slice %arg11[%dma_start3A_286, %dma_start3A_287] : memref<10240x128xf32, #tpu.memory_space<vmem_shared>> -> memref<10240x128xf32, #tpu.memory_space<vmem_shared>>
      tpu.enqueue_indirect_dma source(%arg9 : memref<128x128xf32, #tpu.memory_space<vmem>>) target(%dma_start3A_288 : memref<10240x128xf32, #tpu.memory_space<vmem_shared>>) offsets(%dma_start3A_285 : memref<128xi32, #tpu.memory_space<vmem>>) semaphore(%arg14 : memref<!tpu.dma_semaphore, #tpu.memory_space<semaphore_mem>>) {add = true}
      %sub3A_289 = arith.constant 2 : i32
      %sub3A_290 = arith.subi %sub3A_1, %sub3A_289 : i32
      %jit3A_291 = arith.constant 2 : i32
      %div3A_292 = arith.divsi %sub3A_290, %jit3A_291 : i32
      %sign3A_293 = arith.constant 0 : i32
      %sign3A_294 = arith.cmpi sgt, %sub3A_290, %sign3A_293 : i32
      %sign3A_295 = arith.extui %sign3A_294 : i1 to i32
      %sign3A_296 = arith.constant 0 : i32
      %sign3A_297 = arith.cmpi slt, %sub3A_290, %sign3A_296 : i32
      %sign3A_298 = arith.extui %sign3A_297 : i1 to i32
      %sign3A_299 = arith.subi %sign3A_295, %sign3A_298 : i32
      %sign3A_300 = arith.constant 0 : i32
      %sign3A_301 = arith.cmpi sgt, %jit3A_291, %sign3A_300 : i32
      %sign3A_302 = arith.extui %sign3A_301 : i1 to i32
      %sign3A_303 = arith.constant 0 : i32
      %sign3A_304 = arith.cmpi slt, %jit3A_291, %sign3A_303 : i32
      %sign3A_305 = arith.extui %sign3A_304 : i1 to i32
      %sign3A_306 = arith.subi %sign3A_302, %sign3A_305 : i32
      %ne3A_307 = arith.cmpi ne, %sign3A_299, %sign3A_306 : i32
      %rem3A_308 = arith.remsi %sub3A_290, %jit3A_291 : i32
      %ne3A_309 = arith.constant 0 : i32
      %ne3A_310 = arith.cmpi ne, %rem3A_308, %ne3A_309 : i32
      %and3A_311 = arith.andi %ne3A_307, %ne3A_310 : i1
      %sub3A_312 = arith.constant 1 : i32
      %sub3A_313 = arith.subi %div3A_292, %sub3A_312 : i32
      %select_n3A_314 = arith.select %and3A_311, %sub3A_313, %div3A_292 : i32
      %while3A_315 = arith.constant 0 : i32
      %while3A_316 = arith.constant 0 : i32
      %while3A_317 = arith.subi %select_n3A_314, %while3A_316 : i32
      %while3A_318 = arith.addi %while3A_316, %while3A_317 : i32
      %while3A_319 = arith.constant 1 : i32
      %while3A_320 = arith.divsi %while3A_317, %while3A_319 : i32
      %while3A_321 = arith.muli %while3A_320, %while3A_319 : i32
      %while3A_322 = arith.addi %while3A_316, %while3A_321 : i32
      %while3A_323 = arith.constant 1 : i32
      scf.for %while3A_656 = %while3A_316 to %while3A_322 step %while3A_323  : i32 {
        %mul3A_657 = arith.constant 2 : i32
        %mul3A_658 = arith.muli %mul3A_657, %while3A_656 : i32
        %add3A_659 = arith.constant 1 : i32
        %add3A_660 = arith.addi %add3A_659, %mul3A_658 : i32
        %sub3A_661 = arith.constant 1 : i32
        %sub3A_662 = arith.subi %add3A_660, %sub3A_661 : i32
        %dma_wait3A_663 = arith.constant 1 : i32
        %dma_wait3A_664 = arith.constant 0 : i32
        %dma_wait3A_665 = tpu.memref_slice %arg8[%dma_wait3A_663, %sub3A_662, %dma_wait3A_664] : memref<2x32x128xi32, #tpu.memory_space<vmem>> -> memref<1x1x128xi32, #tpu.memory_space<vmem>>
        %dma_wait3A_666 = tpu.memref_squeeze %dma_wait3A_665 : memref<1x1x128xi32, #tpu.memory_space<vmem>> -> memref<128xi32, #tpu.memory_space<vmem>>
        %dma_wait3A_667 = arith.constant 0 : i32
        %dma_wait3A_668 = arith.constant 0 : i32
        %dma_wait3A_669 = tpu.memref_slice %arg11[%dma_wait3A_667, %dma_wait3A_668] : memref<10240x128xf32, #tpu.memory_space<vmem_shared>> -> memref<10240x128xf32, #tpu.memory_space<vmem_shared>>
        tpu.wait_indirect_dma semaphore(%arg14 : memref<!tpu.dma_semaphore, #tpu.memory_space<semaphore_mem>>) src(%arg9 : memref<128x128xf32, #tpu.memory_space<vmem>>) dst(%dma_wait3A_669 : memref<10240x128xf32, #tpu.memory_space<vmem_shared>>)
        %add3A_670 = arith.constant 1 : i32
        %add3A_671 = arith.addi %add3A_660, %add3A_670 : i32
        %dma_start3A_672 = arith.constant 1 : i32
        %dma_start3A_673 = arith.constant 0 : i32
        %dma_start3A_674 = tpu.memref_slice %arg7[%dma_start3A_672, %add3A_671, %dma_start3A_673] : memref<2x32x128xi32, #tpu.memory_space<vmem>> -> memref<1x1x128xi32, #tpu.memory_space<vmem>>
        %dma_start3A_675 = tpu.memref_squeeze %dma_start3A_674 : memref<1x1x128xi32, #tpu.memory_space<vmem>> -> memref<128xi32, #tpu.memory_space<vmem>>
        %dma_start3A_676 = arith.constant 0 : i32
        %dma_start3A_677 = arith.constant 0 : i32
        %dma_start3A_678 = tpu.memref_slice %arg2[%dma_start3A_676, %dma_start3A_677] : memref<10000x128xf32, #tpu.memory_space<hbm>> -> memref<10000x128xf32, #tpu.memory_space<hbm>>
        tpu.enqueue_indirect_dma source(%dma_start3A_678 : memref<10000x128xf32, #tpu.memory_space<hbm>>) target(%arg9 : memref<128x128xf32, #tpu.memory_space<vmem>>) offsets(%dma_start3A_675 : memref<128xi32, #tpu.memory_space<vmem>>) semaphore(%arg12 : memref<!tpu.dma_semaphore, #tpu.memory_space<semaphore_mem>>)
        %dma_wait3A_679 = arith.constant 1 : i32
        %dma_wait3A_680 = arith.constant 0 : i32
        %dma_wait3A_681 = tpu.memref_slice %arg7[%dma_wait3A_679, %add3A_660, %dma_wait3A_680] : memref<2x32x128xi32, #tpu.memory_space<vmem>> -> memref<1x1x128xi32, #tpu.memory_space<vmem>>
        %dma_wait3A_682 = tpu.memref_squeeze %dma_wait3A_681 : memref<1x1x128xi32, #tpu.memory_space<vmem>> -> memref<128xi32, #tpu.memory_space<vmem>>
        %dma_wait3A_683 = arith.constant 0 : i32
        %dma_wait3A_684 = arith.constant 0 : i32
        %dma_wait3A_685 = tpu.memref_slice %arg2[%dma_wait3A_683, %dma_wait3A_684] : memref<10000x128xf32, #tpu.memory_space<hbm>> -> memref<10000x128xf32, #tpu.memory_space<hbm>>
        tpu.wait_indirect_dma semaphore(%arg13 : memref<!tpu.dma_semaphore, #tpu.memory_space<semaphore_mem>>) src(%dma_wait3A_685 : memref<10000x128xf32, #tpu.memory_space<hbm>>) dst(%arg10 : memref<128x128xf32, #tpu.memory_space<vmem>>)
        %dma_start3A_686 = arith.constant 1 : i32
        %dma_start3A_687 = arith.constant 0 : i32
        %dma_start3A_688 = tpu.memref_slice %arg8[%dma_start3A_686, %add3A_660, %dma_start3A_687] : memref<2x32x128xi32, #tpu.memory_space<vmem>> -> memref<1x1x128xi32, #tpu.memory_space<vmem>>
        %dma_start3A_689 = tpu.memref_squeeze %dma_start3A_688 : memref<1x1x128xi32, #tpu.memory_space<vmem>> -> memref<128xi32, #tpu.memory_space<vmem>>
        %dma_start3A_690 = arith.constant 0 : i32
        %dma_start3A_691 = arith.constant 0 : i32
        %dma_start3A_692 = tpu.memref_slice %arg11[%dma_start3A_690, %dma_start3A_691] : memref<10240x128xf32, #tpu.memory_space<vmem_shared>> -> memref<10240x128xf32, #tpu.memory_space<vmem_shared>>
        tpu.enqueue_indirect_dma source(%arg10 : memref<128x128xf32, #tpu.memory_space<vmem>>) target(%dma_start3A_692 : memref<10240x128xf32, #tpu.memory_space<vmem_shared>>) offsets(%dma_start3A_689 : memref<128xi32, #tpu.memory_space<vmem>>) semaphore(%arg15 : memref<!tpu.dma_semaphore, #tpu.memory_space<semaphore_mem>>) {add = true}
        %add3A_693 = arith.constant 1 : i32
        %add3A_694 = arith.addi %add3A_660, %add3A_693 : i32
        %sub3A_695 = arith.constant 1 : i32
        %sub3A_696 = arith.subi %add3A_694, %sub3A_695 : i32
        %dma_wait3A_697 = arith.constant 1 : i32
        %dma_wait3A_698 = arith.constant 0 : i32
        %dma_wait3A_699 = tpu.memref_slice %arg8[%dma_wait3A_697, %sub3A_696, %dma_wait3A_698] : memref<2x32x128xi32, #tpu.memory_space<vmem>> -> memref<1x1x128xi32, #tpu.memory_space<vmem>>
        %dma_wait3A_700 = tpu.memref_squeeze %dma_wait3A_699 : memref<1x1x128xi32, #tpu.memory_space<vmem>> -> memref<128xi32, #tpu.memory_space<vmem>>
        %dma_wait3A_701 = arith.constant 0 : i32
        %dma_wait3A_702 = arith.constant 0 : i32
        %dma_wait3A_703 = tpu.memref_slice %arg11[%dma_wait3A_701, %dma_wait3A_702] : memref<10240x128xf32, #tpu.memory_space<vmem_shared>> -> memref<10240x128xf32, #tpu.memory_space<vmem_shared>>
        tpu.wait_indirect_dma semaphore(%arg15 : memref<!tpu.dma_semaphore, #tpu.memory_space<semaphore_mem>>) src(%arg10 : memref<128x128xf32, #tpu.memory_space<vmem>>) dst(%dma_wait3A_703 : memref<10240x128xf32, #tpu.memory_space<vmem_shared>>)
        %add3A_704 = arith.constant 1 : i32
        %add3A_705 = arith.addi %add3A_694, %add3A_704 : i32
        %dma_start3A_706 = arith.constant 1 : i32
        %dma_start3A_707 = arith.constant 0 : i32
        %dma_start3A_708 = tpu.memref_slice %arg7[%dma_start3A_706, %add3A_705, %dma_start3A_707] : memref<2x32x128xi32, #tpu.memory_space<vmem>> -> memref<1x1x128xi32, #tpu.memory_space<vmem>>
        %dma_start3A_709 = tpu.memref_squeeze %dma_start3A_708 : memref<1x1x128xi32, #tpu.memory_space<vmem>> -> memref<128xi32, #tpu.memory_space<vmem>>
        %dma_start3A_710 = arith.constant 0 : i32
        %dma_start3A_711 = arith.constant 0 : i32
        %dma_start3A_712 = tpu.memref_slice %arg2[%dma_start3A_710, %dma_start3A_711] : memref<10000x128xf32, #tpu.memory_space<hbm>> -> memref<10000x128xf32, #tpu.memory_space<hbm>>
        tpu.enqueue_indirect_dma source(%dma_start3A_712 : memref<10000x128xf32, #tpu.memory_space<hbm>>) target(%arg10 : memref<128x128xf32, #tpu.memory_space<vmem>>) offsets(%dma_start3A_709 : memref<128xi32, #tpu.memory_space<vmem>>) semaphore(%arg13 : memref<!tpu.dma_semaphore, #tpu.memory_space<semaphore_mem>>)
        %dma_wait3A_713 = arith.constant 1 : i32
        %dma_wait3A_714 = arith.constant 0 : i32
        %dma_wait3A_715 = tpu.memref_slice %arg7[%dma_wait3A_713, %add3A_694, %dma_wait3A_714] : memref<2x32x128xi32, #tpu.memory_space<vmem>> -> memref<1x1x128xi32, #tpu.memory_space<vmem>>
        %dma_wait3A_716 = tpu.memref_squeeze %dma_wait3A_715 : memref<1x1x128xi32, #tpu.memory_space<vmem>> -> memref<128xi32, #tpu.memory_space<vmem>>
        %dma_wait3A_717 = arith.constant 0 : i32
        %dma_wait3A_718 = arith.constant 0 : i32
        %dma_wait3A_719 = tpu.memref_slice %arg2[%dma_wait3A_717, %dma_wait3A_718] : memref<10000x128xf32, #tpu.memory_space<hbm>> -> memref<10000x128xf32, #tpu.memory_space<hbm>>
        tpu.wait_indirect_dma semaphore(%arg12 : memref<!tpu.dma_semaphore, #tpu.memory_space<semaphore_mem>>) src(%dma_wait3A_719 : memref<10000x128xf32, #tpu.memory_space<hbm>>) dst(%arg9 : memref<128x128xf32, #tpu.memory_space<vmem>>)
        %dma_start3A_720 = arith.constant 1 : i32
        %dma_start3A_721 = arith.constant 0 : i32
        %dma_start3A_722 = tpu.memref_slice %arg8[%dma_start3A_720, %add3A_694, %dma_start3A_721] : memref<2x32x128xi32, #tpu.memory_space<vmem>> -> memref<1x1x128xi32, #tpu.memory_space<vmem>>
        %dma_start3A_723 = tpu.memref_squeeze %dma_start3A_722 : memref<1x1x128xi32, #tpu.memory_space<vmem>> -> memref<128xi32, #tpu.memory_space<vmem>>
        %dma_start3A_724 = arith.constant 0 : i32
        %dma_start3A_725 = arith.constant 0 : i32
        %dma_start3A_726 = tpu.memref_slice %arg11[%dma_start3A_724, %dma_start3A_725] : memref<10240x128xf32, #tpu.memory_space<vmem_shared>> -> memref<10240x128xf32, #tpu.memory_space<vmem_shared>>
        tpu.enqueue_indirect_dma source(%arg9 : memref<128x128xf32, #tpu.memory_space<vmem>>) target(%dma_start3A_726 : memref<10240x128xf32, #tpu.memory_space<vmem_shared>>) offsets(%dma_start3A_723 : memref<128xi32, #tpu.memory_space<vmem>>) semaphore(%arg14 : memref<!tpu.dma_semaphore, #tpu.memory_space<semaphore_mem>>) {add = true}
      }
      %while3A_324 = arith.constant 1 : i32
      scf.for %while3A_656 = %while3A_322 to %while3A_318 step %while3A_324  : i32 {
        %mul3A_657 = arith.constant 2 : i32
        %mul3A_658 = arith.muli %mul3A_657, %while3A_656 : i32
        %add3A_659 = arith.constant 1 : i32
        %add3A_660 = arith.addi %add3A_659, %mul3A_658 : i32
        %sub3A_661 = arith.constant 1 : i32
        %sub3A_662 = arith.subi %add3A_660, %sub3A_661 : i32
        %dma_wait3A_663 = arith.constant 1 : i32
        %dma_wait3A_664 = arith.constant 0 : i32
        %dma_wait3A_665 = tpu.memref_slice %arg8[%dma_wait3A_663, %sub3A_662, %dma_wait3A_664] : memref<2x32x128xi32, #tpu.memory_space<vmem>> -> memref<1x1x128xi32, #tpu.memory_space<vmem>>
        %dma_wait3A_666 = tpu.memref_squeeze %dma_wait3A_665 : memref<1x1x128xi32, #tpu.memory_space<vmem>> -> memref<128xi32, #tpu.memory_space<vmem>>
        %dma_wait3A_667 = arith.constant 0 : i32
        %dma_wait3A_668 = arith.constant 0 : i32
        %dma_wait3A_669 = tpu.memref_slice %arg11[%dma_wait3A_667, %dma_wait3A_668] : memref<10240x128xf32, #tpu.memory_space<vmem_shared>> -> memref<10240x128xf32, #tpu.memory_space<vmem_shared>>
        tpu.wait_indirect_dma semaphore(%arg14 : memref<!tpu.dma_semaphore, #tpu.memory_space<semaphore_mem>>) src(%arg9 : memref<128x128xf32, #tpu.memory_space<vmem>>) dst(%dma_wait3A_669 : memref<10240x128xf32, #tpu.memory_space<vmem_shared>>)
        %add3A_670 = arith.constant 1 : i32
        %add3A_671 = arith.addi %add3A_660, %add3A_670 : i32
        %dma_start3A_672 = arith.constant 1 : i32
        %dma_start3A_673 = arith.constant 0 : i32
        %dma_start3A_674 = tpu.memref_slice %arg7[%dma_start3A_672, %add3A_671, %dma_start3A_673] : memref<2x32x128xi32, #tpu.memory_space<vmem>> -> memref<1x1x128xi32, #tpu.memory_space<vmem>>
        %dma_start3A_675 = tpu.memref_squeeze %dma_start3A_674 : memref<1x1x128xi32, #tpu.memory_space<vmem>> -> memref<128xi32, #tpu.memory_space<vmem>>
        %dma_start3A_676 = arith.constant 0 : i32
        %dma_start3A_677 = arith.constant 0 : i32
        %dma_start3A_678 = tpu.memref_slice %arg2[%dma_start3A_676, %dma_start3A_677] : memref<10000x128xf32, #tpu.memory_space<hbm>> -> memref<10000x128xf32, #tpu.memory_space<hbm>>
        tpu.enqueue_indirect_dma source(%dma_start3A_678 : memref<10000x128xf32, #tpu.memory_space<hbm>>) target(%arg9 : memref<128x128xf32, #tpu.memory_space<vmem>>) offsets(%dma_start3A_675 : memref<128xi32, #tpu.memory_space<vmem>>) semaphore(%arg12 : memref<!tpu.dma_semaphore, #tpu.memory_space<semaphore_mem>>)
        %dma_wait3A_679 = arith.constant 1 : i32
        %dma_wait3A_680 = arith.constant 0 : i32
        %dma_wait3A_681 = tpu.memref_slice %arg7[%dma_wait3A_679, %add3A_660, %dma_wait3A_680] : memref<2x32x128xi32, #tpu.memory_space<vmem>> -> memref<1x1x128xi32, #tpu.memory_space<vmem>>
        %dma_wait3A_682 = tpu.memref_squeeze %dma_wait3A_681 : memref<1x1x128xi32, #tpu.memory_space<vmem>> -> memref<128xi32, #tpu.memory_space<vmem>>
        %dma_wait3A_683 = arith.constant 0 : i32
        %dma_wait3A_684 = arith.constant 0 : i32
        %dma_wait3A_685 = tpu.memref_slice %arg2[%dma_wait3A_683, %dma_wait3A_684] : memref<10000x128xf32, #tpu.memory_space<hbm>> -> memref<10000x128xf32, #tpu.memory_space<hbm>>
        tpu.wait_indirect_dma semaphore(%arg13 : memref<!tpu.dma_semaphore, #tpu.memory_space<semaphore_mem>>) src(%dma_wait3A_685 : memref<10000x128xf32, #tpu.memory_space<hbm>>) dst(%arg10 : memref<128x128xf32, #tpu.memory_space<vmem>>)
        %dma_start3A_686 = arith.constant 1 : i32
        %dma_start3A_687 = arith.constant 0 : i32
        %dma_start3A_688 = tpu.memref_slice %arg8[%dma_start3A_686, %add3A_660, %dma_start3A_687] : memref<2x32x128xi32, #tpu.memory_space<vmem>> -> memref<1x1x128xi32, #tpu.memory_space<vmem>>
        %dma_start3A_689 = tpu.memref_squeeze %dma_start3A_688 : memref<1x1x128xi32, #tpu.memory_space<vmem>> -> memref<128xi32, #tpu.memory_space<vmem>>
        %dma_start3A_690 = arith.constant 0 : i32
        %dma_start3A_691 = arith.constant 0 : i32
        %dma_start3A_692 = tpu.memref_slice %arg11[%dma_start3A_690, %dma_start3A_691] : memref<10240x128xf32, #tpu.memory_space<vmem_shared>> -> memref<10240x128xf32, #tpu.memory_space<vmem_shared>>
        tpu.enqueue_indirect_dma source(%arg10 : memref<128x128xf32, #tpu.memory_space<vmem>>) target(%dma_start3A_692 : memref<10240x128xf32, #tpu.memory_space<vmem_shared>>) offsets(%dma_start3A_689 : memref<128xi32, #tpu.memory_space<vmem>>) semaphore(%arg15 : memref<!tpu.dma_semaphore, #tpu.memory_space<semaphore_mem>>) {add = true}
        %add3A_693 = arith.constant 1 : i32
        %add3A_694 = arith.addi %add3A_660, %add3A_693 : i32
        %sub3A_695 = arith.constant 1 : i32
        %sub3A_696 = arith.subi %add3A_694, %sub3A_695 : i32
        %dma_wait3A_697 = arith.constant 1 : i32
        %dma_wait3A_698 = arith.constant 0 : i32
        %dma_wait3A_699 = tpu.memref_slice %arg8[%dma_wait3A_697, %sub3A_696, %dma_wait3A_698] : memref<2x32x128xi32, #tpu.memory_space<vmem>> -> memref<1x1x128xi32, #tpu.memory_space<vmem>>
        %dma_wait3A_700 = tpu.memref_squeeze %dma_wait3A_699 : memref<1x1x128xi32, #tpu.memory_space<vmem>> -> memref<128xi32, #tpu.memory_space<vmem>>
        %dma_wait3A_701 = arith.constant 0 : i32
        %dma_wait3A_702 = arith.constant 0 : i32
        %dma_wait3A_703 = tpu.memref_slice %arg11[%dma_wait3A_701, %dma_wait3A_702] : memref<10240x128xf32, #tpu.memory_space<vmem_shared>> -> memref<10240x128xf32, #tpu.memory_space<vmem_shared>>
        tpu.wait_indirect_dma semaphore(%arg15 : memref<!tpu.dma_semaphore, #tpu.memory_space<semaphore_mem>>) src(%arg10 : memref<128x128xf32, #tpu.memory_space<vmem>>) dst(%dma_wait3A_703 : memref<10240x128xf32, #tpu.memory_space<vmem_shared>>)
        %add3A_704 = arith.constant 1 : i32
        %add3A_705 = arith.addi %add3A_694, %add3A_704 : i32
        %dma_start3A_706 = arith.constant 1 : i32
        %dma_start3A_707 = arith.constant 0 : i32
        %dma_start3A_708 = tpu.memref_slice %arg7[%dma_start3A_706, %add3A_705, %dma_start3A_707] : memref<2x32x128xi32, #tpu.memory_space<vmem>> -> memref<1x1x128xi32, #tpu.memory_space<vmem>>
        %dma_start3A_709 = tpu.memref_squeeze %dma_start3A_708 : memref<1x1x128xi32, #tpu.memory_space<vmem>> -> memref<128xi32, #tpu.memory_space<vmem>>
        %dma_start3A_710 = arith.constant 0 : i32
        %dma_start3A_711 = arith.constant 0 : i32
        %dma_start3A_712 = tpu.memref_slice %arg2[%dma_start3A_710, %dma_start3A_711] : memref<10000x128xf32, #tpu.memory_space<hbm>> -> memref<10000x128xf32, #tpu.memory_space<hbm>>
        tpu.enqueue_indirect_dma source(%dma_start3A_712 : memref<10000x128xf32, #tpu.memory_space<hbm>>) target(%arg10 : memref<128x128xf32, #tpu.memory_space<vmem>>) offsets(%dma_start3A_709 : memref<128xi32, #tpu.memory_space<vmem>>) semaphore(%arg13 : memref<!tpu.dma_semaphore, #tpu.memory_space<semaphore_mem>>)
        %dma_wait3A_713 = arith.constant 1 : i32
        %dma_wait3A_714 = arith.constant 0 : i32
        %dma_wait3A_715 = tpu.memref_slice %arg7[%dma_wait3A_713, %add3A_694, %dma_wait3A_714] : memref<2x32x128xi32, #tpu.memory_space<vmem>> -> memref<1x1x128xi32, #tpu.memory_space<vmem>>
        %dma_wait3A_716 = tpu.memref_squeeze %dma_wait3A_715 : memref<1x1x128xi32, #tpu.memory_space<vmem>> -> memref<128xi32, #tpu.memory_space<vmem>>
        %dma_wait3A_717 = arith.constant 0 : i32
        %dma_wait3A_718 = arith.constant 0 : i32
        %dma_wait3A_719 = tpu.memref_slice %arg2[%dma_wait3A_717, %dma_wait3A_718] : memref<10000x128xf32, #tpu.memory_space<hbm>> -> memref<10000x128xf32, #tpu.memory_space<hbm>>
        tpu.wait_indirect_dma semaphore(%arg12 : memref<!tpu.dma_semaphore, #tpu.memory_space<semaphore_mem>>) src(%dma_wait3A_719 : memref<10000x128xf32, #tpu.memory_space<hbm>>) dst(%arg9 : memref<128x128xf32, #tpu.memory_space<vmem>>)
        %dma_start3A_720 = arith.constant 1 : i32
        %dma_start3A_721 = arith.constant 0 : i32
        %dma_start3A_722 = tpu.memref_slice %arg8[%dma_start3A_720, %add3A_694, %dma_start3A_721] : memref<2x32x128xi32, #tpu.memory_space<vmem>> -> memref<1x1x128xi32, #tpu.memory_space<vmem>>
        %dma_start3A_723 = tpu.memref_squeeze %dma_start3A_722 : memref<1x1x128xi32, #tpu.memory_space<vmem>> -> memref<128xi32, #tpu.memory_space<vmem>>
        %dma_start3A_724 = arith.constant 0 : i32
        %dma_start3A_725 = arith.constant 0 : i32
        %dma_start3A_726 = tpu.memref_slice %arg11[%dma_start3A_724, %dma_start3A_725] : memref<10240x128xf32, #tpu.memory_space<vmem_shared>> -> memref<10240x128xf32, #tpu.memory_space<vmem_shared>>
        tpu.enqueue_indirect_dma source(%arg9 : memref<128x128xf32, #tpu.memory_space<vmem>>) target(%dma_start3A_726 : memref<10240x128xf32, #tpu.memory_space<vmem_shared>>) offsets(%dma_start3A_723 : memref<128xi32, #tpu.memory_space<vmem>>) semaphore(%arg14 : memref<!tpu.dma_semaphore, #tpu.memory_space<semaphore_mem>>) {add = true}
      }
      %sub3A_325 = arith.constant 2 : i32
      %sub3A_326 = arith.subi %sub3A_1, %sub3A_325 : i32
      %dma_wait3A_327 = arith.constant 1 : i32
      %dma_wait3A_328 = arith.constant 0 : i32
      %dma_wait3A_329 = tpu.memref_slice %arg8[%dma_wait3A_327, %sub3A_326, %dma_wait3A_328] : memref<2x32x128xi32, #tpu.memory_space<vmem>> -> memref<1x1x128xi32, #tpu.memory_space<vmem>>
      %dma_wait3A_330 = tpu.memref_squeeze %dma_wait3A_329 : memref<1x1x128xi32, #tpu.memory_space<vmem>> -> memref<128xi32, #tpu.memory_space<vmem>>
      %dma_wait3A_331 = arith.constant 0 : i32
      %dma_wait3A_332 = arith.constant 0 : i32
      %dma_wait3A_333 = tpu.memref_slice %arg11[%dma_wait3A_331, %dma_wait3A_332] : memref<10240x128xf32, #tpu.memory_space<vmem_shared>> -> memref<10240x128xf32, #tpu.memory_space<vmem_shared>>
      tpu.wait_indirect_dma semaphore(%arg14 : memref<!tpu.dma_semaphore, #tpu.memory_space<semaphore_mem>>) src(%arg9 : memref<128x128xf32, #tpu.memory_space<vmem>>) dst(%dma_wait3A_333 : memref<10240x128xf32, #tpu.memory_space<vmem_shared>>)
      %sub3A_334 = arith.constant 1 : i32
      %sub3A_335 = arith.subi %sub3A_1, %sub3A_334 : i32
      %dma_wait3A_336 = arith.constant 1 : i32
      %dma_wait3A_337 = arith.constant 0 : i32
      %dma_wait3A_338 = tpu.memref_slice %arg7[%dma_wait3A_336, %sub3A_335, %dma_wait3A_337] : memref<2x32x128xi32, #tpu.memory_space<vmem>> -> memref<1x1x128xi32, #tpu.memory_space<vmem>>
      %dma_wait3A_339 = tpu.memref_squeeze %dma_wait3A_338 : memref<1x1x128xi32, #tpu.memory_space<vmem>> -> memref<128xi32, #tpu.memory_space<vmem>>
      %dma_wait3A_340 = arith.constant 0 : i32
      %dma_wait3A_341 = arith.constant 0 : i32
      %dma_wait3A_342 = tpu.memref_slice %arg2[%dma_wait3A_340, %dma_wait3A_341] : memref<10000x128xf32, #tpu.memory_space<hbm>> -> memref<10000x128xf32, #tpu.memory_space<hbm>>
      tpu.wait_indirect_dma semaphore(%arg13 : memref<!tpu.dma_semaphore, #tpu.memory_space<semaphore_mem>>) src(%dma_wait3A_342 : memref<10000x128xf32, #tpu.memory_space<hbm>>) dst(%arg10 : memref<128x128xf32, #tpu.memory_space<vmem>>)
      %sub3A_343 = arith.constant 1 : i32
      %sub3A_344 = arith.subi %sub3A_1, %sub3A_343 : i32
      %dma_start3A_345 = arith.constant 1 : i32
      %dma_start3A_346 = arith.constant 0 : i32
      %dma_start3A_347 = tpu.memref_slice %arg8[%dma_start3A_345, %sub3A_344, %dma_start3A_346] : memref<2x32x128xi32, #tpu.memory_space<vmem>> -> memref<1x1x128xi32, #tpu.memory_space<vmem>>
      %dma_start3A_348 = tpu.memref_squeeze %dma_start3A_347 : memref<1x1x128xi32, #tpu.memory_space<vmem>> -> memref<128xi32, #tpu.memory_space<vmem>>
      %dma_start3A_349 = arith.constant 0 : i32
      %dma_start3A_350 = arith.constant 0 : i32
      %dma_start3A_351 = tpu.memref_slice %arg11[%dma_start3A_349, %dma_start3A_350] : memref<10240x128xf32, #tpu.memory_space<vmem_shared>> -> memref<10240x128xf32, #tpu.memory_space<vmem_shared>>
      tpu.enqueue_indirect_dma source(%arg10 : memref<128x128xf32, #tpu.memory_space<vmem>>) target(%dma_start3A_351 : memref<10240x128xf32, #tpu.memory_space<vmem_shared>>) offsets(%dma_start3A_348 : memref<128xi32, #tpu.memory_space<vmem>>) semaphore(%arg15 : memref<!tpu.dma_semaphore, #tpu.memory_space<semaphore_mem>>) {add = true}
      %sub3A_352 = arith.constant 1 : i32
      %sub3A_353 = arith.subi %sub3A_1, %sub3A_352 : i32
      %dma_wait3A_354 = arith.constant 1 : i32
      %dma_wait3A_355 = arith.constant 0 : i32
      %dma_wait3A_356 = tpu.memref_slice %arg8[%dma_wait3A_354, %sub3A_353, %dma_wait3A_355] : memref<2x32x128xi32, #tpu.memory_space<vmem>> -> memref<1x1x128xi32, #tpu.memory_space<vmem>>
      %dma_wait3A_357 = tpu.memref_squeeze %dma_wait3A_356 : memref<1x1x128xi32, #tpu.memory_space<vmem>> -> memref<128xi32, #tpu.memory_space<vmem>>
      %dma_wait3A_358 = arith.constant 0 : i32
      %dma_wait3A_359 = arith.constant 0 : i32
      %dma_wait3A_360 = tpu.memref_slice %arg11[%dma_wait3A_358, %dma_wait3A_359] : memref<10240x128xf32, #tpu.memory_space<vmem_shared>> -> memref<10240x128xf32, #tpu.memory_space<vmem_shared>>
      tpu.wait_indirect_dma semaphore(%arg15 : memref<!tpu.dma_semaphore, #tpu.memory_space<semaphore_mem>>) src(%arg10 : memref<128x128xf32, #tpu.memory_space<vmem>>) dst(%dma_wait3A_360 : memref<10240x128xf32, #tpu.memory_space<vmem_shared>>)
      %mul3A_361 = arith.constant 2 : i32
      %mul3A_362 = arith.muli %mul3A_361, %sub3A_1 : i32
      %add3A_363 = arith.addi %add3A, %mul3A_362 : i32
      %dma_wait3A_364 = arith.constant 0 : i32
      %dma_wait3A_365 = arith.constant 0 : i32
      %dma_wait3A_366 = arith.constant 0 : i32
      %dma_wait3A_367 = tpu.memref_slice %arg7[%dma_wait3A_364, %dma_wait3A_365, %dma_wait3A_366] : memref<2x32x128xi32, #tpu.memory_space<vmem>> -> memref<1x32x128xi32, #tpu.memory_space<vmem>>
      %dma_wait3A_368 = tpu.memref_squeeze %dma_wait3A_367 : memref<1x32x128xi32, #tpu.memory_space<vmem>> -> memref<32x128xi32, #tpu.memory_space<vmem>>
      %dma_wait3A_369 = arith.constant 0 : i32
      %dma_wait3A_370 = tpu.memref_slice %arg3[%add3A_363, %dma_wait3A_369] : memref<2584x128xi32, #tpu.memory_space<hbm>> -> memref<32x128xi32, #tpu.memory_space<hbm>>
      %dma_wait3A_371 = arith.constant 0 : i32
      %dma_wait3A_372 = arith.constant 0 : i32
      %dma_wait3A_373 = tpu.memref_slice %arg7[%dma_wait3A_364, %dma_wait3A_371, %dma_wait3A_372] : memref<2x32x128xi32, #tpu.memory_space<vmem>> -> memref<1x32x128xi32, #tpu.memory_space<vmem>>
      %dma_wait3A_374 = tpu.memref_squeeze %dma_wait3A_373 : memref<1x32x128xi32, #tpu.memory_space<vmem>> -> memref<32x128xi32, #tpu.memory_space<vmem>>
      %dma_wait3A_375 = arith.constant 0 : i32
      %dma_wait3A_376 = tpu.memref_slice %arg3[%add3A_363, %dma_wait3A_375] : memref<2584x128xi32, #tpu.memory_space<hbm>> -> memref<32x128xi32, #tpu.memory_space<hbm>>
      tpu.wait_dma2 semaphore(%arg16 : memref<!tpu.dma_semaphore, #tpu.memory_space<semaphore_mem>>) src(%dma_wait3A_376 : memref<32x128xi32, #tpu.memory_space<hbm>>) dst(%dma_wait3A_374 : memref<32x128xi32, #tpu.memory_space<vmem>>)
      %dma_wait3A_377 = arith.constant 0 : i32
      %dma_wait3A_378 = arith.constant 0 : i32
      %dma_wait3A_379 = arith.constant 0 : i32
      %dma_wait3A_380 = tpu.memref_slice %arg8[%dma_wait3A_377, %dma_wait3A_378, %dma_wait3A_379] : memref<2x32x128xi32, #tpu.memory_space<vmem>> -> memref<1x32x128xi32, #tpu.memory_space<vmem>>
      %dma_wait3A_381 = tpu.memref_squeeze %dma_wait3A_380 : memref<1x32x128xi32, #tpu.memory_space<vmem>> -> memref<32x128xi32, #tpu.memory_space<vmem>>
      %dma_wait3A_382 = arith.constant 0 : i32
      %dma_wait3A_383 = tpu.memref_slice %arg4[%add3A_363, %dma_wait3A_382] : memref<2584x128xi32, #tpu.memory_space<hbm>> -> memref<32x128xi32, #tpu.memory_space<hbm>>
      %dma_wait3A_384 = arith.constant 0 : i32
      %dma_wait3A_385 = arith.constant 0 : i32
      %dma_wait3A_386 = tpu.memref_slice %arg8[%dma_wait3A_377, %dma_wait3A_384, %dma_wait3A_385] : memref<2x32x128xi32, #tpu.memory_space<vmem>> -> memref<1x32x128xi32, #tpu.memory_space<vmem>>
      %dma_wait3A_387 = tpu.memref_squeeze %dma_wait3A_386 : memref<1x32x128xi32, #tpu.memory_space<vmem>> -> memref<32x128xi32, #tpu.memory_space<vmem>>
      %dma_wait3A_388 = arith.constant 0 : i32
      %dma_wait3A_389 = tpu.memref_slice %arg4[%add3A_363, %dma_wait3A_388] : memref<2584x128xi32, #tpu.memory_space<hbm>> -> memref<32x128xi32, #tpu.memory_space<hbm>>
      tpu.wait_dma2 semaphore(%arg16 : memref<!tpu.dma_semaphore, #tpu.memory_space<semaphore_mem>>) src(%dma_wait3A_389 : memref<32x128xi32, #tpu.memory_space<hbm>>) dst(%dma_wait3A_387 : memref<32x128xi32, #tpu.memory_space<vmem>>)
      %mul3A_390 = arith.constant 3 : i32
      %mul3A_391 = arith.muli %mul3A_390, %sub3A_1 : i32
      %add3A_392 = arith.addi %add3A, %mul3A_391 : i32
      %dma_start3A_393 = arith.constant 1 : i32
      %dma_start3A_394 = arith.constant 0 : i32
      %dma_start3A_395 = arith.constant 0 : i32
      %dma_start3A_396 = tpu.memref_slice %arg7[%dma_start3A_393, %dma_start3A_394, %dma_start3A_395] : memref<2x32x128xi32, #tpu.memory_space<vmem>> -> memref<1x32x128xi32, #tpu.memory_space<vmem>>
      %dma_start3A_397 = tpu.memref_squeeze %dma_start3A_396 : memref<1x32x128xi32, #tpu.memory_space<vmem>> -> memref<32x128xi32, #tpu.memory_space<vmem>>
      %dma_start3A_398 = arith.constant 0 : i32
      %dma_start3A_399 = tpu.memref_slice %arg3[%add3A_392, %dma_start3A_398] : memref<2584x128xi32, #tpu.memory_space<hbm>> -> memref<32x128xi32, #tpu.memory_space<hbm>>
      %dma_start3A_400 = arith.constant 0 : i32
      %dma_start3A_401 = arith.constant 0 : i32
      %dma_start3A_402 = tpu.memref_slice %arg7[%dma_start3A_393, %dma_start3A_400, %dma_start3A_401] : memref<2x32x128xi32, #tpu.memory_space<vmem>> -> memref<1x32x128xi32, #tpu.memory_space<vmem>>
      %dma_start3A_403 = tpu.memref_squeeze %dma_start3A_402 : memref<1x32x128xi32, #tpu.memory_space<vmem>> -> memref<32x128xi32, #tpu.memory_space<vmem>>
      %dma_start3A_404 = arith.constant 0 : i32
      %dma_start3A_405 = tpu.memref_slice %arg3[%add3A_392, %dma_start3A_404] : memref<2584x128xi32, #tpu.memory_space<hbm>> -> memref<32x128xi32, #tpu.memory_space<hbm>>
      tpu.enqueue_dma source(%dma_start3A_405 : memref<32x128xi32, #tpu.memory_space<hbm>>) target(%dma_start3A_403 : memref<32x128xi32, #tpu.memory_space<vmem>>) target_semaphore(%arg16 : memref<!tpu.dma_semaphore, #tpu.memory_space<semaphore_mem>>)
      %dma_start3A_406 = arith.constant 1 : i32
      %dma_start3A_407 = arith.constant 0 : i32
      %dma_start3A_408 = arith.constant 0 : i32
      %dma_start3A_409 = tpu.memref_slice %arg8[%dma_start3A_406, %dma_start3A_407, %dma_start3A_408] : memref<2x32x128xi32, #tpu.memory_space<vmem>> -> memref<1x32x128xi32, #tpu.memory_space<vmem>>
      %dma_start3A_410 = tpu.memref_squeeze %dma_start3A_409 : memref<1x32x128xi32, #tpu.memory_space<vmem>> -> memref<32x128xi32, #tpu.memory_space<vmem>>
      %dma_start3A_411 = arith.constant 0 : i32
      %dma_start3A_412 = tpu.memref_slice %arg4[%add3A_392, %dma_start3A_411] : memref<2584x128xi32, #tpu.memory_space<hbm>> -> memref<32x128xi32, #tpu.memory_space<hbm>>
      %dma_start3A_413 = arith.constant 0 : i32
      %dma_start3A_414 = arith.constant 0 : i32
      %dma_start3A_415 = tpu.memref_slice %arg8[%dma_start3A_406, %dma_start3A_413, %dma_start3A_414] : memref<2x32x128xi32, #tpu.memory_space<vmem>> -> memref<1x32x128xi32, #tpu.memory_space<vmem>>
      %dma_start3A_416 = tpu.memref_squeeze %dma_start3A_415 : memref<1x32x128xi32, #tpu.memory_space<vmem>> -> memref<32x128xi32, #tpu.memory_space<vmem>>
      %dma_start3A_417 = arith.constant 0 : i32
      %dma_start3A_418 = tpu.memref_slice %arg4[%add3A_392, %dma_start3A_417] : memref<2584x128xi32, #tpu.memory_space<hbm>> -> memref<32x128xi32, #tpu.memory_space<hbm>>
      tpu.enqueue_dma source(%dma_start3A_418 : memref<32x128xi32, #tpu.memory_space<hbm>>) target(%dma_start3A_416 : memref<32x128xi32, #tpu.memory_space<vmem>>) target_semaphore(%arg16 : memref<!tpu.dma_semaphore, #tpu.memory_space<semaphore_mem>>)
      %dma_start3A_419 = arith.constant 0 : i32
      %dma_start3A_420 = arith.constant 0 : i32
      %dma_start3A_421 = arith.constant 0 : i32
      %dma_start3A_422 = tpu.memref_slice %arg7[%dma_start3A_419, %dma_start3A_420, %dma_start3A_421] : memref<2x32x128xi32, #tpu.memory_space<vmem>> -> memref<1x1x128xi32, #tpu.memory_space<vmem>>
      %dma_start3A_423 = tpu.memref_squeeze %dma_start3A_422 : memref<1x1x128xi32, #tpu.memory_space<vmem>> -> memref<128xi32, #tpu.memory_space<vmem>>
      %dma_start3A_424 = arith.constant 0 : i32
      %dma_start3A_425 = arith.constant 0 : i32
      %dma_start3A_426 = tpu.memref_slice %arg2[%dma_start3A_424, %dma_start3A_425] : memref<10000x128xf32, #tpu.memory_space<hbm>> -> memref<10000x128xf32, #tpu.memory_space<hbm>>
      tpu.enqueue_indirect_dma source(%dma_start3A_426 : memref<10000x128xf32, #tpu.memory_space<hbm>>) target(%arg9 : memref<128x128xf32, #tpu.memory_space<vmem>>) offsets(%dma_start3A_423 : memref<128xi32, #tpu.memory_space<vmem>>) semaphore(%arg12 : memref<!tpu.dma_semaphore, #tpu.memory_space<semaphore_mem>>)
      %dma_start3A_427 = arith.constant 0 : i32
      %dma_start3A_428 = arith.constant 1 : i32
      %dma_start3A_429 = arith.constant 0 : i32
      %dma_start3A_430 = tpu.memref_slice %arg7[%dma_start3A_427, %dma_start3A_428, %dma_start3A_429] : memref<2x32x128xi32, #tpu.memory_space<vmem>> -> memref<1x1x128xi32, #tpu.memory_space<vmem>>
      %dma_start3A_431 = tpu.memref_squeeze %dma_start3A_430 : memref<1x1x128xi32, #tpu.memory_space<vmem>> -> memref<128xi32, #tpu.memory_space<vmem>>
      %dma_start3A_432 = arith.constant 0 : i32
      %dma_start3A_433 = arith.constant 0 : i32
      %dma_start3A_434 = tpu.memref_slice %arg2[%dma_start3A_432, %dma_start3A_433] : memref<10000x128xf32, #tpu.memory_space<hbm>> -> memref<10000x128xf32, #tpu.memory_space<hbm>>
      tpu.enqueue_indirect_dma source(%dma_start3A_434 : memref<10000x128xf32, #tpu.memory_space<hbm>>) target(%arg10 : memref<128x128xf32, #tpu.memory_space<vmem>>) offsets(%dma_start3A_431 : memref<128xi32, #tpu.memory_space<vmem>>) semaphore(%arg13 : memref<!tpu.dma_semaphore, #tpu.memory_space<semaphore_mem>>)
      %dma_wait3A_435 = arith.constant 0 : i32
      %dma_wait3A_436 = arith.constant 0 : i32
      %dma_wait3A_437 = arith.constant 0 : i32
      %dma_wait3A_438 = tpu.memref_slice %arg7[%dma_wait3A_435, %dma_wait3A_436, %dma_wait3A_437] : memref<2x32x128xi32, #tpu.memory_space<vmem>> -> memref<1x1x128xi32, #tpu.memory_space<vmem>>
      %dma_wait3A_439 = tpu.memref_squeeze %dma_wait3A_438 : memref<1x1x128xi32, #tpu.memory_space<vmem>> -> memref<128xi32, #tpu.memory_space<vmem>>
      %dma_wait3A_440 = arith.constant 0 : i32
      %dma_wait3A_441 = arith.constant 0 : i32
      %dma_wait3A_442 = tpu.memref_slice %arg2[%dma_wait3A_440, %dma_wait3A_441] : memref<10000x128xf32, #tpu.memory_space<hbm>> -> memref<10000x128xf32, #tpu.memory_space<hbm>>
      tpu.wait_indirect_dma semaphore(%arg12 : memref<!tpu.dma_semaphore, #tpu.memory_space<semaphore_mem>>) src(%dma_wait3A_442 : memref<10000x128xf32, #tpu.memory_space<hbm>>) dst(%arg9 : memref<128x128xf32, #tpu.memory_space<vmem>>)
      %dma_start3A_443 = arith.constant 0 : i32
      %dma_start3A_444 = arith.constant 0 : i32
      %dma_start3A_445 = arith.constant 0 : i32
      %dma_start3A_446 = tpu.memref_slice %arg8[%dma_start3A_443, %dma_start3A_444, %dma_start3A_445] : memref<2x32x128xi32, #tpu.memory_space<vmem>> -> memref<1x1x128xi32, #tpu.memory_space<vmem>>
      %dma_start3A_447 = tpu.memref_squeeze %dma_start3A_446 : memref<1x1x128xi32, #tpu.memory_space<vmem>> -> memref<128xi32, #tpu.memory_space<vmem>>
      %dma_start3A_448 = arith.constant 0 : i32
      %dma_start3A_449 = arith.constant 0 : i32
      %dma_start3A_450 = tpu.memref_slice %arg11[%dma_start3A_448, %dma_start3A_449] : memref<10240x128xf32, #tpu.memory_space<vmem_shared>> -> memref<10240x128xf32, #tpu.memory_space<vmem_shared>>
      tpu.enqueue_indirect_dma source(%arg9 : memref<128x128xf32, #tpu.memory_space<vmem>>) target(%dma_start3A_450 : memref<10240x128xf32, #tpu.memory_space<vmem_shared>>) offsets(%dma_start3A_447 : memref<128xi32, #tpu.memory_space<vmem>>) semaphore(%arg14 : memref<!tpu.dma_semaphore, #tpu.memory_space<semaphore_mem>>) {add = true}
      %sub3A_451 = arith.constant 2 : i32
      %sub3A_452 = arith.subi %sub3A_1, %sub3A_451 : i32
      %jit3A_453 = arith.constant 2 : i32
      %div3A_454 = arith.divsi %sub3A_452, %jit3A_453 : i32
      %sign3A_455 = arith.constant 0 : i32
      %sign3A_456 = arith.cmpi sgt, %sub3A_452, %sign3A_455 : i32
      %sign3A_457 = arith.extui %sign3A_456 : i1 to i32
      %sign3A_458 = arith.constant 0 : i32
      %sign3A_459 = arith.cmpi slt, %sub3A_452, %sign3A_458 : i32
      %sign3A_460 = arith.extui %sign3A_459 : i1 to i32
      %sign3A_461 = arith.subi %sign3A_457, %sign3A_460 : i32
      %sign3A_462 = arith.constant 0 : i32
      %sign3A_463 = arith.cmpi sgt, %jit3A_453, %sign3A_462 : i32
      %sign3A_464 = arith.extui %sign3A_463 : i1 to i32
      %sign3A_465 = arith.constant 0 : i32
      %sign3A_466 = arith.cmpi slt, %jit3A_453, %sign3A_465 : i32
      %sign3A_467 = arith.extui %sign3A_466 : i1 to i32
      %sign3A_468 = arith.subi %sign3A_464, %sign3A_467 : i32
      %ne3A_469 = arith.cmpi ne, %sign3A_461, %sign3A_468 : i32
      %rem3A_470 = arith.remsi %sub3A_452, %jit3A_453 : i32
      %ne3A_471 = arith.constant 0 : i32
      %ne3A_472 = arith.cmpi ne, %rem3A_470, %ne3A_471 : i32
      %and3A_473 = arith.andi %ne3A_469, %ne3A_472 : i1
      %sub3A_474 = arith.constant 1 : i32
      %sub3A_475 = arith.subi %div3A_454, %sub3A_474 : i32
      %select_n3A_476 = arith.select %and3A_473, %sub3A_475, %div3A_454 : i32
      %while3A_477 = arith.constant 0 : i32
      %while3A_478 = arith.constant 0 : i32
      %while3A_479 = arith.subi %select_n3A_476, %while3A_478 : i32
      %while3A_480 = arith.addi %while3A_478, %while3A_479 : i32
      %while3A_481 = arith.constant 1 : i32
      %while3A_482 = arith.divsi %while3A_479, %while3A_481 : i32
      %while3A_483 = arith.muli %while3A_482, %while3A_481 : i32
      %while3A_484 = arith.addi %while3A_478, %while3A_483 : i32
      %while3A_485 = arith.constant 1 : i32
      scf.for %while3A_656 = %while3A_478 to %while3A_484 step %while3A_485  : i32 {
        %mul3A_657 = arith.constant 2 : i32
        %mul3A_658 = arith.muli %mul3A_657, %while3A_656 : i32
        %add3A_659 = arith.constant 1 : i32
        %add3A_660 = arith.addi %add3A_659, %mul3A_658 : i32
        %sub3A_661 = arith.constant 1 : i32
        %sub3A_662 = arith.subi %add3A_660, %sub3A_661 : i32
        %dma_wait3A_663 = arith.constant 0 : i32
        %dma_wait3A_664 = arith.constant 0 : i32
        %dma_wait3A_665 = tpu.memref_slice %arg8[%dma_wait3A_663, %sub3A_662, %dma_wait3A_664] : memref<2x32x128xi32, #tpu.memory_space<vmem>> -> memref<1x1x128xi32, #tpu.memory_space<vmem>>
        %dma_wait3A_666 = tpu.memref_squeeze %dma_wait3A_665 : memref<1x1x128xi32, #tpu.memory_space<vmem>> -> memref<128xi32, #tpu.memory_space<vmem>>
        %dma_wait3A_667 = arith.constant 0 : i32
        %dma_wait3A_668 = arith.constant 0 : i32
        %dma_wait3A_669 = tpu.memref_slice %arg11[%dma_wait3A_667, %dma_wait3A_668] : memref<10240x128xf32, #tpu.memory_space<vmem_shared>> -> memref<10240x128xf32, #tpu.memory_space<vmem_shared>>
        tpu.wait_indirect_dma semaphore(%arg14 : memref<!tpu.dma_semaphore, #tpu.memory_space<semaphore_mem>>) src(%arg9 : memref<128x128xf32, #tpu.memory_space<vmem>>) dst(%dma_wait3A_669 : memref<10240x128xf32, #tpu.memory_space<vmem_shared>>)
        %add3A_670 = arith.constant 1 : i32
        %add3A_671 = arith.addi %add3A_660, %add3A_670 : i32
        %dma_start3A_672 = arith.constant 0 : i32
        %dma_start3A_673 = arith.constant 0 : i32
        %dma_start3A_674 = tpu.memref_slice %arg7[%dma_start3A_672, %add3A_671, %dma_start3A_673] : memref<2x32x128xi32, #tpu.memory_space<vmem>> -> memref<1x1x128xi32, #tpu.memory_space<vmem>>
        %dma_start3A_675 = tpu.memref_squeeze %dma_start3A_674 : memref<1x1x128xi32, #tpu.memory_space<vmem>> -> memref<128xi32, #tpu.memory_space<vmem>>
        %dma_start3A_676 = arith.constant 0 : i32
        %dma_start3A_677 = arith.constant 0 : i32
        %dma_start3A_678 = tpu.memref_slice %arg2[%dma_start3A_676, %dma_start3A_677] : memref<10000x128xf32, #tpu.memory_space<hbm>> -> memref<10000x128xf32, #tpu.memory_space<hbm>>
        tpu.enqueue_indirect_dma source(%dma_start3A_678 : memref<10000x128xf32, #tpu.memory_space<hbm>>) target(%arg9 : memref<128x128xf32, #tpu.memory_space<vmem>>) offsets(%dma_start3A_675 : memref<128xi32, #tpu.memory_space<vmem>>) semaphore(%arg12 : memref<!tpu.dma_semaphore, #tpu.memory_space<semaphore_mem>>)
        %dma_wait3A_679 = arith.constant 0 : i32
        %dma_wait3A_680 = arith.constant 0 : i32
        %dma_wait3A_681 = tpu.memref_slice %arg7[%dma_wait3A_679, %add3A_660, %dma_wait3A_680] : memref<2x32x128xi32, #tpu.memory_space<vmem>> -> memref<1x1x128xi32, #tpu.memory_space<vmem>>
        %dma_wait3A_682 = tpu.memref_squeeze %dma_wait3A_681 : memref<1x1x128xi32, #tpu.memory_space<vmem>> -> memref<128xi32, #tpu.memory_space<vmem>>
        %dma_wait3A_683 = arith.constant 0 : i32
        %dma_wait3A_684 = arith.constant 0 : i32
        %dma_wait3A_685 = tpu.memref_slice %arg2[%dma_wait3A_683, %dma_wait3A_684] : memref<10000x128xf32, #tpu.memory_space<hbm>> -> memref<10000x128xf32, #tpu.memory_space<hbm>>
        tpu.wait_indirect_dma semaphore(%arg13 : memref<!tpu.dma_semaphore, #tpu.memory_space<semaphore_mem>>) src(%dma_wait3A_685 : memref<10000x128xf32, #tpu.memory_space<hbm>>) dst(%arg10 : memref<128x128xf32, #tpu.memory_space<vmem>>)
        %dma_start3A_686 = arith.constant 0 : i32
        %dma_start3A_687 = arith.constant 0 : i32
        %dma_start3A_688 = tpu.memref_slice %arg8[%dma_start3A_686, %add3A_660, %dma_start3A_687] : memref<2x32x128xi32, #tpu.memory_space<vmem>> -> memref<1x1x128xi32, #tpu.memory_space<vmem>>
        %dma_start3A_689 = tpu.memref_squeeze %dma_start3A_688 : memref<1x1x128xi32, #tpu.memory_space<vmem>> -> memref<128xi32, #tpu.memory_space<vmem>>
        %dma_start3A_690 = arith.constant 0 : i32
        %dma_start3A_691 = arith.constant 0 : i32
        %dma_start3A_692 = tpu.memref_slice %arg11[%dma_start3A_690, %dma_start3A_691] : memref<10240x128xf32, #tpu.memory_space<vmem_shared>> -> memref<10240x128xf32, #tpu.memory_space<vmem_shared>>
        tpu.enqueue_indirect_dma source(%arg10 : memref<128x128xf32, #tpu.memory_space<vmem>>) target(%dma_start3A_692 : memref<10240x128xf32, #tpu.memory_space<vmem_shared>>) offsets(%dma_start3A_689 : memref<128xi32, #tpu.memory_space<vmem>>) semaphore(%arg15 : memref<!tpu.dma_semaphore, #tpu.memory_space<semaphore_mem>>) {add = true}
        %add3A_693 = arith.constant 1 : i32
        %add3A_694 = arith.addi %add3A_660, %add3A_693 : i32
        %sub3A_695 = arith.constant 1 : i32
        %sub3A_696 = arith.subi %add3A_694, %sub3A_695 : i32
        %dma_wait3A_697 = arith.constant 0 : i32
        %dma_wait3A_698 = arith.constant 0 : i32
        %dma_wait3A_699 = tpu.memref_slice %arg8[%dma_wait3A_697, %sub3A_696, %dma_wait3A_698] : memref<2x32x128xi32, #tpu.memory_space<vmem>> -> memref<1x1x128xi32, #tpu.memory_space<vmem>>
        %dma_wait3A_700 = tpu.memref_squeeze %dma_wait3A_699 : memref<1x1x128xi32, #tpu.memory_space<vmem>> -> memref<128xi32, #tpu.memory_space<vmem>>
        %dma_wait3A_701 = arith.constant 0 : i32
        %dma_wait3A_702 = arith.constant 0 : i32
        %dma_wait3A_703 = tpu.memref_slice %arg11[%dma_wait3A_701, %dma_wait3A_702] : memref<10240x128xf32, #tpu.memory_space<vmem_shared>> -> memref<10240x128xf32, #tpu.memory_space<vmem_shared>>
        tpu.wait_indirect_dma semaphore(%arg15 : memref<!tpu.dma_semaphore, #tpu.memory_space<semaphore_mem>>) src(%arg10 : memref<128x128xf32, #tpu.memory_space<vmem>>) dst(%dma_wait3A_703 : memref<10240x128xf32, #tpu.memory_space<vmem_shared>>)
        %add3A_704 = arith.constant 1 : i32
        %add3A_705 = arith.addi %add3A_694, %add3A_704 : i32
        %dma_start3A_706 = arith.constant 0 : i32
        %dma_start3A_707 = arith.constant 0 : i32
        %dma_start3A_708 = tpu.memref_slice %arg7[%dma_start3A_706, %add3A_705, %dma_start3A_707] : memref<2x32x128xi32, #tpu.memory_space<vmem>> -> memref<1x1x128xi32, #tpu.memory_space<vmem>>
        %dma_start3A_709 = tpu.memref_squeeze %dma_start3A_708 : memref<1x1x128xi32, #tpu.memory_space<vmem>> -> memref<128xi32, #tpu.memory_space<vmem>>
        %dma_start3A_710 = arith.constant 0 : i32
        %dma_start3A_711 = arith.constant 0 : i32
        %dma_start3A_712 = tpu.memref_slice %arg2[%dma_start3A_710, %dma_start3A_711] : memref<10000x128xf32, #tpu.memory_space<hbm>> -> memref<10000x128xf32, #tpu.memory_space<hbm>>
        tpu.enqueue_indirect_dma source(%dma_start3A_712 : memref<10000x128xf32, #tpu.memory_space<hbm>>) target(%arg10 : memref<128x128xf32, #tpu.memory_space<vmem>>) offsets(%dma_start3A_709 : memref<128xi32, #tpu.memory_space<vmem>>) semaphore(%arg13 : memref<!tpu.dma_semaphore, #tpu.memory_space<semaphore_mem>>)
        %dma_wait3A_713 = arith.constant 0 : i32
        %dma_wait3A_714 = arith.constant 0 : i32
        %dma_wait3A_715 = tpu.memref_slice %arg7[%dma_wait3A_713, %add3A_694, %dma_wait3A_714] : memref<2x32x128xi32, #tpu.memory_space<vmem>> -> memref<1x1x128xi32, #tpu.memory_space<vmem>>
        %dma_wait3A_716 = tpu.memref_squeeze %dma_wait3A_715 : memref<1x1x128xi32, #tpu.memory_space<vmem>> -> memref<128xi32, #tpu.memory_space<vmem>>
        %dma_wait3A_717 = arith.constant 0 : i32
        %dma_wait3A_718 = arith.constant 0 : i32
        %dma_wait3A_719 = tpu.memref_slice %arg2[%dma_wait3A_717, %dma_wait3A_718] : memref<10000x128xf32, #tpu.memory_space<hbm>> -> memref<10000x128xf32, #tpu.memory_space<hbm>>
        tpu.wait_indirect_dma semaphore(%arg12 : memref<!tpu.dma_semaphore, #tpu.memory_space<semaphore_mem>>) src(%dma_wait3A_719 : memref<10000x128xf32, #tpu.memory_space<hbm>>) dst(%arg9 : memref<128x128xf32, #tpu.memory_space<vmem>>)
        %dma_start3A_720 = arith.constant 0 : i32
        %dma_start3A_721 = arith.constant 0 : i32
        %dma_start3A_722 = tpu.memref_slice %arg8[%dma_start3A_720, %add3A_694, %dma_start3A_721] : memref<2x32x128xi32, #tpu.memory_space<vmem>> -> memref<1x1x128xi32, #tpu.memory_space<vmem>>
        %dma_start3A_723 = tpu.memref_squeeze %dma_start3A_722 : memref<1x1x128xi32, #tpu.memory_space<vmem>> -> memref<128xi32, #tpu.memory_space<vmem>>
        %dma_start3A_724 = arith.constant 0 : i32
        %dma_start3A_725 = arith.constant 0 : i32
        %dma_start3A_726 = tpu.memref_slice %arg11[%dma_start3A_724, %dma_start3A_725] : memref<10240x128xf32, #tpu.memory_space<vmem_shared>> -> memref<10240x128xf32, #tpu.memory_space<vmem_shared>>
        tpu.enqueue_indirect_dma source(%arg9 : memref<128x128xf32, #tpu.memory_space<vmem>>) target(%dma_start3A_726 : memref<10240x128xf32, #tpu.memory_space<vmem_shared>>) offsets(%dma_start3A_723 : memref<128xi32, #tpu.memory_space<vmem>>) semaphore(%arg14 : memref<!tpu.dma_semaphore, #tpu.memory_space<semaphore_mem>>) {add = true}
      }
      %while3A_486 = arith.constant 1 : i32
      scf.for %while3A_656 = %while3A_484 to %while3A_480 step %while3A_486  : i32 {
        %mul3A_657 = arith.constant 2 : i32
        %mul3A_658 = arith.muli %mul3A_657, %while3A_656 : i32
        %add3A_659 = arith.constant 1 : i32
        %add3A_660 = arith.addi %add3A_659, %mul3A_658 : i32
        %sub3A_661 = arith.constant 1 : i32
        %sub3A_662 = arith.subi %add3A_660, %sub3A_661 : i32
        %dma_wait3A_663 = arith.constant 0 : i32
        %dma_wait3A_664 = arith.constant 0 : i32
        %dma_wait3A_665 = tpu.memref_slice %arg8[%dma_wait3A_663, %sub3A_662, %dma_wait3A_664] : memref<2x32x128xi32, #tpu.memory_space<vmem>> -> memref<1x1x128xi32, #tpu.memory_space<vmem>>
        %dma_wait3A_666 = tpu.memref_squeeze %dma_wait3A_665 : memref<1x1x128xi32, #tpu.memory_space<vmem>> -> memref<128xi32, #tpu.memory_space<vmem>>
        %dma_wait3A_667 = arith.constant 0 : i32
        %dma_wait3A_668 = arith.constant 0 : i32
        %dma_wait3A_669 = tpu.memref_slice %arg11[%dma_wait3A_667, %dma_wait3A_668] : memref<10240x128xf32, #tpu.memory_space<vmem_shared>> -> memref<10240x128xf32, #tpu.memory_space<vmem_shared>>
        tpu.wait_indirect_dma semaphore(%arg14 : memref<!tpu.dma_semaphore, #tpu.memory_space<semaphore_mem>>) src(%arg9 : memref<128x128xf32, #tpu.memory_space<vmem>>) dst(%dma_wait3A_669 : memref<10240x128xf32, #tpu.memory_space<vmem_shared>>)
        %add3A_670 = arith.constant 1 : i32
        %add3A_671 = arith.addi %add3A_660, %add3A_670 : i32
        %dma_start3A_672 = arith.constant 0 : i32
        %dma_start3A_673 = arith.constant 0 : i32
        %dma_start3A_674 = tpu.memref_slice %arg7[%dma_start3A_672, %add3A_671, %dma_start3A_673] : memref<2x32x128xi32, #tpu.memory_space<vmem>> -> memref<1x1x128xi32, #tpu.memory_space<vmem>>
        %dma_start3A_675 = tpu.memref_squeeze %dma_start3A_674 : memref<1x1x128xi32, #tpu.memory_space<vmem>> -> memref<128xi32, #tpu.memory_space<vmem>>
        %dma_start3A_676 = arith.constant 0 : i32
        %dma_start3A_677 = arith.constant 0 : i32
        %dma_start3A_678 = tpu.memref_slice %arg2[%dma_start3A_676, %dma_start3A_677] : memref<10000x128xf32, #tpu.memory_space<hbm>> -> memref<10000x128xf32, #tpu.memory_space<hbm>>
        tpu.enqueue_indirect_dma source(%dma_start3A_678 : memref<10000x128xf32, #tpu.memory_space<hbm>>) target(%arg9 : memref<128x128xf32, #tpu.memory_space<vmem>>) offsets(%dma_start3A_675 : memref<128xi32, #tpu.memory_space<vmem>>) semaphore(%arg12 : memref<!tpu.dma_semaphore, #tpu.memory_space<semaphore_mem>>)
        %dma_wait3A_679 = arith.constant 0 : i32
        %dma_wait3A_680 = arith.constant 0 : i32
        %dma_wait3A_681 = tpu.memref_slice %arg7[%dma_wait3A_679, %add3A_660, %dma_wait3A_680] : memref<2x32x128xi32, #tpu.memory_space<vmem>> -> memref<1x1x128xi32, #tpu.memory_space<vmem>>
        %dma_wait3A_682 = tpu.memref_squeeze %dma_wait3A_681 : memref<1x1x128xi32, #tpu.memory_space<vmem>> -> memref<128xi32, #tpu.memory_space<vmem>>
        %dma_wait3A_683 = arith.constant 0 : i32
        %dma_wait3A_684 = arith.constant 0 : i32
        %dma_wait3A_685 = tpu.memref_slice %arg2[%dma_wait3A_683, %dma_wait3A_684] : memref<10000x128xf32, #tpu.memory_space<hbm>> -> memref<10000x128xf32, #tpu.memory_space<hbm>>
        tpu.wait_indirect_dma semaphore(%arg13 : memref<!tpu.dma_semaphore, #tpu.memory_space<semaphore_mem>>) src(%dma_wait3A_685 : memref<10000x128xf32, #tpu.memory_space<hbm>>) dst(%arg10 : memref<128x128xf32, #tpu.memory_space<vmem>>)
        %dma_start3A_686 = arith.constant 0 : i32
        %dma_start3A_687 = arith.constant 0 : i32
        %dma_start3A_688 = tpu.memref_slice %arg8[%dma_start3A_686, %add3A_660, %dma_start3A_687] : memref<2x32x128xi32, #tpu.memory_space<vmem>> -> memref<1x1x128xi32, #tpu.memory_space<vmem>>
        %dma_start3A_689 = tpu.memref_squeeze %dma_start3A_688 : memref<1x1x128xi32, #tpu.memory_space<vmem>> -> memref<128xi32, #tpu.memory_space<vmem>>
        %dma_start3A_690 = arith.constant 0 : i32
        %dma_start3A_691 = arith.constant 0 : i32
        %dma_start3A_692 = tpu.memref_slice %arg11[%dma_start3A_690, %dma_start3A_691] : memref<10240x128xf32, #tpu.memory_space<vmem_shared>> -> memref<10240x128xf32, #tpu.memory_space<vmem_shared>>
        tpu.enqueue_indirect_dma source(%arg10 : memref<128x128xf32, #tpu.memory_space<vmem>>) target(%dma_start3A_692 : memref<10240x128xf32, #tpu.memory_space<vmem_shared>>) offsets(%dma_start3A_689 : memref<128xi32, #tpu.memory_space<vmem>>) semaphore(%arg15 : memref<!tpu.dma_semaphore, #tpu.memory_space<semaphore_mem>>) {add = true}
        %add3A_693 = arith.constant 1 : i32
        %add3A_694 = arith.addi %add3A_660, %add3A_693 : i32
        %sub3A_695 = arith.constant 1 : i32
        %sub3A_696 = arith.subi %add3A_694, %sub3A_695 : i32
        %dma_wait3A_697 = arith.constant 0 : i32
        %dma_wait3A_698 = arith.constant 0 : i32
        %dma_wait3A_699 = tpu.memref_slice %arg8[%dma_wait3A_697, %sub3A_696, %dma_wait3A_698] : memref<2x32x128xi32, #tpu.memory_space<vmem>> -> memref<1x1x128xi32, #tpu.memory_space<vmem>>
        %dma_wait3A_700 = tpu.memref_squeeze %dma_wait3A_699 : memref<1x1x128xi32, #tpu.memory_space<vmem>> -> memref<128xi32, #tpu.memory_space<vmem>>
        %dma_wait3A_701 = arith.constant 0 : i32
        %dma_wait3A_702 = arith.constant 0 : i32
        %dma_wait3A_703 = tpu.memref_slice %arg11[%dma_wait3A_701, %dma_wait3A_702] : memref<10240x128xf32, #tpu.memory_space<vmem_shared>> -> memref<10240x128xf32, #tpu.memory_space<vmem_shared>>
        tpu.wait_indirect_dma semaphore(%arg15 : memref<!tpu.dma_semaphore, #tpu.memory_space<semaphore_mem>>) src(%arg10 : memref<128x128xf32, #tpu.memory_space<vmem>>) dst(%dma_wait3A_703 : memref<10240x128xf32, #tpu.memory_space<vmem_shared>>)
        %add3A_704 = arith.constant 1 : i32
        %add3A_705 = arith.addi %add3A_694, %add3A_704 : i32
        %dma_start3A_706 = arith.constant 0 : i32
        %dma_start3A_707 = arith.constant 0 : i32
        %dma_start3A_708 = tpu.memref_slice %arg7[%dma_start3A_706, %add3A_705, %dma_start3A_707] : memref<2x32x128xi32, #tpu.memory_space<vmem>> -> memref<1x1x128xi32, #tpu.memory_space<vmem>>
        %dma_start3A_709 = tpu.memref_squeeze %dma_start3A_708 : memref<1x1x128xi32, #tpu.memory_space<vmem>> -> memref<128xi32, #tpu.memory_space<vmem>>
        %dma_start3A_710 = arith.constant 0 : i32
        %dma_start3A_711 = arith.constant 0 : i32
        %dma_start3A_712 = tpu.memref_slice %arg2[%dma_start3A_710, %dma_start3A_711] : memref<10000x128xf32, #tpu.memory_space<hbm>> -> memref<10000x128xf32, #tpu.memory_space<hbm>>
        tpu.enqueue_indirect_dma source(%dma_start3A_712 : memref<10000x128xf32, #tpu.memory_space<hbm>>) target(%arg10 : memref<128x128xf32, #tpu.memory_space<vmem>>) offsets(%dma_start3A_709 : memref<128xi32, #tpu.memory_space<vmem>>) semaphore(%arg13 : memref<!tpu.dma_semaphore, #tpu.memory_space<semaphore_mem>>)
        %dma_wait3A_713 = arith.constant 0 : i32
        %dma_wait3A_714 = arith.constant 0 : i32
        %dma_wait3A_715 = tpu.memref_slice %arg7[%dma_wait3A_713, %add3A_694, %dma_wait3A_714] : memref<2x32x128xi32, #tpu.memory_space<vmem>> -> memref<1x1x128xi32, #tpu.memory_space<vmem>>
        %dma_wait3A_716 = tpu.memref_squeeze %dma_wait3A_715 : memref<1x1x128xi32, #tpu.memory_space<vmem>> -> memref<128xi32, #tpu.memory_space<vmem>>
        %dma_wait3A_717 = arith.constant 0 : i32
        %dma_wait3A_718 = arith.constant 0 : i32
        %dma_wait3A_719 = tpu.memref_slice %arg2[%dma_wait3A_717, %dma_wait3A_718] : memref<10000x128xf32, #tpu.memory_space<hbm>> -> memref<10000x128xf32, #tpu.memory_space<hbm>>
        tpu.wait_indirect_dma semaphore(%arg12 : memref<!tpu.dma_semaphore, #tpu.memory_space<semaphore_mem>>) src(%dma_wait3A_719 : memref<10000x128xf32, #tpu.memory_space<hbm>>) dst(%arg9 : memref<128x128xf32, #tpu.memory_space<vmem>>)
        %dma_start3A_720 = arith.constant 0 : i32
        %dma_start3A_721 = arith.constant 0 : i32
        %dma_start3A_722 = tpu.memref_slice %arg8[%dma_start3A_720, %add3A_694, %dma_start3A_721] : memref<2x32x128xi32, #tpu.memory_space<vmem>> -> memref<1x1x128xi32, #tpu.memory_space<vmem>>
        %dma_start3A_723 = tpu.memref_squeeze %dma_start3A_722 : memref<1x1x128xi32, #tpu.memory_space<vmem>> -> memref<128xi32, #tpu.memory_space<vmem>>
        %dma_start3A_724 = arith.constant 0 : i32
        %dma_start3A_725 = arith.constant 0 : i32
        %dma_start3A_726 = tpu.memref_slice %arg11[%dma_start3A_724, %dma_start3A_725] : memref<10240x128xf32, #tpu.memory_space<vmem_shared>> -> memref<10240x128xf32, #tpu.memory_space<vmem_shared>>
        tpu.enqueue_indirect_dma source(%arg9 : memref<128x128xf32, #tpu.memory_space<vmem>>) target(%dma_start3A_726 : memref<10240x128xf32, #tpu.memory_space<vmem_shared>>) offsets(%dma_start3A_723 : memref<128xi32, #tpu.memory_space<vmem>>) semaphore(%arg14 : memref<!tpu.dma_semaphore, #tpu.memory_space<semaphore_mem>>) {add = true}
      }
      %sub3A_487 = arith.constant 2 : i32
      %sub3A_488 = arith.subi %sub3A_1, %sub3A_487 : i32
      %dma_wait3A_489 = arith.constant 0 : i32
      %dma_wait3A_490 = arith.constant 0 : i32
      %dma_wait3A_491 = tpu.memref_slice %arg8[%dma_wait3A_489, %sub3A_488, %dma_wait3A_490] : memref<2x32x128xi32, #tpu.memory_space<vmem>> -> memref<1x1x128xi32, #tpu.memory_space<vmem>>
      %dma_wait3A_492 = tpu.memref_squeeze %dma_wait3A_491 : memref<1x1x128xi32, #tpu.memory_space<vmem>> -> memref<128xi32, #tpu.memory_space<vmem>>
      %dma_wait3A_493 = arith.constant 0 : i32
      %dma_wait3A_494 = arith.constant 0 : i32
      %dma_wait3A_495 = tpu.memref_slice %arg11[%dma_wait3A_493, %dma_wait3A_494] : memref<10240x128xf32, #tpu.memory_space<vmem_shared>> -> memref<10240x128xf32, #tpu.memory_space<vmem_shared>>
      tpu.wait_indirect_dma semaphore(%arg14 : memref<!tpu.dma_semaphore, #tpu.memory_space<semaphore_mem>>) src(%arg9 : memref<128x128xf32, #tpu.memory_space<vmem>>) dst(%dma_wait3A_495 : memref<10240x128xf32, #tpu.memory_space<vmem_shared>>)
      %sub3A_496 = arith.constant 1 : i32
      %sub3A_497 = arith.subi %sub3A_1, %sub3A_496 : i32
      %dma_wait3A_498 = arith.constant 0 : i32
      %dma_wait3A_499 = arith.constant 0 : i32
      %dma_wait3A_500 = tpu.memref_slice %arg7[%dma_wait3A_498, %sub3A_497, %dma_wait3A_499] : memref<2x32x128xi32, #tpu.memory_space<vmem>> -> memref<1x1x128xi32, #tpu.memory_space<vmem>>
      %dma_wait3A_501 = tpu.memref_squeeze %dma_wait3A_500 : memref<1x1x128xi32, #tpu.memory_space<vmem>> -> memref<128xi32, #tpu.memory_space<vmem>>
      %dma_wait3A_502 = arith.constant 0 : i32
      %dma_wait3A_503 = arith.constant 0 : i32
      %dma_wait3A_504 = tpu.memref_slice %arg2[%dma_wait3A_502, %dma_wait3A_503] : memref<10000x128xf32, #tpu.memory_space<hbm>> -> memref<10000x128xf32, #tpu.memory_space<hbm>>
      tpu.wait_indirect_dma semaphore(%arg13 : memref<!tpu.dma_semaphore, #tpu.memory_space<semaphore_mem>>) src(%dma_wait3A_504 : memref<10000x128xf32, #tpu.memory_space<hbm>>) dst(%arg10 : memref<128x128xf32, #tpu.memory_space<vmem>>)
      %sub3A_505 = arith.constant 1 : i32
      %sub3A_506 = arith.subi %sub3A_1, %sub3A_505 : i32
      %dma_start3A_507 = arith.constant 0 : i32
      %dma_start3A_508 = arith.constant 0 : i32
      %dma_start3A_509 = tpu.memref_slice %arg8[%dma_start3A_507, %sub3A_506, %dma_start3A_508] : memref<2x32x128xi32, #tpu.memory_space<vmem>> -> memref<1x1x128xi32, #tpu.memory_space<vmem>>
      %dma_start3A_510 = tpu.memref_squeeze %dma_start3A_509 : memref<1x1x128xi32, #tpu.memory_space<vmem>> -> memref<128xi32, #tpu.memory_space<vmem>>
      %dma_start3A_511 = arith.constant 0 : i32
      %dma_start3A_512 = arith.constant 0 : i32
      %dma_start3A_513 = tpu.memref_slice %arg11[%dma_start3A_511, %dma_start3A_512] : memref<10240x128xf32, #tpu.memory_space<vmem_shared>> -> memref<10240x128xf32, #tpu.memory_space<vmem_shared>>
      tpu.enqueue_indirect_dma source(%arg10 : memref<128x128xf32, #tpu.memory_space<vmem>>) target(%dma_start3A_513 : memref<10240x128xf32, #tpu.memory_space<vmem_shared>>) offsets(%dma_start3A_510 : memref<128xi32, #tpu.memory_space<vmem>>) semaphore(%arg15 : memref<!tpu.dma_semaphore, #tpu.memory_space<semaphore_mem>>) {add = true}
      %sub3A_514 = arith.constant 1 : i32
      %sub3A_515 = arith.subi %sub3A_1, %sub3A_514 : i32
      %dma_wait3A_516 = arith.constant 0 : i32
      %dma_wait3A_517 = arith.constant 0 : i32
      %dma_wait3A_518 = tpu.memref_slice %arg8[%dma_wait3A_516, %sub3A_515, %dma_wait3A_517] : memref<2x32x128xi32, #tpu.memory_space<vmem>> -> memref<1x1x128xi32, #tpu.memory_space<vmem>>
      %dma_wait3A_519 = tpu.memref_squeeze %dma_wait3A_518 : memref<1x1x128xi32, #tpu.memory_space<vmem>> -> memref<128xi32, #tpu.memory_space<vmem>>
      %dma_wait3A_520 = arith.constant 0 : i32
      %dma_wait3A_521 = arith.constant 0 : i32
      %dma_wait3A_522 = tpu.memref_slice %arg11[%dma_wait3A_520, %dma_wait3A_521] : memref<10240x128xf32, #tpu.memory_space<vmem_shared>> -> memref<10240x128xf32, #tpu.memory_space<vmem_shared>>
      tpu.wait_indirect_dma semaphore(%arg15 : memref<!tpu.dma_semaphore, #tpu.memory_space<semaphore_mem>>) src(%arg10 : memref<128x128xf32, #tpu.memory_space<vmem>>) dst(%dma_wait3A_522 : memref<10240x128xf32, #tpu.memory_space<vmem_shared>>)
      %mul3A_523 = arith.constant 3 : i32
      %mul3A_524 = arith.muli %mul3A_523, %sub3A_1 : i32
      %add3A_525 = arith.addi %add3A, %mul3A_524 : i32
      %dma_wait3A_526 = arith.constant 1 : i32
      %dma_wait3A_527 = arith.constant 0 : i32
      %dma_wait3A_528 = arith.constant 0 : i32
      %dma_wait3A_529 = tpu.memref_slice %arg7[%dma_wait3A_526, %dma_wait3A_527, %dma_wait3A_528] : memref<2x32x128xi32, #tpu.memory_space<vmem>> -> memref<1x32x128xi32, #tpu.memory_space<vmem>>
      %dma_wait3A_530 = tpu.memref_squeeze %dma_wait3A_529 : memref<1x32x128xi32, #tpu.memory_space<vmem>> -> memref<32x128xi32, #tpu.memory_space<vmem>>
      %dma_wait3A_531 = arith.constant 0 : i32
      %dma_wait3A_532 = tpu.memref_slice %arg3[%add3A_525, %dma_wait3A_531] : memref<2584x128xi32, #tpu.memory_space<hbm>> -> memref<32x128xi32, #tpu.memory_space<hbm>>
      %dma_wait3A_533 = arith.constant 0 : i32
      %dma_wait3A_534 = arith.constant 0 : i32
      %dma_wait3A_535 = tpu.memref_slice %arg7[%dma_wait3A_526, %dma_wait3A_533, %dma_wait3A_534] : memref<2x32x128xi32, #tpu.memory_space<vmem>> -> memref<1x32x128xi32, #tpu.memory_space<vmem>>
      %dma_wait3A_536 = tpu.memref_squeeze %dma_wait3A_535 : memref<1x32x128xi32, #tpu.memory_space<vmem>> -> memref<32x128xi32, #tpu.memory_space<vmem>>
      %dma_wait3A_537 = arith.constant 0 : i32
      %dma_wait3A_538 = tpu.memref_slice %arg3[%add3A_525, %dma_wait3A_537] : memref<2584x128xi32, #tpu.memory_space<hbm>> -> memref<32x128xi32, #tpu.memory_space<hbm>>
      tpu.wait_dma2 semaphore(%arg16 : memref<!tpu.dma_semaphore, #tpu.memory_space<semaphore_mem>>) src(%dma_wait3A_538 : memref<32x128xi32, #tpu.memory_space<hbm>>) dst(%dma_wait3A_536 : memref<32x128xi32, #tpu.memory_space<vmem>>)
      %dma_wait3A_539 = arith.constant 1 : i32
      %dma_wait3A_540 = arith.constant 0 : i32
      %dma_wait3A_541 = arith.constant 0 : i32
      %dma_wait3A_542 = tpu.memref_slice %arg8[%dma_wait3A_539, %dma_wait3A_540, %dma_wait3A_541] : memref<2x32x128xi32, #tpu.memory_space<vmem>> -> memref<1x32x128xi32, #tpu.memory_space<vmem>>
      %dma_wait3A_543 = tpu.memref_squeeze %dma_wait3A_542 : memref<1x32x128xi32, #tpu.memory_space<vmem>> -> memref<32x128xi32, #tpu.memory_space<vmem>>
      %dma_wait3A_544 = arith.constant 0 : i32
      %dma_wait3A_545 = tpu.memref_slice %arg4[%add3A_525, %dma_wait3A_544] : memref<2584x128xi32, #tpu.memory_space<hbm>> -> memref<32x128xi32, #tpu.memory_space<hbm>>
      %dma_wait3A_546 = arith.constant 0 : i32
      %dma_wait3A_547 = arith.constant 0 : i32
      %dma_wait3A_548 = tpu.memref_slice %arg8[%dma_wait3A_539, %dma_wait3A_546, %dma_wait3A_547] : memref<2x32x128xi32, #tpu.memory_space<vmem>> -> memref<1x32x128xi32, #tpu.memory_space<vmem>>
      %dma_wait3A_549 = tpu.memref_squeeze %dma_wait3A_548 : memref<1x32x128xi32, #tpu.memory_space<vmem>> -> memref<32x128xi32, #tpu.memory_space<vmem>>
      %dma_wait3A_550 = arith.constant 0 : i32
      %dma_wait3A_551 = tpu.memref_slice %arg4[%add3A_525, %dma_wait3A_550] : memref<2584x128xi32, #tpu.memory_space<hbm>> -> memref<32x128xi32, #tpu.memory_space<hbm>>
      tpu.wait_dma2 semaphore(%arg16 : memref<!tpu.dma_semaphore, #tpu.memory_space<semaphore_mem>>) src(%dma_wait3A_551 : memref<32x128xi32, #tpu.memory_space<hbm>>) dst(%dma_wait3A_549 : memref<32x128xi32, #tpu.memory_space<vmem>>)
      %dma_start3A_552 = arith.constant 1 : i32
      %dma_start3A_553 = arith.constant 0 : i32
      %dma_start3A_554 = arith.constant 0 : i32
      %dma_start3A_555 = tpu.memref_slice %arg7[%dma_start3A_552, %dma_start3A_553, %dma_start3A_554] : memref<2x32x128xi32, #tpu.memory_space<vmem>> -> memref<1x1x128xi32, #tpu.memory_space<vmem>>
      %dma_start3A_556 = tpu.memref_squeeze %dma_start3A_555 : memref<1x1x128xi32, #tpu.memory_space<vmem>> -> memref<128xi32, #tpu.memory_space<vmem>>
      %dma_start3A_557 = arith.constant 0 : i32
      %dma_start3A_558 = arith.constant 0 : i32
      %dma_start3A_559 = tpu.memref_slice %arg2[%dma_start3A_557, %dma_start3A_558] : memref<10000x128xf32, #tpu.memory_space<hbm>> -> memref<10000x128xf32, #tpu.memory_space<hbm>>
      tpu.enqueue_indirect_dma source(%dma_start3A_559 : memref<10000x128xf32, #tpu.memory_space<hbm>>) target(%arg9 : memref<128x128xf32, #tpu.memory_space<vmem>>) offsets(%dma_start3A_556 : memref<128xi32, #tpu.memory_space<vmem>>) semaphore(%arg12 : memref<!tpu.dma_semaphore, #tpu.memory_space<semaphore_mem>>)
      %dma_start3A_560 = arith.constant 1 : i32
      %dma_start3A_561 = arith.constant 1 : i32
      %dma_start3A_562 = arith.constant 0 : i32
      %dma_start3A_563 = tpu.memref_slice %arg7[%dma_start3A_560, %dma_start3A_561, %dma_start3A_562] : memref<2x32x128xi32, #tpu.memory_space<vmem>> -> memref<1x1x128xi32, #tpu.memory_space<vmem>>
      %dma_start3A_564 = tpu.memref_squeeze %dma_start3A_563 : memref<1x1x128xi32, #tpu.memory_space<vmem>> -> memref<128xi32, #tpu.memory_space<vmem>>
      %dma_start3A_565 = arith.constant 0 : i32
      %dma_start3A_566 = arith.constant 0 : i32
      %dma_start3A_567 = tpu.memref_slice %arg2[%dma_start3A_565, %dma_start3A_566] : memref<10000x128xf32, #tpu.memory_space<hbm>> -> memref<10000x128xf32, #tpu.memory_space<hbm>>
      tpu.enqueue_indirect_dma source(%dma_start3A_567 : memref<10000x128xf32, #tpu.memory_space<hbm>>) target(%arg10 : memref<128x128xf32, #tpu.memory_space<vmem>>) offsets(%dma_start3A_564 : memref<128xi32, #tpu.memory_space<vmem>>) semaphore(%arg13 : memref<!tpu.dma_semaphore, #tpu.memory_space<semaphore_mem>>)
      %dma_wait3A_568 = arith.constant 1 : i32
      %dma_wait3A_569 = arith.constant 0 : i32
      %dma_wait3A_570 = arith.constant 0 : i32
      %dma_wait3A_571 = tpu.memref_slice %arg7[%dma_wait3A_568, %dma_wait3A_569, %dma_wait3A_570] : memref<2x32x128xi32, #tpu.memory_space<vmem>> -> memref<1x1x128xi32, #tpu.memory_space<vmem>>
      %dma_wait3A_572 = tpu.memref_squeeze %dma_wait3A_571 : memref<1x1x128xi32, #tpu.memory_space<vmem>> -> memref<128xi32, #tpu.memory_space<vmem>>
      %dma_wait3A_573 = arith.constant 0 : i32
      %dma_wait3A_574 = arith.constant 0 : i32
      %dma_wait3A_575 = tpu.memref_slice %arg2[%dma_wait3A_573, %dma_wait3A_574] : memref<10000x128xf32, #tpu.memory_space<hbm>> -> memref<10000x128xf32, #tpu.memory_space<hbm>>
      tpu.wait_indirect_dma semaphore(%arg12 : memref<!tpu.dma_semaphore, #tpu.memory_space<semaphore_mem>>) src(%dma_wait3A_575 : memref<10000x128xf32, #tpu.memory_space<hbm>>) dst(%arg9 : memref<128x128xf32, #tpu.memory_space<vmem>>)
      %dma_start3A_576 = arith.constant 1 : i32
      %dma_start3A_577 = arith.constant 0 : i32
      %dma_start3A_578 = arith.constant 0 : i32
      %dma_start3A_579 = tpu.memref_slice %arg8[%dma_start3A_576, %dma_start3A_577, %dma_start3A_578] : memref<2x32x128xi32, #tpu.memory_space<vmem>> -> memref<1x1x128xi32, #tpu.memory_space<vmem>>
      %dma_start3A_580 = tpu.memref_squeeze %dma_start3A_579 : memref<1x1x128xi32, #tpu.memory_space<vmem>> -> memref<128xi32, #tpu.memory_space<vmem>>
      %dma_start3A_581 = arith.constant 0 : i32
      %dma_start3A_582 = arith.constant 0 : i32
      %dma_start3A_583 = tpu.memref_slice %arg11[%dma_start3A_581, %dma_start3A_582] : memref<10240x128xf32, #tpu.memory_space<vmem_shared>> -> memref<10240x128xf32, #tpu.memory_space<vmem_shared>>
      tpu.enqueue_indirect_dma source(%arg9 : memref<128x128xf32, #tpu.memory_space<vmem>>) target(%dma_start3A_583 : memref<10240x128xf32, #tpu.memory_space<vmem_shared>>) offsets(%dma_start3A_580 : memref<128xi32, #tpu.memory_space<vmem>>) semaphore(%arg14 : memref<!tpu.dma_semaphore, #tpu.memory_space<semaphore_mem>>) {add = true}
      %sub3A_584 = arith.constant 2 : i32
      %sub3A_585 = arith.subi %sub3A_1, %sub3A_584 : i32
      %jit3A_586 = arith.constant 2 : i32
      %div3A_587 = arith.divsi %sub3A_585, %jit3A_586 : i32
      %sign3A_588 = arith.constant 0 : i32
      %sign3A_589 = arith.cmpi sgt, %sub3A_585, %sign3A_588 : i32
      %sign3A_590 = arith.extui %sign3A_589 : i1 to i32
      %sign3A_591 = arith.constant 0 : i32
      %sign3A_592 = arith.cmpi slt, %sub3A_585, %sign3A_591 : i32
      %sign3A_593 = arith.extui %sign3A_592 : i1 to i32
      %sign3A_594 = arith.subi %sign3A_590, %sign3A_593 : i32
      %sign3A_595 = arith.constant 0 : i32
      %sign3A_596 = arith.cmpi sgt, %jit3A_586, %sign3A_595 : i32
      %sign3A_597 = arith.extui %sign3A_596 : i1 to i32
      %sign3A_598 = arith.constant 0 : i32
      %sign3A_599 = arith.cmpi slt, %jit3A_586, %sign3A_598 : i32
      %sign3A_600 = arith.extui %sign3A_599 : i1 to i32
      %sign3A_601 = arith.subi %sign3A_597, %sign3A_600 : i32
      %ne3A_602 = arith.cmpi ne, %sign3A_594, %sign3A_601 : i32
      %rem3A_603 = arith.remsi %sub3A_585, %jit3A_586 : i32
      %ne3A_604 = arith.constant 0 : i32
      %ne3A_605 = arith.cmpi ne, %rem3A_603, %ne3A_604 : i32
      %and3A_606 = arith.andi %ne3A_602, %ne3A_605 : i1
      %sub3A_607 = arith.constant 1 : i32
      %sub3A_608 = arith.subi %div3A_587, %sub3A_607 : i32
      %select_n3A_609 = arith.select %and3A_606, %sub3A_608, %div3A_587 : i32
      %while3A_610 = arith.constant 0 : i32
      %while3A_611 = arith.constant 0 : i32
      %while3A_612 = arith.subi %select_n3A_609, %while3A_611 : i32
      %while3A_613 = arith.addi %while3A_611, %while3A_612 : i32
      %while3A_614 = arith.constant 1 : i32
      %while3A_615 = arith.divsi %while3A_612, %while3A_614 : i32
      %while3A_616 = arith.muli %while3A_615, %while3A_614 : i32
      %while3A_617 = arith.addi %while3A_611, %while3A_616 : i32
      %while3A_618 = arith.constant 1 : i32
      scf.for %while3A_656 = %while3A_611 to %while3A_617 step %while3A_618  : i32 {
        %mul3A_657 = arith.constant 2 : i32
        %mul3A_658 = arith.muli %mul3A_657, %while3A_656 : i32
        %add3A_659 = arith.constant 1 : i32
        %add3A_660 = arith.addi %add3A_659, %mul3A_658 : i32
        %sub3A_661 = arith.constant 1 : i32
        %sub3A_662 = arith.subi %add3A_660, %sub3A_661 : i32
        %dma_wait3A_663 = arith.constant 1 : i32
        %dma_wait3A_664 = arith.constant 0 : i32
        %dma_wait3A_665 = tpu.memref_slice %arg8[%dma_wait3A_663, %sub3A_662, %dma_wait3A_664] : memref<2x32x128xi32, #tpu.memory_space<vmem>> -> memref<1x1x128xi32, #tpu.memory_space<vmem>>
        %dma_wait3A_666 = tpu.memref_squeeze %dma_wait3A_665 : memref<1x1x128xi32, #tpu.memory_space<vmem>> -> memref<128xi32, #tpu.memory_space<vmem>>
        %dma_wait3A_667 = arith.constant 0 : i32
        %dma_wait3A_668 = arith.constant 0 : i32
        %dma_wait3A_669 = tpu.memref_slice %arg11[%dma_wait3A_667, %dma_wait3A_668] : memref<10240x128xf32, #tpu.memory_space<vmem_shared>> -> memref<10240x128xf32, #tpu.memory_space<vmem_shared>>
        tpu.wait_indirect_dma semaphore(%arg14 : memref<!tpu.dma_semaphore, #tpu.memory_space<semaphore_mem>>) src(%arg9 : memref<128x128xf32, #tpu.memory_space<vmem>>) dst(%dma_wait3A_669 : memref<10240x128xf32, #tpu.memory_space<vmem_shared>>)
        %add3A_670 = arith.constant 1 : i32
        %add3A_671 = arith.addi %add3A_660, %add3A_670 : i32
        %dma_start3A_672 = arith.constant 1 : i32
        %dma_start3A_673 = arith.constant 0 : i32
        %dma_start3A_674 = tpu.memref_slice %arg7[%dma_start3A_672, %add3A_671, %dma_start3A_673] : memref<2x32x128xi32, #tpu.memory_space<vmem>> -> memref<1x1x128xi32, #tpu.memory_space<vmem>>
        %dma_start3A_675 = tpu.memref_squeeze %dma_start3A_674 : memref<1x1x128xi32, #tpu.memory_space<vmem>> -> memref<128xi32, #tpu.memory_space<vmem>>
        %dma_start3A_676 = arith.constant 0 : i32
        %dma_start3A_677 = arith.constant 0 : i32
        %dma_start3A_678 = tpu.memref_slice %arg2[%dma_start3A_676, %dma_start3A_677] : memref<10000x128xf32, #tpu.memory_space<hbm>> -> memref<10000x128xf32, #tpu.memory_space<hbm>>
        tpu.enqueue_indirect_dma source(%dma_start3A_678 : memref<10000x128xf32, #tpu.memory_space<hbm>>) target(%arg9 : memref<128x128xf32, #tpu.memory_space<vmem>>) offsets(%dma_start3A_675 : memref<128xi32, #tpu.memory_space<vmem>>) semaphore(%arg12 : memref<!tpu.dma_semaphore, #tpu.memory_space<semaphore_mem>>)
        %dma_wait3A_679 = arith.constant 1 : i32
        %dma_wait3A_680 = arith.constant 0 : i32
        %dma_wait3A_681 = tpu.memref_slice %arg7[%dma_wait3A_679, %add3A_660, %dma_wait3A_680] : memref<2x32x128xi32, #tpu.memory_space<vmem>> -> memref<1x1x128xi32, #tpu.memory_space<vmem>>
        %dma_wait3A_682 = tpu.memref_squeeze %dma_wait3A_681 : memref<1x1x128xi32, #tpu.memory_space<vmem>> -> memref<128xi32, #tpu.memory_space<vmem>>
        %dma_wait3A_683 = arith.constant 0 : i32
        %dma_wait3A_684 = arith.constant 0 : i32
        %dma_wait3A_685 = tpu.memref_slice %arg2[%dma_wait3A_683, %dma_wait3A_684] : memref<10000x128xf32, #tpu.memory_space<hbm>> -> memref<10000x128xf32, #tpu.memory_space<hbm>>
        tpu.wait_indirect_dma semaphore(%arg13 : memref<!tpu.dma_semaphore, #tpu.memory_space<semaphore_mem>>) src(%dma_wait3A_685 : memref<10000x128xf32, #tpu.memory_space<hbm>>) dst(%arg10 : memref<128x128xf32, #tpu.memory_space<vmem>>)
        %dma_start3A_686 = arith.constant 1 : i32
        %dma_start3A_687 = arith.constant 0 : i32
        %dma_start3A_688 = tpu.memref_slice %arg8[%dma_start3A_686, %add3A_660, %dma_start3A_687] : memref<2x32x128xi32, #tpu.memory_space<vmem>> -> memref<1x1x128xi32, #tpu.memory_space<vmem>>
        %dma_start3A_689 = tpu.memref_squeeze %dma_start3A_688 : memref<1x1x128xi32, #tpu.memory_space<vmem>> -> memref<128xi32, #tpu.memory_space<vmem>>
        %dma_start3A_690 = arith.constant 0 : i32
        %dma_start3A_691 = arith.constant 0 : i32
        %dma_start3A_692 = tpu.memref_slice %arg11[%dma_start3A_690, %dma_start3A_691] : memref<10240x128xf32, #tpu.memory_space<vmem_shared>> -> memref<10240x128xf32, #tpu.memory_space<vmem_shared>>
        tpu.enqueue_indirect_dma source(%arg10 : memref<128x128xf32, #tpu.memory_space<vmem>>) target(%dma_start3A_692 : memref<10240x128xf32, #tpu.memory_space<vmem_shared>>) offsets(%dma_start3A_689 : memref<128xi32, #tpu.memory_space<vmem>>) semaphore(%arg15 : memref<!tpu.dma_semaphore, #tpu.memory_space<semaphore_mem>>) {add = true}
        %add3A_693 = arith.constant 1 : i32
        %add3A_694 = arith.addi %add3A_660, %add3A_693 : i32
        %sub3A_695 = arith.constant 1 : i32
        %sub3A_696 = arith.subi %add3A_694, %sub3A_695 : i32
        %dma_wait3A_697 = arith.constant 1 : i32
        %dma_wait3A_698 = arith.constant 0 : i32
        %dma_wait3A_699 = tpu.memref_slice %arg8[%dma_wait3A_697, %sub3A_696, %dma_wait3A_698] : memref<2x32x128xi32, #tpu.memory_space<vmem>> -> memref<1x1x128xi32, #tpu.memory_space<vmem>>
        %dma_wait3A_700 = tpu.memref_squeeze %dma_wait3A_699 : memref<1x1x128xi32, #tpu.memory_space<vmem>> -> memref<128xi32, #tpu.memory_space<vmem>>
        %dma_wait3A_701 = arith.constant 0 : i32
        %dma_wait3A_702 = arith.constant 0 : i32
        %dma_wait3A_703 = tpu.memref_slice %arg11[%dma_wait3A_701, %dma_wait3A_702] : memref<10240x128xf32, #tpu.memory_space<vmem_shared>> -> memref<10240x128xf32, #tpu.memory_space<vmem_shared>>
        tpu.wait_indirect_dma semaphore(%arg15 : memref<!tpu.dma_semaphore, #tpu.memory_space<semaphore_mem>>) src(%arg10 : memref<128x128xf32, #tpu.memory_space<vmem>>) dst(%dma_wait3A_703 : memref<10240x128xf32, #tpu.memory_space<vmem_shared>>)
        %add3A_704 = arith.constant 1 : i32
        %add3A_705 = arith.addi %add3A_694, %add3A_704 : i32
        %dma_start3A_706 = arith.constant 1 : i32
        %dma_start3A_707 = arith.constant 0 : i32
        %dma_start3A_708 = tpu.memref_slice %arg7[%dma_start3A_706, %add3A_705, %dma_start3A_707] : memref<2x32x128xi32, #tpu.memory_space<vmem>> -> memref<1x1x128xi32, #tpu.memory_space<vmem>>
        %dma_start3A_709 = tpu.memref_squeeze %dma_start3A_708 : memref<1x1x128xi32, #tpu.memory_space<vmem>> -> memref<128xi32, #tpu.memory_space<vmem>>
        %dma_start3A_710 = arith.constant 0 : i32
        %dma_start3A_711 = arith.constant 0 : i32
        %dma_start3A_712 = tpu.memref_slice %arg2[%dma_start3A_710, %dma_start3A_711] : memref<10000x128xf32, #tpu.memory_space<hbm>> -> memref<10000x128xf32, #tpu.memory_space<hbm>>
        tpu.enqueue_indirect_dma source(%dma_start3A_712 : memref<10000x128xf32, #tpu.memory_space<hbm>>) target(%arg10 : memref<128x128xf32, #tpu.memory_space<vmem>>) offsets(%dma_start3A_709 : memref<128xi32, #tpu.memory_space<vmem>>) semaphore(%arg13 : memref<!tpu.dma_semaphore, #tpu.memory_space<semaphore_mem>>)
        %dma_wait3A_713 = arith.constant 1 : i32
        %dma_wait3A_714 = arith.constant 0 : i32
        %dma_wait3A_715 = tpu.memref_slice %arg7[%dma_wait3A_713, %add3A_694, %dma_wait3A_714] : memref<2x32x128xi32, #tpu.memory_space<vmem>> -> memref<1x1x128xi32, #tpu.memory_space<vmem>>
        %dma_wait3A_716 = tpu.memref_squeeze %dma_wait3A_715 : memref<1x1x128xi32, #tpu.memory_space<vmem>> -> memref<128xi32, #tpu.memory_space<vmem>>
        %dma_wait3A_717 = arith.constant 0 : i32
        %dma_wait3A_718 = arith.constant 0 : i32
        %dma_wait3A_719 = tpu.memref_slice %arg2[%dma_wait3A_717, %dma_wait3A_718] : memref<10000x128xf32, #tpu.memory_space<hbm>> -> memref<10000x128xf32, #tpu.memory_space<hbm>>
        tpu.wait_indirect_dma semaphore(%arg12 : memref<!tpu.dma_semaphore, #tpu.memory_space<semaphore_mem>>) src(%dma_wait3A_719 : memref<10000x128xf32, #tpu.memory_space<hbm>>) dst(%arg9 : memref<128x128xf32, #tpu.memory_space<vmem>>)
        %dma_start3A_720 = arith.constant 1 : i32
        %dma_start3A_721 = arith.constant 0 : i32
        %dma_start3A_722 = tpu.memref_slice %arg8[%dma_start3A_720, %add3A_694, %dma_start3A_721] : memref<2x32x128xi32, #tpu.memory_space<vmem>> -> memref<1x1x128xi32, #tpu.memory_space<vmem>>
        %dma_start3A_723 = tpu.memref_squeeze %dma_start3A_722 : memref<1x1x128xi32, #tpu.memory_space<vmem>> -> memref<128xi32, #tpu.memory_space<vmem>>
        %dma_start3A_724 = arith.constant 0 : i32
        %dma_start3A_725 = arith.constant 0 : i32
        %dma_start3A_726 = tpu.memref_slice %arg11[%dma_start3A_724, %dma_start3A_725] : memref<10240x128xf32, #tpu.memory_space<vmem_shared>> -> memref<10240x128xf32, #tpu.memory_space<vmem_shared>>
        tpu.enqueue_indirect_dma source(%arg9 : memref<128x128xf32, #tpu.memory_space<vmem>>) target(%dma_start3A_726 : memref<10240x128xf32, #tpu.memory_space<vmem_shared>>) offsets(%dma_start3A_723 : memref<128xi32, #tpu.memory_space<vmem>>) semaphore(%arg14 : memref<!tpu.dma_semaphore, #tpu.memory_space<semaphore_mem>>) {add = true}
      }
      %while3A_619 = arith.constant 1 : i32
      scf.for %while3A_656 = %while3A_617 to %while3A_613 step %while3A_619  : i32 {
        %mul3A_657 = arith.constant 2 : i32
        %mul3A_658 = arith.muli %mul3A_657, %while3A_656 : i32
        %add3A_659 = arith.constant 1 : i32
        %add3A_660 = arith.addi %add3A_659, %mul3A_658 : i32
        %sub3A_661 = arith.constant 1 : i32
        %sub3A_662 = arith.subi %add3A_660, %sub3A_661 : i32
        %dma_wait3A_663 = arith.constant 1 : i32
        %dma_wait3A_664 = arith.constant 0 : i32
        %dma_wait3A_665 = tpu.memref_slice %arg8[%dma_wait3A_663, %sub3A_662, %dma_wait3A_664] : memref<2x32x128xi32, #tpu.memory_space<vmem>> -> memref<1x1x128xi32, #tpu.memory_space<vmem>>
        %dma_wait3A_666 = tpu.memref_squeeze %dma_wait3A_665 : memref<1x1x128xi32, #tpu.memory_space<vmem>> -> memref<128xi32, #tpu.memory_space<vmem>>
        %dma_wait3A_667 = arith.constant 0 : i32
        %dma_wait3A_668 = arith.constant 0 : i32
        %dma_wait3A_669 = tpu.memref_slice %arg11[%dma_wait3A_667, %dma_wait3A_668] : memref<10240x128xf32, #tpu.memory_space<vmem_shared>> -> memref<10240x128xf32, #tpu.memory_space<vmem_shared>>
        tpu.wait_indirect_dma semaphore(%arg14 : memref<!tpu.dma_semaphore, #tpu.memory_space<semaphore_mem>>) src(%arg9 : memref<128x128xf32, #tpu.memory_space<vmem>>) dst(%dma_wait3A_669 : memref<10240x128xf32, #tpu.memory_space<vmem_shared>>)
        %add3A_670 = arith.constant 1 : i32
        %add3A_671 = arith.addi %add3A_660, %add3A_670 : i32
        %dma_start3A_672 = arith.constant 1 : i32
        %dma_start3A_673 = arith.constant 0 : i32
        %dma_start3A_674 = tpu.memref_slice %arg7[%dma_start3A_672, %add3A_671, %dma_start3A_673] : memref<2x32x128xi32, #tpu.memory_space<vmem>> -> memref<1x1x128xi32, #tpu.memory_space<vmem>>
        %dma_start3A_675 = tpu.memref_squeeze %dma_start3A_674 : memref<1x1x128xi32, #tpu.memory_space<vmem>> -> memref<128xi32, #tpu.memory_space<vmem>>
        %dma_start3A_676 = arith.constant 0 : i32
        %dma_start3A_677 = arith.constant 0 : i32
        %dma_start3A_678 = tpu.memref_slice %arg2[%dma_start3A_676, %dma_start3A_677] : memref<10000x128xf32, #tpu.memory_space<hbm>> -> memref<10000x128xf32, #tpu.memory_space<hbm>>
        tpu.enqueue_indirect_dma source(%dma_start3A_678 : memref<10000x128xf32, #tpu.memory_space<hbm>>) target(%arg9 : memref<128x128xf32, #tpu.memory_space<vmem>>) offsets(%dma_start3A_675 : memref<128xi32, #tpu.memory_space<vmem>>) semaphore(%arg12 : memref<!tpu.dma_semaphore, #tpu.memory_space<semaphore_mem>>)
        %dma_wait3A_679 = arith.constant 1 : i32
        %dma_wait3A_680 = arith.constant 0 : i32
        %dma_wait3A_681 = tpu.memref_slice %arg7[%dma_wait3A_679, %add3A_660, %dma_wait3A_680] : memref<2x32x128xi32, #tpu.memory_space<vmem>> -> memref<1x1x128xi32, #tpu.memory_space<vmem>>
        %dma_wait3A_682 = tpu.memref_squeeze %dma_wait3A_681 : memref<1x1x128xi32, #tpu.memory_space<vmem>> -> memref<128xi32, #tpu.memory_space<vmem>>
        %dma_wait3A_683 = arith.constant 0 : i32
        %dma_wait3A_684 = arith.constant 0 : i32
        %dma_wait3A_685 = tpu.memref_slice %arg2[%dma_wait3A_683, %dma_wait3A_684] : memref<10000x128xf32, #tpu.memory_space<hbm>> -> memref<10000x128xf32, #tpu.memory_space<hbm>>
        tpu.wait_indirect_dma semaphore(%arg13 : memref<!tpu.dma_semaphore, #tpu.memory_space<semaphore_mem>>) src(%dma_wait3A_685 : memref<10000x128xf32, #tpu.memory_space<hbm>>) dst(%arg10 : memref<128x128xf32, #tpu.memory_space<vmem>>)
        %dma_start3A_686 = arith.constant 1 : i32
        %dma_start3A_687 = arith.constant 0 : i32
        %dma_start3A_688 = tpu.memref_slice %arg8[%dma_start3A_686, %add3A_660, %dma_start3A_687] : memref<2x32x128xi32, #tpu.memory_space<vmem>> -> memref<1x1x128xi32, #tpu.memory_space<vmem>>
        %dma_start3A_689 = tpu.memref_squeeze %dma_start3A_688 : memref<1x1x128xi32, #tpu.memory_space<vmem>> -> memref<128xi32, #tpu.memory_space<vmem>>
        %dma_start3A_690 = arith.constant 0 : i32
        %dma_start3A_691 = arith.constant 0 : i32
        %dma_start3A_692 = tpu.memref_slice %arg11[%dma_start3A_690, %dma_start3A_691] : memref<10240x128xf32, #tpu.memory_space<vmem_shared>> -> memref<10240x128xf32, #tpu.memory_space<vmem_shared>>
        tpu.enqueue_indirect_dma source(%arg10 : memref<128x128xf32, #tpu.memory_space<vmem>>) target(%dma_start3A_692 : memref<10240x128xf32, #tpu.memory_space<vmem_shared>>) offsets(%dma_start3A_689 : memref<128xi32, #tpu.memory_space<vmem>>) semaphore(%arg15 : memref<!tpu.dma_semaphore, #tpu.memory_space<semaphore_mem>>) {add = true}
        %add3A_693 = arith.constant 1 : i32
        %add3A_694 = arith.addi %add3A_660, %add3A_693 : i32
        %sub3A_695 = arith.constant 1 : i32
        %sub3A_696 = arith.subi %add3A_694, %sub3A_695 : i32
        %dma_wait3A_697 = arith.constant 1 : i32
        %dma_wait3A_698 = arith.constant 0 : i32
        %dma_wait3A_699 = tpu.memref_slice %arg8[%dma_wait3A_697, %sub3A_696, %dma_wait3A_698] : memref<2x32x128xi32, #tpu.memory_space<vmem>> -> memref<1x1x128xi32, #tpu.memory_space<vmem>>
        %dma_wait3A_700 = tpu.memref_squeeze %dma_wait3A_699 : memref<1x1x128xi32, #tpu.memory_space<vmem>> -> memref<128xi32, #tpu.memory_space<vmem>>
        %dma_wait3A_701 = arith.constant 0 : i32
        %dma_wait3A_702 = arith.constant 0 : i32
        %dma_wait3A_703 = tpu.memref_slice %arg11[%dma_wait3A_701, %dma_wait3A_702] : memref<10240x128xf32, #tpu.memory_space<vmem_shared>> -> memref<10240x128xf32, #tpu.memory_space<vmem_shared>>
        tpu.wait_indirect_dma semaphore(%arg15 : memref<!tpu.dma_semaphore, #tpu.memory_space<semaphore_mem>>) src(%arg10 : memref<128x128xf32, #tpu.memory_space<vmem>>) dst(%dma_wait3A_703 : memref<10240x128xf32, #tpu.memory_space<vmem_shared>>)
        %add3A_704 = arith.constant 1 : i32
        %add3A_705 = arith.addi %add3A_694, %add3A_704 : i32
        %dma_start3A_706 = arith.constant 1 : i32
        %dma_start3A_707 = arith.constant 0 : i32
        %dma_start3A_708 = tpu.memref_slice %arg7[%dma_start3A_706, %add3A_705, %dma_start3A_707] : memref<2x32x128xi32, #tpu.memory_space<vmem>> -> memref<1x1x128xi32, #tpu.memory_space<vmem>>
        %dma_start3A_709 = tpu.memref_squeeze %dma_start3A_708 : memref<1x1x128xi32, #tpu.memory_space<vmem>> -> memref<128xi32, #tpu.memory_space<vmem>>
        %dma_start3A_710 = arith.constant 0 : i32
        %dma_start3A_711 = arith.constant 0 : i32
        %dma_start3A_712 = tpu.memref_slice %arg2[%dma_start3A_710, %dma_start3A_711] : memref<10000x128xf32, #tpu.memory_space<hbm>> -> memref<10000x128xf32, #tpu.memory_space<hbm>>
        tpu.enqueue_indirect_dma source(%dma_start3A_712 : memref<10000x128xf32, #tpu.memory_space<hbm>>) target(%arg10 : memref<128x128xf32, #tpu.memory_space<vmem>>) offsets(%dma_start3A_709 : memref<128xi32, #tpu.memory_space<vmem>>) semaphore(%arg13 : memref<!tpu.dma_semaphore, #tpu.memory_space<semaphore_mem>>)
        %dma_wait3A_713 = arith.constant 1 : i32
        %dma_wait3A_714 = arith.constant 0 : i32
        %dma_wait3A_715 = tpu.memref_slice %arg7[%dma_wait3A_713, %add3A_694, %dma_wait3A_714] : memref<2x32x128xi32, #tpu.memory_space<vmem>> -> memref<1x1x128xi32, #tpu.memory_space<vmem>>
        %dma_wait3A_716 = tpu.memref_squeeze %dma_wait3A_715 : memref<1x1x128xi32, #tpu.memory_space<vmem>> -> memref<128xi32, #tpu.memory_space<vmem>>
        %dma_wait3A_717 = arith.constant 0 : i32
        %dma_wait3A_718 = arith.constant 0 : i32
        %dma_wait3A_719 = tpu.memref_slice %arg2[%dma_wait3A_717, %dma_wait3A_718] : memref<10000x128xf32, #tpu.memory_space<hbm>> -> memref<10000x128xf32, #tpu.memory_space<hbm>>
        tpu.wait_indirect_dma semaphore(%arg12 : memref<!tpu.dma_semaphore, #tpu.memory_space<semaphore_mem>>) src(%dma_wait3A_719 : memref<10000x128xf32, #tpu.memory_space<hbm>>) dst(%arg9 : memref<128x128xf32, #tpu.memory_space<vmem>>)
        %dma_start3A_720 = arith.constant 1 : i32
        %dma_start3A_721 = arith.constant 0 : i32
        %dma_start3A_722 = tpu.memref_slice %arg8[%dma_start3A_720, %add3A_694, %dma_start3A_721] : memref<2x32x128xi32, #tpu.memory_space<vmem>> -> memref<1x1x128xi32, #tpu.memory_space<vmem>>
        %dma_start3A_723 = tpu.memref_squeeze %dma_start3A_722 : memref<1x1x128xi32, #tpu.memory_space<vmem>> -> memref<128xi32, #tpu.memory_space<vmem>>
        %dma_start3A_724 = arith.constant 0 : i32
        %dma_start3A_725 = arith.constant 0 : i32
        %dma_start3A_726 = tpu.memref_slice %arg11[%dma_start3A_724, %dma_start3A_725] : memref<10240x128xf32, #tpu.memory_space<vmem_shared>> -> memref<10240x128xf32, #tpu.memory_space<vmem_shared>>
        tpu.enqueue_indirect_dma source(%arg9 : memref<128x128xf32, #tpu.memory_space<vmem>>) target(%dma_start3A_726 : memref<10240x128xf32, #tpu.memory_space<vmem_shared>>) offsets(%dma_start3A_723 : memref<128xi32, #tpu.memory_space<vmem>>) semaphore(%arg14 : memref<!tpu.dma_semaphore, #tpu.memory_space<semaphore_mem>>) {add = true}
      }
      %sub3A_620 = arith.constant 2 : i32
      %sub3A_621 = arith.subi %sub3A_1, %sub3A_620 : i32
      %dma_wait3A_622 = arith.constant 1 : i32
      %dma_wait3A_623 = arith.constant 0 : i32
      %dma_wait3A_624 = tpu.memref_slice %arg8[%dma_wait3A_622, %sub3A_621, %dma_wait3A_623] : memref<2x32x128xi32, #tpu.memory_space<vmem>> -> memref<1x1x128xi32, #tpu.memory_space<vmem>>
      %dma_wait3A_625 = tpu.memref_squeeze %dma_wait3A_624 : memref<1x1x128xi32, #tpu.memory_space<vmem>> -> memref<128xi32, #tpu.memory_space<vmem>>
      %dma_wait3A_626 = arith.constant 0 : i32
      %dma_wait3A_627 = arith.constant 0 : i32
      %dma_wait3A_628 = tpu.memref_slice %arg11[%dma_wait3A_626, %dma_wait3A_627] : memref<10240x128xf32, #tpu.memory_space<vmem_shared>> -> memref<10240x128xf32, #tpu.memory_space<vmem_shared>>
      tpu.wait_indirect_dma semaphore(%arg14 : memref<!tpu.dma_semaphore, #tpu.memory_space<semaphore_mem>>) src(%arg9 : memref<128x128xf32, #tpu.memory_space<vmem>>) dst(%dma_wait3A_628 : memref<10240x128xf32, #tpu.memory_space<vmem_shared>>)
      %sub3A_629 = arith.constant 1 : i32
      %sub3A_630 = arith.subi %sub3A_1, %sub3A_629 : i32
      %dma_wait3A_631 = arith.constant 1 : i32
      %dma_wait3A_632 = arith.constant 0 : i32
      %dma_wait3A_633 = tpu.memref_slice %arg7[%dma_wait3A_631, %sub3A_630, %dma_wait3A_632] : memref<2x32x128xi32, #tpu.memory_space<vmem>> -> memref<1x1x128xi32, #tpu.memory_space<vmem>>
      %dma_wait3A_634 = tpu.memref_squeeze %dma_wait3A_633 : memref<1x1x128xi32, #tpu.memory_space<vmem>> -> memref<128xi32, #tpu.memory_space<vmem>>
      %dma_wait3A_635 = arith.constant 0 : i32
      %dma_wait3A_636 = arith.constant 0 : i32
      %dma_wait3A_637 = tpu.memref_slice %arg2[%dma_wait3A_635, %dma_wait3A_636] : memref<10000x128xf32, #tpu.memory_space<hbm>> -> memref<10000x128xf32, #tpu.memory_space<hbm>>
      tpu.wait_indirect_dma semaphore(%arg13 : memref<!tpu.dma_semaphore, #tpu.memory_space<semaphore_mem>>) src(%dma_wait3A_637 : memref<10000x128xf32, #tpu.memory_space<hbm>>) dst(%arg10 : memref<128x128xf32, #tpu.memory_space<vmem>>)
      %sub3A_638 = arith.constant 1 : i32
      %sub3A_639 = arith.subi %sub3A_1, %sub3A_638 : i32
      %dma_start3A_640 = arith.constant 1 : i32
      %dma_start3A_641 = arith.constant 0 : i32
      %dma_start3A_642 = tpu.memref_slice %arg8[%dma_start3A_640, %sub3A_639, %dma_start3A_641] : memref<2x32x128xi32, #tpu.memory_space<vmem>> -> memref<1x1x128xi32, #tpu.memory_space<vmem>>
      %dma_start3A_643 = tpu.memref_squeeze %dma_start3A_642 : memref<1x1x128xi32, #tpu.memory_space<vmem>> -> memref<128xi32, #tpu.memory_space<vmem>>
      %dma_start3A_644 = arith.constant 0 : i32
      %dma_start3A_645 = arith.constant 0 : i32
      %dma_start3A_646 = tpu.memref_slice %arg11[%dma_start3A_644, %dma_start3A_645] : memref<10240x128xf32, #tpu.memory_space<vmem_shared>> -> memref<10240x128xf32, #tpu.memory_space<vmem_shared>>
      tpu.enqueue_indirect_dma source(%arg10 : memref<128x128xf32, #tpu.memory_space<vmem>>) target(%dma_start3A_646 : memref<10240x128xf32, #tpu.memory_space<vmem_shared>>) offsets(%dma_start3A_643 : memref<128xi32, #tpu.memory_space<vmem>>) semaphore(%arg15 : memref<!tpu.dma_semaphore, #tpu.memory_space<semaphore_mem>>) {add = true}
      %sub3A_647 = arith.constant 1 : i32
      %sub3A_648 = arith.subi %sub3A_1, %sub3A_647 : i32
      %dma_wait3A_649 = arith.constant 1 : i32
      %dma_wait3A_650 = arith.constant 0 : i32
      %dma_wait3A_651 = tpu.memref_slice %arg8[%dma_wait3A_649, %sub3A_648, %dma_wait3A_650] : memref<2x32x128xi32, #tpu.memory_space<vmem>> -> memref<1x1x128xi32, #tpu.memory_space<vmem>>
      %dma_wait3A_652 = tpu.memref_squeeze %dma_wait3A_651 : memref<1x1x128xi32, #tpu.memory_space<vmem>> -> memref<128xi32, #tpu.memory_space<vmem>>
      %dma_wait3A_653 = arith.constant 0 : i32
      %dma_wait3A_654 = arith.constant 0 : i32
      %dma_wait3A_655 = tpu.memref_slice %arg11[%dma_wait3A_653, %dma_wait3A_654] : memref<10240x128xf32, #tpu.memory_space<vmem_shared>> -> memref<10240x128xf32, #tpu.memory_space<vmem_shared>>
      tpu.wait_indirect_dma semaphore(%arg15 : memref<!tpu.dma_semaphore, #tpu.memory_space<semaphore_mem>>) src(%arg10 : memref<128x128xf32, #tpu.memory_space<vmem>>) dst(%dma_wait3A_655 : memref<10240x128xf32, #tpu.memory_space<vmem_shared>>)
    } else {
    }
    %barrier3A_13 = arith.constant 0 : index
    tpu.barrier barrier_id(%barrier3A_13)
    %mul3A_14 = arith.constant 640 : i32
    %mul3A_15 = arith.muli %arg1, %mul3A_14 : i32
    %mul3A_16 = arith.constant 640 : i32
    %mul3A_17 = arith.muli %arg1, %mul3A_16 : i32
    "tpu.region"() ({
      %run_scoped3A = tpu.sem_alloc : memref<!tpu.dma_semaphore, #tpu.memory_space<semaphore_mem>>
      %dma_start3A = arith.constant 0 : i32
      %dma_start3A_18 = tpu.memref_slice %arg6[%arg0, %mul3A_17, %dma_start3A] : memref<2x10240x128xf32, #tpu.memory_space<hbm>> -> memref<1x640x128xf32, #tpu.memory_space<hbm>>
      %dma_start3A_19 = tpu.memref_squeeze %dma_start3A_18 : memref<1x640x128xf32, #tpu.memory_space<hbm>> -> memref<640x128xf32, #tpu.memory_space<hbm>>
      %dma_start3A_20 = arith.constant 0 : i32
      %dma_start3A_21 = tpu.memref_slice %arg11[%mul3A_15, %dma_start3A_20] : memref<10240x128xf32, #tpu.memory_space<vmem_shared>> -> memref<640x128xf32, #tpu.memory_space<vmem_shared>>
      tpu.enqueue_dma source(%dma_start3A_21 : memref<640x128xf32, #tpu.memory_space<vmem_shared>>) target(%dma_start3A_19 : memref<640x128xf32, #tpu.memory_space<hbm>>) target_semaphore(%run_scoped3A : memref<!tpu.dma_semaphore, #tpu.memory_space<semaphore_mem>>)
      %dma_wait3A = arith.constant 0 : i32
      %dma_wait3A_22 = tpu.memref_slice %arg6[%arg0, %mul3A_17, %dma_wait3A] : memref<2x10240x128xf32, #tpu.memory_space<hbm>> -> memref<1x640x128xf32, #tpu.memory_space<hbm>>
      %dma_wait3A_23 = tpu.memref_squeeze %dma_wait3A_22 : memref<1x640x128xf32, #tpu.memory_space<hbm>> -> memref<640x128xf32, #tpu.memory_space<hbm>>
      %dma_wait3A_24 = arith.constant 0 : i32
      %dma_wait3A_25 = tpu.memref_slice %arg11[%mul3A_15, %dma_wait3A_24] : memref<10240x128xf32, #tpu.memory_space<vmem_shared>> -> memref<640x128xf32, #tpu.memory_space<vmem_shared>>
      tpu.wait_dma2 semaphore(%run_scoped3A : memref<!tpu.dma_semaphore, #tpu.memory_space<semaphore_mem>>) src(%dma_wait3A_25 : memref<640x128xf32, #tpu.memory_space<vmem_shared>>) dst(%dma_wait3A_23 : memref<640x128xf32, #tpu.memory_space<hbm>>)
      tpu.yield
    }) : () -> ()
    return
  }
}

module attributes {stable_mosaic.version = 14 : i64} {
  func.func @_dense_in_body(%arg0: i32, %arg1: memref<2000x128xf32, #tpu.memory_space<vmem>>, %arg2: memref<128x128xf32, #tpu.memory_space<vmem>>, %arg3: memref<128x128xf32, #tpu.memory_space<vmem>>, %arg4: memref<1x128xf32, #tpu.memory_space<vmem>>, %arg5: memref<2000x128xf32, #tpu.memory_space<vmem>>, %arg6: memref<2000x128xf32, #tpu.memory_space<vmem>>) attributes {dimension_semantics = [#tpu.dimension_semantics<arbitrary>], iteration_bounds = array<i64: 5>, scalar_prefetch = 0 : i64, scratch_operands = 0 : i64, tpu.core_type = #tpu.core_type<tc>, window_params = [{transform_indices = @transform_0, window_bounds = array<i64: 2000, 128>}, {pipeline_mode = #tpu.pipeline_mode<synchronous>, transform_indices = @transform_1, window_bounds = array<i64: 128, 128>}, {pipeline_mode = #tpu.pipeline_mode<synchronous>, transform_indices = @transform_2, window_bounds = array<i64: 128, 128>}, {pipeline_mode = #tpu.pipeline_mode<synchronous>, transform_indices = @transform_3, window_bounds = array<i64: 1, 128>}, {transform_indices = @transform_4, window_bounds = array<i64: 2000, 128>}, {transform_indices = @transform_5, window_bounds = array<i64: 2000, 128>}]} {
    %get3A = arith.constant 0 : index
    %get3A_0 = arith.constant 0 : index
    %get3A_1 = vector.load %arg1[%get3A, %get3A_0] : memref<2000x128xf32, #tpu.memory_space<vmem>>, vector<2000x128xf32>
    %get3A_2 = arith.constant 0 : index
    %get3A_3 = arith.constant 0 : index
    %get3A_4 = vector.load %arg2[%get3A_2, %get3A_3] : memref<128x128xf32, #tpu.memory_space<vmem>>, vector<128x128xf32>
    %dot_general3A = arith.constant dense<0.000000e+00> : vector<2000x128xf32>
    %dot_general3A_5 = tpu.matmul %get3A_1, %get3A_4, %dot_general3A {dimension_numbers = #tpu.dot_dimension_numbers<[1], [0], [0], [1], [0, 0, 1, 1], [], []>, transpose_lhs_hint = false} : vector<2000x128xf32>, vector<128x128xf32>, vector<2000x128xf32> -> vector<2000x128xf32>
    %swap3A = arith.constant 0 : index
    %swap3A_6 = arith.constant 0 : index
    %swap3A_7 = vector.load %arg5[%swap3A, %swap3A_6] : memref<2000x128xf32, #tpu.memory_space<vmem>>, vector<2000x128xf32>
    tpu.vector_store %arg5[%swap3A, %swap3A_6], %dot_general3A_5 {strides = array<i32>} : memref<2000x128xf32, #tpu.memory_space<vmem>>, vector<2000x128xf32>,
    %get3A_8 = arith.constant 0 : index
    %get3A_9 = arith.constant 0 : index
    %get3A_10 = vector.load %arg3[%get3A_8, %get3A_9] : memref<128x128xf32, #tpu.memory_space<vmem>>, vector<128x128xf32>
    %dot_general3A_11 = arith.constant dense<0.000000e+00> : vector<2000x128xf32>
    %dot_general3A_12 = tpu.matmul %get3A_1, %get3A_10, %dot_general3A_11 {dimension_numbers = #tpu.dot_dimension_numbers<[1], [0], [0], [1], [0, 0, 1, 1], [], []>, transpose_lhs_hint = false} : vector<2000x128xf32>, vector<128x128xf32>, vector<2000x128xf32> -> vector<2000x128xf32>
    %get3A_13 = arith.constant 0 : index
    %get3A_14 = arith.constant 0 : index
    %get3A_15 = vector.load %arg4[%get3A_13, %get3A_14] : memref<1x128xf32, #tpu.memory_space<vmem>>, vector<1x128xf32>
    %add3A = vector.broadcast %get3A_15 : vector<1x128xf32> to vector<2000x128xf32>
    %add3A_16 = arith.addf %dot_general3A_12, %add3A : vector<2000x128xf32>
    %swap3A_17 = arith.constant 0 : index
    %swap3A_18 = arith.constant 0 : index
    %swap3A_19 = vector.load %arg6[%swap3A_17, %swap3A_18] : memref<2000x128xf32, #tpu.memory_space<vmem>>, vector<2000x128xf32>
    tpu.vector_store %arg6[%swap3A_17, %swap3A_18], %add3A_16 {strides = array<i32>} : memref<2000x128xf32, #tpu.memory_space<vmem>>, vector<2000x128xf32>,
    return
  }
  func.func @transform_0(%arg0: i32) -> (i32, i32) {
    %c0_i32 = arith.constant 0 : i32
    %c0_i32_0 = arith.constant 0 : i32
    return %arg0, %c0_i32 : i32, i32
  }
  func.func @transform_1(%arg0: i32) -> (i32, i32) {
    %c0_i32 = arith.constant 0 : i32
    %c0_i32_0 = arith.constant 0 : i32
    %c0_i32_1 = arith.constant 0 : i32
    return %c0_i32, %c0_i32_0 : i32, i32
  }
  func.func @transform_2(%arg0: i32) -> (i32, i32) {
    %c0_i32 = arith.constant 0 : i32
    %c0_i32_0 = arith.constant 0 : i32
    %c0_i32_1 = arith.constant 0 : i32
    return %c0_i32, %c0_i32_0 : i32, i32
  }
  func.func @transform_3(%arg0: i32) -> (i32, i32) {
    %c0_i32 = arith.constant 0 : i32
    %c0_i32_0 = arith.constant 0 : i32
    %c0_i32_1 = arith.constant 0 : i32
    return %c0_i32, %c0_i32_0 : i32, i32
  }
  func.func @transform_4(%arg0: i32) -> (i32, i32) {
    %c0_i32 = arith.constant 0 : i32
    %c0_i32_0 = arith.constant 0 : i32
    return %arg0, %c0_i32 : i32, i32
  }
  func.func @transform_5(%arg0: i32) -> (i32, i32) {
    %c0_i32 = arith.constant 0 : i32
    %c0_i32_0 = arith.constant 0 : i32
    return %arg0, %c0_i32 : i32, i32
  }
}

module attributes {stable_mosaic.version = 14 : i64} {
  func.func @_dense_mid_body(%arg0: i32, %arg1: memref<2x2000x128xf32, #tpu.memory_space<vmem>>, %arg2: memref<2000x128xf32, #tpu.memory_space<vmem>>, %arg3: memref<128x128xf32, #tpu.memory_space<vmem>>, %arg4: memref<128x128xf32, #tpu.memory_space<vmem>>, %arg5: memref<1x128xf32, #tpu.memory_space<vmem>>, %arg6: memref<2000x128xf32, #tpu.memory_space<vmem>>, %arg7: memref<2000x128xf32, #tpu.memory_space<vmem>>) attributes {dimension_semantics = [#tpu.dimension_semantics<arbitrary>], iteration_bounds = array<i64: 5>, scalar_prefetch = 0 : i64, scratch_operands = 0 : i64, tpu.core_type = #tpu.core_type<tc>, window_params = [{transform_indices = @transform_0, window_bounds = array<i64: 2, 2000, 128>}, {transform_indices = @transform_1, window_bounds = array<i64: 2000, 128>}, {pipeline_mode = #tpu.pipeline_mode<synchronous>, transform_indices = @transform_2, window_bounds = array<i64: 128, 128>}, {pipeline_mode = #tpu.pipeline_mode<synchronous>, transform_indices = @transform_3, window_bounds = array<i64: 128, 128>}, {pipeline_mode = #tpu.pipeline_mode<synchronous>, transform_indices = @transform_4, window_bounds = array<i64: 1, 128>}, {transform_indices = @transform_5, window_bounds = array<i64: 2000, 128>}, {transform_indices = @transform_6, window_bounds = array<i64: 2000, 128>}]} {
    %get3A = arith.constant 0 : index
    %get3A_0 = arith.constant 0 : index
    %get3A_1 = arith.constant 0 : index
    %get3A_2 = vector.load %arg1[%get3A, %get3A_0, %get3A_1] : memref<2x2000x128xf32, #tpu.memory_space<vmem>>, vector<1x2000x128xf32>
    %get3A_3 = vector.shape_cast %get3A_2 : vector<1x2000x128xf32> to vector<2000x128xf32>
    %get3A_4 = arith.constant 1 : index
    %get3A_5 = arith.constant 0 : index
    %get3A_6 = arith.constant 0 : index
    %get3A_7 = vector.load %arg1[%get3A_4, %get3A_5, %get3A_6] : memref<2x2000x128xf32, #tpu.memory_space<vmem>>, vector<1x2000x128xf32>
    %get3A_8 = vector.shape_cast %get3A_7 : vector<1x2000x128xf32> to vector<2000x128xf32>
    %add3A = arith.addf %get3A_3, %get3A_8 : vector<2000x128xf32>
    %get3A_9 = arith.constant 0 : index
    %get3A_10 = arith.constant 0 : index
    %get3A_11 = vector.load %arg2[%get3A_9, %get3A_10] : memref<2000x128xf32, #tpu.memory_space<vmem>>, vector<2000x128xf32>
    %add3A_12 = arith.addf %add3A, %get3A_11 : vector<2000x128xf32>
    %max3A = arith.constant 0.000000e+00 : f32
    %max3A_13 = vector.broadcast %max3A : f32 to vector<2000x128xf32>
    %max3A_14 = arith.maximumf %add3A_12, %max3A_13 : vector<2000x128xf32>
    %get3A_15 = arith.constant 0 : index
    %get3A_16 = arith.constant 0 : index
    %get3A_17 = vector.load %arg3[%get3A_15, %get3A_16] : memref<128x128xf32, #tpu.memory_space<vmem>>, vector<128x128xf32>
    %dot_general3A = arith.constant dense<0.000000e+00> : vector<2000x128xf32>
    %dot_general3A_18 = tpu.matmul %max3A_14, %get3A_17, %dot_general3A {dimension_numbers = #tpu.dot_dimension_numbers<[1], [0], [0], [1], [0, 0, 1, 1], [], []>, transpose_lhs_hint = false} : vector<2000x128xf32>, vector<128x128xf32>, vector<2000x128xf32> -> vector<2000x128xf32>
    %swap3A = arith.constant 0 : index
    %swap3A_19 = arith.constant 0 : index
    %swap3A_20 = vector.load %arg6[%swap3A, %swap3A_19] : memref<2000x128xf32, #tpu.memory_space<vmem>>, vector<2000x128xf32>
    tpu.vector_store %arg6[%swap3A, %swap3A_19], %dot_general3A_18 {strides = array<i32>} : memref<2000x128xf32, #tpu.memory_space<vmem>>, vector<2000x128xf32>,
    %get3A_21 = arith.constant 0 : index
    %get3A_22 = arith.constant 0 : index
    %get3A_23 = vector.load %arg4[%get3A_21, %get3A_22] : memref<128x128xf32, #tpu.memory_space<vmem>>, vector<128x128xf32>
    %dot_general3A_24 = arith.constant dense<0.000000e+00> : vector<2000x128xf32>
    %dot_general3A_25 = tpu.matmul %max3A_14, %get3A_23, %dot_general3A_24 {dimension_numbers = #tpu.dot_dimension_numbers<[1], [0], [0], [1], [0, 0, 1, 1], [], []>, transpose_lhs_hint = false} : vector<2000x128xf32>, vector<128x128xf32>, vector<2000x128xf32> -> vector<2000x128xf32>
    %get3A_26 = arith.constant 0 : index
    %get3A_27 = arith.constant 0 : index
    %get3A_28 = vector.load %arg5[%get3A_26, %get3A_27] : memref<1x128xf32, #tpu.memory_space<vmem>>, vector<1x128xf32>
    %add3A_29 = vector.broadcast %get3A_28 : vector<1x128xf32> to vector<2000x128xf32>
    %add3A_30 = arith.addf %dot_general3A_25, %add3A_29 : vector<2000x128xf32>
    %swap3A_31 = arith.constant 0 : index
    %swap3A_32 = arith.constant 0 : index
    %swap3A_33 = vector.load %arg7[%swap3A_31, %swap3A_32] : memref<2000x128xf32, #tpu.memory_space<vmem>>, vector<2000x128xf32>
    tpu.vector_store %arg7[%swap3A_31, %swap3A_32], %add3A_30 {strides = array<i32>} : memref<2000x128xf32, #tpu.memory_space<vmem>>, vector<2000x128xf32>,
    return
  }
  func.func @transform_0(%arg0: i32) -> (i32, i32, i32) {
    %c0_i32 = arith.constant 0 : i32
    %c0_i32_0 = arith.constant 0 : i32
    %c0_i32_1 = arith.constant 0 : i32
    return %c0_i32, %arg0, %c0_i32_0 : i32, i32, i32
  }
  func.func @transform_1(%arg0: i32) -> (i32, i32) {
    %c0_i32 = arith.constant 0 : i32
    %c0_i32_0 = arith.constant 0 : i32
    return %arg0, %c0_i32 : i32, i32
  }
  func.func @transform_2(%arg0: i32) -> (i32, i32) {
    %c0_i32 = arith.constant 0 : i32
    %c0_i32_0 = arith.constant 0 : i32
    %c0_i32_1 = arith.constant 0 : i32
    return %c0_i32, %c0_i32_0 : i32, i32
  }
  func.func @transform_3(%arg0: i32) -> (i32, i32) {
    %c0_i32 = arith.constant 0 : i32
    %c0_i32_0 = arith.constant 0 : i32
    %c0_i32_1 = arith.constant 0 : i32
    return %c0_i32, %c0_i32_0 : i32, i32
  }
  func.func @transform_4(%arg0: i32) -> (i32, i32) {
    %c0_i32 = arith.constant 0 : i32
    %c0_i32_0 = arith.constant 0 : i32
    %c0_i32_1 = arith.constant 0 : i32
    return %c0_i32, %c0_i32_0 : i32, i32
  }
  func.func @transform_5(%arg0: i32) -> (i32, i32) {
    %c0_i32 = arith.constant 0 : i32
    %c0_i32_0 = arith.constant 0 : i32
    return %arg0, %c0_i32 : i32, i32
  }
  func.func @transform_6(%arg0: i32) -> (i32, i32) {
    %c0_i32 = arith.constant 0 : i32
    %c0_i32_0 = arith.constant 0 : i32
    return %arg0, %c0_i32 : i32, i32
  }
}

module attributes {stable_mosaic.version = 14 : i64} {
  func.func @_final_body(%arg0: i32, %arg1: memref<2x2000x128xf32, #tpu.memory_space<vmem>>, %arg2: memref<2000x128xf32, #tpu.memory_space<vmem>>, %arg3: memref<2000x128xf32, #tpu.memory_space<vmem>>) attributes {dimension_semantics = [#tpu.dimension_semantics<arbitrary>], iteration_bounds = array<i64: 5>, scalar_prefetch = 0 : i64, scratch_operands = 0 : i64, tpu.core_type = #tpu.core_type<tc>, window_params = [{transform_indices = @transform_0, window_bounds = array<i64: 2, 2000, 128>}, {transform_indices = @transform_1, window_bounds = array<i64: 2000, 128>}, {transform_indices = @transform_2, window_bounds = array<i64: 2000, 128>}]} {
    %get3A = arith.constant 0 : index
    %get3A_0 = arith.constant 0 : index
    %get3A_1 = arith.constant 0 : index
    %get3A_2 = vector.load %arg1[%get3A, %get3A_0, %get3A_1] : memref<2x2000x128xf32, #tpu.memory_space<vmem>>, vector<1x2000x128xf32>
    %get3A_3 = vector.shape_cast %get3A_2 : vector<1x2000x128xf32> to vector<2000x128xf32>
    %get3A_4 = arith.constant 1 : index
    %get3A_5 = arith.constant 0 : index
    %get3A_6 = arith.constant 0 : index
    %get3A_7 = vector.load %arg1[%get3A_4, %get3A_5, %get3A_6] : memref<2x2000x128xf32, #tpu.memory_space<vmem>>, vector<1x2000x128xf32>
    %get3A_8 = vector.shape_cast %get3A_7 : vector<1x2000x128xf32> to vector<2000x128xf32>
    %add3A = arith.addf %get3A_3, %get3A_8 : vector<2000x128xf32>
    %get3A_9 = arith.constant 0 : index
    %get3A_10 = arith.constant 0 : index
    %get3A_11 = vector.load %arg2[%get3A_9, %get3A_10] : memref<2000x128xf32, #tpu.memory_space<vmem>>, vector<2000x128xf32>
    %add3A_12 = arith.addf %add3A, %get3A_11 : vector<2000x128xf32>
    %swap3A = arith.constant 0 : index
    %swap3A_13 = arith.constant 0 : index
    %swap3A_14 = vector.load %arg3[%swap3A, %swap3A_13] : memref<2000x128xf32, #tpu.memory_space<vmem>>, vector<2000x128xf32>
    tpu.vector_store %arg3[%swap3A, %swap3A_13], %add3A_12 {strides = array<i32>} : memref<2000x128xf32, #tpu.memory_space<vmem>>, vector<2000x128xf32>,
    return
  }
  func.func @transform_0(%arg0: i32) -> (i32, i32, i32) {
    %c0_i32 = arith.constant 0 : i32
    %c0_i32_0 = arith.constant 0 : i32
    %c0_i32_1 = arith.constant 0 : i32
    return %c0_i32, %arg0, %c0_i32_0 : i32, i32, i32
  }
  func.func @transform_1(%arg0: i32) -> (i32, i32) {
    %c0_i32 = arith.constant 0 : i32
    %c0_i32_0 = arith.constant 0 : i32
    return %arg0, %c0_i32 : i32, i32
  }
  func.func @transform_2(%arg0: i32) -> (i32, i32) {
    %c0_i32 = arith.constant 0 : i32
    %c0_i32_0 = arith.constant 0 : i32
    return %arg0, %c0_i32 : i32, i32
  }
}

</mosaic_0001>

<sc_bundles>
// kernel: kernel.10.cloned.1.call-start
scs
__scs_entry_jumppad:
0x0: {  	(pc) =	sbr.rel $0x88, $3  }
0x1: {  	(tag) =	ssettag $0x0;
	lr =	simm.s32 $0x1  }
0x2: {  	[smem:$0x3F99] =	sst lr;
	_ =	strace $0xD0000000  }
0x3: {  	_ = 	snop  }
0x4: {  	_ = 	snop  }
0x5: {  	_ = 	snop  }
0x6: {  	_ = 	snop  }
0x7: {  	_ = 	snop  }
__scs_overlays_trampoline_lowered:
0x8: {  	[smem:$0x3FA8] =	sst s0  }
0x9: {  	[smem:$0x3FA9] =	sst s1  }
0xa: {  	[smem:$0x3FAA] =	sst s2  }
0xb: {  	[smem:$0x3FAB] =	sst s3  }
0xc: {  	[smem:$0x3FAC] =	sst s4  }
0xd: {  	[smem:$0x3FAD] =	sst s5  }
0xe: {  	[smem:$0x3FAE] =	sst s6  }
0xf: {  	[smem:$0x3FAF] =	sst s7  }
0x10: {  	[smem:$0x3FB0] =	sst s8  }
0x11: {  	[smem:$0x3FB1] =	sst s9;
	s0 =	simm.s32 @!p0 $0x0  }
0x12: {  	s1 =	sld [smem:$0x3F97];
	s0 =	simm.s32 @p0 $0x1  }
0x13: {  	[smem:$0x3FB2] =	sst s0;
	s0 =	simm.s32 @!p1 $0x0  }
0x14: {  	s2 =	sld [smem:$0x3F96];
	s0 =	simm.s32 @p1 $0x1  }
0x15: {  	[smem:$0x3FB3] =	sst s0;
	s0 =	simm.s32 @!p2 $0x0  }
0x16: {  	s3 =	sld [smem:$0x3FDB];
	s0 =	simm.s32 @p2 $0x1  }
0x17: {  	s4 =	simm.s32 $0x1BF5;
	[smem:$0x3FB5] =	sst s0  }
0x18: {  	s0 =	sld [smem:$0x3F98];
	_ =	swait.ge [sflag:s4], $0x0  }
0x19: {  	s7 =	sld [smem:$0x3F99]  }
0x1a: {  	s8 =	sadd.s32 $0xFFFFE003, lr  }
0x1b: {  	s9 =	sadd.s32 $0xFFFFFEF7, lr;
	s5 =	simm.s32 $0xFFFFFFFF;
	p2 =	slt.u32 s8, $0xFFFFF086  }
0x1c: {  	p1 =	slt.u32 s9, $0xF7A;
	s5 =	simm.s32 @!p2 $0x0  }
0x1d: {  	s5 =	simm.s32 @p1 $0x1;
	p0 =	seq.s32 s7, s2  }
0x1e: {  	s7 =	smul.u32 @!p0 $0xF7A, s2;
	p2 =	seq.s32 @!p0 s5, $0x0  }
0x1f: {  	s9 =	smul.u32 $0xF7A, s1;
	s8 =	simm.s32 @!p0 $0x1BF5;
	p2 =	por !p2, p0  }
0x20: {  	[sflag:s8] =	ssyncset.s32 @!p0 $0xFFFFF086;
	s6 =	sadd.s32 @!p0 s3, s7;
	s7 =	simm.s32 @!p0 $0x108  }
0x21: {  	s3 =	sadd.s32 s3, s9;
	s6 =	sadd.s32 @!p0 $0x88, s6;
	s7 =	simm.s32 @p2 $0x1082  }
0x22: {  	[simem:s7], [sflag:s8] =	dma.local @!p0 [hbm:s6], $0xF7A  }
0x23: {  	s9 =	sor.u32 $0xD0000000, s2;
	s6 =	simm.s32 $0x108;
	_ =	swait.ge @!p0 [sflag:s8], $0x0  }
0x24: {  	s3 =	sadd.s32 $0x88, s3;
	s6 =	simm.s32 @!p1 $0x1082;
	[sflag:s4] =	ssyncset.s32 $0xFFFFF086  }
0x25: {  	[simem:s6], [sflag:s4] =	dma.local [hbm:s3], $0xF7A  }
0x26: {  	[smem:$0x3F99] =	sst s1;
	(tag) =	ssettag s2;
	_ =	strace s9  }
0x27: {  	s1 =	sld [smem:$0x3FA9]  }
0x28: {  	s2 =	sld [smem:$0x3FAA]  }
0x29: {  	s4 =	sld [smem:$0x3FAC]  }
0x2a: {  	p0 =	seq.s32 s5, $0x0;
	s5 =	sld [smem:$0x3FAD]  }
0x2b: {  	s6 =	sld [smem:$0x3FAE]  }
0x2c: {  	s7 =	sld [smem:$0x3FAF]  }
0x2d: {  	s3 =	simm.s32 $0x108;
	s8 =	sld [smem:$0x3FB0]  }
0x2e: {  	s3 =	simm.s32 @!p0 $0x1082;
	s9 =	sld [smem:$0x3FB1]  }
0x2f: {  	lr =	sadd.s32 s0, s3;
	s0 =	sld [smem:$0x3FA8]  }
0x30: {  	s3 =	sld [smem:$0x3FAB]  }
0x31: {  	[smem:$0x3FB4] =	sst s10  }
0x32: {  	s10 =	sld [smem:$0x3FB2];
	_ =	sdelay $0x3  }
0x33: {  	p0 =	seq.s32 s10, $0x1;
	s10 =	sld [smem:$0x3FB4];
	_ =	sdelay $0x3  }
0x34: {  	[smem:$0x3FB4] =	sst s10  }
0x35: {  	s10 =	sld [smem:$0x3FB3];
	_ =	sdelay $0x3  }
0x36: {  	p1 =	seq.s32 s10, $0x1;
	s10 =	sld [smem:$0x3FB4];
	_ =	sdelay $0x3  }
0x37: {  	[smem:$0x3FB4] =	sst s10  }
0x38: {  	s10 =	sld [smem:$0x3FB5]  }
0x39: {  	_ = 	snop;
	(pc) =	sbr.ind lr, $3  }
0x3a: {  	_ = 	snop  }
0x3b: {  	_ = 	snop  }
0x3c: {  	p2 =	seq.s32 s10, $0x1;
	s10 =	sld [smem:$0x3FB4]  }
0x3d: {  	_ =	shalt  }
0x3e: {  	_ =	shalt  }
0x3f: {  	_ =	shalt  }
0x40: {  	_ =	shalt  }
0x41: {  	_ =	shalt  }
0x42: {  	_ =	shalt  }
0x43: {  	_ =	shalt  }
0x44: {  	_ =	shalt  }
0x45: {  	_ =	shalt  }
0x46: {  	_ =	shalt  }
0x47: {  	_ =	shalt  }
0x48: {  	_ =	shalt  }
0x49: {  	_ =	shalt  }
0x4a: {  	_ =	shalt  }
0x4b: {  	_ =	shalt  }
0x4c: {  	_ =	shalt  }
0x4d: {  	_ =	shalt  }
0x4e: {  	_ =	shalt  }
0x4f: {  	_ =	shalt  }
0x50: {  	_ =	shalt  }
0x51: {  	_ =	shalt  }
0x52: {  	_ =	shalt  }
0x53: {  	_ =	shalt  }
0x54: {  	_ =	shalt  }
0x55: {  	_ =	shalt  }
0x56: {  	_ =	shalt  }
0x57: {  	_ =	shalt  }
0x58: {  	_ =	shalt  }
0x59: {  	_ =	shalt  }
0x5a: {  	_ =	shalt  }
0x5b: {  	_ =	shalt  }
0x5c: {  	_ =	shalt  }
0x5d: {  	_ =	shalt  }
0x5e: {  	_ =	shalt  }
0x5f: {  	_ =	shalt  }
0x60: {  	_ =	shalt  }
0x61: {  	_ =	shalt  }
0x62: {  	_ =	shalt  }
0x63: {  	_ =	shalt  }
0x64: {  	_ =	shalt  }
0x65: {  	_ =	shalt  }
0x66: {  	_ =	shalt  }
0x67: {  	_ =	shalt  }
0x68: {  	_ =	shalt  }
0x69: {  	_ =	shalt  }
0x6a: {  	_ =	shalt  }
0x6b: {  	_ =	shalt  }
0x6c: {  	_ =	shalt  }
0x6d: {  	_ =	shalt  }
0x6e: {  	_ =	shalt  }
0x6f: {  	_ =	shalt  }
0x70: {  	_ =	shalt  }
0x71: {  	_ =	shalt  }
0x72: {  	_ =	shalt  }
0x73: {  	_ =	shalt  }
0x74: {  	_ =	shalt  }
0x75: {  	_ =	shalt  }
0x76: {  	_ =	shalt  }
0x77: {  	_ =	shalt  }
0x78: {  	_ =	shalt  }
0x79: {  	_ =	shalt  }
0x7a: {  	_ =	shalt  }
0x7b: {  	_ =	shalt  }
0x7c: {  	_ =	shalt  }
0x7d: {  	_ =	shalt  }
0x7e: {  	_ =	shalt  }
0x7f: {  	_ =	shalt  }
0x80: {  	_ =	shalt  }
0x81: {  	_ =	shalt  }
0x82: {  	_ =	shalt  }
0x83: {  	_ =	shalt  }
0x84: {  	_ =	shalt  }
0x85: {  	_ =	shalt  }
0x86: {  	_ =	shalt  }
0x87: {  	_ =	shalt  }
.Lfunc_end0:
.L_simem_size_0:
called_computation.1_lowered:
.L_overlay_start_0:
0x88: {  	s2 =	sld [smem:$0x3FD9]  }
0x89: {  	s3 =	sld [smem:$0x3FFE];
	_ =	sdelay $0x1  }
0x8a: {  	s1 =	srdreg.scid  }
0x8b: {  	s0 =	sand.u32 $0x1, s1  }
0x8c: {  	s17 =	sshll.u32 s0, $0xA;
	s2 =	sadd.s32 s3, s2  }
0x8d: {  	s2 =	sadd.s32 s2, s17  }
0x8e: {  	[smem:$0x3FC0] =	sst s2  }
0x8f: {  	_ = 	snop  }
0x90: {  	s2 =	sld [smem:$0x3FD0];
	(tm) =	ssettm $0x1  }
0x91: {  	s18 =	sld [smem:$0x3FFB];
	_ =	sdelay $0x3  }
0x92: {  	_ =	strace s18  }
0x93: {  	s3 =	sld [smem:$0x3FFC];
	_ =	sdelay $0x3  }
0x94: {  	_ =	strace s3  }
0x95: {  	s3 =	sld [smem:$0x3FFD];
	_ =	sdelay $0x3  }
0x96: {  	_ =	strace s3  }
0x97: {  	_ =	strace $0x8FFFFFFF  }
0x98: {  	s19 =	sld [smem:$0x3FDB];
	_ =	sdelay $0x1  }
0x99: {  	s4 =	simm.s32 $_scs_section_size  }
0x9a: {  	s5 =	simm.s32 $_size__tile_overlayer_lowered;
	s6 =	simm.s32 $_tile_overlayer_lowered  }
0x9b: {  	s22 =	simm.s32 $0x1BFF;
	s21 =	sshll.u32 s6, $0x1;
	s3 =	sadd.s32 s4, s19  }
0x9c: {  	s7 =	simm.s32 $0x0;
	s20 =	sshll.u32 s5, $0x1;
	s5 =	sadd.s32 s21, s3  }
0x9d: {  	[timem:s7], [sflag:s22] =	dma.local [hbm:s5], s20  }
0x9e: {  	_ =	swait.ge [sflag:s22], s20  }
0x9f: {  	s4 =	ssub.s32 $0x0, s20;
	[sflag:s22] =	ssyncset.done $0x0  }
0xa0: {  	[sflag:s22] =	ssyncadd.s32 s4;
	_ =	sdelay $0x1  }
0xa1: {  	s23 =	simm.s32 $0x1B8B  }
0xa2: {  	_ =	swait.ge [sflag:s23], $0x1  }
0xa3: {  	[sflag:s23] =	ssyncset.done $0x0  }
0xa4: {  	s25 =	simm.s32 $0x1B8E;
	s24 =	sld [smem:$0x3FFE];
	[sflag:s23] =	ssyncadd.s32 $0xFFFFFFFF  }
0xa5: {  	s26 =	simm.s32 $execute0_lowered;
	[smem:$0x3FD2] =	sst s25  }
0xa6: {  	s5 =	sshll.u32 s26, $0x1;
	_ =	strace $0x80000049;
	[dreg:$0x1] =	wrdreg $0xFFFFFFFF  }
0xa7: {  	s28 =	simm.s32 $_size_execute0_lowered;
	s3 =	sadd.s32 s3, s5;
	[dreg:$0x0] =	wrdreg $0x0  }
0xa8: {  	s5 =	sshll.u32 s28, $0x1;
	[dreg:$0x2] =	wrdreg s3  }
0xa9: {  	[dreg:$0x3] =	wrdreg s5  }
0xaa: {  	[dreg:$0x4] =	wrdreg $0xC0  }
0xab: {  	_ =	task [dreg:s7], $0x5FFFF  }
0xac: {  	[dreg:$0x1] =	wrdreg $0xFFFFFFFF  }
0xad: {  	[dreg:$0x0] =	wrdreg $0x60  }
0xae: {  	[dreg:$0x2] =	wrdreg s2  }
0xaf: {  	[dreg:$0x3] =	wrdreg s24  }
0xb0: {  	[dreg:$0x4] =	wrdreg $0xC0000  }
0xb1: {  	[dreg:$0x5] =	wrdreg $0x9  }
0xb2: {  	_ =	task.clear_ibuf [dreg:s7], $0x6FFFF;
	_ =	strace $0x90000049  }
0xb3: {  	s29 =	simm.s32 $0x9;
	_ =	strace $0x8000004B  }
0xb4: {  	_ =	swait.ge [sflag:s29], $0x1  }
0xb5: {  	[sflag:s29] =	ssyncadd.s32 $0xFFFFFFFF  }
0xb6: {  	_ =	strace $0x9000004B  }
0xb7: {  	_ =	sfence  }
0xb8: {  	s30 =	sld [smem:$0x0];
	_ =	sdelay $0x2  }
0xb9: {  	s31 =	sshll.u32 s1, $0xD;
	s1 =	sshrl.u32 s1, $0x2  }
0xba: {  	s3 =	sand.u32 $0x4000, s31;
	s1 =	sadd.s32 s1, s30  }
0xbb: {  	s0 =	sor.u32 s3, s0;
	s1 =	sshll.u32 s1, $0x11  }
0xbc: {  	s0 =	sor.u32 s1, s0  }
0xbd: {  	s0 =	sadd.s32 $0x8F2B, s0  }
0xbe: {  	[sflag:s0] =	ssyncadd.remote.s32 $0x1  }
0xbf: {  	_ =	sfence.sel $0xFFFF  }
0xc0: {  	[dreg:$0x0] =	wrdreg $0xFFFFFFFF;
	(pc) =	sbr.abs _section_cstart, $3  }
0xc1: {  	[dreg:$0x1] =	wrdreg $0xFFFFFFFF  }
0xc2: {  	_ =	task.clear_ibuf [dreg:s7], $0x2FFFF;
	_ =	strace $0x9FFFFFFF  }
0xc3: {  	(tm) =	ssettm $0x7FFFFFFF  }
tec
execute0_lowered:
.L_overlay_start_1:
0x0: {  	(tag) =	ssettag $0x1  }
0x1: {  	s1 =	rddreg [dreg:$0x0]  }
0x2: {  	s0 =	rddreg [dreg:$0x1]  }
0x3: {  	s15 =	stileid.u32;
	s2 =	srdreg.scid  }
0x4: {  	s3 =	rddreg [dreg:$0x2];
	s4 =	simm.s32 $0x0;
	s28 =	simm.s32 $0x4000  }
0x5: {  	s29 =	simm.s32 $0x8000;
	s30 =	simm.s32 $0x1;
	s5 =	smul.u32 $0x14000, s15  }
0x6: {  	s31 =	simm.s32 $0x3;
	s2 =	sand.u32 $0x1, s2;
	s12 =	smul.u32 $0x50000, s15  }
0x7: {  	[smem:$0x7FF] =	sst s4;
	s9 =	sadd.s32 $0xC200, s0;
	s6 =	smul.u32 $0x140000, s2  }
0x8: {  	s10 =	sadd.s32 $0x2000, s0;
	s18 =	sshll.u32 s15, $0x6;
	s8 =	smul.u32 $0x18, s2  }
0x9: {  	_ =	strace $0x8000004A;
	s17 =	ssub.s32 $0x2, s2;
	s14 =	sshll.u32 s2, $0xB  }
0xa: {  	s2 =	smul.u32 $0xFFFFD000, s2;
	s7 =	sshrl.u32 s5, $0x3;
	s13 =	sshrl.u32 s17, $0x1  }
0xb: {  	s12 =	sshrl.u32 s12, $0x2;
	s5 =	sadd.s32 s5, s6;
	s16 =	ssub.s32 $0x20, s8  }
0xc: {  	s7 =	sadd.s32 s7, s0;
	s12 =	sadd.s32 s12, s3;
	s8 =	sxor.u32 $0x1E, s8  }
0xd: {  	s2 =	sshra.s32 s2, $0x2;
	s5 =	sshrl.u32 s5, $0x3;
	s11 =	smul.u32 s16, s15  }
0xe: {  	[dreg:$0x4] =	wrdreg s12;
	s7 =	sadd.s32 $0x16400, s7;
	s24 =	sshll.u32 s16, $0x5  }
0xf: {  	s6 =	smul.u32 $0x3, s16;
	s0 =	sadd.s32 s5, s0;
	s11 =	sshll.u32 s11, $0x2  }
0x10: {  	s5 =	ssub.s32 s17, s13;
	[dreg:$0x5] =	wrdreg s7;
	s11 =	sadd.s32 s14, s11  }
0x11: {  	s7 =	sor.u32 $0x1C06, s18;
	s13 =	sadd.s32 $0x2F80, s2;
	s19 =	sshll.u32 s11, $0x4  }
0x12: {  	s20 =	sadd.s32 s16, s11;
	s6 =	sadd.s32 s6, s11;
	s16 =	sadd.s32 $0x3F80, s2  }
0x13: {  	s2 =	simm.s32 $0x2;
	s21 =	sadd.s32 s9, s19;
	s22 =	sadd.s32 s10, s19  }
0x14: {  	s12 =	sshll.u32 s20, $0x4;
	s25 =	sadd.s32 s24, s19;
	s26 =	sshll.u32 s6, $0x4  }
0x15: {  	s19 =	sadd.s32 $0x3E400, s0;
	s20 =	smax.u32 s5, $0x1;
	s24 =	simm.s32 $0x1000  }
0x16: {  	s0 =	simm.s32 $0x4;
	s5 =	simm.s32 $0x1080;
	[dreg:$0x6] =	wrdreg s21  }
0x17: {  	s6 =	simm.s32 $0x0;
	[dreg:$0x7] =	wrdreg s22;
	s23 =	sadd.s32 s9, s12  }
0x18: {  	s12 =	sadd.s32 s10, s12;
	s14 =	sadd.s32 s9, s25;
	s17 =	sadd.s32 s9, s26  }
0x19: {  	s18 =	sadd.s32 s10, s26;
	s21 =	simm.s32 $0x6;
	[dreg:$0x8] =	wrdreg s23  }
0x1a: {  	s22 =	simm.s32 $0x2000;
	s26 =	simm.s32 $0x80;
	[dreg:$0x9] =	wrdreg s12  }
0x1b: {  	s12 =	sshrl.u32 s8, $0x1;
	[dreg:$0xa] =	wrdreg s14;
	s8 =	sadd.s32 s10, s25  }
0x1c: {  	s23 =	simm.s32 $0x5;
	s25 =	simm.s32 $0x3000;
	[dreg:$0xb] =	wrdreg s8  }
.LBB2_1:
0x1d: {  	s8 =	rddreg [dreg:$0x4]  }
0x1e: {  	s9 =	rddreg [dreg:$0x5];
	s8 =	sshrl.u32 s8, $0x3  }
0x1f: {  	[spmem:s8], [sflag:s7] =	dma.local [hbm:s9], $0x2800  }
0x20: {  	_ =	swait.ge [sflag:s21], $0x2800  }
0x21: {  	[sflag:s21] =	ssyncset.done $0x0  }
0x22: {  	[sflag:s21] =	ssyncadd.s32 $0xFFFFD800  }
0x23: {  	[bflag:$0x0] =	sbarrier.arrive $0xFFFF  }
0x24: {  	s11 =	rddreg [dreg:$0x6]  }
0x25: {  	[tilespmem:s4], [sflag:$0x5] =	stream.linear.gather [hbm4b:s11+s4], $0x1000, $0x38;
	v63 =	vld [tilespmem:$0x0]  }
0x26: {  	s14 =	rddreg [dreg:$0x7]  }
0x27: {  	[tilespmem:s22], [sflag:$0x5] =	stream.linear.gather [hbm4b:s14+s4], $0x1000, $0x38;
	v63 =	vld [tilespmem:$0x0]  }
0x28: {  	_ =	swait.ge [sflag:s23], $0x1000  }
0x29: {  	[sflag:s23] =	ssyncset.done $0x0  }
0x2a: {  	[sflag:s23] =	ssyncadd.s32 $0xFFFFF000  }
0x2b: {  	_ =	swait.ge [sflag:s23], $0x1000  }
0x2c: {  	[sflag:s23] =	ssyncset.done $0x0  }
0x2d: {  	s15 =	rddreg [dreg:$0x8];
	[sflag:s23] =	ssyncadd.s32 $0xFFFFF000  }
0x2e: {  	[tilespmem:s24], [sflag:$0x5] =	stream.linear.gather [hbm4b:s15+s4], $0x1000, $0x38;
	v63 =	vld [tilespmem:$0x0]  }
0x2f: {  	s10 =	rddreg [dreg:$0x9]  }
0x30: {  	[tilespmem:s25], [sflag:$0x5] =	stream.linear.gather [hbm4b:s10+s4], $0x1000, $0x38;
	v63 =	vld [tilespmem:$0x0]  }
0x31: {  	_ = 	snop  }
0x32: {  	[tilespmem:s28], [sflag:$0x1] =	stream.indirect.gather [hbm4b:s1+s26], $0x80, s4, s26, $0xb8;
	v63 =	vld [tilespmem:$0x0]  }
0x33: {  	_ = 	snop  }
0x34: {  	[tilespmem:s29], [sflag:$0x2] =	stream.indirect.gather [hbm4b:s1+s26], $0x80, s26, s26, $0xb8;
	v63 =	vld [tilespmem:$0x0]  }
0x35: {  	_ =	swait.ge [sflag:s30], $0x4000  }
0x36: {  	[sflag:s30] =	ssyncset.done $0x0  }
0x37: {  	[sflag:s30] =	ssyncadd.s32 $0xFFFFC000  }
0x38: {  	[spmem:s3] =	stream.indirect.scatter.add.f32 [tilespmem:s28], [sflag:$0x3], $0x80, s22, s26, $0xb8;
	v63 =	vld [tilespmem:$0x0]  }
0x39: {  	_ =	swait.ge [sflag:s31], $0x4000  }
0x3a: {  	[sflag:s31] =	ssyncset.done $0x0  }
0x3b: {  	s11 =	simm.s32 $0x100;
	[sflag:s31] =	ssyncadd.s32 $0xFFFFC000  }
0x3c: {  	[tilespmem:s28], [sflag:$0x1] =	stream.indirect.gather [hbm4b:s1+s26], $0x80, s11, s26, $0xb8;
	v63 =	vld [tilespmem:$0x0]  }
0x3d: {  	_ =	swait.ge [sflag:s2], $0x4000  }
0x3e: {  	[sflag:s2] =	ssyncset.done $0x0  }
0x3f: {  	s14 =	simm.s32 $0x2080;
	[sflag:s2] =	ssyncadd.s32 $0xFFFFC000  }
0x40: {  	[spmem:s3] =	stream.indirect.scatter.add.f32 [tilespmem:s29], [sflag:$0x4], $0x80, s14, s26, $0xb8;
	v63 =	vld [tilespmem:$0x0]  }
0x41: {  	_ =	swait.ge [sflag:s0], $0x4000  }
0x42: {  	p0 =	sne.s32 s12, $0x1;
	[sflag:s0] =	ssyncset.done $0x0  }
.Ltmp0:
0x43: {  	s15 =	simm.s32 $0x180;
	[sflag:s0] =	ssyncadd.s32 $0xFFFFC000;
	(pc) =	sbr.rel @!p0 .LBB2_3-.Ltmp0, $4  }
0x44: {  	[tilespmem:s29], [sflag:$0x2] =	stream.indirect.gather [hbm4b:s1+s26], $0x80, s15, s26, $0xb8;
	v63 =	vld [tilespmem:$0x0]  }
0x45: {  	_ =	swait.ge [sflag:s30], $0x4000  }
0x46: {  	s9 =	sadd.s32 $0xFFFFFFFF, s12;
	s10 =	simm.s32 $0x2180;
	[sflag:s30] =	ssyncset.done $0x0  }
0x47: {  	s11 =	simm.s32 $0x280;
	s14 =	simm.s32 $0x2100;
	[sflag:s30] =	ssyncadd.s32 $0xFFFFC000  }
.LBB2_2:
0x48: {  	[spmem:s3] =	stream.indirect.scatter.add.f32 [tilespmem:s28], [sflag:$0x3], $0x80, s14, s26, $0xb8;
	v63 =	vld [tilespmem:$0x0]  }
0x49: {  	p1 =	sne.s32 s9, $0x1;
	s9 =	sadd.s32 $0xFFFFFFFF, s9;
	_ =	swait.ge [sflag:s31], $0x4000  }
0x4a: {  	s14 =	smov.u32 s10;
	[sflag:s31] =	ssyncset.done $0x0  }
0x4b: {  	s15 =	sadd.s32 $0xFFFFFF80, s11;
	[sflag:s31] =	ssyncadd.s32 $0xFFFFC000  }
0x4c: {  	[tilespmem:s28], [sflag:$0x1] =	stream.indirect.gather [hbm4b:s1+s26], $0x80, s15, s26, $0xb8;
	v63 =	vld [tilespmem:$0x0]  }
0x4d: {  	_ =	swait.ge [sflag:s2], $0x4000  }
0x4e: {  	[sflag:s2] =	ssyncset.done $0x0  }
0x4f: {  	[sflag:s2] =	ssyncadd.s32 $0xFFFFC000  }
0x50: {  	[spmem:s3] =	stream.indirect.scatter.add.f32 [tilespmem:s29], [sflag:$0x4], $0x80, s10, s26, $0xb8;
	v63 =	vld [tilespmem:$0x0]  }
0x51: {  	_ =	swait.ge [sflag:s0], $0x4000  }
0x52: {  	[sflag:s0] =	ssyncset.done $0x0  }
.Ltmp1:
0x53: {  	[sflag:s0] =	ssyncadd.s32 $0xFFFFC000;
	(pc) =	sbr.rel @p1 .LBB2_2-.Ltmp1, $4  }
0x54: {  	[tilespmem:s29], [sflag:$0x2] =	stream.indirect.gather [hbm4b:s1+s26], $0x80, s11, s26, $0xb8;
	v63 =	vld [tilespmem:$0x0]  }
0x55: {  	_ =	swait.ge [sflag:s30], $0x4000  }
0x56: {  	s10 =	sadd.s32 $0x100, s10;
	[sflag:s30] =	ssyncset.done $0x0  }
0x57: {  	s14 =	sadd.s32 $0x80, s14;
	s11 =	sadd.s32 $0x100, s11;
	[sflag:s30] =	ssyncadd.s32 $0xFFFFC000  }
.LBB2_3:
0x58: {  	[spmem:s3] =	stream.indirect.scatter.add.f32 [tilespmem:s28], [sflag:$0x3], $0x80, s14, s26, $0xb8;
	v63 =	vld [tilespmem:$0x0]  }
0x59: {  	_ =	swait.ge [sflag:s31], $0x4000  }
0x5a: {  	[sflag:s31] =	ssyncset.done $0x0  }
0x5b: {  	[sflag:s31] =	ssyncadd.s32 $0xFFFFC000  }
0x5c: {  	_ =	swait.ge [sflag:s2], $0x4000  }
0x5d: {  	[sflag:s2] =	ssyncset.done $0x0  }
0x5e: {  	[sflag:s2] =	ssyncadd.s32 $0xFFFFC000  }
0x5f: {  	[spmem:s3] =	stream.indirect.scatter.add.f32 [tilespmem:s29], [sflag:$0x4], $0x80, s13, s26, $0xb8;
	v63 =	vld [tilespmem:$0x0]  }
0x60: {  	_ =	swait.ge [sflag:s0], $0x4000  }
0x61: {  	[sflag:s0] =	ssyncset.done $0x0  }
0x62: {  	[sflag:s0] =	ssyncadd.s32 $0xFFFFC000  }
0x63: {  	_ =	swait.ge [sflag:s23], $0x1000  }
0x64: {  	[sflag:s23] =	ssyncset.done $0x0  }
0x65: {  	[sflag:s23] =	ssyncadd.s32 $0xFFFFF000  }
0x66: {  	_ =	swait.ge [sflag:s23], $0x1000  }
0x67: {  	[sflag:s23] =	ssyncset.done $0x0  }
0x68: {  	s9 =	rddreg [dreg:$0xa];
	[sflag:s23] =	ssyncadd.s32 $0xFFFFF000  }
0x69: {  	[tilespmem:s4], [sflag:$0x5] =	stream.linear.gather [hbm4b:s9+s4], $0x1000, $0x38;
	v63 =	vld [tilespmem:$0x0]  }
0x6a: {  	s10 =	rddreg [dreg:$0xb]  }
0x6b: {  	[tilespmem:s22], [sflag:$0x5] =	stream.linear.gather [hbm4b:s10+s4], $0x1000, $0x38;
	v63 =	vld [tilespmem:$0x0]  }
0x6c: {  	_ = 	snop  }
0x6d: {  	[tilespmem:s28], [sflag:$0x1] =	stream.indirect.gather [hbm4b:s1+s26], $0x80, s24, s26, $0xb8;
	v63 =	vld [tilespmem:$0x0]  }
0x6e: {  	_ = 	snop  }
0x6f: {  	[tilespmem:s29], [sflag:$0x2] =	stream.indirect.gather [hbm4b:s1+s26], $0x80, s5, s26, $0xb8;
	v63 =	vld [tilespmem:$0x0]  }
0x70: {  	_ =	swait.ge [sflag:s30], $0x4000  }
0x71: {  	[sflag:s30] =	ssyncset.done $0x0  }
0x72: {  	[sflag:s30] =	ssyncadd.s32 $0xFFFFC000  }
0x73: {  	[spmem:s3] =	stream.indirect.scatter.add.f32 [tilespmem:s28], [sflag:$0x3], $0x80, s25, s26, $0xb8;
	v63 =	vld [tilespmem:$0x0]  }
0x74: {  	_ =	swait.ge [sflag:s31], $0x4000  }
0x75: {  	[sflag:s31] =	ssyncset.done $0x0  }
0x76: {  	s11 =	simm.s32 $0x1100;
	[sflag:s31] =	ssyncadd.s32 $0xFFFFC000  }
0x77: {  	[tilespmem:s28], [sflag:$0x1] =	stream.indirect.gather [hbm4b:s1+s26], $0x80, s11, s26, $0xb8;
	v63 =	vld [tilespmem:$0x0]  }
0x78: {  	_ =	swait.ge [sflag:s2], $0x4000  }
0x79: {  	[sflag:s2] =	ssyncset.done $0x0  }
0x7a: {  	s14 =	simm.s32 $0x3080;
	[sflag:s2] =	ssyncadd.s32 $0xFFFFC000  }
0x7b: {  	[spmem:s3] =	stream.indirect.scatter.add.f32 [tilespmem:s29], [sflag:$0x4], $0x80, s14, s26, $0xb8;
	v63 =	vld [tilespmem:$0x0]  }
0x7c: {  	_ =	swait.ge [sflag:s0], $0x4000  }
0x7d: {  	[sflag:s0] =	ssyncset.done $0x0  }
.Ltmp2:
0x7e: {  	s15 =	simm.s32 $0x1180;
	[sflag:s0] =	ssyncadd.s32 $0xFFFFC000;
	(pc) =	sbr.rel @!p0 .LBB2_5-.Ltmp2, $4  }
0x7f: {  	[tilespmem:s29], [sflag:$0x2] =	stream.indirect.gather [hbm4b:s1+s26], $0x80, s15, s26, $0xb8;
	v63 =	vld [tilespmem:$0x0]  }
0x80: {  	_ =	swait.ge [sflag:s30], $0x4000  }
0x81: {  	s9 =	sadd.s32 $0xFFFFFFFF, s12;
	s10 =	simm.s32 $0x3180;
	[sflag:s30] =	ssyncset.done $0x0  }
0x82: {  	s11 =	simm.s32 $0x1280;
	s14 =	simm.s32 $0x3100;
	[sflag:s30] =	ssyncadd.s32 $0xFFFFC000  }
.LBB2_4:
0x83: {  	[spmem:s3] =	stream.indirect.scatter.add.f32 [tilespmem:s28], [sflag:$0x3], $0x80, s14, s26, $0xb8;
	v63 =	vld [tilespmem:$0x0]  }
0x84: {  	p1 =	sne.s32 s9, $0x1;
	s9 =	sadd.s32 $0xFFFFFFFF, s9;
	_ =	swait.ge [sflag:s31], $0x4000  }
0x85: {  	s14 =	smov.u32 s10;
	[sflag:s31] =	ssyncset.done $0x0  }
0x86: {  	s15 =	sadd.s32 $0xFFFFFF80, s11;
	[sflag:s31] =	ssyncadd.s32 $0xFFFFC000  }
0x87: {  	[tilespmem:s28], [sflag:$0x1] =	stream.indirect.gather [hbm4b:s1+s26], $0x80, s15, s26, $0xb8;
	v63 =	vld [tilespmem:$0x0]  }
0x88: {  	_ =	swait.ge [sflag:s2], $0x4000  }
0x89: {  	[sflag:s2] =	ssyncset.done $0x0  }
0x8a: {  	[sflag:s2] =	ssyncadd.s32 $0xFFFFC000  }
0x8b: {  	[spmem:s3] =	stream.indirect.scatter.add.f32 [tilespmem:s29], [sflag:$0x4], $0x80, s10, s26, $0xb8;
	v63 =	vld [tilespmem:$0x0]  }
0x8c: {  	_ =	swait.ge [sflag:s0], $0x4000  }
0x8d: {  	[sflag:s0] =	ssyncset.done $0x0  }
.Ltmp3:
0x8e: {  	[sflag:s0] =	ssyncadd.s32 $0xFFFFC000;
	(pc) =	sbr.rel @p1 .LBB2_4-.Ltmp3, $4  }
0x8f: {  	[tilespmem:s29], [sflag:$0x2] =	stream.indirect.gather [hbm4b:s1+s26], $0x80, s11, s26, $0xb8;
	v63 =	vld [tilespmem:$0x0]  }
0x90: {  	_ =	swait.ge [sflag:s30], $0x4000  }
0x91: {  	s10 =	sadd.s32 $0x100, s10;
	[sflag:s30] =	ssyncset.done $0x0  }
0x92: {  	s14 =	sadd.s32 $0x80, s14;
	s11 =	sadd.s32 $0x100, s11;
	[sflag:s30] =	ssyncadd.s32 $0xFFFFC000  }
.LBB2_5:
0x93: {  	[spmem:s3] =	stream.indirect.scatter.add.f32 [tilespmem:s28], [sflag:$0x3], $0x80, s14, s26, $0xb8;
	v63 =	vld [tilespmem:$0x0]  }
0x94: {  	_ =	swait.ge [sflag:s31], $0x4000  }
0x95: {  	[sflag:s31] =	ssyncset.done $0x0  }
0x96: {  	[sflag:s31] =	ssyncadd.s32 $0xFFFFC000  }
0x97: {  	_ =	swait.ge [sflag:s2], $0x4000  }
0x98: {  	[sflag:s2] =	ssyncset.done $0x0  }
0x99: {  	[sflag:s2] =	ssyncadd.s32 $0xFFFFC000  }
0x9a: {  	[spmem:s3] =	stream.indirect.scatter.add.f32 [tilespmem:s29], [sflag:$0x4], $0x80, s16, s26, $0xb8;
	v63 =	vld [tilespmem:$0x0]  }
0x9b: {  	_ =	swait.ge [sflag:s0], $0x4000  }
0x9c: {  	[sflag:s0] =	ssyncset.done $0x0  }
0x9d: {  	[sflag:s0] =	ssyncadd.s32 $0xFFFFC000  }
0x9e: {  	_ =	swait.ge [sflag:s23], $0x1000  }
0x9f: {  	[sflag:s23] =	ssyncset.done $0x0  }
0xa0: {  	[sflag:s23] =	ssyncadd.s32 $0xFFFFF000  }
0xa1: {  	_ =	swait.ge [sflag:s23], $0x1000  }
0xa2: {  	[sflag:s23] =	ssyncset.done $0x0  }
0xa3: {  	[sflag:s23] =	ssyncadd.s32 $0xFFFFF000  }
0xa4: {  	[tilespmem:s24], [sflag:$0x5] =	stream.linear.gather [hbm4b:s17+s4], $0x1000, $0x38;
	v63 =	vld [tilespmem:$0x0]  }
0xa5: {  	_ = 	snop  }
0xa6: {  	[tilespmem:s25], [sflag:$0x5] =	stream.linear.gather [hbm4b:s18+s4], $0x1000, $0x38;
	v63 =	vld [tilespmem:$0x0]  }
0xa7: {  	_ = 	snop  }
0xa8: {  	[tilespmem:s28], [sflag:$0x1] =	stream.indirect.gather [hbm4b:s1+s26], $0x80, s4, s26, $0xb8;
	v63 =	vld [tilespmem:$0x0]  }
0xa9: {  	_ = 	snop  }
0xaa: {  	[tilespmem:s29], [sflag:$0x2] =	stream.indirect.gather [hbm4b:s1+s26], $0x80, s26, s26, $0xb8;
	v63 =	vld [tilespmem:$0x0]  }
0xab: {  	_ =	swait.ge [sflag:s30], $0x4000  }
0xac: {  	[sflag:s30] =	ssyncset.done $0x0  }
0xad: {  	[sflag:s30] =	ssyncadd.s32 $0xFFFFC000  }
0xae: {  	[spmem:s3] =	stream.indirect.scatter.add.f32 [tilespmem:s28], [sflag:$0x3], $0x80, s22, s26, $0xb8;
	v63 =	vld [tilespmem:$0x0]  }
0xaf: {  	_ =	swait.ge [sflag:s31], $0x4000  }
0xb0: {  	[sflag:s31] =	ssyncset.done $0x0  }
0xb1: {  	s9 =	simm.s32 $0x100;
	[sflag:s31] =	ssyncadd.s32 $0xFFFFC000  }
0xb2: {  	[tilespmem:s28], [sflag:$0x1] =	stream.indirect.gather [hbm4b:s1+s26], $0x80, s9, s26, $0xb8;
	v63 =	vld [tilespmem:$0x0]  }
0xb3: {  	_ =	swait.ge [sflag:s2], $0x4000  }
0xb4: {  	[sflag:s2] =	ssyncset.done $0x0  }
0xb5: {  	s14 =	simm.s32 $0x2080;
	[sflag:s2] =	ssyncadd.s32 $0xFFFFC000  }
0xb6: {  	[spmem:s3] =	stream.indirect.scatter.add.f32 [tilespmem:s29], [sflag:$0x4], $0x80, s14, s26, $0xb8;
	v63 =	vld [tilespmem:$0x0]  }
0xb7: {  	_ =	swait.ge [sflag:s0], $0x4000  }
0xb8: {  	[sflag:s0] =	ssyncset.done $0x0  }
.Ltmp4:
0xb9: {  	s15 =	simm.s32 $0x180;
	[sflag:s0] =	ssyncadd.s32 $0xFFFFC000;
	(pc) =	sbr.rel @!p0 .LBB2_7-.Ltmp4, $4  }
0xba: {  	[tilespmem:s29], [sflag:$0x2] =	stream.indirect.gather [hbm4b:s1+s26], $0x80, s15, s26, $0xb8;
	v63 =	vld [tilespmem:$0x0]  }
0xbb: {  	_ =	swait.ge [sflag:s30], $0x4000  }
0xbc: {  	s10 =	simm.s32 $0x2180;
	s11 =	simm.s32 $0x280;
	[sflag:s30] =	ssyncset.done $0x0  }
0xbd: {  	s9 =	sadd.s32 $0xFFFFFFFF, s12;
	s14 =	simm.s32 $0x2100;
	[sflag:s30] =	ssyncadd.s32 $0xFFFFC000  }
.LBB2_6:
0xbe: {  	[spmem:s3] =	stream.indirect.scatter.add.f32 [tilespmem:s28], [sflag:$0x3], $0x80, s14, s26, $0xb8;
	v63 =	vld [tilespmem:$0x0]  }
0xbf: {  	p1 =	sne.s32 s9, $0x1;
	s9 =	sadd.s32 $0xFFFFFFFF, s9;
	_ =	swait.ge [sflag:s31], $0x4000  }
0xc0: {  	s14 =	smov.u32 s10;
	[sflag:s31] =	ssyncset.done $0x0  }
0xc1: {  	s15 =	sadd.s32 $0xFFFFFF80, s11;
	[sflag:s31] =	ssyncadd.s32 $0xFFFFC000  }
0xc2: {  	[tilespmem:s28], [sflag:$0x1] =	stream.indirect.gather [hbm4b:s1+s26], $0x80, s15, s26, $0xb8;
	v63 =	vld [tilespmem:$0x0]  }
0xc3: {  	_ =	swait.ge [sflag:s2], $0x4000  }
0xc4: {  	[sflag:s2] =	ssyncset.done $0x0  }
0xc5: {  	[sflag:s2] =	ssyncadd.s32 $0xFFFFC000  }
0xc6: {  	[spmem:s3] =	stream.indirect.scatter.add.f32 [tilespmem:s29], [sflag:$0x4], $0x80, s10, s26, $0xb8;
	v63 =	vld [tilespmem:$0x0]  }
0xc7: {  	_ =	swait.ge [sflag:s0], $0x4000  }
0xc8: {  	[sflag:s0] =	ssyncset.done $0x0  }
.Ltmp5:
0xc9: {  	[sflag:s0] =	ssyncadd.s32 $0xFFFFC000;
	(pc) =	sbr.rel @p1 .LBB2_6-.Ltmp5, $4  }
0xca: {  	[tilespmem:s29], [sflag:$0x2] =	stream.indirect.gather [hbm4b:s1+s26], $0x80, s11, s26, $0xb8;
	v63 =	vld [tilespmem:$0x0]  }
0xcb: {  	_ =	swait.ge [sflag:s30], $0x4000  }
0xcc: {  	s10 =	sadd.s32 $0x100, s10;
	[sflag:s30] =	ssyncset.done $0x0  }
0xcd: {  	s14 =	sadd.s32 $0x80, s14;
	s11 =	sadd.s32 $0x100, s11;
	[sflag:s30] =	ssyncadd.s32 $0xFFFFC000  }
.LBB2_7:
0xce: {  	[spmem:s3] =	stream.indirect.scatter.add.f32 [tilespmem:s28], [sflag:$0x3], $0x80, s14, s26, $0xb8;
	v63 =	vld [tilespmem:$0x0]  }
0xcf: {  	_ =	swait.ge [sflag:s31], $0x4000  }
0xd0: {  	[sflag:s31] =	ssyncset.done $0x0  }
0xd1: {  	[sflag:s31] =	ssyncadd.s32 $0xFFFFC000  }
0xd2: {  	_ =	swait.ge [sflag:s2], $0x4000  }
0xd3: {  	[sflag:s2] =	ssyncset.done $0x0  }
0xd4: {  	[sflag:s2] =	ssyncadd.s32 $0xFFFFC000  }
0xd5: {  	[spmem:s3] =	stream.indirect.scatter.add.f32 [tilespmem:s29], [sflag:$0x4], $0x80, s13, s26, $0xb8;
	v63 =	vld [tilespmem:$0x0]  }
0xd6: {  	_ =	swait.ge [sflag:s0], $0x4000  }
0xd7: {  	[sflag:s0] =	ssyncset.done $0x0  }
0xd8: {  	[sflag:s0] =	ssyncadd.s32 $0xFFFFC000  }
0xd9: {  	_ =	swait.ge [sflag:s23], $0x1000  }
0xda: {  	[sflag:s23] =	ssyncset.done $0x0  }
0xdb: {  	[sflag:s23] =	ssyncadd.s32 $0xFFFFF000  }
0xdc: {  	_ =	swait.ge [sflag:s23], $0x1000  }
0xdd: {  	[sflag:s23] =	ssyncset.done $0x0  }
0xde: {  	[sflag:s23] =	ssyncadd.s32 $0xFFFFF000  }
0xdf: {  	[tilespmem:s28], [sflag:$0x1] =	stream.indirect.gather [hbm4b:s1+s26], $0x80, s24, s26, $0xb8;
	v63 =	vld [tilespmem:$0x0]  }
0xe0: {  	_ = 	snop  }
0xe1: {  	[tilespmem:s29], [sflag:$0x2] =	stream.indirect.gather [hbm4b:s1+s26], $0x80, s5, s26, $0xb8;
	v63 =	vld [tilespmem:$0x0]  }
0xe2: {  	_ =	swait.ge [sflag:s30], $0x4000  }
0xe3: {  	[sflag:s30] =	ssyncset.done $0x0  }
0xe4: {  	[sflag:s30] =	ssyncadd.s32 $0xFFFFC000  }
0xe5: {  	[spmem:s3] =	stream.indirect.scatter.add.f32 [tilespmem:s28], [sflag:$0x3], $0x80, s25, s26, $0xb8;
	v63 =	vld [tilespmem:$0x0]  }
0xe6: {  	_ =	swait.ge [sflag:s31], $0x4000  }
0xe7: {  	[sflag:s31] =	ssyncset.done $0x0  }
0xe8: {  	s9 =	simm.s32 $0x1100;
	[sflag:s31] =	ssyncadd.s32 $0xFFFFC000  }
0xe9: {  	[tilespmem:s28], [sflag:$0x1] =	stream.indirect.gather [hbm4b:s1+s26], $0x80, s9, s26, $0xb8;
	v63 =	vld [tilespmem:$0x0]  }
0xea: {  	_ =	swait.ge [sflag:s2], $0x4000  }
0xeb: {  	[sflag:s2] =	ssyncset.done $0x0  }
0xec: {  	s14 =	simm.s32 $0x3080;
	[sflag:s2] =	ssyncadd.s32 $0xFFFFC000  }
0xed: {  	[spmem:s3] =	stream.indirect.scatter.add.f32 [tilespmem:s29], [sflag:$0x4], $0x80, s14, s26, $0xb8;
	v63 =	vld [tilespmem:$0x0]  }
0xee: {  	_ =	swait.ge [sflag:s0], $0x4000  }
0xef: {  	[sflag:s0] =	ssyncset.done $0x0  }
.Ltmp6:
0xf0: {  	s15 =	simm.s32 $0x1180;
	[sflag:s0] =	ssyncadd.s32 $0xFFFFC000;
	(pc) =	sbr.rel @!p0 .LBB2_9-.Ltmp6, $4  }
0xf1: {  	[tilespmem:s29], [sflag:$0x2] =	stream.indirect.gather [hbm4b:s1+s26], $0x80, s15, s26, $0xb8;
	v63 =	vld [tilespmem:$0x0]  }
0xf2: {  	_ =	swait.ge [sflag:s30], $0x4000  }
0xf3: {  	s10 =	simm.s32 $0x3180;
	s11 =	simm.s32 $0x1280;
	[sflag:s30] =	ssyncset.done $0x0  }
0xf4: {  	s9 =	sadd.s32 $0xFFFFFFFF, s12;
	s14 =	simm.s32 $0x3100;
	[sflag:s30] =	ssyncadd.s32 $0xFFFFC000  }
.LBB2_8:
0xf5: {  	[spmem:s3] =	stream.indirect.scatter.add.f32 [tilespmem:s28], [sflag:$0x3], $0x80, s14, s26, $0xb8;
	v63 =	vld [tilespmem:$0x0]  }
0xf6: {  	p0 =	sne.s32 s9, $0x1;
	s9 =	sadd.s32 $0xFFFFFFFF, s9;
	_ =	swait.ge [sflag:s31], $0x4000  }
0xf7: {  	s14 =	smov.u32 s10;
	[sflag:s31] =	ssyncset.done $0x0  }
0xf8: {  	s15 =	sadd.s32 $0xFFFFFF80, s11;
	[sflag:s31] =	ssyncadd.s32 $0xFFFFC000  }
0xf9: {  	[tilespmem:s28], [sflag:$0x1] =	stream.indirect.gather [hbm4b:s1+s26], $0x80, s15, s26, $0xb8;
	v63 =	vld [tilespmem:$0x0]  }
0xfa: {  	_ =	swait.ge [sflag:s2], $0x4000  }
0xfb: {  	[sflag:s2] =	ssyncset.done $0x0  }
0xfc: {  	[sflag:s2] =	ssyncadd.s32 $0xFFFFC000  }
0xfd: {  	[spmem:s3] =	stream.indirect.scatter.add.f32 [tilespmem:s29], [sflag:$0x4], $0x80, s10, s26, $0xb8;
	v63 =	vld [tilespmem:$0x0]  }
0xfe: {  	_ =	swait.ge [sflag:s0], $0x4000  }
0xff: {  	[sflag:s0] =	ssyncset.done $0x0  }
.Ltmp7:
0x100: {  	[sflag:s0] =	ssyncadd.s32 $0xFFFFC000;
	(pc) =	sbr.rel @p0 .LBB2_8-.Ltmp7, $4  }
0x101: {  	[tilespmem:s29], [sflag:$0x2] =	stream.indirect.gather [hbm4b:s1+s26], $0x80, s11, s26, $0xb8;
	v63 =	vld [tilespmem:$0x0]  }
0x102: {  	_ =	swait.ge [sflag:s30], $0x4000  }
0x103: {  	s10 =	sadd.s32 $0x100, s10;
	[sflag:s30] =	ssyncset.done $0x0  }
0x104: {  	s14 =	sadd.s32 $0x80, s14;
	s11 =	sadd.s32 $0x100, s11;
	[sflag:s30] =	ssyncadd.s32 $0xFFFFC000  }
.LBB2_9:
0x105: {  	[spmem:s3] =	stream.indirect.scatter.add.f32 [tilespmem:s28], [sflag:$0x3], $0x80, s14, s26, $0xb8;
	v63 =	vld [tilespmem:$0x0]  }
0x106: {  	_ =	swait.ge [sflag:s31], $0x4000  }
0x107: {  	[sflag:s31] =	ssyncset.done $0x0  }
0x108: {  	[sflag:s31] =	ssyncadd.s32 $0xFFFFC000  }
0x109: {  	_ =	swait.ge [sflag:s2], $0x4000  }
0x10a: {  	[sflag:s2] =	ssyncset.done $0x0  }
0x10b: {  	[sflag:s2] =	ssyncadd.s32 $0xFFFFC000  }
0x10c: {  	[spmem:s3] =	stream.indirect.scatter.add.f32 [tilespmem:s29], [sflag:$0x4], $0x80, s16, s26, $0xb8;
	v63 =	vld [tilespmem:$0x0]  }
0x10d: {  	_ =	swait.ge [sflag:s0], $0x4000  }
0x10e: {  	s6 =	sadd.s32 $0x1, s6;
	[sflag:s0] =	ssyncset.done $0x0  }
0x10f: {  	p0 =	sne.s32 s6, s20;
	[sflag:s0] =	ssyncadd.s32 $0xFFFFC000  }
.Ltmp8:
0x110: {  	[bflag:$0x0] =	sbarrier.arrive $0xFFFF;
	(pc) =	sbr.rel @p0 .LBB2_1-.Ltmp8, $4  }
0x111: {  	[hbm:s19], [sflag:s7] =	dma.local [spmem:s8], $0x2800  }
0x112: {  	_ =	swait.ge [sflag:s21], $0x2800  }
0x113: {  	[sflag:s21] =	ssyncset.done $0x0  }
0x114: {  	[sflag:s21] =	ssyncadd.s32 $0xFFFFD800  }
0x115: {  	_ =	sfence.sel $0x180000  }
0x116: {  	[bflag:$0x0] =	sbarrier.arrive $0xFFFF  }
0x117: {  	_ =	strace $0x9000004A  }
0x118: {  	s0 =	stileid.u32;
	[bflag:$0x2] =	sbarrier.arrive $0xFFFF  }
0x119: {  	p0 =	sne.s32 s0, $0x0;
	s0 =	rddreg [dreg:$0x3]  }
0x11a: {  	s0 =	sadd.s32 @!p0 $0x100000, s0  }
0x11b: {  	[sflag:s0] =	ssyncadd.tile.s32 @!p0 $0x1;
	_ =	shalt  }
.Lfunc_end2:
_tile_overlayer_lowered:
.L_overlay_start_2:
0x11c: {  	(tag) =	ssettag $0x2  }
0x11d: {  	s0 =	rddreg [dreg:$0x0];
	s2 =	stileid.u32  }
0x11e: {  	s1 =	rddreg [dreg:$0x1];
	p0 =	sne.s32 s2, $0x0  }
0x11f: {  	s3 =	rddreg [dreg:$0x2];
	[bflag:$0x3] =	sbarrier.arrive $0xFFFF;
	s2 =	simm.s32 @!p0 $0x1C06  }
0x120: {  	[timem:s3], [sflag:s2] =	dma.local @!p0 [hbm:s0], s1  }
0x121: {  	s0 =	simm.s32 @!p0 $0x6  }
0x122: {  	_ =	swait.ge @!p0 [sflag:s0], s1  }
0x123: {  	s1 =	ssub.s32 @!p0 $0x0, s1;
	[sflag:s0] =	ssyncset.done @!p0 $0x0  }
0x124: {  	[sflag:s0] =	ssyncadd.s32 @!p0 s1  }
0x125: {  	[bflag:$0x3] =	sbarrier.arrive $0xFFFF  }
0x126: {  	_ =	shalt  }

// kernel: kernel.7.cloned.1.call-start
scs
__scs_entry_jumppad:
0x0: {  	(pc) =	sbr.rel $0x88, $3  }
0x1: {  	(tag) =	ssettag $0x0;
	lr =	simm.s32 $0x1  }
0x2: {  	[smem:$0x3F99] =	sst lr;
	_ =	strace $0xD0000000  }
0x3: {  	_ = 	snop  }
0x4: {  	_ = 	snop  }
0x5: {  	_ = 	snop  }
0x6: {  	_ = 	snop  }
0x7: {  	_ = 	snop  }
__scs_overlays_trampoline_lowered:
0x8: {  	[smem:$0x3FA8] =	sst s0  }
0x9: {  	[smem:$0x3FA9] =	sst s1  }
0xa: {  	[smem:$0x3FAA] =	sst s2  }
0xb: {  	[smem:$0x3FAB] =	sst s3  }
0xc: {  	[smem:$0x3FAC] =	sst s4  }
0xd: {  	[smem:$0x3FAD] =	sst s5  }
0xe: {  	[smem:$0x3FAE] =	sst s6  }
0xf: {  	[smem:$0x3FAF] =	sst s7  }
0x10: {  	[smem:$0x3FB0] =	sst s8  }
0x11: {  	[smem:$0x3FB1] =	sst s9;
	s0 =	simm.s32 @!p0 $0x0  }
0x12: {  	s1 =	sld [smem:$0x3F97];
	s0 =	simm.s32 @p0 $0x1  }
0x13: {  	[smem:$0x3FB2] =	sst s0;
	s0 =	simm.s32 @!p1 $0x0  }
0x14: {  	s2 =	sld [smem:$0x3F96];
	s0 =	simm.s32 @p1 $0x1  }
0x15: {  	[smem:$0x3FB3] =	sst s0;
	s0 =	simm.s32 @!p2 $0x0  }
0x16: {  	s3 =	sld [smem:$0x3FDB];
	s0 =	simm.s32 @p2 $0x1  }
0x17: {  	s4 =	simm.s32 $0x1BF5;
	[smem:$0x3FB5] =	sst s0  }
0x18: {  	s0 =	sld [smem:$0x3F98];
	_ =	swait.ge [sflag:s4], $0x0  }
0x19: {  	s7 =	sld [smem:$0x3F99]  }
0x1a: {  	s8 =	sadd.s32 $0xFFFFE003, lr  }
0x1b: {  	s9 =	sadd.s32 $0xFFFFFEF7, lr;
	s5 =	simm.s32 $0xFFFFFFFF;
	p2 =	slt.u32 s8, $0xFFFFF086  }
0x1c: {  	p1 =	slt.u32 s9, $0xF7A;
	s5 =	simm.s32 @!p2 $0x0  }
0x1d: {  	s5 =	simm.s32 @p1 $0x1;
	p0 =	seq.s32 s7, s2  }
0x1e: {  	s7 =	smul.u32 @!p0 $0xF7A, s2;
	p2 =	seq.s32 @!p0 s5, $0x0  }
0x1f: {  	s9 =	smul.u32 $0xF7A, s1;
	s8 =	simm.s32 @!p0 $0x1BF5;
	p2 =	por !p2, p0  }
0x20: {  	[sflag:s8] =	ssyncset.s32 @!p0 $0xFFFFF086;
	s6 =	sadd.s32 @!p0 s3, s7;
	s7 =	simm.s32 @!p0 $0x108  }
0x21: {  	s3 =	sadd.s32 s3, s9;
	s6 =	sadd.s32 @!p0 $0x88, s6;
	s7 =	simm.s32 @p2 $0x1082  }
0x22: {  	[simem:s7], [sflag:s8] =	dma.local @!p0 [hbm:s6], $0xF7A  }
0x23: {  	s9 =	sor.u32 $0xD0000000, s2;
	s6 =	simm.s32 $0x108;
	_ =	swait.ge @!p0 [sflag:s8], $0x0  }
0x24: {  	s3 =	sadd.s32 $0x88, s3;
	s6 =	simm.s32 @!p1 $0x1082;
	[sflag:s4] =	ssyncset.s32 $0xFFFFF086  }
0x25: {  	[simem:s6], [sflag:s4] =	dma.local [hbm:s3], $0xF7A  }
0x26: {  	[smem:$0x3F99] =	sst s1;
	(tag) =	ssettag s2;
	_ =	strace s9  }
0x27: {  	s1 =	sld [smem:$0x3FA9]  }
0x28: {  	s2 =	sld [smem:$0x3FAA]  }
0x29: {  	s4 =	sld [smem:$0x3FAC]  }
0x2a: {  	p0 =	seq.s32 s5, $0x0;
	s5 =	sld [smem:$0x3FAD]  }
0x2b: {  	s6 =	sld [smem:$0x3FAE]  }
0x2c: {  	s7 =	sld [smem:$0x3FAF]  }
0x2d: {  	s3 =	simm.s32 $0x108;
	s8 =	sld [smem:$0x3FB0]  }
0x2e: {  	s3 =	simm.s32 @!p0 $0x1082;
	s9 =	sld [smem:$0x3FB1]  }
0x2f: {  	lr =	sadd.s32 s0, s3;
	s0 =	sld [smem:$0x3FA8]  }
0x30: {  	s3 =	sld [smem:$0x3FAB]  }
0x31: {  	[smem:$0x3FB4] =	sst s10  }
0x32: {  	s10 =	sld [smem:$0x3FB2];
	_ =	sdelay $0x3  }
0x33: {  	p0 =	seq.s32 s10, $0x1;
	s10 =	sld [smem:$0x3FB4];
	_ =	sdelay $0x3  }
0x34: {  	[smem:$0x3FB4] =	sst s10  }
0x35: {  	s10 =	sld [smem:$0x3FB3];
	_ =	sdelay $0x3  }
0x36: {  	p1 =	seq.s32 s10, $0x1;
	s10 =	sld [smem:$0x3FB4];
	_ =	sdelay $0x3  }
0x37: {  	[smem:$0x3FB4] =	sst s10  }
0x38: {  	s10 =	sld [smem:$0x3FB5]  }
0x39: {  	_ = 	snop;
	(pc) =	sbr.ind lr, $3  }
0x3a: {  	_ = 	snop  }
0x3b: {  	_ = 	snop  }
0x3c: {  	p2 =	seq.s32 s10, $0x1;
	s10 =	sld [smem:$0x3FB4]  }
0x3d: {  	_ =	shalt  }
0x3e: {  	_ =	shalt  }
0x3f: {  	_ =	shalt  }
0x40: {  	_ =	shalt  }
0x41: {  	_ =	shalt  }
0x42: {  	_ =	shalt  }
0x43: {  	_ =	shalt  }
0x44: {  	_ =	shalt  }
0x45: {  	_ =	shalt  }
0x46: {  	_ =	shalt  }
0x47: {  	_ =	shalt  }
0x48: {  	_ =	shalt  }
0x49: {  	_ =	shalt  }
0x4a: {  	_ =	shalt  }
0x4b: {  	_ =	shalt  }
0x4c: {  	_ =	shalt  }
0x4d: {  	_ =	shalt  }
0x4e: {  	_ =	shalt  }
0x4f: {  	_ =	shalt  }
0x50: {  	_ =	shalt  }
0x51: {  	_ =	shalt  }
0x52: {  	_ =	shalt  }
0x53: {  	_ =	shalt  }
0x54: {  	_ =	shalt  }
0x55: {  	_ =	shalt  }
0x56: {  	_ =	shalt  }
0x57: {  	_ =	shalt  }
0x58: {  	_ =	shalt  }
0x59: {  	_ =	shalt  }
0x5a: {  	_ =	shalt  }
0x5b: {  	_ =	shalt  }
0x5c: {  	_ =	shalt  }
0x5d: {  	_ =	shalt  }
0x5e: {  	_ =	shalt  }
0x5f: {  	_ =	shalt  }
0x60: {  	_ =	shalt  }
0x61: {  	_ =	shalt  }
0x62: {  	_ =	shalt  }
0x63: {  	_ =	shalt  }
0x64: {  	_ =	shalt  }
0x65: {  	_ =	shalt  }
0x66: {  	_ =	shalt  }
0x67: {  	_ =	shalt  }
0x68: {  	_ =	shalt  }
0x69: {  	_ =	shalt  }
0x6a: {  	_ =	shalt  }
0x6b: {  	_ =	shalt  }
0x6c: {  	_ =	shalt  }
0x6d: {  	_ =	shalt  }
0x6e: {  	_ =	shalt  }
0x6f: {  	_ =	shalt  }
0x70: {  	_ =	shalt  }
0x71: {  	_ =	shalt  }
0x72: {  	_ =	shalt  }
0x73: {  	_ =	shalt  }
0x74: {  	_ =	shalt  }
0x75: {  	_ =	shalt  }
0x76: {  	_ =	shalt  }
0x77: {  	_ =	shalt  }
0x78: {  	_ =	shalt  }
0x79: {  	_ =	shalt  }
0x7a: {  	_ =	shalt  }
0x7b: {  	_ =	shalt  }
0x7c: {  	_ =	shalt  }
0x7d: {  	_ =	shalt  }
0x7e: {  	_ =	shalt  }
0x7f: {  	_ =	shalt  }
0x80: {  	_ =	shalt  }
0x81: {  	_ =	shalt  }
0x82: {  	_ =	shalt  }
0x83: {  	_ =	shalt  }
0x84: {  	_ =	shalt  }
0x85: {  	_ =	shalt  }
0x86: {  	_ =	shalt  }
0x87: {  	_ =	shalt  }
.Lfunc_end0:
.L_simem_size_0:
called_computation_lowered:
.L_overlay_start_0:
0x88: {  	s2 =	sld [smem:$0x3FD9]  }
0x89: {  	s3 =	sld [smem:$0x3FFE];
	_ =	sdelay $0x1  }
0x8a: {  	s1 =	srdreg.scid  }
0x8b: {  	s0 =	sand.u32 $0x1, s1  }
0x8c: {  	s17 =	sshll.u32 s0, $0xA;
	s2 =	sadd.s32 s3, s2  }
0x8d: {  	s2 =	sadd.s32 s2, s17  }
0x8e: {  	[smem:$0x3FC0] =	sst s2  }
0x8f: {  	_ = 	snop  }
0x90: {  	s2 =	sld [smem:$0x3FD0];
	(tm) =	ssettm $0x1  }
0x91: {  	s18 =	sld [smem:$0x3FFB];
	_ =	sdelay $0x3  }
0x92: {  	_ =	strace s18  }
0x93: {  	s3 =	sld [smem:$0x3FFC];
	_ =	sdelay $0x3  }
0x94: {  	_ =	strace s3  }
0x95: {  	s3 =	sld [smem:$0x3FFD];
	_ =	sdelay $0x3  }
0x96: {  	_ =	strace s3  }
0x97: {  	_ =	strace $0x8FFFFFFF  }
0x98: {  	s19 =	sld [smem:$0x3FDB];
	_ =	sdelay $0x1  }
0x99: {  	s4 =	simm.s32 $_scs_section_size  }
0x9a: {  	s5 =	simm.s32 $_size__tile_overlayer_lowered;
	s6 =	simm.s32 $_tile_overlayer_lowered  }
0x9b: {  	s22 =	simm.s32 $0x1BFF;
	s21 =	sshll.u32 s6, $0x1;
	s3 =	sadd.s32 s4, s19  }
0x9c: {  	s7 =	simm.s32 $0x0;
	s20 =	sshll.u32 s5, $0x1;
	s5 =	sadd.s32 s21, s3  }
0x9d: {  	[timem:s7], [sflag:s22] =	dma.local [hbm:s5], s20  }
0x9e: {  	_ =	swait.ge [sflag:s22], s20  }
0x9f: {  	s4 =	ssub.s32 $0x0, s20;
	[sflag:s22] =	ssyncset.done $0x0  }
0xa0: {  	[sflag:s22] =	ssyncadd.s32 s4;
	_ =	sdelay $0x1  }
0xa1: {  	s23 =	simm.s32 $0x1B8B  }
0xa2: {  	_ =	swait.ge [sflag:s23], $0x1  }
0xa3: {  	[sflag:s23] =	ssyncset.done $0x0  }
0xa4: {  	s25 =	simm.s32 $0x1B8E;
	s24 =	sld [smem:$0x3FFE];
	[sflag:s23] =	ssyncadd.s32 $0xFFFFFFFF  }
0xa5: {  	s26 =	simm.s32 $execute0_lowered;
	[smem:$0x3FD2] =	sst s25  }
0xa6: {  	s5 =	sshll.u32 s26, $0x1;
	_ =	strace $0x80000046;
	[dreg:$0x1] =	wrdreg $0xFFFFFFFF  }
0xa7: {  	s28 =	simm.s32 $_size_execute0_lowered;
	s3 =	sadd.s32 s3, s5;
	[dreg:$0x0] =	wrdreg $0x0  }
0xa8: {  	s5 =	sshll.u32 s28, $0x1;
	[dreg:$0x2] =	wrdreg s3  }
0xa9: {  	[dreg:$0x3] =	wrdreg s5  }
0xaa: {  	[dreg:$0x4] =	wrdreg $0xC0  }
0xab: {  	_ =	task [dreg:s7], $0x5FFFF  }
0xac: {  	[dreg:$0x1] =	wrdreg $0xFFFFFFFF  }
0xad: {  	[dreg:$0x0] =	wrdreg $0x60  }
0xae: {  	[dreg:$0x2] =	wrdreg s2  }
0xaf: {  	[dreg:$0x3] =	wrdreg s24  }
0xb0: {  	[dreg:$0x4] =	wrdreg $0xC0000  }
0xb1: {  	[dreg:$0x5] =	wrdreg $0x9  }
0xb2: {  	_ =	task.clear_ibuf [dreg:s7], $0x6FFFF;
	_ =	strace $0x90000046  }
0xb3: {  	s29 =	simm.s32 $0x9;
	_ =	strace $0x80000048  }
0xb4: {  	_ =	swait.ge [sflag:s29], $0x1  }
0xb5: {  	[sflag:s29] =	ssyncadd.s32 $0xFFFFFFFF  }
0xb6: {  	_ =	strace $0x90000048  }
0xb7: {  	_ =	sfence  }
0xb8: {  	s30 =	sld [smem:$0x0];
	_ =	sdelay $0x2  }
0xb9: {  	s31 =	sshll.u32 s1, $0xD;
	s1 =	sshrl.u32 s1, $0x2  }
0xba: {  	s3 =	sand.u32 $0x4000, s31;
	s1 =	sadd.s32 s1, s30  }
0xbb: {  	s0 =	sor.u32 s3, s0;
	s1 =	sshll.u32 s1, $0x11  }
0xbc: {  	s0 =	sor.u32 s1, s0  }
0xbd: {  	s0 =	sadd.s32 $0x8F2B, s0  }
0xbe: {  	[sflag:s0] =	ssyncadd.remote.s32 $0x1  }
0xbf: {  	_ =	sfence.sel $0xFFFF  }
0xc0: {  	[dreg:$0x0] =	wrdreg $0xFFFFFFFF;
	(pc) =	sbr.abs _section_cstart, $3  }
0xc1: {  	[dreg:$0x1] =	wrdreg $0xFFFFFFFF  }
0xc2: {  	_ =	task.clear_ibuf [dreg:s7], $0x2FFFF;
	_ =	strace $0x9FFFFFFF  }
0xc3: {  	(tm) =	ssettm $0x7FFFFFFF  }
tec
execute0_lowered:
.L_overlay_start_1:
0x0: {  	(tag) =	ssettag $0x1  }
0x1: {  	s1 =	rddreg [dreg:$0x0]  }
0x2: {  	s0 =	rddreg [dreg:$0x1]  }
0x3: {  	s15 =	stileid.u32;
	s2 =	srdreg.scid  }
0x4: {  	s3 =	rddreg [dreg:$0x2];
	s4 =	simm.s32 $0x0;
	s28 =	simm.s32 $0x4000  }
0x5: {  	s29 =	simm.s32 $0x8000;
	s30 =	simm.s32 $0x1;
	s5 =	smul.u32 $0x14000, s15  }
0x6: {  	s31 =	simm.s32 $0x3;
	s2 =	sand.u32 $0x1, s2;
	s12 =	smul.u32 $0x50000, s15  }
0x7: {  	[smem:$0x7FF] =	sst s4;
	s9 =	sadd.s32 $0xC200, s0;
	s6 =	smul.u32 $0x140000, s2  }
0x8: {  	s10 =	sadd.s32 $0x2000, s0;
	s18 =	sshll.u32 s15, $0x6;
	s8 =	smul.u32 $0x18, s2  }
0x9: {  	_ =	strace $0x80000047;
	s17 =	ssub.s32 $0x2, s2;
	s14 =	sshll.u32 s2, $0xB  }
0xa: {  	s2 =	smul.u32 $0xFFFFD000, s2;
	s7 =	sshrl.u32 s5, $0x3;
	s13 =	sshrl.u32 s17, $0x1  }
0xb: {  	s12 =	sshrl.u32 s12, $0x2;
	s5 =	sadd.s32 s5, s6;
	s16 =	ssub.s32 $0x20, s8  }
0xc: {  	s7 =	sadd.s32 s7, s0;
	s12 =	sadd.s32 s12, s3;
	s8 =	sxor.u32 $0x1E, s8  }
0xd: {  	s2 =	sshra.s32 s2, $0x2;
	s5 =	sshrl.u32 s5, $0x3;
	s11 =	smul.u32 s16, s15  }
0xe: {  	[dreg:$0x4] =	wrdreg s12;
	s7 =	sadd.s32 $0x16400, s7;
	s24 =	sshll.u32 s16, $0x5  }
0xf: {  	s6 =	smul.u32 $0x3, s16;
	s0 =	sadd.s32 s5, s0;
	s11 =	sshll.u32 s11, $0x2  }
0x10: {  	s5 =	ssub.s32 s17, s13;
	[dreg:$0x5] =	wrdreg s7;
	s11 =	sadd.s32 s14, s11  }
0x11: {  	s7 =	sor.u32 $0x1C06, s18;
	s13 =	sadd.s32 $0x2F80, s2;
	s19 =	sshll.u32 s11, $0x4  }
0x12: {  	s20 =	sadd.s32 s16, s11;
	s6 =	sadd.s32 s6, s11;
	s16 =	sadd.s32 $0x3F80, s2  }
0x13: {  	s2 =	simm.s32 $0x2;
	s21 =	sadd.s32 s9, s19;
	s22 =	sadd.s32 s10, s19  }
0x14: {  	s12 =	sshll.u32 s20, $0x4;
	s25 =	sadd.s32 s24, s19;
	s26 =	sshll.u32 s6, $0x4  }
0x15: {  	s19 =	sadd.s32 $0x3E400, s0;
	s20 =	smax.u32 s5, $0x1;
	s24 =	simm.s32 $0x1000  }
0x16: {  	s0 =	simm.s32 $0x4;
	s5 =	simm.s32 $0x1080;
	[dreg:$0x6] =	wrdreg s21  }
0x17: {  	s6 =	simm.s32 $0x0;
	[dreg:$0x7] =	wrdreg s22;
	s23 =	sadd.s32 s9, s12  }
0x18: {  	s12 =	sadd.s32 s10, s12;
	s14 =	sadd.s32 s9, s25;
	s17 =	sadd.s32 s9, s26  }
0x19: {  	s18 =	sadd.s32 s10, s26;
	s21 =	simm.s32 $0x6;
	[dreg:$0x8] =	wrdreg s23  }
0x1a: {  	s22 =	simm.s32 $0x2000;
	s26 =	simm.s32 $0x80;
	[dreg:$0x9] =	wrdreg s12  }
0x1b: {  	s12 =	sshrl.u32 s8, $0x1;
	[dreg:$0xa] =	wrdreg s14;
	s8 =	sadd.s32 s10, s25  }
0x1c: {  	s23 =	simm.s32 $0x5;
	s25 =	simm.s32 $0x3000;
	[dreg:$0xb] =	wrdreg s8  }
.LBB2_1:
0x1d: {  	s8 =	rddreg [dreg:$0x4]  }
0x1e: {  	s9 =	rddreg [dreg:$0x5];
	s8 =	sshrl.u32 s8, $0x3  }
0x1f: {  	[spmem:s8], [sflag:s7] =	dma.local [hbm:s9], $0x2800  }
0x20: {  	_ =	swait.ge [sflag:s21], $0x2800  }
0x21: {  	[sflag:s21] =	ssyncset.done $0x0  }
0x22: {  	[sflag:s21] =	ssyncadd.s32 $0xFFFFD800  }
0x23: {  	[bflag:$0x0] =	sbarrier.arrive $0xFFFF  }
0x24: {  	s11 =	rddreg [dreg:$0x6]  }
0x25: {  	[tilespmem:s4], [sflag:$0x5] =	stream.linear.gather [hbm4b:s11+s4], $0x1000, $0x38;
	v63 =	vld [tilespmem:$0x0]  }
0x26: {  	s14 =	rddreg [dreg:$0x7]  }
0x27: {  	[tilespmem:s22], [sflag:$0x5] =	stream.linear.gather [hbm4b:s14+s4], $0x1000, $0x38;
	v63 =	vld [tilespmem:$0x0]  }
0x28: {  	_ =	swait.ge [sflag:s23], $0x1000  }
0x29: {  	[sflag:s23] =	ssyncset.done $0x0  }
0x2a: {  	[sflag:s23] =	ssyncadd.s32 $0xFFFFF000  }
0x2b: {  	_ =	swait.ge [sflag:s23], $0x1000  }
0x2c: {  	[sflag:s23] =	ssyncset.done $0x0  }
0x2d: {  	s15 =	rddreg [dreg:$0x8];
	[sflag:s23] =	ssyncadd.s32 $0xFFFFF000  }
0x2e: {  	[tilespmem:s24], [sflag:$0x5] =	stream.linear.gather [hbm4b:s15+s4], $0x1000, $0x38;
	v63 =	vld [tilespmem:$0x0]  }
0x2f: {  	s10 =	rddreg [dreg:$0x9]  }
0x30: {  	[tilespmem:s25], [sflag:$0x5] =	stream.linear.gather [hbm4b:s10+s4], $0x1000, $0x38;
	v63 =	vld [tilespmem:$0x0]  }
0x31: {  	_ = 	snop  }
0x32: {  	[tilespmem:s28], [sflag:$0x1] =	stream.indirect.gather [hbm4b:s1+s26], $0x80, s4, s26, $0xb8;
	v63 =	vld [tilespmem:$0x0]  }
0x33: {  	_ = 	snop  }
0x34: {  	[tilespmem:s29], [sflag:$0x2] =	stream.indirect.gather [hbm4b:s1+s26], $0x80, s26, s26, $0xb8;
	v63 =	vld [tilespmem:$0x0]  }
0x35: {  	_ =	swait.ge [sflag:s30], $0x4000  }
0x36: {  	[sflag:s30] =	ssyncset.done $0x0  }
0x37: {  	[sflag:s30] =	ssyncadd.s32 $0xFFFFC000  }
0x38: {  	[spmem:s3] =	stream.indirect.scatter.add.f32 [tilespmem:s28], [sflag:$0x3], $0x80, s22, s26, $0xb8;
	v63 =	vld [tilespmem:$0x0]  }
0x39: {  	_ =	swait.ge [sflag:s31], $0x4000  }
0x3a: {  	[sflag:s31] =	ssyncset.done $0x0  }
0x3b: {  	s11 =	simm.s32 $0x100;
	[sflag:s31] =	ssyncadd.s32 $0xFFFFC000  }
0x3c: {  	[tilespmem:s28], [sflag:$0x1] =	stream.indirect.gather [hbm4b:s1+s26], $0x80, s11, s26, $0xb8;
	v63 =	vld [tilespmem:$0x0]  }
0x3d: {  	_ =	swait.ge [sflag:s2], $0x4000  }
0x3e: {  	[sflag:s2] =	ssyncset.done $0x0  }
0x3f: {  	s14 =	simm.s32 $0x2080;
	[sflag:s2] =	ssyncadd.s32 $0xFFFFC000  }
0x40: {  	[spmem:s3] =	stream.indirect.scatter.add.f32 [tilespmem:s29], [sflag:$0x4], $0x80, s14, s26, $0xb8;
	v63 =	vld [tilespmem:$0x0]  }
0x41: {  	_ =	swait.ge [sflag:s0], $0x4000  }
0x42: {  	p0 =	sne.s32 s12, $0x1;
	[sflag:s0] =	ssyncset.done $0x0  }
.Ltmp0:
0x43: {  	s15 =	simm.s32 $0x180;
	[sflag:s0] =	ssyncadd.s32 $0xFFFFC000;
	(pc) =	sbr.rel @!p0 .LBB2_3-.Ltmp0, $4  }
0x44: {  	[tilespmem:s29], [sflag:$0x2] =	stream.indirect.gather [hbm4b:s1+s26], $0x80, s15, s26, $0xb8;
	v63 =	vld [tilespmem:$0x0]  }
0x45: {  	_ =	swait.ge [sflag:s30], $0x4000  }
0x46: {  	s9 =	sadd.s32 $0xFFFFFFFF, s12;
	s10 =	simm.s32 $0x2180;
	[sflag:s30] =	ssyncset.done $0x0  }
0x47: {  	s11 =	simm.s32 $0x280;
	s14 =	simm.s32 $0x2100;
	[sflag:s30] =	ssyncadd.s32 $0xFFFFC000  }
.LBB2_2:
0x48: {  	[spmem:s3] =	stream.indirect.scatter.add.f32 [tilespmem:s28], [sflag:$0x3], $0x80, s14, s26, $0xb8;
	v63 =	vld [tilespmem:$0x0]  }
0x49: {  	p1 =	sne.s32 s9, $0x1;
	s9 =	sadd.s32 $0xFFFFFFFF, s9;
	_ =	swait.ge [sflag:s31], $0x4000  }
0x4a: {  	s14 =	smov.u32 s10;
	[sflag:s31] =	ssyncset.done $0x0  }
0x4b: {  	s15 =	sadd.s32 $0xFFFFFF80, s11;
	[sflag:s31] =	ssyncadd.s32 $0xFFFFC000  }
0x4c: {  	[tilespmem:s28], [sflag:$0x1] =	stream.indirect.gather [hbm4b:s1+s26], $0x80, s15, s26, $0xb8;
	v63 =	vld [tilespmem:$0x0]  }
0x4d: {  	_ =	swait.ge [sflag:s2], $0x4000  }
0x4e: {  	[sflag:s2] =	ssyncset.done $0x0  }
0x4f: {  	[sflag:s2] =	ssyncadd.s32 $0xFFFFC000  }
0x50: {  	[spmem:s3] =	stream.indirect.scatter.add.f32 [tilespmem:s29], [sflag:$0x4], $0x80, s10, s26, $0xb8;
	v63 =	vld [tilespmem:$0x0]  }
0x51: {  	_ =	swait.ge [sflag:s0], $0x4000  }
0x52: {  	[sflag:s0] =	ssyncset.done $0x0  }
.Ltmp1:
0x53: {  	[sflag:s0] =	ssyncadd.s32 $0xFFFFC000;
	(pc) =	sbr.rel @p1 .LBB2_2-.Ltmp1, $4  }
0x54: {  	[tilespmem:s29], [sflag:$0x2] =	stream.indirect.gather [hbm4b:s1+s26], $0x80, s11, s26, $0xb8;
	v63 =	vld [tilespmem:$0x0]  }
0x55: {  	_ =	swait.ge [sflag:s30], $0x4000  }
0x56: {  	s10 =	sadd.s32 $0x100, s10;
	[sflag:s30] =	ssyncset.done $0x0  }
0x57: {  	s14 =	sadd.s32 $0x80, s14;
	s11 =	sadd.s32 $0x100, s11;
	[sflag:s30] =	ssyncadd.s32 $0xFFFFC000  }
.LBB2_3:
0x58: {  	[spmem:s3] =	stream.indirect.scatter.add.f32 [tilespmem:s28], [sflag:$0x3], $0x80, s14, s26, $0xb8;
	v63 =	vld [tilespmem:$0x0]  }
0x59: {  	_ =	swait.ge [sflag:s31], $0x4000  }
0x5a: {  	[sflag:s31] =	ssyncset.done $0x0  }
0x5b: {  	[sflag:s31] =	ssyncadd.s32 $0xFFFFC000  }
0x5c: {  	_ =	swait.ge [sflag:s2], $0x4000  }
0x5d: {  	[sflag:s2] =	ssyncset.done $0x0  }
0x5e: {  	[sflag:s2] =	ssyncadd.s32 $0xFFFFC000  }
0x5f: {  	[spmem:s3] =	stream.indirect.scatter.add.f32 [tilespmem:s29], [sflag:$0x4], $0x80, s13, s26, $0xb8;
	v63 =	vld [tilespmem:$0x0]  }
0x60: {  	_ =	swait.ge [sflag:s0], $0x4000  }
0x61: {  	[sflag:s0] =	ssyncset.done $0x0  }
0x62: {  	[sflag:s0] =	ssyncadd.s32 $0xFFFFC000  }
0x63: {  	_ =	swait.ge [sflag:s23], $0x1000  }
0x64: {  	[sflag:s23] =	ssyncset.done $0x0  }
0x65: {  	[sflag:s23] =	ssyncadd.s32 $0xFFFFF000  }
0x66: {  	_ =	swait.ge [sflag:s23], $0x1000  }
0x67: {  	[sflag:s23] =	ssyncset.done $0x0  }
0x68: {  	s9 =	rddreg [dreg:$0xa];
	[sflag:s23] =	ssyncadd.s32 $0xFFFFF000  }
0x69: {  	[tilespmem:s4], [sflag:$0x5] =	stream.linear.gather [hbm4b:s9+s4], $0x1000, $0x38;
	v63 =	vld [tilespmem:$0x0]  }
0x6a: {  	s10 =	rddreg [dreg:$0xb]  }
0x6b: {  	[tilespmem:s22], [sflag:$0x5] =	stream.linear.gather [hbm4b:s10+s4], $0x1000, $0x38;
	v63 =	vld [tilespmem:$0x0]  }
0x6c: {  	_ = 	snop  }
0x6d: {  	[tilespmem:s28], [sflag:$0x1] =	stream.indirect.gather [hbm4b:s1+s26], $0x80, s24, s26, $0xb8;
	v63 =	vld [tilespmem:$0x0]  }
0x6e: {  	_ = 	snop  }
0x6f: {  	[tilespmem:s29], [sflag:$0x2] =	stream.indirect.gather [hbm4b:s1+s26], $0x80, s5, s26, $0xb8;
	v63 =	vld [tilespmem:$0x0]  }
0x70: {  	_ =	swait.ge [sflag:s30], $0x4000  }
0x71: {  	[sflag:s30] =	ssyncset.done $0x0  }
0x72: {  	[sflag:s30] =	ssyncadd.s32 $0xFFFFC000  }
0x73: {  	[spmem:s3] =	stream.indirect.scatter.add.f32 [tilespmem:s28], [sflag:$0x3], $0x80, s25, s26, $0xb8;
	v63 =	vld [tilespmem:$0x0]  }
0x74: {  	_ =	swait.ge [sflag:s31], $0x4000  }
0x75: {  	[sflag:s31] =	ssyncset.done $0x0  }
0x76: {  	s11 =	simm.s32 $0x1100;
	[sflag:s31] =	ssyncadd.s32 $0xFFFFC000  }
0x77: {  	[tilespmem:s28], [sflag:$0x1] =	stream.indirect.gather [hbm4b:s1+s26], $0x80, s11, s26, $0xb8;
	v63 =	vld [tilespmem:$0x0]  }
0x78: {  	_ =	swait.ge [sflag:s2], $0x4000  }
0x79: {  	[sflag:s2] =	ssyncset.done $0x0  }
0x7a: {  	s14 =	simm.s32 $0x3080;
	[sflag:s2] =	ssyncadd.s32 $0xFFFFC000  }
0x7b: {  	[spmem:s3] =	stream.indirect.scatter.add.f32 [tilespmem:s29], [sflag:$0x4], $0x80, s14, s26, $0xb8;
	v63 =	vld [tilespmem:$0x0]  }
0x7c: {  	_ =	swait.ge [sflag:s0], $0x4000  }
0x7d: {  	[sflag:s0] =	ssyncset.done $0x0  }
.Ltmp2:
0x7e: {  	s15 =	simm.s32 $0x1180;
	[sflag:s0] =	ssyncadd.s32 $0xFFFFC000;
	(pc) =	sbr.rel @!p0 .LBB2_5-.Ltmp2, $4  }
0x7f: {  	[tilespmem:s29], [sflag:$0x2] =	stream.indirect.gather [hbm4b:s1+s26], $0x80, s15, s26, $0xb8;
	v63 =	vld [tilespmem:$0x0]  }
0x80: {  	_ =	swait.ge [sflag:s30], $0x4000  }
0x81: {  	s9 =	sadd.s32 $0xFFFFFFFF, s12;
	s10 =	simm.s32 $0x3180;
	[sflag:s30] =	ssyncset.done $0x0  }
0x82: {  	s11 =	simm.s32 $0x1280;
	s14 =	simm.s32 $0x3100;
	[sflag:s30] =	ssyncadd.s32 $0xFFFFC000  }
.LBB2_4:
0x83: {  	[spmem:s3] =	stream.indirect.scatter.add.f32 [tilespmem:s28], [sflag:$0x3], $0x80, s14, s26, $0xb8;
	v63 =	vld [tilespmem:$0x0]  }
0x84: {  	p1 =	sne.s32 s9, $0x1;
	s9 =	sadd.s32 $0xFFFFFFFF, s9;
	_ =	swait.ge [sflag:s31], $0x4000  }
0x85: {  	s14 =	smov.u32 s10;
	[sflag:s31] =	ssyncset.done $0x0  }
0x86: {  	s15 =	sadd.s32 $0xFFFFFF80, s11;
	[sflag:s31] =	ssyncadd.s32 $0xFFFFC000  }
0x87: {  	[tilespmem:s28], [sflag:$0x1] =	stream.indirect.gather [hbm4b:s1+s26], $0x80, s15, s26, $0xb8;
	v63 =	vld [tilespmem:$0x0]  }
0x88: {  	_ =	swait.ge [sflag:s2], $0x4000  }
0x89: {  	[sflag:s2] =	ssyncset.done $0x0  }
0x8a: {  	[sflag:s2] =	ssyncadd.s32 $0xFFFFC000  }
0x8b: {  	[spmem:s3] =	stream.indirect.scatter.add.f32 [tilespmem:s29], [sflag:$0x4], $0x80, s10, s26, $0xb8;
	v63 =	vld [tilespmem:$0x0]  }
0x8c: {  	_ =	swait.ge [sflag:s0], $0x4000  }
0x8d: {  	[sflag:s0] =	ssyncset.done $0x0  }
.Ltmp3:
0x8e: {  	[sflag:s0] =	ssyncadd.s32 $0xFFFFC000;
	(pc) =	sbr.rel @p1 .LBB2_4-.Ltmp3, $4  }
0x8f: {  	[tilespmem:s29], [sflag:$0x2] =	stream.indirect.gather [hbm4b:s1+s26], $0x80, s11, s26, $0xb8;
	v63 =	vld [tilespmem:$0x0]  }
0x90: {  	_ =	swait.ge [sflag:s30], $0x4000  }
0x91: {  	s10 =	sadd.s32 $0x100, s10;
	[sflag:s30] =	ssyncset.done $0x0  }
0x92: {  	s14 =	sadd.s32 $0x80, s14;
	s11 =	sadd.s32 $0x100, s11;
	[sflag:s30] =	ssyncadd.s32 $0xFFFFC000  }
.LBB2_5:
0x93: {  	[spmem:s3] =	stream.indirect.scatter.add.f32 [tilespmem:s28], [sflag:$0x3], $0x80, s14, s26, $0xb8;
	v63 =	vld [tilespmem:$0x0]  }
0x94: {  	_ =	swait.ge [sflag:s31], $0x4000  }
0x95: {  	[sflag:s31] =	ssyncset.done $0x0  }
0x96: {  	[sflag:s31] =	ssyncadd.s32 $0xFFFFC000  }
0x97: {  	_ =	swait.ge [sflag:s2], $0x4000  }
0x98: {  	[sflag:s2] =	ssyncset.done $0x0  }
0x99: {  	[sflag:s2] =	ssyncadd.s32 $0xFFFFC000  }
0x9a: {  	[spmem:s3] =	stream.indirect.scatter.add.f32 [tilespmem:s29], [sflag:$0x4], $0x80, s16, s26, $0xb8;
	v63 =	vld [tilespmem:$0x0]  }
0x9b: {  	_ =	swait.ge [sflag:s0], $0x4000  }
0x9c: {  	[sflag:s0] =	ssyncset.done $0x0  }
0x9d: {  	[sflag:s0] =	ssyncadd.s32 $0xFFFFC000  }
0x9e: {  	_ =	swait.ge [sflag:s23], $0x1000  }
0x9f: {  	[sflag:s23] =	ssyncset.done $0x0  }
0xa0: {  	[sflag:s23] =	ssyncadd.s32 $0xFFFFF000  }
0xa1: {  	_ =	swait.ge [sflag:s23], $0x1000  }
0xa2: {  	[sflag:s23] =	ssyncset.done $0x0  }
0xa3: {  	[sflag:s23] =	ssyncadd.s32 $0xFFFFF000  }
0xa4: {  	[tilespmem:s24], [sflag:$0x5] =	stream.linear.gather [hbm4b:s17+s4], $0x1000, $0x38;
	v63 =	vld [tilespmem:$0x0]  }
0xa5: {  	_ = 	snop  }
0xa6: {  	[tilespmem:s25], [sflag:$0x5] =	stream.linear.gather [hbm4b:s18+s4], $0x1000, $0x38;
	v63 =	vld [tilespmem:$0x0]  }
0xa7: {  	_ = 	snop  }
0xa8: {  	[tilespmem:s28], [sflag:$0x1] =	stream.indirect.gather [hbm4b:s1+s26], $0x80, s4, s26, $0xb8;
	v63 =	vld [tilespmem:$0x0]  }
0xa9: {  	_ = 	snop  }
0xaa: {  	[tilespmem:s29], [sflag:$0x2] =	stream.indirect.gather [hbm4b:s1+s26], $0x80, s26, s26, $0xb8;
	v63 =	vld [tilespmem:$0x0]  }
0xab: {  	_ =	swait.ge [sflag:s30], $0x4000  }
0xac: {  	[sflag:s30] =	ssyncset.done $0x0  }
0xad: {  	[sflag:s30] =	ssyncadd.s32 $0xFFFFC000  }
0xae: {  	[spmem:s3] =	stream.indirect.scatter.add.f32 [tilespmem:s28], [sflag:$0x3], $0x80, s22, s26, $0xb8;
	v63 =	vld [tilespmem:$0x0]  }
0xaf: {  	_ =	swait.ge [sflag:s31], $0x4000  }
0xb0: {  	[sflag:s31] =	ssyncset.done $0x0  }
0xb1: {  	s9 =	simm.s32 $0x100;
	[sflag:s31] =	ssyncadd.s32 $0xFFFFC000  }
0xb2: {  	[tilespmem:s28], [sflag:$0x1] =	stream.indirect.gather [hbm4b:s1+s26], $0x80, s9, s26, $0xb8;
	v63 =	vld [tilespmem:$0x0]  }
0xb3: {  	_ =	swait.ge [sflag:s2], $0x4000  }
0xb4: {  	[sflag:s2] =	ssyncset.done $0x0  }
0xb5: {  	s14 =	simm.s32 $0x2080;
	[sflag:s2] =	ssyncadd.s32 $0xFFFFC000  }
0xb6: {  	[spmem:s3] =	stream.indirect.scatter.add.f32 [tilespmem:s29], [sflag:$0x4], $0x80, s14, s26, $0xb8;
	v63 =	vld [tilespmem:$0x0]  }
0xb7: {  	_ =	swait.ge [sflag:s0], $0x4000  }
0xb8: {  	[sflag:s0] =	ssyncset.done $0x0  }
.Ltmp4:
0xb9: {  	s15 =	simm.s32 $0x180;
	[sflag:s0] =	ssyncadd.s32 $0xFFFFC000;
	(pc) =	sbr.rel @!p0 .LBB2_7-.Ltmp4, $4  }
0xba: {  	[tilespmem:s29], [sflag:$0x2] =	stream.indirect.gather [hbm4b:s1+s26], $0x80, s15, s26, $0xb8;
	v63 =	vld [tilespmem:$0x0]  }
0xbb: {  	_ =	swait.ge [sflag:s30], $0x4000  }
0xbc: {  	s10 =	simm.s32 $0x2180;
	s11 =	simm.s32 $0x280;
	[sflag:s30] =	ssyncset.done $0x0  }
0xbd: {  	s9 =	sadd.s32 $0xFFFFFFFF, s12;
	s14 =	simm.s32 $0x2100;
	[sflag:s30] =	ssyncadd.s32 $0xFFFFC000  }
.LBB2_6:
0xbe: {  	[spmem:s3] =	stream.indirect.scatter.add.f32 [tilespmem:s28], [sflag:$0x3], $0x80, s14, s26, $0xb8;
	v63 =	vld [tilespmem:$0x0]  }
0xbf: {  	p1 =	sne.s32 s9, $0x1;
	s9 =	sadd.s32 $0xFFFFFFFF, s9;
	_ =	swait.ge [sflag:s31], $0x4000  }
0xc0: {  	s14 =	smov.u32 s10;
	[sflag:s31] =	ssyncset.done $0x0  }
0xc1: {  	s15 =	sadd.s32 $0xFFFFFF80, s11;
	[sflag:s31] =	ssyncadd.s32 $0xFFFFC000  }
0xc2: {  	[tilespmem:s28], [sflag:$0x1] =	stream.indirect.gather [hbm4b:s1+s26], $0x80, s15, s26, $0xb8;
	v63 =	vld [tilespmem:$0x0]  }
0xc3: {  	_ =	swait.ge [sflag:s2], $0x4000  }
0xc4: {  	[sflag:s2] =	ssyncset.done $0x0  }
0xc5: {  	[sflag:s2] =	ssyncadd.s32 $0xFFFFC000  }
0xc6: {  	[spmem:s3] =	stream.indirect.scatter.add.f32 [tilespmem:s29], [sflag:$0x4], $0x80, s10, s26, $0xb8;
	v63 =	vld [tilespmem:$0x0]  }
0xc7: {  	_ =	swait.ge [sflag:s0], $0x4000  }
0xc8: {  	[sflag:s0] =	ssyncset.done $0x0  }
.Ltmp5:
0xc9: {  	[sflag:s0] =	ssyncadd.s32 $0xFFFFC000;
	(pc) =	sbr.rel @p1 .LBB2_6-.Ltmp5, $4  }
0xca: {  	[tilespmem:s29], [sflag:$0x2] =	stream.indirect.gather [hbm4b:s1+s26], $0x80, s11, s26, $0xb8;
	v63 =	vld [tilespmem:$0x0]  }
0xcb: {  	_ =	swait.ge [sflag:s30], $0x4000  }
0xcc: {  	s10 =	sadd.s32 $0x100, s10;
	[sflag:s30] =	ssyncset.done $0x0  }
0xcd: {  	s14 =	sadd.s32 $0x80, s14;
	s11 =	sadd.s32 $0x100, s11;
	[sflag:s30] =	ssyncadd.s32 $0xFFFFC000  }
.LBB2_7:
0xce: {  	[spmem:s3] =	stream.indirect.scatter.add.f32 [tilespmem:s28], [sflag:$0x3], $0x80, s14, s26, $0xb8;
	v63 =	vld [tilespmem:$0x0]  }
0xcf: {  	_ =	swait.ge [sflag:s31], $0x4000  }
0xd0: {  	[sflag:s31] =	ssyncset.done $0x0  }
0xd1: {  	[sflag:s31] =	ssyncadd.s32 $0xFFFFC000  }
0xd2: {  	_ =	swait.ge [sflag:s2], $0x4000  }
0xd3: {  	[sflag:s2] =	ssyncset.done $0x0  }
0xd4: {  	[sflag:s2] =	ssyncadd.s32 $0xFFFFC000  }
0xd5: {  	[spmem:s3] =	stream.indirect.scatter.add.f32 [tilespmem:s29], [sflag:$0x4], $0x80, s13, s26, $0xb8;
	v63 =	vld [tilespmem:$0x0]  }
0xd6: {  	_ =	swait.ge [sflag:s0], $0x4000  }
0xd7: {  	[sflag:s0] =	ssyncset.done $0x0  }
0xd8: {  	[sflag:s0] =	ssyncadd.s32 $0xFFFFC000  }
0xd9: {  	_ =	swait.ge [sflag:s23], $0x1000  }
0xda: {  	[sflag:s23] =	ssyncset.done $0x0  }
0xdb: {  	[sflag:s23] =	ssyncadd.s32 $0xFFFFF000  }
0xdc: {  	_ =	swait.ge [sflag:s23], $0x1000  }
0xdd: {  	[sflag:s23] =	ssyncset.done $0x0  }
0xde: {  	[sflag:s23] =	ssyncadd.s32 $0xFFFFF000  }
0xdf: {  	[tilespmem:s28], [sflag:$0x1] =	stream.indirect.gather [hbm4b:s1+s26], $0x80, s24, s26, $0xb8;
	v63 =	vld [tilespmem:$0x0]  }
0xe0: {  	_ = 	snop  }
0xe1: {  	[tilespmem:s29], [sflag:$0x2] =	stream.indirect.gather [hbm4b:s1+s26], $0x80, s5, s26, $0xb8;
	v63 =	vld [tilespmem:$0x0]  }
0xe2: {  	_ =	swait.ge [sflag:s30], $0x4000  }
0xe3: {  	[sflag:s30] =	ssyncset.done $0x0  }
0xe4: {  	[sflag:s30] =	ssyncadd.s32 $0xFFFFC000  }
0xe5: {  	[spmem:s3] =	stream.indirect.scatter.add.f32 [tilespmem:s28], [sflag:$0x3], $0x80, s25, s26, $0xb8;
	v63 =	vld [tilespmem:$0x0]  }
0xe6: {  	_ =	swait.ge [sflag:s31], $0x4000  }
0xe7: {  	[sflag:s31] =	ssyncset.done $0x0  }
0xe8: {  	s9 =	simm.s32 $0x1100;
	[sflag:s31] =	ssyncadd.s32 $0xFFFFC000  }
0xe9: {  	[tilespmem:s28], [sflag:$0x1] =	stream.indirect.gather [hbm4b:s1+s26], $0x80, s9, s26, $0xb8;
	v63 =	vld [tilespmem:$0x0]  }
0xea: {  	_ =	swait.ge [sflag:s2], $0x4000  }
0xeb: {  	[sflag:s2] =	ssyncset.done $0x0  }
0xec: {  	s14 =	simm.s32 $0x3080;
	[sflag:s2] =	ssyncadd.s32 $0xFFFFC000  }
0xed: {  	[spmem:s3] =	stream.indirect.scatter.add.f32 [tilespmem:s29], [sflag:$0x4], $0x80, s14, s26, $0xb8;
	v63 =	vld [tilespmem:$0x0]  }
0xee: {  	_ =	swait.ge [sflag:s0], $0x4000  }
0xef: {  	[sflag:s0] =	ssyncset.done $0x0  }
.Ltmp6:
0xf0: {  	s15 =	simm.s32 $0x1180;
	[sflag:s0] =	ssyncadd.s32 $0xFFFFC000;
	(pc) =	sbr.rel @!p0 .LBB2_9-.Ltmp6, $4  }
0xf1: {  	[tilespmem:s29], [sflag:$0x2] =	stream.indirect.gather [hbm4b:s1+s26], $0x80, s15, s26, $0xb8;
	v63 =	vld [tilespmem:$0x0]  }
0xf2: {  	_ =	swait.ge [sflag:s30], $0x4000  }
0xf3: {  	s10 =	simm.s32 $0x3180;
	s11 =	simm.s32 $0x1280;
	[sflag:s30] =	ssyncset.done $0x0  }
0xf4: {  	s9 =	sadd.s32 $0xFFFFFFFF, s12;
	s14 =	simm.s32 $0x3100;
	[sflag:s30] =	ssyncadd.s32 $0xFFFFC000  }
.LBB2_8:
0xf5: {  	[spmem:s3] =	stream.indirect.scatter.add.f32 [tilespmem:s28], [sflag:$0x3], $0x80, s14, s26, $0xb8;
	v63 =	vld [tilespmem:$0x0]  }
0xf6: {  	p0 =	sne.s32 s9, $0x1;
	s9 =	sadd.s32 $0xFFFFFFFF, s9;
	_ =	swait.ge [sflag:s31], $0x4000  }
0xf7: {  	s14 =	smov.u32 s10;
	[sflag:s31] =	ssyncset.done $0x0  }
0xf8: {  	s15 =	sadd.s32 $0xFFFFFF80, s11;
	[sflag:s31] =	ssyncadd.s32 $0xFFFFC000  }
0xf9: {  	[tilespmem:s28], [sflag:$0x1] =	stream.indirect.gather [hbm4b:s1+s26], $0x80, s15, s26, $0xb8;
	v63 =	vld [tilespmem:$0x0]  }
0xfa: {  	_ =	swait.ge [sflag:s2], $0x4000  }
0xfb: {  	[sflag:s2] =	ssyncset.done $0x0  }
0xfc: {  	[sflag:s2] =	ssyncadd.s32 $0xFFFFC000  }
0xfd: {  	[spmem:s3] =	stream.indirect.scatter.add.f32 [tilespmem:s29], [sflag:$0x4], $0x80, s10, s26, $0xb8;
	v63 =	vld [tilespmem:$0x0]  }
0xfe: {  	_ =	swait.ge [sflag:s0], $0x4000  }
0xff: {  	[sflag:s0] =	ssyncset.done $0x0  }
.Ltmp7:
0x100: {  	[sflag:s0] =	ssyncadd.s32 $0xFFFFC000;
	(pc) =	sbr.rel @p0 .LBB2_8-.Ltmp7, $4  }
0x101: {  	[tilespmem:s29], [sflag:$0x2] =	stream.indirect.gather [hbm4b:s1+s26], $0x80, s11, s26, $0xb8;
	v63 =	vld [tilespmem:$0x0]  }
0x102: {  	_ =	swait.ge [sflag:s30], $0x4000  }
0x103: {  	s10 =	sadd.s32 $0x100, s10;
	[sflag:s30] =	ssyncset.done $0x0  }
0x104: {  	s14 =	sadd.s32 $0x80, s14;
	s11 =	sadd.s32 $0x100, s11;
	[sflag:s30] =	ssyncadd.s32 $0xFFFFC000  }
.LBB2_9:
0x105: {  	[spmem:s3] =	stream.indirect.scatter.add.f32 [tilespmem:s28], [sflag:$0x3], $0x80, s14, s26, $0xb8;
	v63 =	vld [tilespmem:$0x0]  }
0x106: {  	_ =	swait.ge [sflag:s31], $0x4000  }
0x107: {  	[sflag:s31] =	ssyncset.done $0x0  }
0x108: {  	[sflag:s31] =	ssyncadd.s32 $0xFFFFC000  }
0x109: {  	_ =	swait.ge [sflag:s2], $0x4000  }
0x10a: {  	[sflag:s2] =	ssyncset.done $0x0  }
0x10b: {  	[sflag:s2] =	ssyncadd.s32 $0xFFFFC000  }
0x10c: {  	[spmem:s3] =	stream.indirect.scatter.add.f32 [tilespmem:s29], [sflag:$0x4], $0x80, s16, s26, $0xb8;
	v63 =	vld [tilespmem:$0x0]  }
0x10d: {  	_ =	swait.ge [sflag:s0], $0x4000  }
0x10e: {  	s6 =	sadd.s32 $0x1, s6;
	[sflag:s0] =	ssyncset.done $0x0  }
0x10f: {  	p0 =	sne.s32 s6, s20;
	[sflag:s0] =	ssyncadd.s32 $0xFFFFC000  }
.Ltmp8:
0x110: {  	[bflag:$0x0] =	sbarrier.arrive $0xFFFF;
	(pc) =	sbr.rel @p0 .LBB2_1-.Ltmp8, $4  }
0x111: {  	[hbm:s19], [sflag:s7] =	dma.local [spmem:s8], $0x2800  }
0x112: {  	_ =	swait.ge [sflag:s21], $0x2800  }
0x113: {  	[sflag:s21] =	ssyncset.done $0x0  }
0x114: {  	[sflag:s21] =	ssyncadd.s32 $0xFFFFD800  }
0x115: {  	_ =	sfence.sel $0x180000  }
0x116: {  	[bflag:$0x0] =	sbarrier.arrive $0xFFFF  }
0x117: {  	_ =	strace $0x90000047  }
0x118: {  	s0 =	stileid.u32;
	[bflag:$0x2] =	sbarrier.arrive $0xFFFF  }
0x119: {  	p0 =	sne.s32 s0, $0x0;
	s0 =	rddreg [dreg:$0x3]  }
0x11a: {  	s0 =	sadd.s32 @!p0 $0x100000, s0  }
0x11b: {  	[sflag:s0] =	ssyncadd.tile.s32 @!p0 $0x1;
	_ =	shalt  }
.Lfunc_end2:
_tile_overlayer_lowered:
.L_overlay_start_2:
0x11c: {  	(tag) =	ssettag $0x2  }
0x11d: {  	s0 =	rddreg [dreg:$0x0];
	s2 =	stileid.u32  }
0x11e: {  	s1 =	rddreg [dreg:$0x1];
	p0 =	sne.s32 s2, $0x0  }
0x11f: {  	s3 =	rddreg [dreg:$0x2];
	[bflag:$0x3] =	sbarrier.arrive $0xFFFF;
	s2 =	simm.s32 @!p0 $0x1C06  }
0x120: {  	[timem:s3], [sflag:s2] =	dma.local @!p0 [hbm:s0], s1  }
0x121: {  	s0 =	simm.s32 @!p0 $0x6  }
0x122: {  	_ =	swait.ge @!p0 [sflag:s0], s1  }
0x123: {  	s1 =	ssub.s32 @!p0 $0x0, s1;
	[sflag:s0] =	ssyncset.done @!p0 $0x0  }
0x124: {  	[sflag:s0] =	ssyncadd.s32 @!p0 s1  }
0x125: {  	[bflag:$0x3] =	sbarrier.arrive $0xFFFF  }
0x126: {  	_ =	shalt  }

</sc_bundles>
